<compile_context>
chip_gen: v7x
topology: tpu7x:2x2x1
jax: 0.10.2.dev20260603
libtpu: 0.0.44.dev20260713+nightly
codegen_flags: <defaults>
</compile_context>

<pallas_src>
import functools

import jax
import jax.numpy as jnp
from jax import lax
from jax.experimental import pallas as pl
from jax.experimental.pallas import tpu as pltpu
from jax.experimental.pallas import tpu_sc as plsc

_NC = 2
_NS = 16
_NW = _NC * _NS
_L = 16

_B_SC = 9216


def _sc_combine(rdkit, seg, nseg):
    d = rdkit.shape[1]
    spw = nseg // _NW
    cs = 24
    nchunk = spw // cs
    nbuf = 2

    mesh = plsc.VectorSubcoreMesh(
        core_axis_name="c", subcore_axis_name="s",
        num_cores=_NC, num_subcores=_NS)

    @functools.partial(
        pl.kernel,
        out_type=jax.ShapeDtypeStruct((nseg, 2 * d), jnp.float32),
        mesh=mesh,
        scratch_types=[
            pltpu.VMEM((nbuf, cs * seg, d), jnp.float32),
            pltpu.VMEM((nbuf, cs, 2 * d), jnp.float32),
            pltpu.SemaphoreType.DMA((nbuf,)),
            pltpu.SemaphoreType.DMA((nbuf,)),
        ],
    )
    def body(rdkit_hbm, out_hbm, in_v, out_v, sin, sout):
        wid = lax.axis_index("s") * _NC + lax.axis_index("c")
        seg_base = wid * spw

        def in_copy(ci, bi):
            rows0 = (seg_base + ci * cs) * seg
            return pltpu.make_async_copy(
                rdkit_hbm.at[pl.ds(rows0, cs * seg)], in_v.at[bi], sin.at[bi])

        def out_copy(ci, bi):
            return pltpu.make_async_copy(
                out_v.at[bi], out_hbm.at[pl.ds(seg_base + ci * cs, cs)],
                sout.at[bi])

        in_copy(0, 0).start()

        def pair(i, carry):
            ci0 = i * nbuf
            for bi in range(nbuf):
                cur = ci0 + bi

                @pl.when(cur + 1 < nchunk)
                def _():
                    in_copy(cur + 1, (bi + 1) % nbuf).start()

                in_copy(cur, bi).wait()

                @pl.when(cur >= nbuf)
                def _():
                    out_copy(cur - nbuf, bi).wait()

                @plsc.parallel_loop(0, cs, unroll=2)
                def _(s):
                    base = s * seg
                    for c in range(d // _L):
                        sl = pl.ds(c * _L, _L)
                        acc = in_v[bi, base, sl]
                        for r in range(1, seg - 1):
                            acc = acc + in_v[bi, base + r, sl]
                        out_v[bi, s, sl] = acc * (1.0 / (seg - 1))
                        out_v[bi, s, pl.ds(d + c * _L, _L)] = (
                            in_v[bi, base + seg - 1, sl])

                out_copy(cur, bi).start()
            return carry

        lax.fori_loop(0, nchunk // nbuf, pair, 0)
        for bi in range(nbuf):
            out_copy(nchunk - nbuf + bi, bi).wait()

    return body(rdkit)


def _mlp(pf, comb, nseg, W1, b1, W2, b2, W3, b3):
    f = pf.shape[1]
    d2 = comb.shape[1]
    h1 = W1.shape[1]
    h2 = W2.shape[1]
    blk = 1024

    def body(pf_ref, comb_ref, w1a_ref, w1m_ref, w1s_ref, b1_ref, w2_ref,
             b2_ref, w3_ref, out_ref):
        x1 = jnp.dot(pf_ref[...], w1a_ref[...],
                     preferred_element_type=jnp.float32)
        x1 = x1 + jnp.dot(comb_ref[...][:, :d2 // 2], w1m_ref[...],
                          preferred_element_type=jnp.float32)
        x1 = x1 + jnp.dot(comb_ref[...][:, d2 // 2:], w1s_ref[...],
                          preferred_element_type=jnp.float32)
        h = jnp.maximum(x1 + b1_ref[...], 0.0)
        hh = jnp.maximum(
            jnp.dot(h, w2_ref[...], preferred_element_type=jnp.float32)
            + b2_ref[...], 0.0)
        y = jnp.dot(hh, w3_ref[...], preferred_element_type=jnp.float32)
        out_ref[...] = y[:, 0]

    zero = lambda i: (0, 0)
    return pl.pallas_call(
        body,
        grid=(nseg // blk,),
        in_specs=[
            pl.BlockSpec((blk, f), lambda i: (i, 0)),
            pl.BlockSpec((blk, d2), lambda i: (i, 0)),
            pl.BlockSpec((f, h1), zero),
            pl.BlockSpec((f, h1), lambda i: (1, 0)),
            pl.BlockSpec((f, h1), lambda i: (2, 0)),
            pl.BlockSpec((h1,), lambda i: (0,)),
            pl.BlockSpec((h1, h2), zero),
            pl.BlockSpec((h2,), lambda i: (0,)),
            pl.BlockSpec((h2, 1), zero),
        ],
        out_specs=pl.BlockSpec((blk,), lambda i: (i,)),
        out_shape=jax.ShapeDtypeStruct((nseg,), jnp.float32),
    )(pf, comb, W1, W1, W1, b1, W2, b2, W3)


def _tc_fused(pf, rdkit, seg, seg0, nseg, W1, b1, W2, b2, W3, b3):
    f = pf.shape[1]
    d = rdkit.shape[1]
    h1 = W1.shape[1]
    h2 = W2.shape[1]
    s_blk = 512
    assert seg0 % s_blk == 0 and nseg % s_blk == 0
    off = seg0 // s_blk

    def body(pf_ref, rk_ref, w1a_ref, w1m_ref, w1s_ref, b1_ref, w2_ref,
             b2_ref, w3_ref, out_ref):
        acc = rk_ref[pl.Slice(0, s_blk, seg), :]
        for r in range(1, seg - 1):
            acc = acc + rk_ref[pl.Slice(r, s_blk, seg), :]
        avg = acc * (1.0 / (seg - 1))
        solv = rk_ref[pl.Slice(seg - 1, s_blk, seg), :]
        x1 = jnp.dot(pf_ref[...], w1a_ref[...],
                     preferred_element_type=jnp.float32)
        x1 = x1 + jnp.dot(avg, w1m_ref[...],
                          preferred_element_type=jnp.float32)
        x1 = x1 + jnp.dot(solv, w1s_ref[...],
                          preferred_element_type=jnp.float32)
        h = jnp.maximum(x1 + b1_ref[...], 0.0)
        hh = jnp.maximum(
            jnp.dot(h, w2_ref[...], preferred_element_type=jnp.float32)
            + b2_ref[...], 0.0)
        y = jnp.dot(hh, w3_ref[...], preferred_element_type=jnp.float32)
        out_ref[...] = y[:, 0]

    zero = lambda i: (0, 0)
    return pl.pallas_call(
        body,
        grid=(nseg // s_blk,),
        in_specs=[
            pl.BlockSpec((s_blk, f), lambda i: (i + off, 0)),
            pl.BlockSpec((s_blk * seg, d), lambda i: (i + off, 0)),
            pl.BlockSpec((f, h1), zero),
            pl.BlockSpec((f, h1), lambda i: (1, 0)),
            pl.BlockSpec((f, h1), lambda i: (2, 0)),
            pl.BlockSpec((h1,), lambda i: (0,)),
            pl.BlockSpec((h1, h2), zero),
            pl.BlockSpec((h2,), lambda i: (0,)),
            pl.BlockSpec((h2, 1), zero),
        ],
        out_specs=pl.BlockSpec((s_blk,), lambda i: (i,)),
        out_shape=jax.ShapeDtypeStruct((nseg,), jnp.float32),
    )(pf, rdkit, W1, W1, W1, b1, W2, b2, W3)


def kernel(polymer_feats, rdkit_tensor, polymer_mapping, W1, b1, W2, b2,
           W3, b3):
    del polymer_mapping
    b = polymer_feats.shape[0]
    seg = rdkit_tensor.shape[0] // b
    b_sc = _B_SC
    comb = _sc_combine(rdkit_tensor, seg, b_sc)
    out_tc = _tc_fused(polymer_feats, rdkit_tensor, seg, b_sc, b - b_sc,
                       W1, b1, W2, b2, W3, b3)
    out_sc = _mlp(polymer_feats, comb, b_sc, W1, b1, W2, b2, W3, b3)
    return (jnp.concatenate([out_sc, out_tc], axis=0) + b3[0])[:, None]

# --- scband reference (transcript-rebuilt; emitter-appended) ---
"""Pipeline reference for scband-simple-fnnrdkit-59219009077960 (READ-ONLY COPY).

The authoritative reference and input builder live on the scoring server;
editing this copy changes nothing except your own understanding.
"""

import jax, jax.numpy as jnp
import numpy as np

B = 16384
SEG = 16
N = B * SEG
D = 128
F = 128
H = 128


def setup_inputs(seed: int = 0) -> dict:
    key = jax.random.key(seed)
    ks = jax.random.split(key, 8)
    polymer_feats = jax.random.normal(ks[0], (B, F), dtype=jnp.float32)
    rdkit_tensor = jax.random.normal(ks[1], (N, D), dtype=jnp.float32)
    # sorted consecutive segment ids; every segment has SEG elements (>=2 required:
    # last element of each segment is the solvent, the rest are monomers)
    polymer_mapping = jnp.repeat(jnp.arange(B, dtype=jnp.int32), SEG)
    W1 = jax.random.normal(ks[2], (F + 2 * D, H), dtype=jnp.float32) * 0.05
    b1 = jnp.zeros((H,), dtype=jnp.float32)
    W2 = jax.random.normal(ks[3], (H, H // 2), dtype=jnp.float32) * 0.05
    b2 = jnp.zeros((H // 2,), dtype=jnp.float32)
    W3 = jax.random.normal(ks[4], (H // 2, 1), dtype=jnp.float32) * 0.05
    b3 = jnp.zeros((1,), dtype=jnp.float32)
    return {
        'polymer_feats': polymer_feats,
        'rdkit_tensor': rdkit_tensor,
        'polymer_mapping': polymer_mapping,
        'W1': W1, 'b1': b1, 'W2': W2, 'b2': b2, 'W3': W3, 'b3': b3,
    }


def reference(polymer_feats, rdkit_tensor, polymer_mapping, W1, b1, W2, b2, W3, b3):
    nseg = polymer_feats.shape[0]
    n = polymer_mapping.shape[0]
    # counts per consecutive segment (== torch.unique_consecutive counts for sorted mapping)
    counts = jax.ops.segment_sum(jnp.ones((n,), dtype=jnp.int32), polymer_mapping, num_segments=nseg)
    # solvent = last element of each segment
    solvent_idx = jnp.cumsum(counts) - 1
    solvent_tags = jnp.zeros((n,), dtype=bool).at[solvent_idx].set(True)
    monomer_mask = (~solvent_tags).astype(rdkit_tensor.dtype)
    # mean of monomer rows per segment
    monomer_sum = jax.ops.segment_sum(rdkit_tensor * monomer_mask[:, None], polymer_mapping, num_segments=nseg)
    monomer_cnt = (counts - 1).astype(rdkit_tensor.dtype)
    monomer_avg = monomer_sum / monomer_cnt[:, None]
    solvent_feats = jnp.take(rdkit_tensor, solvent_idx, axis=0)
    combined = jnp.concatenate([monomer_avg, solvent_feats], axis=1)  # [B, 2D]
    x = jnp.concatenate([polymer_feats, combined], axis=1)  # [B, F+2D]
    h = jax.nn.relu(x @ W1 + b1)
    # dropout p=0.0 (eval / identity)
    h = jax.nn.relu(h @ W2 + b2)
    return h @ W3 + b3

if __name__ == "__main__":
    import jax
    _d = setup_inputs()
    print(jax.jit(kernel)(*tuple(_d.values())))

</pallas_src>

<mosaic_0001>
#map = affine_map<(d0, d1) -> (0, 0)>
module attributes {stable_mosaic.version = 14 : i64} {
  func.func @body(%arg0: i32, %arg1: i32, %arg2: memref<262144x128xf32, #tpu.memory_space<hbm>>, %arg3: memref<9216x256xf32, #tpu.memory_space<hbm>>, %arg4: memref<2x384x128xf32, #tpu.memory_space<vmem>>, %arg5: memref<2x24x256xf32, #tpu.memory_space<vmem>>, %arg6: memref<2x!tpu.dma_semaphore, #tpu.memory_space<semaphore_mem>>, %arg7: memref<2x!tpu.dma_semaphore, #tpu.memory_space<semaphore_mem>>) attributes {dimension_semantics = [#tpu.dimension_semantics<core_parallel>, #tpu.dimension_semantics<subcore_parallel>], iteration_bounds = array<i64: 2, 16>, scalar_prefetch = 0 : i64, scratch_operands = 4 : i64, tpu.core_type = #tpu.core_type<sc_vector_subcore>, window_params = [{transform_indices = #map}, {transform_indices = #map}]} {
    %mul3A = arith.constant 2 : i32
    %mul3A_0 = arith.muli %arg1, %mul3A : i32
    %add3A = arith.addi %mul3A_0, %arg0 : i32
    %mul3A_1 = arith.constant 288 : i32
    %mul3A_2 = arith.muli %add3A, %mul3A_1 : i32
    %add3A_3 = arith.constant 0 : i32
    %add3A_4 = arith.addi %mul3A_2, %add3A_3 : i32
    %mul3A_5 = arith.constant 16 : i32
    %mul3A_6 = arith.muli %add3A_4, %mul3A_5 : i32
    %dma_start3A = arith.constant 0 : i32
    %dma_start3A_7 = arith.constant 0 : i32
    %dma_start3A_8 = arith.constant 0 : i32
    %dma_start3A_9 = arith.constant 0 : i32
    %dma_start3A_10 = tpu.memref_slice %arg4[%dma_start3A, %dma_start3A_8, %dma_start3A_9] : memref<2x384x128xf32, #tpu.memory_space<vmem>> -> memref<1x384x128xf32, #tpu.memory_space<vmem>>
    %dma_start3A_11 = tpu.memref_squeeze %dma_start3A_10 : memref<1x384x128xf32, #tpu.memory_space<vmem>> -> memref<384x128xf32, #tpu.memory_space<vmem>>
    %dma_start3A_12 = arith.constant 0 : i32
    %dma_start3A_13 = tpu.memref_slice %arg2[%mul3A_6, %dma_start3A_12] : memref<262144x128xf32, #tpu.memory_space<hbm>> -> memref<384x128xf32, #tpu.memory_space<hbm>>
    %dma_start3A_14 = tpu.memref_slice %arg6[%dma_start3A_7] : memref<2x!tpu.dma_semaphore, #tpu.memory_space<semaphore_mem>> -> memref<1x!tpu.dma_semaphore, #tpu.memory_space<semaphore_mem>>
    %dma_start3A_15 = tpu.memref_squeeze %dma_start3A_14 : memref<1x!tpu.dma_semaphore, #tpu.memory_space<semaphore_mem>> -> memref<!tpu.dma_semaphore, #tpu.memory_space<semaphore_mem>>
    %dma_start3A_16 = arith.constant 0 : i32
    %dma_start3A_17 = arith.constant 0 : i32
    %dma_start3A_18 = tpu.memref_slice %arg4[%dma_start3A, %dma_start3A_16, %dma_start3A_17] : memref<2x384x128xf32, #tpu.memory_space<vmem>> -> memref<1x384x128xf32, #tpu.memory_space<vmem>>
    %dma_start3A_19 = tpu.memref_squeeze %dma_start3A_18 : memref<1x384x128xf32, #tpu.memory_space<vmem>> -> memref<384x128xf32, #tpu.memory_space<vmem>>
    %dma_start3A_20 = arith.constant 0 : i32
    %dma_start3A_21 = tpu.memref_slice %arg2[%mul3A_6, %dma_start3A_20] : memref<262144x128xf32, #tpu.memory_space<hbm>> -> memref<384x128xf32, #tpu.memory_space<hbm>>
    tpu.enqueue_dma source(%dma_start3A_21 : memref<384x128xf32, #tpu.memory_space<hbm>>) target(%dma_start3A_19 : memref<384x128xf32, #tpu.memory_space<vmem>>) target_semaphore(%dma_start3A_15 : memref<!tpu.dma_semaphore, #tpu.memory_space<semaphore_mem>>)
    %scan3A = arith.constant 0 : i32
    %scan3A_22 = arith.constant 0 : i32
    %scan3A_23 = arith.constant 6 : i32
    %scan3A_24 = arith.addi %scan3A_22, %scan3A_23 : i32
    %scan3A_25 = arith.constant 1 : i32
    scf.for %scan3A_62 = %scan3A_22 to %scan3A_24 step %scan3A_25  : i32 {
      %mul3A_63 = arith.constant 2 : i32
      %mul3A_64 = arith.muli %scan3A_62, %mul3A_63 : i32
      %add3A_65 = arith.constant 0 : i32
      %add3A_66 = arith.addi %mul3A_64, %add3A_65 : i32
      %add3A_67 = arith.constant 1 : i32
      %add3A_68 = arith.addi %add3A_66, %add3A_67 : i32
      %lt3A = arith.constant 12 : i32
      %lt3A_69 = arith.cmpi slt, %add3A_68, %lt3A : i32
      %convert_element_type3A = arith.extui %lt3A_69 : i1 to i32
      %cond3A = arith.constant 0 : i32
      %cond3A_70 = arith.cmpi ne, %convert_element_type3A, %cond3A : i32
      scf.if %cond3A_70 {
        %add3A_174 = arith.constant 1 : i32
        %add3A_175 = arith.addi %add3A_66, %add3A_174 : i32
        %mul3A_176 = arith.constant 24 : i32
        %mul3A_177 = arith.muli %add3A_175, %mul3A_176 : i32
        %add3A_178 = arith.addi %mul3A_2, %mul3A_177 : i32
        %mul3A_179 = arith.constant 16 : i32
        %mul3A_180 = arith.muli %add3A_178, %mul3A_179 : i32
        %dma_start3A_181 = arith.constant 1 : i32
        %dma_start3A_182 = arith.constant 1 : i32
        %dma_start3A_183 = arith.constant 0 : i32
        %dma_start3A_184 = arith.constant 0 : i32
        %dma_start3A_185 = tpu.memref_slice %arg4[%dma_start3A_181, %dma_start3A_183, %dma_start3A_184] : memref<2x384x128xf32, #tpu.memory_space<vmem>> -> memref<1x384x128xf32, #tpu.memory_space<vmem>>
        %dma_start3A_186 = tpu.memref_squeeze %dma_start3A_185 : memref<1x384x128xf32, #tpu.memory_space<vmem>> -> memref<384x128xf32, #tpu.memory_space<vmem>>
        %dma_start3A_187 = arith.constant 0 : i32
        %dma_start3A_188 = tpu.memref_slice %arg2[%mul3A_180, %dma_start3A_187] : memref<262144x128xf32, #tpu.memory_space<hbm>> -> memref<384x128xf32, #tpu.memory_space<hbm>>
        %dma_start3A_189 = tpu.memref_slice %arg6[%dma_start3A_182] : memref<2x!tpu.dma_semaphore, #tpu.memory_space<semaphore_mem>> -> memref<1x!tpu.dma_semaphore, #tpu.memory_space<semaphore_mem>>
        %dma_start3A_190 = tpu.memref_squeeze %dma_start3A_189 : memref<1x!tpu.dma_semaphore, #tpu.memory_space<semaphore_mem>> -> memref<!tpu.dma_semaphore, #tpu.memory_space<semaphore_mem>>
        %dma_start3A_191 = arith.constant 0 : i32
        %dma_start3A_192 = arith.constant 0 : i32
        %dma_start3A_193 = tpu.memref_slice %arg4[%dma_start3A_181, %dma_start3A_191, %dma_start3A_192] : memref<2x384x128xf32, #tpu.memory_space<vmem>> -> memref<1x384x128xf32, #tpu.memory_space<vmem>>
        %dma_start3A_194 = tpu.memref_squeeze %dma_start3A_193 : memref<1x384x128xf32, #tpu.memory_space<vmem>> -> memref<384x128xf32, #tpu.memory_space<vmem>>
        %dma_start3A_195 = arith.constant 0 : i32
        %dma_start3A_196 = tpu.memref_slice %arg2[%mul3A_180, %dma_start3A_195] : memref<262144x128xf32, #tpu.memory_space<hbm>> -> memref<384x128xf32, #tpu.memory_space<hbm>>
        tpu.enqueue_dma source(%dma_start3A_196 : memref<384x128xf32, #tpu.memory_space<hbm>>) target(%dma_start3A_194 : memref<384x128xf32, #tpu.memory_space<vmem>>) target_semaphore(%dma_start3A_190 : memref<!tpu.dma_semaphore, #tpu.memory_space<semaphore_mem>>)
      } else {
      }
      %mul3A_71 = arith.constant 24 : i32
      %mul3A_72 = arith.muli %add3A_66, %mul3A_71 : i32
      %add3A_73 = arith.addi %mul3A_2, %mul3A_72 : i32
      %mul3A_74 = arith.constant 16 : i32
      %mul3A_75 = arith.muli %add3A_73, %mul3A_74 : i32
      %dma_wait3A_76 = arith.constant 0 : i32
      %dma_wait3A_77 = arith.constant 0 : i32
      %dma_wait3A_78 = arith.constant 0 : i32
      %dma_wait3A_79 = arith.constant 0 : i32
      %dma_wait3A_80 = tpu.memref_slice %arg4[%dma_wait3A_76, %dma_wait3A_78, %dma_wait3A_79] : memref<2x384x128xf32, #tpu.memory_space<vmem>> -> memref<1x384x128xf32, #tpu.memory_space<vmem>>
      %dma_wait3A_81 = tpu.memref_squeeze %dma_wait3A_80 : memref<1x384x128xf32, #tpu.memory_space<vmem>> -> memref<384x128xf32, #tpu.memory_space<vmem>>
      %dma_wait3A_82 = arith.constant 0 : i32
      %dma_wait3A_83 = tpu.memref_slice %arg2[%mul3A_75, %dma_wait3A_82] : memref<262144x128xf32, #tpu.memory_space<hbm>> -> memref<384x128xf32, #tpu.memory_space<hbm>>
      %dma_wait3A_84 = tpu.memref_slice %arg6[%dma_wait3A_77] : memref<2x!tpu.dma_semaphore, #tpu.memory_space<semaphore_mem>> -> memref<1x!tpu.dma_semaphore, #tpu.memory_space<semaphore_mem>>
      %dma_wait3A_85 = tpu.memref_squeeze %dma_wait3A_84 : memref<1x!tpu.dma_semaphore, #tpu.memory_space<semaphore_mem>> -> memref<!tpu.dma_semaphore, #tpu.memory_space<semaphore_mem>>
      %dma_wait3A_86 = arith.constant 0 : i32
      %dma_wait3A_87 = arith.constant 0 : i32
      %dma_wait3A_88 = tpu.memref_slice %arg4[%dma_wait3A_76, %dma_wait3A_86, %dma_wait3A_87] : memref<2x384x128xf32, #tpu.memory_space<vmem>> -> memref<1x384x128xf32, #tpu.memory_space<vmem>>
      %dma_wait3A_89 = tpu.memref_squeeze %dma_wait3A_88 : memref<1x384x128xf32, #tpu.memory_space<vmem>> -> memref<384x128xf32, #tpu.memory_space<vmem>>
      %dma_wait3A_90 = arith.constant 0 : i32
      %dma_wait3A_91 = tpu.memref_slice %arg2[%mul3A_75, %dma_wait3A_90] : memref<262144x128xf32, #tpu.memory_space<hbm>> -> memref<384x128xf32, #tpu.memory_space<hbm>>
      tpu.wait_dma2 semaphore(%dma_wait3A_85 : memref<!tpu.dma_semaphore, #tpu.memory_space<semaphore_mem>>) src(%dma_wait3A_91 : memref<384x128xf32, #tpu.memory_space<hbm>>) dst(%dma_wait3A_89 : memref<384x128xf32, #tpu.memory_space<vmem>>)
      %ge3A = arith.constant 2 : i32
      %ge3A_92 = arith.cmpi sge, %add3A_66, %ge3A : i32
      %convert_element_type3A_93 = arith.extui %ge3A_92 : i1 to i32
      %cond3A_94 = arith.constant 0 : i32
      %cond3A_95 = arith.cmpi ne, %convert_element_type3A_93, %cond3A_94 : i32
      scf.if %cond3A_95 {
        %sub3A = arith.constant 2 : i32
        %sub3A_174 = arith.subi %add3A_66, %sub3A : i32
        %mul3A_175 = arith.constant 24 : i32
        %mul3A_176 = arith.muli %sub3A_174, %mul3A_175 : i32
        %add3A_177 = arith.addi %mul3A_2, %mul3A_176 : i32
        %dma_wait3A_178 = arith.constant 0 : i32
        %dma_wait3A_179 = arith.constant 0 : i32
        %dma_wait3A_180 = arith.constant 0 : i32
        %dma_wait3A_181 = arith.constant 0 : i32
        %dma_wait3A_182 = tpu.memref_slice %arg5[%dma_wait3A_178, %dma_wait3A_180, %dma_wait3A_181] : memref<2x24x256xf32, #tpu.memory_space<vmem>> -> memref<1x24x256xf32, #tpu.memory_space<vmem>>
        %dma_wait3A_183 = tpu.memref_squeeze %dma_wait3A_182 : memref<1x24x256xf32, #tpu.memory_space<vmem>> -> memref<24x256xf32, #tpu.memory_space<vmem>>
        %dma_wait3A_184 = arith.constant 0 : i32
        %dma_wait3A_185 = tpu.memref_slice %arg3[%add3A_177, %dma_wait3A_184] : memref<9216x256xf32, #tpu.memory_space<hbm>> -> memref<24x256xf32, #tpu.memory_space<hbm>>
        %dma_wait3A_186 = tpu.memref_slice %arg7[%dma_wait3A_179] : memref<2x!tpu.dma_semaphore, #tpu.memory_space<semaphore_mem>> -> memref<1x!tpu.dma_semaphore, #tpu.memory_space<semaphore_mem>>
        %dma_wait3A_187 = tpu.memref_squeeze %dma_wait3A_186 : memref<1x!tpu.dma_semaphore, #tpu.memory_space<semaphore_mem>> -> memref<!tpu.dma_semaphore, #tpu.memory_space<semaphore_mem>>
        %dma_wait3A_188 = arith.constant 0 : i32
        %dma_wait3A_189 = tpu.memref_slice %arg3[%add3A_177, %dma_wait3A_188] : memref<9216x256xf32, #tpu.memory_space<hbm>> -> memref<24x256xf32, #tpu.memory_space<hbm>>
        %dma_wait3A_190 = arith.constant 0 : i32
        %dma_wait3A_191 = arith.constant 0 : i32
        %dma_wait3A_192 = tpu.memref_slice %arg5[%dma_wait3A_178, %dma_wait3A_190, %dma_wait3A_191] : memref<2x24x256xf32, #tpu.memory_space<vmem>> -> memref<1x24x256xf32, #tpu.memory_space<vmem>>
        %dma_wait3A_193 = tpu.memref_squeeze %dma_wait3A_192 : memref<1x24x256xf32, #tpu.memory_space<vmem>> -> memref<24x256xf32, #tpu.memory_space<vmem>>
        tpu.wait_dma2 semaphore(%dma_wait3A_187 : memref<!tpu.dma_semaphore, #tpu.memory_space<semaphore_mem>>) src(%dma_wait3A_193 : memref<24x256xf32, #tpu.memory_space<vmem>>) dst(%dma_wait3A_189 : memref<24x256xf32, #tpu.memory_space<hbm>>)
      } else {
      }
      %parallel_loop3A = arith.constant 0 : i32
      %parallel_loop3A_96 = arith.constant 24 : i32
      %parallel_loop3A_97 = arith.constant 1 : i32
      scf.for %parallel_loop3A_174 = %parallel_loop3A to %parallel_loop3A_96 step %parallel_loop3A_97  : i32 {
        %parallel_loop3A_175 = arith.constant 16 : i32
        %parallel_loop3A_176 = arith.muli %parallel_loop3A_174, %parallel_loop3A_175 : i32
        %parallel_loop3A_177 = arith.constant 0 : i32
        %parallel_loop3A_178 = arith.index_cast %parallel_loop3A_177 : i32 to index
        %parallel_loop3A_179 = arith.index_cast %parallel_loop3A_176 : i32 to index
        %parallel_loop3A_180 = arith.constant 0 : index
        %parallel_loop3A_181 = tpu.vector_load %arg4[%parallel_loop3A_178, %parallel_loop3A_179, %parallel_loop3A_180] {strides = array<i32>} : memref<2x384x128xf32, #tpu.memory_space<vmem>>, vector<1x1x16xf32>,
        %parallel_loop3A_182 = vector.shape_cast %parallel_loop3A_181 : vector<1x1x16xf32> to vector<16xf32>
        %parallel_loop3A_183 = arith.constant 1 : i32
        %parallel_loop3A_184 = arith.addi %parallel_loop3A_176, %parallel_loop3A_183 : i32
        %parallel_loop3A_185 = arith.constant 0 : i32
        %parallel_loop3A_186 = arith.index_cast %parallel_loop3A_185 : i32 to index
        %parallel_loop3A_187 = arith.index_cast %parallel_loop3A_184 : i32 to index
        %parallel_loop3A_188 = arith.constant 0 : index
        %parallel_loop3A_189 = tpu.vector_load %arg4[%parallel_loop3A_186, %parallel_loop3A_187, %parallel_loop3A_188] {strides = array<i32>} : memref<2x384x128xf32, #tpu.memory_space<vmem>>, vector<1x1x16xf32>,
        %parallel_loop3A_190 = vector.shape_cast %parallel_loop3A_189 : vector<1x1x16xf32> to vector<16xf32>
        %parallel_loop3A_191 = arith.addf %parallel_loop3A_182, %parallel_loop3A_190 : vector<16xf32>
        %parallel_loop3A_192 = arith.constant 2 : i32
        %parallel_loop3A_193 = arith.addi %parallel_loop3A_176, %parallel_loop3A_192 : i32
        %parallel_loop3A_194 = arith.constant 0 : i32
        %parallel_loop3A_195 = arith.index_cast %parallel_loop3A_194 : i32 to index
        %parallel_loop3A_196 = arith.index_cast %parallel_loop3A_193 : i32 to index
        %parallel_loop3A_197 = arith.constant 0 : index
        %parallel_loop3A_198 = tpu.vector_load %arg4[%parallel_loop3A_195, %parallel_loop3A_196, %parallel_loop3A_197] {strides = array<i32>} : memref<2x384x128xf32, #tpu.memory_space<vmem>>, vector<1x1x16xf32>,
        %parallel_loop3A_199 = vector.shape_cast %parallel_loop3A_198 : vector<1x1x16xf32> to vector<16xf32>
        %parallel_loop3A_200 = arith.addf %parallel_loop3A_191, %parallel_loop3A_199 : vector<16xf32>
        %parallel_loop3A_201 = arith.constant 3 : i32
        %parallel_loop3A_202 = arith.addi %parallel_loop3A_176, %parallel_loop3A_201 : i32
        %parallel_loop3A_203 = arith.constant 0 : i32
        %parallel_loop3A_204 = arith.index_cast %parallel_loop3A_203 : i32 to index
        %parallel_loop3A_205 = arith.index_cast %parallel_loop3A_202 : i32 to index
        %parallel_loop3A_206 = arith.constant 0 : index
        %parallel_loop3A_207 = tpu.vector_load %arg4[%parallel_loop3A_204, %parallel_loop3A_205, %parallel_loop3A_206] {strides = array<i32>} : memref<2x384x128xf32, #tpu.memory_space<vmem>>, vector<1x1x16xf32>,
        %parallel_loop3A_208 = vector.shape_cast %parallel_loop3A_207 : vector<1x1x16xf32> to vector<16xf32>
        %parallel_loop3A_209 = arith.addf %parallel_loop3A_200, %parallel_loop3A_208 : vector<16xf32>
        %parallel_loop3A_210 = arith.constant 4 : i32
        %parallel_loop3A_211 = arith.addi %parallel_loop3A_176, %parallel_loop3A_210 : i32
        %parallel_loop3A_212 = arith.constant 0 : i32
        %parallel_loop3A_213 = arith.index_cast %parallel_loop3A_212 : i32 to index
        %parallel_loop3A_214 = arith.index_cast %parallel_loop3A_211 : i32 to index
        %parallel_loop3A_215 = arith.constant 0 : index
        %parallel_loop3A_216 = tpu.vector_load %arg4[%parallel_loop3A_213, %parallel_loop3A_214, %parallel_loop3A_215] {strides = array<i32>} : memref<2x384x128xf32, #tpu.memory_space<vmem>>, vector<1x1x16xf32>,
        %parallel_loop3A_217 = vector.shape_cast %parallel_loop3A_216 : vector<1x1x16xf32> to vector<16xf32>
        %parallel_loop3A_218 = arith.addf %parallel_loop3A_209, %parallel_loop3A_217 : vector<16xf32>
        %parallel_loop3A_219 = arith.constant 5 : i32
        %parallel_loop3A_220 = arith.addi %parallel_loop3A_176, %parallel_loop3A_219 : i32
        %parallel_loop3A_221 = arith.constant 0 : i32
        %parallel_loop3A_222 = arith.index_cast %parallel_loop3A_221 : i32 to index
        %parallel_loop3A_223 = arith.index_cast %parallel_loop3A_220 : i32 to index
        %parallel_loop3A_224 = arith.constant 0 : index
        %parallel_loop3A_225 = tpu.vector_load %arg4[%parallel_loop3A_222, %parallel_loop3A_223, %parallel_loop3A_224] {strides = array<i32>} : memref<2x384x128xf32, #tpu.memory_space<vmem>>, vector<1x1x16xf32>,
        %parallel_loop3A_226 = vector.shape_cast %parallel_loop3A_225 : vector<1x1x16xf32> to vector<16xf32>
        %parallel_loop3A_227 = arith.addf %parallel_loop3A_218, %parallel_loop3A_226 : vector<16xf32>
        %parallel_loop3A_228 = arith.constant 6 : i32
        %parallel_loop3A_229 = arith.addi %parallel_loop3A_176, %parallel_loop3A_228 : i32
        %parallel_loop3A_230 = arith.constant 0 : i32
        %parallel_loop3A_231 = arith.index_cast %parallel_loop3A_230 : i32 to index
        %parallel_loop3A_232 = arith.index_cast %parallel_loop3A_229 : i32 to index
        %parallel_loop3A_233 = arith.constant 0 : index
        %parallel_loop3A_234 = tpu.vector_load %arg4[%parallel_loop3A_231, %parallel_loop3A_232, %parallel_loop3A_233] {strides = array<i32>} : memref<2x384x128xf32, #tpu.memory_space<vmem>>, vector<1x1x16xf32>,
        %parallel_loop3A_235 = vector.shape_cast %parallel_loop3A_234 : vector<1x1x16xf32> to vector<16xf32>
        %parallel_loop3A_236 = arith.addf %parallel_loop3A_227, %parallel_loop3A_235 : vector<16xf32>
        %parallel_loop3A_237 = arith.constant 7 : i32
        %parallel_loop3A_238 = arith.addi %parallel_loop3A_176, %parallel_loop3A_237 : i32
        %parallel_loop3A_239 = arith.constant 0 : i32
        %parallel_loop3A_240 = arith.index_cast %parallel_loop3A_239 : i32 to index
        %parallel_loop3A_241 = arith.index_cast %parallel_loop3A_238 : i32 to index
        %parallel_loop3A_242 = arith.constant 0 : index
        %parallel_loop3A_243 = tpu.vector_load %arg4[%parallel_loop3A_240, %parallel_loop3A_241, %parallel_loop3A_242] {strides = array<i32>} : memref<2x384x128xf32, #tpu.memory_space<vmem>>, vector<1x1x16xf32>,
        %parallel_loop3A_244 = vector.shape_cast %parallel_loop3A_243 : vector<1x1x16xf32> to vector<16xf32>
        %parallel_loop3A_245 = arith.addf %parallel_loop3A_236, %parallel_loop3A_244 : vector<16xf32>
        %parallel_loop3A_246 = arith.constant 8 : i32
        %parallel_loop3A_247 = arith.addi %parallel_loop3A_176, %parallel_loop3A_246 : i32
        %parallel_loop3A_248 = arith.constant 0 : i32
        %parallel_loop3A_249 = arith.index_cast %parallel_loop3A_248 : i32 to index
        %parallel_loop3A_250 = arith.index_cast %parallel_loop3A_247 : i32 to index
        %parallel_loop3A_251 = arith.constant 0 : index
        %parallel_loop3A_252 = tpu.vector_load %arg4[%parallel_loop3A_249, %parallel_loop3A_250, %parallel_loop3A_251] {strides = array<i32>} : memref<2x384x128xf32, #tpu.memory_space<vmem>>, vector<1x1x16xf32>,
        %parallel_loop3A_253 = vector.shape_cast %parallel_loop3A_252 : vector<1x1x16xf32> to vector<16xf32>
        %parallel_loop3A_254 = arith.addf %parallel_loop3A_245, %parallel_loop3A_253 : vector<16xf32>
        %parallel_loop3A_255 = arith.constant 9 : i32
        %parallel_loop3A_256 = arith.addi %parallel_loop3A_176, %parallel_loop3A_255 : i32
        %parallel_loop3A_257 = arith.constant 0 : i32
        %parallel_loop3A_258 = arith.index_cast %parallel_loop3A_257 : i32 to index
        %parallel_loop3A_259 = arith.index_cast %parallel_loop3A_256 : i32 to index
        %parallel_loop3A_260 = arith.constant 0 : index
        %parallel_loop3A_261 = tpu.vector_load %arg4[%parallel_loop3A_258, %parallel_loop3A_259, %parallel_loop3A_260] {strides = array<i32>} : memref<2x384x128xf32, #tpu.memory_space<vmem>>, vector<1x1x16xf32>,
        %parallel_loop3A_262 = vector.shape_cast %parallel_loop3A_261 : vector<1x1x16xf32> to vector<16xf32>
        %parallel_loop3A_263 = arith.addf %parallel_loop3A_254, %parallel_loop3A_262 : vector<16xf32>
        %parallel_loop3A_264 = arith.constant 10 : i32
        %parallel_loop3A_265 = arith.addi %parallel_loop3A_176, %parallel_loop3A_264 : i32
        %parallel_loop3A_266 = arith.constant 0 : i32
        %parallel_loop3A_267 = arith.index_cast %parallel_loop3A_266 : i32 to index
        %parallel_loop3A_268 = arith.index_cast %parallel_loop3A_265 : i32 to index
        %parallel_loop3A_269 = arith.constant 0 : index
        %parallel_loop3A_270 = tpu.vector_load %arg4[%parallel_loop3A_267, %parallel_loop3A_268, %parallel_loop3A_269] {strides = array<i32>} : memref<2x384x128xf32, #tpu.memory_space<vmem>>, vector<1x1x16xf32>,
        %parallel_loop3A_271 = vector.shape_cast %parallel_loop3A_270 : vector<1x1x16xf32> to vector<16xf32>
        %parallel_loop3A_272 = arith.addf %parallel_loop3A_263, %parallel_loop3A_271 : vector<16xf32>
        %parallel_loop3A_273 = arith.constant 11 : i32
        %parallel_loop3A_274 = arith.addi %parallel_loop3A_176, %parallel_loop3A_273 : i32
        %parallel_loop3A_275 = arith.constant 0 : i32
        %parallel_loop3A_276 = arith.index_cast %parallel_loop3A_275 : i32 to index
        %parallel_loop3A_277 = arith.index_cast %parallel_loop3A_274 : i32 to index
        %parallel_loop3A_278 = arith.constant 0 : index
        %parallel_loop3A_279 = tpu.vector_load %arg4[%parallel_loop3A_276, %parallel_loop3A_277, %parallel_loop3A_278] {strides = array<i32>} : memref<2x384x128xf32, #tpu.memory_space<vmem>>, vector<1x1x16xf32>,
        %parallel_loop3A_280 = vector.shape_cast %parallel_loop3A_279 : vector<1x1x16xf32> to vector<16xf32>
        %parallel_loop3A_281 = arith.addf %parallel_loop3A_272, %parallel_loop3A_280 : vector<16xf32>
        %parallel_loop3A_282 = arith.constant 12 : i32
        %parallel_loop3A_283 = arith.addi %parallel_loop3A_176, %parallel_loop3A_282 : i32
        %parallel_loop3A_284 = arith.constant 0 : i32
        %parallel_loop3A_285 = arith.index_cast %parallel_loop3A_284 : i32 to index
        %parallel_loop3A_286 = arith.index_cast %parallel_loop3A_283 : i32 to index
        %parallel_loop3A_287 = arith.constant 0 : index
        %parallel_loop3A_288 = tpu.vector_load %arg4[%parallel_loop3A_285, %parallel_loop3A_286, %parallel_loop3A_287] {strides = array<i32>} : memref<2x384x128xf32, #tpu.memory_space<vmem>>, vector<1x1x16xf32>,
        %parallel_loop3A_289 = vector.shape_cast %parallel_loop3A_288 : vector<1x1x16xf32> to vector<16xf32>
        %parallel_loop3A_290 = arith.addf %parallel_loop3A_281, %parallel_loop3A_289 : vector<16xf32>
        %parallel_loop3A_291 = arith.constant 13 : i32
        %parallel_loop3A_292 = arith.addi %parallel_loop3A_176, %parallel_loop3A_291 : i32
        %parallel_loop3A_293 = arith.constant 0 : i32
        %parallel_loop3A_294 = arith.index_cast %parallel_loop3A_293 : i32 to index
        %parallel_loop3A_295 = arith.index_cast %parallel_loop3A_292 : i32 to index
        %parallel_loop3A_296 = arith.constant 0 : index
        %parallel_loop3A_297 = tpu.vector_load %arg4[%parallel_loop3A_294, %parallel_loop3A_295, %parallel_loop3A_296] {strides = array<i32>} : memref<2x384x128xf32, #tpu.memory_space<vmem>>, vector<1x1x16xf32>,
        %parallel_loop3A_298 = vector.shape_cast %parallel_loop3A_297 : vector<1x1x16xf32> to vector<16xf32>
        %parallel_loop3A_299 = arith.addf %parallel_loop3A_290, %parallel_loop3A_298 : vector<16xf32>
        %parallel_loop3A_300 = arith.constant 14 : i32
        %parallel_loop3A_301 = arith.addi %parallel_loop3A_176, %parallel_loop3A_300 : i32
        %parallel_loop3A_302 = arith.constant 0 : i32
        %parallel_loop3A_303 = arith.index_cast %parallel_loop3A_302 : i32 to index
        %parallel_loop3A_304 = arith.index_cast %parallel_loop3A_301 : i32 to index
        %parallel_loop3A_305 = arith.constant 0 : index
        %parallel_loop3A_306 = tpu.vector_load %arg4[%parallel_loop3A_303, %parallel_loop3A_304, %parallel_loop3A_305] {strides = array<i32>} : memref<2x384x128xf32, #tpu.memory_space<vmem>>, vector<1x1x16xf32>,
        %parallel_loop3A_307 = vector.shape_cast %parallel_loop3A_306 : vector<1x1x16xf32> to vector<16xf32>
        %parallel_loop3A_308 = arith.addf %parallel_loop3A_299, %parallel_loop3A_307 : vector<16xf32>
        %parallel_loop3A_309 = arith.constant 0.0666666701 : f32
        %parallel_loop3A_310 = vector.broadcast %parallel_loop3A_309 : f32 to vector<16xf32>
        %parallel_loop3A_311 = arith.mulf %parallel_loop3A_308, %parallel_loop3A_310 : vector<16xf32>
        %parallel_loop3A_312 = arith.constant 0 : i32
        %parallel_loop3A_313 = arith.index_cast %parallel_loop3A_312 : i32 to index
        %parallel_loop3A_314 = arith.index_cast %parallel_loop3A_174 : i32 to index
        %parallel_loop3A_315 = arith.constant 0 : index
        %parallel_loop3A_316 = tpu.vector_load %arg5[%parallel_loop3A_313, %parallel_loop3A_314, %parallel_loop3A_315] {strides = array<i32>} : memref<2x24x256xf32, #tpu.memory_space<vmem>>, vector<1x1x16xf32>,
        %parallel_loop3A_317 = vector.shape_cast %parallel_loop3A_316 : vector<1x1x16xf32> to vector<16xf32>
        %parallel_loop3A_318 = vector.shape_cast %parallel_loop3A_311 : vector<16xf32> to vector<1x1x16xf32>
        tpu.vector_store %arg5[%parallel_loop3A_313, %parallel_loop3A_314, %parallel_loop3A_315], %parallel_loop3A_318 {strides = array<i32>} : memref<2x24x256xf32, #tpu.memory_space<vmem>>, vector<1x1x16xf32>,
        %parallel_loop3A_319 = arith.constant 16 : i32
        %parallel_loop3A_320 = arith.addi %parallel_loop3A_176, %parallel_loop3A_319 : i32
        %parallel_loop3A_321 = arith.constant 1 : i32
        %parallel_loop3A_322 = arith.subi %parallel_loop3A_320, %parallel_loop3A_321 : i32
        %parallel_loop3A_323 = arith.constant 0 : i32
        %parallel_loop3A_324 = arith.index_cast %parallel_loop3A_323 : i32 to index
        %parallel_loop3A_325 = arith.index_cast %parallel_loop3A_322 : i32 to index
        %parallel_loop3A_326 = arith.constant 0 : index
        %parallel_loop3A_327 = tpu.vector_load %arg4[%parallel_loop3A_324, %parallel_loop3A_325, %parallel_loop3A_326] {strides = array<i32>} : memref<2x384x128xf32, #tpu.memory_space<vmem>>, vector<1x1x16xf32>,
        %parallel_loop3A_328 = vector.shape_cast %parallel_loop3A_327 : vector<1x1x16xf32> to vector<16xf32>
        %parallel_loop3A_329 = arith.constant 0 : i32
        %parallel_loop3A_330 = arith.index_cast %parallel_loop3A_329 : i32 to index
        %parallel_loop3A_331 = arith.index_cast %parallel_loop3A_174 : i32 to index
        %parallel_loop3A_332 = arith.constant 128 : index
        %parallel_loop3A_333 = tpu.vector_load %arg5[%parallel_loop3A_330, %parallel_loop3A_331, %parallel_loop3A_332] {strides = array<i32>} : memref<2x24x256xf32, #tpu.memory_space<vmem>>, vector<1x1x16xf32>,
        %parallel_loop3A_334 = vector.shape_cast %parallel_loop3A_333 : vector<1x1x16xf32> to vector<16xf32>
        %parallel_loop3A_335 = vector.shape_cast %parallel_loop3A_328 : vector<16xf32> to vector<1x1x16xf32>
        tpu.vector_store %arg5[%parallel_loop3A_330, %parallel_loop3A_331, %parallel_loop3A_332], %parallel_loop3A_335 {strides = array<i32>} : memref<2x24x256xf32, #tpu.memory_space<vmem>>, vector<1x1x16xf32>,
        %parallel_loop3A_336 = arith.constant 0 : i32
        %parallel_loop3A_337 = arith.index_cast %parallel_loop3A_336 : i32 to index
        %parallel_loop3A_338 = arith.index_cast %parallel_loop3A_176 : i32 to index
        %parallel_loop3A_339 = arith.constant 16 : index
        %parallel_loop3A_340 = tpu.vector_load %arg4[%parallel_loop3A_337, %parallel_loop3A_338, %parallel_loop3A_339] {strides = array<i32>} : memref<2x384x128xf32, #tpu.memory_space<vmem>>, vector<1x1x16xf32>,
        %parallel_loop3A_341 = vector.shape_cast %parallel_loop3A_340 : vector<1x1x16xf32> to vector<16xf32>
        %parallel_loop3A_342 = arith.constant 1 : i32
        %parallel_loop3A_343 = arith.addi %parallel_loop3A_176, %parallel_loop3A_342 : i32
        %parallel_loop3A_344 = arith.constant 0 : i32
        %parallel_loop3A_345 = arith.index_cast %parallel_loop3A_344 : i32 to index
        %parallel_loop3A_346 = arith.index_cast %parallel_loop3A_343 : i32 to index
        %parallel_loop3A_347 = arith.constant 16 : index
        %parallel_loop3A_348 = tpu.vector_load %arg4[%parallel_loop3A_345, %parallel_loop3A_346, %parallel_loop3A_347] {strides = array<i32>} : memref<2x384x128xf32, #tpu.memory_space<vmem>>, vector<1x1x16xf32>,
        %parallel_loop3A_349 = vector.shape_cast %parallel_loop3A_348 : vector<1x1x16xf32> to vector<16xf32>
        %parallel_loop3A_350 = arith.addf %parallel_loop3A_341, %parallel_loop3A_349 : vector<16xf32>
        %parallel_loop3A_351 = arith.constant 2 : i32
        %parallel_loop3A_352 = arith.addi %parallel_loop3A_176, %parallel_loop3A_351 : i32
        %parallel_loop3A_353 = arith.constant 0 : i32
        %parallel_loop3A_354 = arith.index_cast %parallel_loop3A_353 : i32 to index
        %parallel_loop3A_355 = arith.index_cast %parallel_loop3A_352 : i32 to index
        %parallel_loop3A_356 = arith.constant 16 : index
        %parallel_loop3A_357 = tpu.vector_load %arg4[%parallel_loop3A_354, %parallel_loop3A_355, %parallel_loop3A_356] {strides = array<i32>} : memref<2x384x128xf32, #tpu.memory_space<vmem>>, vector<1x1x16xf32>,
        %parallel_loop3A_358 = vector.shape_cast %parallel_loop3A_357 : vector<1x1x16xf32> to vector<16xf32>
        %parallel_loop3A_359 = arith.addf %parallel_loop3A_350, %parallel_loop3A_358 : vector<16xf32>
        %parallel_loop3A_360 = arith.constant 3 : i32
        %parallel_loop3A_361 = arith.addi %parallel_loop3A_176, %parallel_loop3A_360 : i32
        %parallel_loop3A_362 = arith.constant 0 : i32
        %parallel_loop3A_363 = arith.index_cast %parallel_loop3A_362 : i32 to index
        %parallel_loop3A_364 = arith.index_cast %parallel_loop3A_361 : i32 to index
        %parallel_loop3A_365 = arith.constant 16 : index
        %parallel_loop3A_366 = tpu.vector_load %arg4[%parallel_loop3A_363, %parallel_loop3A_364, %parallel_loop3A_365] {strides = array<i32>} : memref<2x384x128xf32, #tpu.memory_space<vmem>>, vector<1x1x16xf32>,
        %parallel_loop3A_367 = vector.shape_cast %parallel_loop3A_366 : vector<1x1x16xf32> to vector<16xf32>
        %parallel_loop3A_368 = arith.addf %parallel_loop3A_359, %parallel_loop3A_367 : vector<16xf32>
        %parallel_loop3A_369 = arith.constant 4 : i32
        %parallel_loop3A_370 = arith.addi %parallel_loop3A_176, %parallel_loop3A_369 : i32
        %parallel_loop3A_371 = arith.constant 0 : i32
        %parallel_loop3A_372 = arith.index_cast %parallel_loop3A_371 : i32 to index
        %parallel_loop3A_373 = arith.index_cast %parallel_loop3A_370 : i32 to index
        %parallel_loop3A_374 = arith.constant 16 : index
        %parallel_loop3A_375 = tpu.vector_load %arg4[%parallel_loop3A_372, %parallel_loop3A_373, %parallel_loop3A_374] {strides = array<i32>} : memref<2x384x128xf32, #tpu.memory_space<vmem>>, vector<1x1x16xf32>,
        %parallel_loop3A_376 = vector.shape_cast %parallel_loop3A_375 : vector<1x1x16xf32> to vector<16xf32>
        %parallel_loop3A_377 = arith.addf %parallel_loop3A_368, %parallel_loop3A_376 : vector<16xf32>
        %parallel_loop3A_378 = arith.constant 5 : i32
        %parallel_loop3A_379 = arith.addi %parallel_loop3A_176, %parallel_loop3A_378 : i32
        %parallel_loop3A_380 = arith.constant 0 : i32
        %parallel_loop3A_381 = arith.index_cast %parallel_loop3A_380 : i32 to index
        %parallel_loop3A_382 = arith.index_cast %parallel_loop3A_379 : i32 to index
        %parallel_loop3A_383 = arith.constant 16 : index
        %parallel_loop3A_384 = tpu.vector_load %arg4[%parallel_loop3A_381, %parallel_loop3A_382, %parallel_loop3A_383] {strides = array<i32>} : memref<2x384x128xf32, #tpu.memory_space<vmem>>, vector<1x1x16xf32>,
        %parallel_loop3A_385 = vector.shape_cast %parallel_loop3A_384 : vector<1x1x16xf32> to vector<16xf32>
        %parallel_loop3A_386 = arith.addf %parallel_loop3A_377, %parallel_loop3A_385 : vector<16xf32>
        %parallel_loop3A_387 = arith.constant 6 : i32
        %parallel_loop3A_388 = arith.addi %parallel_loop3A_176, %parallel_loop3A_387 : i32
        %parallel_loop3A_389 = arith.constant 0 : i32
        %parallel_loop3A_390 = arith.index_cast %parallel_loop3A_389 : i32 to index
        %parallel_loop3A_391 = arith.index_cast %parallel_loop3A_388 : i32 to index
        %parallel_loop3A_392 = arith.constant 16 : index
        %parallel_loop3A_393 = tpu.vector_load %arg4[%parallel_loop3A_390, %parallel_loop3A_391, %parallel_loop3A_392] {strides = array<i32>} : memref<2x384x128xf32, #tpu.memory_space<vmem>>, vector<1x1x16xf32>,
        %parallel_loop3A_394 = vector.shape_cast %parallel_loop3A_393 : vector<1x1x16xf32> to vector<16xf32>
        %parallel_loop3A_395 = arith.addf %parallel_loop3A_386, %parallel_loop3A_394 : vector<16xf32>
        %parallel_loop3A_396 = arith.constant 7 : i32
        %parallel_loop3A_397 = arith.addi %parallel_loop3A_176, %parallel_loop3A_396 : i32
        %parallel_loop3A_398 = arith.constant 0 : i32
        %parallel_loop3A_399 = arith.index_cast %parallel_loop3A_398 : i32 to index
        %parallel_loop3A_400 = arith.index_cast %parallel_loop3A_397 : i32 to index
        %parallel_loop3A_401 = arith.constant 16 : index
        %parallel_loop3A_402 = tpu.vector_load %arg4[%parallel_loop3A_399, %parallel_loop3A_400, %parallel_loop3A_401] {strides = array<i32>} : memref<2x384x128xf32, #tpu.memory_space<vmem>>, vector<1x1x16xf32>,
        %parallel_loop3A_403 = vector.shape_cast %parallel_loop3A_402 : vector<1x1x16xf32> to vector<16xf32>
        %parallel_loop3A_404 = arith.addf %parallel_loop3A_395, %parallel_loop3A_403 : vector<16xf32>
        %parallel_loop3A_405 = arith.constant 8 : i32
        %parallel_loop3A_406 = arith.addi %parallel_loop3A_176, %parallel_loop3A_405 : i32
        %parallel_loop3A_407 = arith.constant 0 : i32
        %parallel_loop3A_408 = arith.index_cast %parallel_loop3A_407 : i32 to index
        %parallel_loop3A_409 = arith.index_cast %parallel_loop3A_406 : i32 to index
        %parallel_loop3A_410 = arith.constant 16 : index
        %parallel_loop3A_411 = tpu.vector_load %arg4[%parallel_loop3A_408, %parallel_loop3A_409, %parallel_loop3A_410] {strides = array<i32>} : memref<2x384x128xf32, #tpu.memory_space<vmem>>, vector<1x1x16xf32>,
        %parallel_loop3A_412 = vector.shape_cast %parallel_loop3A_411 : vector<1x1x16xf32> to vector<16xf32>
        %parallel_loop3A_413 = arith.addf %parallel_loop3A_404, %parallel_loop3A_412 : vector<16xf32>
        %parallel_loop3A_414 = arith.constant 9 : i32
        %parallel_loop3A_415 = arith.addi %parallel_loop3A_176, %parallel_loop3A_414 : i32
        %parallel_loop3A_416 = arith.constant 0 : i32
        %parallel_loop3A_417 = arith.index_cast %parallel_loop3A_416 : i32 to index
        %parallel_loop3A_418 = arith.index_cast %parallel_loop3A_415 : i32 to index
        %parallel_loop3A_419 = arith.constant 16 : index
        %parallel_loop3A_420 = tpu.vector_load %arg4[%parallel_loop3A_417, %parallel_loop3A_418, %parallel_loop3A_419] {strides = array<i32>} : memref<2x384x128xf32, #tpu.memory_space<vmem>>, vector<1x1x16xf32>,
        %parallel_loop3A_421 = vector.shape_cast %parallel_loop3A_420 : vector<1x1x16xf32> to vector<16xf32>
        %parallel_loop3A_422 = arith.addf %parallel_loop3A_413, %parallel_loop3A_421 : vector<16xf32>
        %parallel_loop3A_423 = arith.constant 10 : i32
        %parallel_loop3A_424 = arith.addi %parallel_loop3A_176, %parallel_loop3A_423 : i32
        %parallel_loop3A_425 = arith.constant 0 : i32
        %parallel_loop3A_426 = arith.index_cast %parallel_loop3A_425 : i32 to index
        %parallel_loop3A_427 = arith.index_cast %parallel_loop3A_424 : i32 to index
        %parallel_loop3A_428 = arith.constant 16 : index
        %parallel_loop3A_429 = tpu.vector_load %arg4[%parallel_loop3A_426, %parallel_loop3A_427, %parallel_loop3A_428] {strides = array<i32>} : memref<2x384x128xf32, #tpu.memory_space<vmem>>, vector<1x1x16xf32>,
        %parallel_loop3A_430 = vector.shape_cast %parallel_loop3A_429 : vector<1x1x16xf32> to vector<16xf32>
        %parallel_loop3A_431 = arith.addf %parallel_loop3A_422, %parallel_loop3A_430 : vector<16xf32>
        %parallel_loop3A_432 = arith.constant 11 : i32
        %parallel_loop3A_433 = arith.addi %parallel_loop3A_176, %parallel_loop3A_432 : i32
        %parallel_loop3A_434 = arith.constant 0 : i32
        %parallel_loop3A_435 = arith.index_cast %parallel_loop3A_434 : i32 to index
        %parallel_loop3A_436 = arith.index_cast %parallel_loop3A_433 : i32 to index
        %parallel_loop3A_437 = arith.constant 16 : index
        %parallel_loop3A_438 = tpu.vector_load %arg4[%parallel_loop3A_435, %parallel_loop3A_436, %parallel_loop3A_437] {strides = array<i32>} : memref<2x384x128xf32, #tpu.memory_space<vmem>>, vector<1x1x16xf32>,
        %parallel_loop3A_439 = vector.shape_cast %parallel_loop3A_438 : vector<1x1x16xf32> to vector<16xf32>
        %parallel_loop3A_440 = arith.addf %parallel_loop3A_431, %parallel_loop3A_439 : vector<16xf32>
        %parallel_loop3A_441 = arith.constant 12 : i32
        %parallel_loop3A_442 = arith.addi %parallel_loop3A_176, %parallel_loop3A_441 : i32
        %parallel_loop3A_443 = arith.constant 0 : i32
        %parallel_loop3A_444 = arith.index_cast %parallel_loop3A_443 : i32 to index
        %parallel_loop3A_445 = arith.index_cast %parallel_loop3A_442 : i32 to index
        %parallel_loop3A_446 = arith.constant 16 : index
        %parallel_loop3A_447 = tpu.vector_load %arg4[%parallel_loop3A_444, %parallel_loop3A_445, %parallel_loop3A_446] {strides = array<i32>} : memref<2x384x128xf32, #tpu.memory_space<vmem>>, vector<1x1x16xf32>,
        %parallel_loop3A_448 = vector.shape_cast %parallel_loop3A_447 : vector<1x1x16xf32> to vector<16xf32>
        %parallel_loop3A_449 = arith.addf %parallel_loop3A_440, %parallel_loop3A_448 : vector<16xf32>
        %parallel_loop3A_450 = arith.constant 13 : i32
        %parallel_loop3A_451 = arith.addi %parallel_loop3A_176, %parallel_loop3A_450 : i32
        %parallel_loop3A_452 = arith.constant 0 : i32
        %parallel_loop3A_453 = arith.index_cast %parallel_loop3A_452 : i32 to index
        %parallel_loop3A_454 = arith.index_cast %parallel_loop3A_451 : i32 to index
        %parallel_loop3A_455 = arith.constant 16 : index
        %parallel_loop3A_456 = tpu.vector_load %arg4[%parallel_loop3A_453, %parallel_loop3A_454, %parallel_loop3A_455] {strides = array<i32>} : memref<2x384x128xf32, #tpu.memory_space<vmem>>, vector<1x1x16xf32>,
        %parallel_loop3A_457 = vector.shape_cast %parallel_loop3A_456 : vector<1x1x16xf32> to vector<16xf32>
        %parallel_loop3A_458 = arith.addf %parallel_loop3A_449, %parallel_loop3A_457 : vector<16xf32>
        %parallel_loop3A_459 = arith.constant 14 : i32
        %parallel_loop3A_460 = arith.addi %parallel_loop3A_176, %parallel_loop3A_459 : i32
        %parallel_loop3A_461 = arith.constant 0 : i32
        %parallel_loop3A_462 = arith.index_cast %parallel_loop3A_461 : i32 to index
        %parallel_loop3A_463 = arith.index_cast %parallel_loop3A_460 : i32 to index
        %parallel_loop3A_464 = arith.constant 16 : index
        %parallel_loop3A_465 = tpu.vector_load %arg4[%parallel_loop3A_462, %parallel_loop3A_463, %parallel_loop3A_464] {strides = array<i32>} : memref<2x384x128xf32, #tpu.memory_space<vmem>>, vector<1x1x16xf32>,
        %parallel_loop3A_466 = vector.shape_cast %parallel_loop3A_465 : vector<1x1x16xf32> to vector<16xf32>
        %parallel_loop3A_467 = arith.addf %parallel_loop3A_458, %parallel_loop3A_466 : vector<16xf32>
        %parallel_loop3A_468 = arith.constant 0.0666666701 : f32
        %parallel_loop3A_469 = vector.broadcast %parallel_loop3A_468 : f32 to vector<16xf32>
        %parallel_loop3A_470 = arith.mulf %parallel_loop3A_467, %parallel_loop3A_469 : vector<16xf32>
        %parallel_loop3A_471 = arith.constant 0 : i32
        %parallel_loop3A_472 = arith.index_cast %parallel_loop3A_471 : i32 to index
        %parallel_loop3A_473 = arith.index_cast %parallel_loop3A_174 : i32 to index
        %parallel_loop3A_474 = arith.constant 16 : index
        %parallel_loop3A_475 = tpu.vector_load %arg5[%parallel_loop3A_472, %parallel_loop3A_473, %parallel_loop3A_474] {strides = array<i32>} : memref<2x24x256xf32, #tpu.memory_space<vmem>>, vector<1x1x16xf32>,
        %parallel_loop3A_476 = vector.shape_cast %parallel_loop3A_475 : vector<1x1x16xf32> to vector<16xf32>
        %parallel_loop3A_477 = vector.shape_cast %parallel_loop3A_470 : vector<16xf32> to vector<1x1x16xf32>
        tpu.vector_store %arg5[%parallel_loop3A_472, %parallel_loop3A_473, %parallel_loop3A_474], %parallel_loop3A_477 {strides = array<i32>} : memref<2x24x256xf32, #tpu.memory_space<vmem>>, vector<1x1x16xf32>,
        %parallel_loop3A_478 = arith.constant 16 : i32
        %parallel_loop3A_479 = arith.addi %parallel_loop3A_176, %parallel_loop3A_478 : i32
        %parallel_loop3A_480 = arith.constant 1 : i32
        %parallel_loop3A_481 = arith.subi %parallel_loop3A_479, %parallel_loop3A_480 : i32
        %parallel_loop3A_482 = arith.constant 0 : i32
        %parallel_loop3A_483 = arith.index_cast %parallel_loop3A_482 : i32 to index
        %parallel_loop3A_484 = arith.index_cast %parallel_loop3A_481 : i32 to index
        %parallel_loop3A_485 = arith.constant 16 : index
        %parallel_loop3A_486 = tpu.vector_load %arg4[%parallel_loop3A_483, %parallel_loop3A_484, %parallel_loop3A_485] {strides = array<i32>} : memref<2x384x128xf32, #tpu.memory_space<vmem>>, vector<1x1x16xf32>,
        %parallel_loop3A_487 = vector.shape_cast %parallel_loop3A_486 : vector<1x1x16xf32> to vector<16xf32>
        %parallel_loop3A_488 = arith.constant 0 : i32
        %parallel_loop3A_489 = arith.index_cast %parallel_loop3A_488 : i32 to index
        %parallel_loop3A_490 = arith.index_cast %parallel_loop3A_174 : i32 to index
        %parallel_loop3A_491 = arith.constant 144 : index
        %parallel_loop3A_492 = tpu.vector_load %arg5[%parallel_loop3A_489, %parallel_loop3A_490, %parallel_loop3A_491] {strides = array<i32>} : memref<2x24x256xf32, #tpu.memory_space<vmem>>, vector<1x1x16xf32>,
        %parallel_loop3A_493 = vector.shape_cast %parallel_loop3A_492 : vector<1x1x16xf32> to vector<16xf32>
        %parallel_loop3A_494 = vector.shape_cast %parallel_loop3A_487 : vector<16xf32> to vector<1x1x16xf32>
        tpu.vector_store %arg5[%parallel_loop3A_489, %parallel_loop3A_490, %parallel_loop3A_491], %parallel_loop3A_494 {strides = array<i32>} : memref<2x24x256xf32, #tpu.memory_space<vmem>>, vector<1x1x16xf32>,
        %parallel_loop3A_495 = arith.constant 0 : i32
        %parallel_loop3A_496 = arith.index_cast %parallel_loop3A_495 : i32 to index
        %parallel_loop3A_497 = arith.index_cast %parallel_loop3A_176 : i32 to index
        %parallel_loop3A_498 = arith.constant 32 : index
        %parallel_loop3A_499 = tpu.vector_load %arg4[%parallel_loop3A_496, %parallel_loop3A_497, %parallel_loop3A_498] {strides = array<i32>} : memref<2x384x128xf32, #tpu.memory_space<vmem>>, vector<1x1x16xf32>,
        %parallel_loop3A_500 = vector.shape_cast %parallel_loop3A_499 : vector<1x1x16xf32> to vector<16xf32>
        %parallel_loop3A_501 = arith.constant 1 : i32
        %parallel_loop3A_502 = arith.addi %parallel_loop3A_176, %parallel_loop3A_501 : i32
        %parallel_loop3A_503 = arith.constant 0 : i32
        %parallel_loop3A_504 = arith.index_cast %parallel_loop3A_503 : i32 to index
        %parallel_loop3A_505 = arith.index_cast %parallel_loop3A_502 : i32 to index
        %parallel_loop3A_506 = arith.constant 32 : index
        %parallel_loop3A_507 = tpu.vector_load %arg4[%parallel_loop3A_504, %parallel_loop3A_505, %parallel_loop3A_506] {strides = array<i32>} : memref<2x384x128xf32, #tpu.memory_space<vmem>>, vector<1x1x16xf32>,
        %parallel_loop3A_508 = vector.shape_cast %parallel_loop3A_507 : vector<1x1x16xf32> to vector<16xf32>
        %parallel_loop3A_509 = arith.addf %parallel_loop3A_500, %parallel_loop3A_508 : vector<16xf32>
        %parallel_loop3A_510 = arith.constant 2 : i32
        %parallel_loop3A_511 = arith.addi %parallel_loop3A_176, %parallel_loop3A_510 : i32
        %parallel_loop3A_512 = arith.constant 0 : i32
        %parallel_loop3A_513 = arith.index_cast %parallel_loop3A_512 : i32 to index
        %parallel_loop3A_514 = arith.index_cast %parallel_loop3A_511 : i32 to index
        %parallel_loop3A_515 = arith.constant 32 : index
        %parallel_loop3A_516 = tpu.vector_load %arg4[%parallel_loop3A_513, %parallel_loop3A_514, %parallel_loop3A_515] {strides = array<i32>} : memref<2x384x128xf32, #tpu.memory_space<vmem>>, vector<1x1x16xf32>,
        %parallel_loop3A_517 = vector.shape_cast %parallel_loop3A_516 : vector<1x1x16xf32> to vector<16xf32>
        %parallel_loop3A_518 = arith.addf %parallel_loop3A_509, %parallel_loop3A_517 : vector<16xf32>
        %parallel_loop3A_519 = arith.constant 3 : i32
        %parallel_loop3A_520 = arith.addi %parallel_loop3A_176, %parallel_loop3A_519 : i32
        %parallel_loop3A_521 = arith.constant 0 : i32
        %parallel_loop3A_522 = arith.index_cast %parallel_loop3A_521 : i32 to index
        %parallel_loop3A_523 = arith.index_cast %parallel_loop3A_520 : i32 to index
        %parallel_loop3A_524 = arith.constant 32 : index
        %parallel_loop3A_525 = tpu.vector_load %arg4[%parallel_loop3A_522, %parallel_loop3A_523, %parallel_loop3A_524] {strides = array<i32>} : memref<2x384x128xf32, #tpu.memory_space<vmem>>, vector<1x1x16xf32>,
        %parallel_loop3A_526 = vector.shape_cast %parallel_loop3A_525 : vector<1x1x16xf32> to vector<16xf32>
        %parallel_loop3A_527 = arith.addf %parallel_loop3A_518, %parallel_loop3A_526 : vector<16xf32>
        %parallel_loop3A_528 = arith.constant 4 : i32
        %parallel_loop3A_529 = arith.addi %parallel_loop3A_176, %parallel_loop3A_528 : i32
        %parallel_loop3A_530 = arith.constant 0 : i32
        %parallel_loop3A_531 = arith.index_cast %parallel_loop3A_530 : i32 to index
        %parallel_loop3A_532 = arith.index_cast %parallel_loop3A_529 : i32 to index
        %parallel_loop3A_533 = arith.constant 32 : index
        %parallel_loop3A_534 = tpu.vector_load %arg4[%parallel_loop3A_531, %parallel_loop3A_532, %parallel_loop3A_533] {strides = array<i32>} : memref<2x384x128xf32, #tpu.memory_space<vmem>>, vector<1x1x16xf32>,
        %parallel_loop3A_535 = vector.shape_cast %parallel_loop3A_534 : vector<1x1x16xf32> to vector<16xf32>
        %parallel_loop3A_536 = arith.addf %parallel_loop3A_527, %parallel_loop3A_535 : vector<16xf32>
        %parallel_loop3A_537 = arith.constant 5 : i32
        %parallel_loop3A_538 = arith.addi %parallel_loop3A_176, %parallel_loop3A_537 : i32
        %parallel_loop3A_539 = arith.constant 0 : i32
        %parallel_loop3A_540 = arith.index_cast %parallel_loop3A_539 : i32 to index
        %parallel_loop3A_541 = arith.index_cast %parallel_loop3A_538 : i32 to index
        %parallel_loop3A_542 = arith.constant 32 : index
        %parallel_loop3A_543 = tpu.vector_load %arg4[%parallel_loop3A_540, %parallel_loop3A_541, %parallel_loop3A_542] {strides = array<i32>} : memref<2x384x128xf32, #tpu.memory_space<vmem>>, vector<1x1x16xf32>,
        %parallel_loop3A_544 = vector.shape_cast %parallel_loop3A_543 : vector<1x1x16xf32> to vector<16xf32>
        %parallel_loop3A_545 = arith.addf %parallel_loop3A_536, %parallel_loop3A_544 : vector<16xf32>
        %parallel_loop3A_546 = arith.constant 6 : i32
        %parallel_loop3A_547 = arith.addi %parallel_loop3A_176, %parallel_loop3A_546 : i32
        %parallel_loop3A_548 = arith.constant 0 : i32
        %parallel_loop3A_549 = arith.index_cast %parallel_loop3A_548 : i32 to index
        %parallel_loop3A_550 = arith.index_cast %parallel_loop3A_547 : i32 to index
        %parallel_loop3A_551 = arith.constant 32 : index
        %parallel_loop3A_552 = tpu.vector_load %arg4[%parallel_loop3A_549, %parallel_loop3A_550, %parallel_loop3A_551] {strides = array<i32>} : memref<2x384x128xf32, #tpu.memory_space<vmem>>, vector<1x1x16xf32>,
        %parallel_loop3A_553 = vector.shape_cast %parallel_loop3A_552 : vector<1x1x16xf32> to vector<16xf32>
        %parallel_loop3A_554 = arith.addf %parallel_loop3A_545, %parallel_loop3A_553 : vector<16xf32>
        %parallel_loop3A_555 = arith.constant 7 : i32
        %parallel_loop3A_556 = arith.addi %parallel_loop3A_176, %parallel_loop3A_555 : i32
        %parallel_loop3A_557 = arith.constant 0 : i32
        %parallel_loop3A_558 = arith.index_cast %parallel_loop3A_557 : i32 to index
        %parallel_loop3A_559 = arith.index_cast %parallel_loop3A_556 : i32 to index
        %parallel_loop3A_560 = arith.constant 32 : index
        %parallel_loop3A_561 = tpu.vector_load %arg4[%parallel_loop3A_558, %parallel_loop3A_559, %parallel_loop3A_560] {strides = array<i32>} : memref<2x384x128xf32, #tpu.memory_space<vmem>>, vector<1x1x16xf32>,
        %parallel_loop3A_562 = vector.shape_cast %parallel_loop3A_561 : vector<1x1x16xf32> to vector<16xf32>
        %parallel_loop3A_563 = arith.addf %parallel_loop3A_554, %parallel_loop3A_562 : vector<16xf32>
        %parallel_loop3A_564 = arith.constant 8 : i32
        %parallel_loop3A_565 = arith.addi %parallel_loop3A_176, %parallel_loop3A_564 : i32
        %parallel_loop3A_566 = arith.constant 0 : i32
        %parallel_loop3A_567 = arith.index_cast %parallel_loop3A_566 : i32 to index
        %parallel_loop3A_568 = arith.index_cast %parallel_loop3A_565 : i32 to index
        %parallel_loop3A_569 = arith.constant 32 : index
        %parallel_loop3A_570 = tpu.vector_load %arg4[%parallel_loop3A_567, %parallel_loop3A_568, %parallel_loop3A_569] {strides = array<i32>} : memref<2x384x128xf32, #tpu.memory_space<vmem>>, vector<1x1x16xf32>,
        %parallel_loop3A_571 = vector.shape_cast %parallel_loop3A_570 : vector<1x1x16xf32> to vector<16xf32>
        %parallel_loop3A_572 = arith.addf %parallel_loop3A_563, %parallel_loop3A_571 : vector<16xf32>
        %parallel_loop3A_573 = arith.constant 9 : i32
        %parallel_loop3A_574 = arith.addi %parallel_loop3A_176, %parallel_loop3A_573 : i32
        %parallel_loop3A_575 = arith.constant 0 : i32
        %parallel_loop3A_576 = arith.index_cast %parallel_loop3A_575 : i32 to index
        %parallel_loop3A_577 = arith.index_cast %parallel_loop3A_574 : i32 to index
        %parallel_loop3A_578 = arith.constant 32 : index
        %parallel_loop3A_579 = tpu.vector_load %arg4[%parallel_loop3A_576, %parallel_loop3A_577, %parallel_loop3A_578] {strides = array<i32>} : memref<2x384x128xf32, #tpu.memory_space<vmem>>, vector<1x1x16xf32>,
        %parallel_loop3A_580 = vector.shape_cast %parallel_loop3A_579 : vector<1x1x16xf32> to vector<16xf32>
        %parallel_loop3A_581 = arith.addf %parallel_loop3A_572, %parallel_loop3A_580 : vector<16xf32>
        %parallel_loop3A_582 = arith.constant 10 : i32
        %parallel_loop3A_583 = arith.addi %parallel_loop3A_176, %parallel_loop3A_582 : i32
        %parallel_loop3A_584 = arith.constant 0 : i32
        %parallel_loop3A_585 = arith.index_cast %parallel_loop3A_584 : i32 to index
        %parallel_loop3A_586 = arith.index_cast %parallel_loop3A_583 : i32 to index
        %parallel_loop3A_587 = arith.constant 32 : index
        %parallel_loop3A_588 = tpu.vector_load %arg4[%parallel_loop3A_585, %parallel_loop3A_586, %parallel_loop3A_587] {strides = array<i32>} : memref<2x384x128xf32, #tpu.memory_space<vmem>>, vector<1x1x16xf32>,
        %parallel_loop3A_589 = vector.shape_cast %parallel_loop3A_588 : vector<1x1x16xf32> to vector<16xf32>
        %parallel_loop3A_590 = arith.addf %parallel_loop3A_581, %parallel_loop3A_589 : vector<16xf32>
        %parallel_loop3A_591 = arith.constant 11 : i32
        %parallel_loop3A_592 = arith.addi %parallel_loop3A_176, %parallel_loop3A_591 : i32
        %parallel_loop3A_593 = arith.constant 0 : i32
        %parallel_loop3A_594 = arith.index_cast %parallel_loop3A_593 : i32 to index
        %parallel_loop3A_595 = arith.index_cast %parallel_loop3A_592 : i32 to index
        %parallel_loop3A_596 = arith.constant 32 : index
        %parallel_loop3A_597 = tpu.vector_load %arg4[%parallel_loop3A_594, %parallel_loop3A_595, %parallel_loop3A_596] {strides = array<i32>} : memref<2x384x128xf32, #tpu.memory_space<vmem>>, vector<1x1x16xf32>,
        %parallel_loop3A_598 = vector.shape_cast %parallel_loop3A_597 : vector<1x1x16xf32> to vector<16xf32>
        %parallel_loop3A_599 = arith.addf %parallel_loop3A_590, %parallel_loop3A_598 : vector<16xf32>
        %parallel_loop3A_600 = arith.constant 12 : i32
        %parallel_loop3A_601 = arith.addi %parallel_loop3A_176, %parallel_loop3A_600 : i32
        %parallel_loop3A_602 = arith.constant 0 : i32
        %parallel_loop3A_603 = arith.index_cast %parallel_loop3A_602 : i32 to index
        %parallel_loop3A_604 = arith.index_cast %parallel_loop3A_601 : i32 to index
        %parallel_loop3A_605 = arith.constant 32 : index
        %parallel_loop3A_606 = tpu.vector_load %arg4[%parallel_loop3A_603, %parallel_loop3A_604, %parallel_loop3A_605] {strides = array<i32>} : memref<2x384x128xf32, #tpu.memory_space<vmem>>, vector<1x1x16xf32>,
        %parallel_loop3A_607 = vector.shape_cast %parallel_loop3A_606 : vector<1x1x16xf32> to vector<16xf32>
        %parallel_loop3A_608 = arith.addf %parallel_loop3A_599, %parallel_loop3A_607 : vector<16xf32>
        %parallel_loop3A_609 = arith.constant 13 : i32
        %parallel_loop3A_610 = arith.addi %parallel_loop3A_176, %parallel_loop3A_609 : i32
        %parallel_loop3A_611 = arith.constant 0 : i32
        %parallel_loop3A_612 = arith.index_cast %parallel_loop3A_611 : i32 to index
        %parallel_loop3A_613 = arith.index_cast %parallel_loop3A_610 : i32 to index
        %parallel_loop3A_614 = arith.constant 32 : index
        %parallel_loop3A_615 = tpu.vector_load %arg4[%parallel_loop3A_612, %parallel_loop3A_613, %parallel_loop3A_614] {strides = array<i32>} : memref<2x384x128xf32, #tpu.memory_space<vmem>>, vector<1x1x16xf32>,
        %parallel_loop3A_616 = vector.shape_cast %parallel_loop3A_615 : vector<1x1x16xf32> to vector<16xf32>
        %parallel_loop3A_617 = arith.addf %parallel_loop3A_608, %parallel_loop3A_616 : vector<16xf32>
        %parallel_loop3A_618 = arith.constant 14 : i32
        %parallel_loop3A_619 = arith.addi %parallel_loop3A_176, %parallel_loop3A_618 : i32
        %parallel_loop3A_620 = arith.constant 0 : i32
        %parallel_loop3A_621 = arith.index_cast %parallel_loop3A_620 : i32 to index
        %parallel_loop3A_622 = arith.index_cast %parallel_loop3A_619 : i32 to index
        %parallel_loop3A_623 = arith.constant 32 : index
        %parallel_loop3A_624 = tpu.vector_load %arg4[%parallel_loop3A_621, %parallel_loop3A_622, %parallel_loop3A_623] {strides = array<i32>} : memref<2x384x128xf32, #tpu.memory_space<vmem>>, vector<1x1x16xf32>,
        %parallel_loop3A_625 = vector.shape_cast %parallel_loop3A_624 : vector<1x1x16xf32> to vector<16xf32>
        %parallel_loop3A_626 = arith.addf %parallel_loop3A_617, %parallel_loop3A_625 : vector<16xf32>
        %parallel_loop3A_627 = arith.constant 0.0666666701 : f32
        %parallel_loop3A_628 = vector.broadcast %parallel_loop3A_627 : f32 to vector<16xf32>
        %parallel_loop3A_629 = arith.mulf %parallel_loop3A_626, %parallel_loop3A_628 : vector<16xf32>
        %parallel_loop3A_630 = arith.constant 0 : i32
        %parallel_loop3A_631 = arith.index_cast %parallel_loop3A_630 : i32 to index
        %parallel_loop3A_632 = arith.index_cast %parallel_loop3A_174 : i32 to index
        %parallel_loop3A_633 = arith.constant 32 : index
        %parallel_loop3A_634 = tpu.vector_load %arg5[%parallel_loop3A_631, %parallel_loop3A_632, %parallel_loop3A_633] {strides = array<i32>} : memref<2x24x256xf32, #tpu.memory_space<vmem>>, vector<1x1x16xf32>,
        %parallel_loop3A_635 = vector.shape_cast %parallel_loop3A_634 : vector<1x1x16xf32> to vector<16xf32>
        %parallel_loop3A_636 = vector.shape_cast %parallel_loop3A_629 : vector<16xf32> to vector<1x1x16xf32>
        tpu.vector_store %arg5[%parallel_loop3A_631, %parallel_loop3A_632, %parallel_loop3A_633], %parallel_loop3A_636 {strides = array<i32>} : memref<2x24x256xf32, #tpu.memory_space<vmem>>, vector<1x1x16xf32>,
        %parallel_loop3A_637 = arith.constant 16 : i32
        %parallel_loop3A_638 = arith.addi %parallel_loop3A_176, %parallel_loop3A_637 : i32
        %parallel_loop3A_639 = arith.constant 1 : i32
        %parallel_loop3A_640 = arith.subi %parallel_loop3A_638, %parallel_loop3A_639 : i32
        %parallel_loop3A_641 = arith.constant 0 : i32
        %parallel_loop3A_642 = arith.index_cast %parallel_loop3A_641 : i32 to index
        %parallel_loop3A_643 = arith.index_cast %parallel_loop3A_640 : i32 to index
        %parallel_loop3A_644 = arith.constant 32 : index
        %parallel_loop3A_645 = tpu.vector_load %arg4[%parallel_loop3A_642, %parallel_loop3A_643, %parallel_loop3A_644] {strides = array<i32>} : memref<2x384x128xf32, #tpu.memory_space<vmem>>, vector<1x1x16xf32>,
        %parallel_loop3A_646 = vector.shape_cast %parallel_loop3A_645 : vector<1x1x16xf32> to vector<16xf32>
        %parallel_loop3A_647 = arith.constant 0 : i32
        %parallel_loop3A_648 = arith.index_cast %parallel_loop3A_647 : i32 to index
        %parallel_loop3A_649 = arith.index_cast %parallel_loop3A_174 : i32 to index
        %parallel_loop3A_650 = arith.constant 160 : index
        %parallel_loop3A_651 = tpu.vector_load %arg5[%parallel_loop3A_648, %parallel_loop3A_649, %parallel_loop3A_650] {strides = array<i32>} : memref<2x24x256xf32, #tpu.memory_space<vmem>>, vector<1x1x16xf32>,
        %parallel_loop3A_652 = vector.shape_cast %parallel_loop3A_651 : vector<1x1x16xf32> to vector<16xf32>
        %parallel_loop3A_653 = vector.shape_cast %parallel_loop3A_646 : vector<16xf32> to vector<1x1x16xf32>
        tpu.vector_store %arg5[%parallel_loop3A_648, %parallel_loop3A_649, %parallel_loop3A_650], %parallel_loop3A_653 {strides = array<i32>} : memref<2x24x256xf32, #tpu.memory_space<vmem>>, vector<1x1x16xf32>,
        %parallel_loop3A_654 = arith.constant 0 : i32
        %parallel_loop3A_655 = arith.index_cast %parallel_loop3A_654 : i32 to index
        %parallel_loop3A_656 = arith.index_cast %parallel_loop3A_176 : i32 to index
        %parallel_loop3A_657 = arith.constant 48 : index
        %parallel_loop3A_658 = tpu.vector_load %arg4[%parallel_loop3A_655, %parallel_loop3A_656, %parallel_loop3A_657] {strides = array<i32>} : memref<2x384x128xf32, #tpu.memory_space<vmem>>, vector<1x1x16xf32>,
        %parallel_loop3A_659 = vector.shape_cast %parallel_loop3A_658 : vector<1x1x16xf32> to vector<16xf32>
        %parallel_loop3A_660 = arith.constant 1 : i32
        %parallel_loop3A_661 = arith.addi %parallel_loop3A_176, %parallel_loop3A_660 : i32
        %parallel_loop3A_662 = arith.constant 0 : i32
        %parallel_loop3A_663 = arith.index_cast %parallel_loop3A_662 : i32 to index
        %parallel_loop3A_664 = arith.index_cast %parallel_loop3A_661 : i32 to index
        %parallel_loop3A_665 = arith.constant 48 : index
        %parallel_loop3A_666 = tpu.vector_load %arg4[%parallel_loop3A_663, %parallel_loop3A_664, %parallel_loop3A_665] {strides = array<i32>} : memref<2x384x128xf32, #tpu.memory_space<vmem>>, vector<1x1x16xf32>,
        %parallel_loop3A_667 = vector.shape_cast %parallel_loop3A_666 : vector<1x1x16xf32> to vector<16xf32>
        %parallel_loop3A_668 = arith.addf %parallel_loop3A_659, %parallel_loop3A_667 : vector<16xf32>
        %parallel_loop3A_669 = arith.constant 2 : i32
        %parallel_loop3A_670 = arith.addi %parallel_loop3A_176, %parallel_loop3A_669 : i32
        %parallel_loop3A_671 = arith.constant 0 : i32
        %parallel_loop3A_672 = arith.index_cast %parallel_loop3A_671 : i32 to index
        %parallel_loop3A_673 = arith.index_cast %parallel_loop3A_670 : i32 to index
        %parallel_loop3A_674 = arith.constant 48 : index
        %parallel_loop3A_675 = tpu.vector_load %arg4[%parallel_loop3A_672, %parallel_loop3A_673, %parallel_loop3A_674] {strides = array<i32>} : memref<2x384x128xf32, #tpu.memory_space<vmem>>, vector<1x1x16xf32>,
        %parallel_loop3A_676 = vector.shape_cast %parallel_loop3A_675 : vector<1x1x16xf32> to vector<16xf32>
        %parallel_loop3A_677 = arith.addf %parallel_loop3A_668, %parallel_loop3A_676 : vector<16xf32>
        %parallel_loop3A_678 = arith.constant 3 : i32
        %parallel_loop3A_679 = arith.addi %parallel_loop3A_176, %parallel_loop3A_678 : i32
        %parallel_loop3A_680 = arith.constant 0 : i32
        %parallel_loop3A_681 = arith.index_cast %parallel_loop3A_680 : i32 to index
        %parallel_loop3A_682 = arith.index_cast %parallel_loop3A_679 : i32 to index
        %parallel_loop3A_683 = arith.constant 48 : index
        %parallel_loop3A_684 = tpu.vector_load %arg4[%parallel_loop3A_681, %parallel_loop3A_682, %parallel_loop3A_683] {strides = array<i32>} : memref<2x384x128xf32, #tpu.memory_space<vmem>>, vector<1x1x16xf32>,
        %parallel_loop3A_685 = vector.shape_cast %parallel_loop3A_684 : vector<1x1x16xf32> to vector<16xf32>
        %parallel_loop3A_686 = arith.addf %parallel_loop3A_677, %parallel_loop3A_685 : vector<16xf32>
        %parallel_loop3A_687 = arith.constant 4 : i32
        %parallel_loop3A_688 = arith.addi %parallel_loop3A_176, %parallel_loop3A_687 : i32
        %parallel_loop3A_689 = arith.constant 0 : i32
        %parallel_loop3A_690 = arith.index_cast %parallel_loop3A_689 : i32 to index
        %parallel_loop3A_691 = arith.index_cast %parallel_loop3A_688 : i32 to index
        %parallel_loop3A_692 = arith.constant 48 : index
        %parallel_loop3A_693 = tpu.vector_load %arg4[%parallel_loop3A_690, %parallel_loop3A_691, %parallel_loop3A_692] {strides = array<i32>} : memref<2x384x128xf32, #tpu.memory_space<vmem>>, vector<1x1x16xf32>,
        %parallel_loop3A_694 = vector.shape_cast %parallel_loop3A_693 : vector<1x1x16xf32> to vector<16xf32>
        %parallel_loop3A_695 = arith.addf %parallel_loop3A_686, %parallel_loop3A_694 : vector<16xf32>
        %parallel_loop3A_696 = arith.constant 5 : i32
        %parallel_loop3A_697 = arith.addi %parallel_loop3A_176, %parallel_loop3A_696 : i32
        %parallel_loop3A_698 = arith.constant 0 : i32
        %parallel_loop3A_699 = arith.index_cast %parallel_loop3A_698 : i32 to index
        %parallel_loop3A_700 = arith.index_cast %parallel_loop3A_697 : i32 to index
        %parallel_loop3A_701 = arith.constant 48 : index
        %parallel_loop3A_702 = tpu.vector_load %arg4[%parallel_loop3A_699, %parallel_loop3A_700, %parallel_loop3A_701] {strides = array<i32>} : memref<2x384x128xf32, #tpu.memory_space<vmem>>, vector<1x1x16xf32>,
        %parallel_loop3A_703 = vector.shape_cast %parallel_loop3A_702 : vector<1x1x16xf32> to vector<16xf32>
        %parallel_loop3A_704 = arith.addf %parallel_loop3A_695, %parallel_loop3A_703 : vector<16xf32>
        %parallel_loop3A_705 = arith.constant 6 : i32
        %parallel_loop3A_706 = arith.addi %parallel_loop3A_176, %parallel_loop3A_705 : i32
        %parallel_loop3A_707 = arith.constant 0 : i32
        %parallel_loop3A_708 = arith.index_cast %parallel_loop3A_707 : i32 to index
        %parallel_loop3A_709 = arith.index_cast %parallel_loop3A_706 : i32 to index
        %parallel_loop3A_710 = arith.constant 48 : index
        %parallel_loop3A_711 = tpu.vector_load %arg4[%parallel_loop3A_708, %parallel_loop3A_709, %parallel_loop3A_710] {strides = array<i32>} : memref<2x384x128xf32, #tpu.memory_space<vmem>>, vector<1x1x16xf32>,
        %parallel_loop3A_712 = vector.shape_cast %parallel_loop3A_711 : vector<1x1x16xf32> to vector<16xf32>
        %parallel_loop3A_713 = arith.addf %parallel_loop3A_704, %parallel_loop3A_712 : vector<16xf32>
        %parallel_loop3A_714 = arith.constant 7 : i32
        %parallel_loop3A_715 = arith.addi %parallel_loop3A_176, %parallel_loop3A_714 : i32
        %parallel_loop3A_716 = arith.constant 0 : i32
        %parallel_loop3A_717 = arith.index_cast %parallel_loop3A_716 : i32 to index
        %parallel_loop3A_718 = arith.index_cast %parallel_loop3A_715 : i32 to index
        %parallel_loop3A_719 = arith.constant 48 : index
        %parallel_loop3A_720 = tpu.vector_load %arg4[%parallel_loop3A_717, %parallel_loop3A_718, %parallel_loop3A_719] {strides = array<i32>} : memref<2x384x128xf32, #tpu.memory_space<vmem>>, vector<1x1x16xf32>,
        %parallel_loop3A_721 = vector.shape_cast %parallel_loop3A_720 : vector<1x1x16xf32> to vector<16xf32>
        %parallel_loop3A_722 = arith.addf %parallel_loop3A_713, %parallel_loop3A_721 : vector<16xf32>
        %parallel_loop3A_723 = arith.constant 8 : i32
        %parallel_loop3A_724 = arith.addi %parallel_loop3A_176, %parallel_loop3A_723 : i32
        %parallel_loop3A_725 = arith.constant 0 : i32
        %parallel_loop3A_726 = arith.index_cast %parallel_loop3A_725 : i32 to index
        %parallel_loop3A_727 = arith.index_cast %parallel_loop3A_724 : i32 to index
        %parallel_loop3A_728 = arith.constant 48 : index
        %parallel_loop3A_729 = tpu.vector_load %arg4[%parallel_loop3A_726, %parallel_loop3A_727, %parallel_loop3A_728] {strides = array<i32>} : memref<2x384x128xf32, #tpu.memory_space<vmem>>, vector<1x1x16xf32>,
        %parallel_loop3A_730 = vector.shape_cast %parallel_loop3A_729 : vector<1x1x16xf32> to vector<16xf32>
        %parallel_loop3A_731 = arith.addf %parallel_loop3A_722, %parallel_loop3A_730 : vector<16xf32>
        %parallel_loop3A_732 = arith.constant 9 : i32
        %parallel_loop3A_733 = arith.addi %parallel_loop3A_176, %parallel_loop3A_732 : i32
        %parallel_loop3A_734 = arith.constant 0 : i32
        %parallel_loop3A_735 = arith.index_cast %parallel_loop3A_734 : i32 to index
        %parallel_loop3A_736 = arith.index_cast %parallel_loop3A_733 : i32 to index
        %parallel_loop3A_737 = arith.constant 48 : index
        %parallel_loop3A_738 = tpu.vector_load %arg4[%parallel_loop3A_735, %parallel_loop3A_736, %parallel_loop3A_737] {strides = array<i32>} : memref<2x384x128xf32, #tpu.memory_space<vmem>>, vector<1x1x16xf32>,
        %parallel_loop3A_739 = vector.shape_cast %parallel_loop3A_738 : vector<1x1x16xf32> to vector<16xf32>
        %parallel_loop3A_740 = arith.addf %parallel_loop3A_731, %parallel_loop3A_739 : vector<16xf32>
        %parallel_loop3A_741 = arith.constant 10 : i32
        %parallel_loop3A_742 = arith.addi %parallel_loop3A_176, %parallel_loop3A_741 : i32
        %parallel_loop3A_743 = arith.constant 0 : i32
        %parallel_loop3A_744 = arith.index_cast %parallel_loop3A_743 : i32 to index
        %parallel_loop3A_745 = arith.index_cast %parallel_loop3A_742 : i32 to index
        %parallel_loop3A_746 = arith.constant 48 : index
        %parallel_loop3A_747 = tpu.vector_load %arg4[%parallel_loop3A_744, %parallel_loop3A_745, %parallel_loop3A_746] {strides = array<i32>} : memref<2x384x128xf32, #tpu.memory_space<vmem>>, vector<1x1x16xf32>,
        %parallel_loop3A_748 = vector.shape_cast %parallel_loop3A_747 : vector<1x1x16xf32> to vector<16xf32>
        %parallel_loop3A_749 = arith.addf %parallel_loop3A_740, %parallel_loop3A_748 : vector<16xf32>
        %parallel_loop3A_750 = arith.constant 11 : i32
        %parallel_loop3A_751 = arith.addi %parallel_loop3A_176, %parallel_loop3A_750 : i32
        %parallel_loop3A_752 = arith.constant 0 : i32
        %parallel_loop3A_753 = arith.index_cast %parallel_loop3A_752 : i32 to index
        %parallel_loop3A_754 = arith.index_cast %parallel_loop3A_751 : i32 to index
        %parallel_loop3A_755 = arith.constant 48 : index
        %parallel_loop3A_756 = tpu.vector_load %arg4[%parallel_loop3A_753, %parallel_loop3A_754, %parallel_loop3A_755] {strides = array<i32>} : memref<2x384x128xf32, #tpu.memory_space<vmem>>, vector<1x1x16xf32>,
        %parallel_loop3A_757 = vector.shape_cast %parallel_loop3A_756 : vector<1x1x16xf32> to vector<16xf32>
        %parallel_loop3A_758 = arith.addf %parallel_loop3A_749, %parallel_loop3A_757 : vector<16xf32>
        %parallel_loop3A_759 = arith.constant 12 : i32
        %parallel_loop3A_760 = arith.addi %parallel_loop3A_176, %parallel_loop3A_759 : i32
        %parallel_loop3A_761 = arith.constant 0 : i32
        %parallel_loop3A_762 = arith.index_cast %parallel_loop3A_761 : i32 to index
        %parallel_loop3A_763 = arith.index_cast %parallel_loop3A_760 : i32 to index
        %parallel_loop3A_764 = arith.constant 48 : index
        %parallel_loop3A_765 = tpu.vector_load %arg4[%parallel_loop3A_762, %parallel_loop3A_763, %parallel_loop3A_764] {strides = array<i32>} : memref<2x384x128xf32, #tpu.memory_space<vmem>>, vector<1x1x16xf32>,
        %parallel_loop3A_766 = vector.shape_cast %parallel_loop3A_765 : vector<1x1x16xf32> to vector<16xf32>
        %parallel_loop3A_767 = arith.addf %parallel_loop3A_758, %parallel_loop3A_766 : vector<16xf32>
        %parallel_loop3A_768 = arith.constant 13 : i32
        %parallel_loop3A_769 = arith.addi %parallel_loop3A_176, %parallel_loop3A_768 : i32
        %parallel_loop3A_770 = arith.constant 0 : i32
        %parallel_loop3A_771 = arith.index_cast %parallel_loop3A_770 : i32 to index
        %parallel_loop3A_772 = arith.index_cast %parallel_loop3A_769 : i32 to index
        %parallel_loop3A_773 = arith.constant 48 : index
        %parallel_loop3A_774 = tpu.vector_load %arg4[%parallel_loop3A_771, %parallel_loop3A_772, %parallel_loop3A_773] {strides = array<i32>} : memref<2x384x128xf32, #tpu.memory_space<vmem>>, vector<1x1x16xf32>,
        %parallel_loop3A_775 = vector.shape_cast %parallel_loop3A_774 : vector<1x1x16xf32> to vector<16xf32>
        %parallel_loop3A_776 = arith.addf %parallel_loop3A_767, %parallel_loop3A_775 : vector<16xf32>
        %parallel_loop3A_777 = arith.constant 14 : i32
        %parallel_loop3A_778 = arith.addi %parallel_loop3A_176, %parallel_loop3A_777 : i32
        %parallel_loop3A_779 = arith.constant 0 : i32
        %parallel_loop3A_780 = arith.index_cast %parallel_loop3A_779 : i32 to index
        %parallel_loop3A_781 = arith.index_cast %parallel_loop3A_778 : i32 to index
        %parallel_loop3A_782 = arith.constant 48 : index
        %parallel_loop3A_783 = tpu.vector_load %arg4[%parallel_loop3A_780, %parallel_loop3A_781, %parallel_loop3A_782] {strides = array<i32>} : memref<2x384x128xf32, #tpu.memory_space<vmem>>, vector<1x1x16xf32>,
        %parallel_loop3A_784 = vector.shape_cast %parallel_loop3A_783 : vector<1x1x16xf32> to vector<16xf32>
        %parallel_loop3A_785 = arith.addf %parallel_loop3A_776, %parallel_loop3A_784 : vector<16xf32>
        %parallel_loop3A_786 = arith.constant 0.0666666701 : f32
        %parallel_loop3A_787 = vector.broadcast %parallel_loop3A_786 : f32 to vector<16xf32>
        %parallel_loop3A_788 = arith.mulf %parallel_loop3A_785, %parallel_loop3A_787 : vector<16xf32>
        %parallel_loop3A_789 = arith.constant 0 : i32
        %parallel_loop3A_790 = arith.index_cast %parallel_loop3A_789 : i32 to index
        %parallel_loop3A_791 = arith.index_cast %parallel_loop3A_174 : i32 to index
        %parallel_loop3A_792 = arith.constant 48 : index
        %parallel_loop3A_793 = tpu.vector_load %arg5[%parallel_loop3A_790, %parallel_loop3A_791, %parallel_loop3A_792] {strides = array<i32>} : memref<2x24x256xf32, #tpu.memory_space<vmem>>, vector<1x1x16xf32>,
        %parallel_loop3A_794 = vector.shape_cast %parallel_loop3A_793 : vector<1x1x16xf32> to vector<16xf32>
        %parallel_loop3A_795 = vector.shape_cast %parallel_loop3A_788 : vector<16xf32> to vector<1x1x16xf32>
        tpu.vector_store %arg5[%parallel_loop3A_790, %parallel_loop3A_791, %parallel_loop3A_792], %parallel_loop3A_795 {strides = array<i32>} : memref<2x24x256xf32, #tpu.memory_space<vmem>>, vector<1x1x16xf32>,
        %parallel_loop3A_796 = arith.constant 16 : i32
        %parallel_loop3A_797 = arith.addi %parallel_loop3A_176, %parallel_loop3A_796 : i32
        %parallel_loop3A_798 = arith.constant 1 : i32
        %parallel_loop3A_799 = arith.subi %parallel_loop3A_797, %parallel_loop3A_798 : i32
        %parallel_loop3A_800 = arith.constant 0 : i32
        %parallel_loop3A_801 = arith.index_cast %parallel_loop3A_800 : i32 to index
        %parallel_loop3A_802 = arith.index_cast %parallel_loop3A_799 : i32 to index
        %parallel_loop3A_803 = arith.constant 48 : index
        %parallel_loop3A_804 = tpu.vector_load %arg4[%parallel_loop3A_801, %parallel_loop3A_802, %parallel_loop3A_803] {strides = array<i32>} : memref<2x384x128xf32, #tpu.memory_space<vmem>>, vector<1x1x16xf32>,
        %parallel_loop3A_805 = vector.shape_cast %parallel_loop3A_804 : vector<1x1x16xf32> to vector<16xf32>
        %parallel_loop3A_806 = arith.constant 0 : i32
        %parallel_loop3A_807 = arith.index_cast %parallel_loop3A_806 : i32 to index
        %parallel_loop3A_808 = arith.index_cast %parallel_loop3A_174 : i32 to index
        %parallel_loop3A_809 = arith.constant 176 : index
        %parallel_loop3A_810 = tpu.vector_load %arg5[%parallel_loop3A_807, %parallel_loop3A_808, %parallel_loop3A_809] {strides = array<i32>} : memref<2x24x256xf32, #tpu.memory_space<vmem>>, vector<1x1x16xf32>,
        %parallel_loop3A_811 = vector.shape_cast %parallel_loop3A_810 : vector<1x1x16xf32> to vector<16xf32>
        %parallel_loop3A_812 = vector.shape_cast %parallel_loop3A_805 : vector<16xf32> to vector<1x1x16xf32>
        tpu.vector_store %arg5[%parallel_loop3A_807, %parallel_loop3A_808, %parallel_loop3A_809], %parallel_loop3A_812 {strides = array<i32>} : memref<2x24x256xf32, #tpu.memory_space<vmem>>, vector<1x1x16xf32>,
        %parallel_loop3A_813 = arith.constant 0 : i32
        %parallel_loop3A_814 = arith.index_cast %parallel_loop3A_813 : i32 to index
        %parallel_loop3A_815 = arith.index_cast %parallel_loop3A_176 : i32 to index
        %parallel_loop3A_816 = arith.constant 64 : index
        %parallel_loop3A_817 = tpu.vector_load %arg4[%parallel_loop3A_814, %parallel_loop3A_815, %parallel_loop3A_816] {strides = array<i32>} : memref<2x384x128xf32, #tpu.memory_space<vmem>>, vector<1x1x16xf32>,
        %parallel_loop3A_818 = vector.shape_cast %parallel_loop3A_817 : vector<1x1x16xf32> to vector<16xf32>
        %parallel_loop3A_819 = arith.constant 1 : i32
        %parallel_loop3A_820 = arith.addi %parallel_loop3A_176, %parallel_loop3A_819 : i32
        %parallel_loop3A_821 = arith.constant 0 : i32
        %parallel_loop3A_822 = arith.index_cast %parallel_loop3A_821 : i32 to index
        %parallel_loop3A_823 = arith.index_cast %parallel_loop3A_820 : i32 to index
        %parallel_loop3A_824 = arith.constant 64 : index
        %parallel_loop3A_825 = tpu.vector_load %arg4[%parallel_loop3A_822, %parallel_loop3A_823, %parallel_loop3A_824] {strides = array<i32>} : memref<2x384x128xf32, #tpu.memory_space<vmem>>, vector<1x1x16xf32>,
        %parallel_loop3A_826 = vector.shape_cast %parallel_loop3A_825 : vector<1x1x16xf32> to vector<16xf32>
        %parallel_loop3A_827 = arith.addf %parallel_loop3A_818, %parallel_loop3A_826 : vector<16xf32>
        %parallel_loop3A_828 = arith.constant 2 : i32
        %parallel_loop3A_829 = arith.addi %parallel_loop3A_176, %parallel_loop3A_828 : i32
        %parallel_loop3A_830 = arith.constant 0 : i32
        %parallel_loop3A_831 = arith.index_cast %parallel_loop3A_830 : i32 to index
        %parallel_loop3A_832 = arith.index_cast %parallel_loop3A_829 : i32 to index
        %parallel_loop3A_833 = arith.constant 64 : index
        %parallel_loop3A_834 = tpu.vector_load %arg4[%parallel_loop3A_831, %parallel_loop3A_832, %parallel_loop3A_833] {strides = array<i32>} : memref<2x384x128xf32, #tpu.memory_space<vmem>>, vector<1x1x16xf32>,
        %parallel_loop3A_835 = vector.shape_cast %parallel_loop3A_834 : vector<1x1x16xf32> to vector<16xf32>
        %parallel_loop3A_836 = arith.addf %parallel_loop3A_827, %parallel_loop3A_835 : vector<16xf32>
        %parallel_loop3A_837 = arith.constant 3 : i32
        %parallel_loop3A_838 = arith.addi %parallel_loop3A_176, %parallel_loop3A_837 : i32
        %parallel_loop3A_839 = arith.constant 0 : i32
        %parallel_loop3A_840 = arith.index_cast %parallel_loop3A_839 : i32 to index
        %parallel_loop3A_841 = arith.index_cast %parallel_loop3A_838 : i32 to index
        %parallel_loop3A_842 = arith.constant 64 : index
        %parallel_loop3A_843 = tpu.vector_load %arg4[%parallel_loop3A_840, %parallel_loop3A_841, %parallel_loop3A_842] {strides = array<i32>} : memref<2x384x128xf32, #tpu.memory_space<vmem>>, vector<1x1x16xf32>,
        %parallel_loop3A_844 = vector.shape_cast %parallel_loop3A_843 : vector<1x1x16xf32> to vector<16xf32>
        %parallel_loop3A_845 = arith.addf %parallel_loop3A_836, %parallel_loop3A_844 : vector<16xf32>
        %parallel_loop3A_846 = arith.constant 4 : i32
        %parallel_loop3A_847 = arith.addi %parallel_loop3A_176, %parallel_loop3A_846 : i32
        %parallel_loop3A_848 = arith.constant 0 : i32
        %parallel_loop3A_849 = arith.index_cast %parallel_loop3A_848 : i32 to index
        %parallel_loop3A_850 = arith.index_cast %parallel_loop3A_847 : i32 to index
        %parallel_loop3A_851 = arith.constant 64 : index
        %parallel_loop3A_852 = tpu.vector_load %arg4[%parallel_loop3A_849, %parallel_loop3A_850, %parallel_loop3A_851] {strides = array<i32>} : memref<2x384x128xf32, #tpu.memory_space<vmem>>, vector<1x1x16xf32>,
        %parallel_loop3A_853 = vector.shape_cast %parallel_loop3A_852 : vector<1x1x16xf32> to vector<16xf32>
        %parallel_loop3A_854 = arith.addf %parallel_loop3A_845, %parallel_loop3A_853 : vector<16xf32>
        %parallel_loop3A_855 = arith.constant 5 : i32
        %parallel_loop3A_856 = arith.addi %parallel_loop3A_176, %parallel_loop3A_855 : i32
        %parallel_loop3A_857 = arith.constant 0 : i32
        %parallel_loop3A_858 = arith.index_cast %parallel_loop3A_857 : i32 to index
        %parallel_loop3A_859 = arith.index_cast %parallel_loop3A_856 : i32 to index
        %parallel_loop3A_860 = arith.constant 64 : index
        %parallel_loop3A_861 = tpu.vector_load %arg4[%parallel_loop3A_858, %parallel_loop3A_859, %parallel_loop3A_860] {strides = array<i32>} : memref<2x384x128xf32, #tpu.memory_space<vmem>>, vector<1x1x16xf32>,
        %parallel_loop3A_862 = vector.shape_cast %parallel_loop3A_861 : vector<1x1x16xf32> to vector<16xf32>
        %parallel_loop3A_863 = arith.addf %parallel_loop3A_854, %parallel_loop3A_862 : vector<16xf32>
        %parallel_loop3A_864 = arith.constant 6 : i32
        %parallel_loop3A_865 = arith.addi %parallel_loop3A_176, %parallel_loop3A_864 : i32
        %parallel_loop3A_866 = arith.constant 0 : i32
        %parallel_loop3A_867 = arith.index_cast %parallel_loop3A_866 : i32 to index
        %parallel_loop3A_868 = arith.index_cast %parallel_loop3A_865 : i32 to index
        %parallel_loop3A_869 = arith.constant 64 : index
        %parallel_loop3A_870 = tpu.vector_load %arg4[%parallel_loop3A_867, %parallel_loop3A_868, %parallel_loop3A_869] {strides = array<i32>} : memref<2x384x128xf32, #tpu.memory_space<vmem>>, vector<1x1x16xf32>,
        %parallel_loop3A_871 = vector.shape_cast %parallel_loop3A_870 : vector<1x1x16xf32> to vector<16xf32>
        %parallel_loop3A_872 = arith.addf %parallel_loop3A_863, %parallel_loop3A_871 : vector<16xf32>
        %parallel_loop3A_873 = arith.constant 7 : i32
        %parallel_loop3A_874 = arith.addi %parallel_loop3A_176, %parallel_loop3A_873 : i32
        %parallel_loop3A_875 = arith.constant 0 : i32
        %parallel_loop3A_876 = arith.index_cast %parallel_loop3A_875 : i32 to index
        %parallel_loop3A_877 = arith.index_cast %parallel_loop3A_874 : i32 to index
        %parallel_loop3A_878 = arith.constant 64 : index
        %parallel_loop3A_879 = tpu.vector_load %arg4[%parallel_loop3A_876, %parallel_loop3A_877, %parallel_loop3A_878] {strides = array<i32>} : memref<2x384x128xf32, #tpu.memory_space<vmem>>, vector<1x1x16xf32>,
        %parallel_loop3A_880 = vector.shape_cast %parallel_loop3A_879 : vector<1x1x16xf32> to vector<16xf32>
        %parallel_loop3A_881 = arith.addf %parallel_loop3A_872, %parallel_loop3A_880 : vector<16xf32>
        %parallel_loop3A_882 = arith.constant 8 : i32
        %parallel_loop3A_883 = arith.addi %parallel_loop3A_176, %parallel_loop3A_882 : i32
        %parallel_loop3A_884 = arith.constant 0 : i32
        %parallel_loop3A_885 = arith.index_cast %parallel_loop3A_884 : i32 to index
        %parallel_loop3A_886 = arith.index_cast %parallel_loop3A_883 : i32 to index
        %parallel_loop3A_887 = arith.constant 64 : index
        %parallel_loop3A_888 = tpu.vector_load %arg4[%parallel_loop3A_885, %parallel_loop3A_886, %parallel_loop3A_887] {strides = array<i32>} : memref<2x384x128xf32, #tpu.memory_space<vmem>>, vector<1x1x16xf32>,
        %parallel_loop3A_889 = vector.shape_cast %parallel_loop3A_888 : vector<1x1x16xf32> to vector<16xf32>
        %parallel_loop3A_890 = arith.addf %parallel_loop3A_881, %parallel_loop3A_889 : vector<16xf32>
        %parallel_loop3A_891 = arith.constant 9 : i32
        %parallel_loop3A_892 = arith.addi %parallel_loop3A_176, %parallel_loop3A_891 : i32
        %parallel_loop3A_893 = arith.constant 0 : i32
        %parallel_loop3A_894 = arith.index_cast %parallel_loop3A_893 : i32 to index
        %parallel_loop3A_895 = arith.index_cast %parallel_loop3A_892 : i32 to index
        %parallel_loop3A_896 = arith.constant 64 : index
        %parallel_loop3A_897 = tpu.vector_load %arg4[%parallel_loop3A_894, %parallel_loop3A_895, %parallel_loop3A_896] {strides = array<i32>} : memref<2x384x128xf32, #tpu.memory_space<vmem>>, vector<1x1x16xf32>,
        %parallel_loop3A_898 = vector.shape_cast %parallel_loop3A_897 : vector<1x1x16xf32> to vector<16xf32>
        %parallel_loop3A_899 = arith.addf %parallel_loop3A_890, %parallel_loop3A_898 : vector<16xf32>
        %parallel_loop3A_900 = arith.constant 10 : i32
        %parallel_loop3A_901 = arith.addi %parallel_loop3A_176, %parallel_loop3A_900 : i32
        %parallel_loop3A_902 = arith.constant 0 : i32
        %parallel_loop3A_903 = arith.index_cast %parallel_loop3A_902 : i32 to index
        %parallel_loop3A_904 = arith.index_cast %parallel_loop3A_901 : i32 to index
        %parallel_loop3A_905 = arith.constant 64 : index
        %parallel_loop3A_906 = tpu.vector_load %arg4[%parallel_loop3A_903, %parallel_loop3A_904, %parallel_loop3A_905] {strides = array<i32>} : memref<2x384x128xf32, #tpu.memory_space<vmem>>, vector<1x1x16xf32>,
        %parallel_loop3A_907 = vector.shape_cast %parallel_loop3A_906 : vector<1x1x16xf32> to vector<16xf32>
        %parallel_loop3A_908 = arith.addf %parallel_loop3A_899, %parallel_loop3A_907 : vector<16xf32>
        %parallel_loop3A_909 = arith.constant 11 : i32
        %parallel_loop3A_910 = arith.addi %parallel_loop3A_176, %parallel_loop3A_909 : i32
        %parallel_loop3A_911 = arith.constant 0 : i32
        %parallel_loop3A_912 = arith.index_cast %parallel_loop3A_911 : i32 to index
        %parallel_loop3A_913 = arith.index_cast %parallel_loop3A_910 : i32 to index
        %parallel_loop3A_914 = arith.constant 64 : index
        %parallel_loop3A_915 = tpu.vector_load %arg4[%parallel_loop3A_912, %parallel_loop3A_913, %parallel_loop3A_914] {strides = array<i32>} : memref<2x384x128xf32, #tpu.memory_space<vmem>>, vector<1x1x16xf32>,
        %parallel_loop3A_916 = vector.shape_cast %parallel_loop3A_915 : vector<1x1x16xf32> to vector<16xf32>
        %parallel_loop3A_917 = arith.addf %parallel_loop3A_908, %parallel_loop3A_916 : vector<16xf32>
        %parallel_loop3A_918 = arith.constant 12 : i32
        %parallel_loop3A_919 = arith.addi %parallel_loop3A_176, %parallel_loop3A_918 : i32
        %parallel_loop3A_920 = arith.constant 0 : i32
        %parallel_loop3A_921 = arith.index_cast %parallel_loop3A_920 : i32 to index
        %parallel_loop3A_922 = arith.index_cast %parallel_loop3A_919 : i32 to index
        %parallel_loop3A_923 = arith.constant 64 : index
        %parallel_loop3A_924 = tpu.vector_load %arg4[%parallel_loop3A_921, %parallel_loop3A_922, %parallel_loop3A_923] {strides = array<i32>} : memref<2x384x128xf32, #tpu.memory_space<vmem>>, vector<1x1x16xf32>,
        %parallel_loop3A_925 = vector.shape_cast %parallel_loop3A_924 : vector<1x1x16xf32> to vector<16xf32>
        %parallel_loop3A_926 = arith.addf %parallel_loop3A_917, %parallel_loop3A_925 : vector<16xf32>
        %parallel_loop3A_927 = arith.constant 13 : i32
        %parallel_loop3A_928 = arith.addi %parallel_loop3A_176, %parallel_loop3A_927 : i32
        %parallel_loop3A_929 = arith.constant 0 : i32
        %parallel_loop3A_930 = arith.index_cast %parallel_loop3A_929 : i32 to index
        %parallel_loop3A_931 = arith.index_cast %parallel_loop3A_928 : i32 to index
        %parallel_loop3A_932 = arith.constant 64 : index
        %parallel_loop3A_933 = tpu.vector_load %arg4[%parallel_loop3A_930, %parallel_loop3A_931, %parallel_loop3A_932] {strides = array<i32>} : memref<2x384x128xf32, #tpu.memory_space<vmem>>, vector<1x1x16xf32>,
        %parallel_loop3A_934 = vector.shape_cast %parallel_loop3A_933 : vector<1x1x16xf32> to vector<16xf32>
        %parallel_loop3A_935 = arith.addf %parallel_loop3A_926, %parallel_loop3A_934 : vector<16xf32>
        %parallel_loop3A_936 = arith.constant 14 : i32
        %parallel_loop3A_937 = arith.addi %parallel_loop3A_176, %parallel_loop3A_936 : i32
        %parallel_loop3A_938 = arith.constant 0 : i32
        %parallel_loop3A_939 = arith.index_cast %parallel_loop3A_938 : i32 to index
        %parallel_loop3A_940 = arith.index_cast %parallel_loop3A_937 : i32 to index
        %parallel_loop3A_941 = arith.constant 64 : index
        %parallel_loop3A_942 = tpu.vector_load %arg4[%parallel_loop3A_939, %parallel_loop3A_940, %parallel_loop3A_941] {strides = array<i32>} : memref<2x384x128xf32, #tpu.memory_space<vmem>>, vector<1x1x16xf32>,
        %parallel_loop3A_943 = vector.shape_cast %parallel_loop3A_942 : vector<1x1x16xf32> to vector<16xf32>
        %parallel_loop3A_944 = arith.addf %parallel_loop3A_935, %parallel_loop3A_943 : vector<16xf32>
        %parallel_loop3A_945 = arith.constant 0.0666666701 : f32
        %parallel_loop3A_946 = vector.broadcast %parallel_loop3A_945 : f32 to vector<16xf32>
        %parallel_loop3A_947 = arith.mulf %parallel_loop3A_944, %parallel_loop3A_946 : vector<16xf32>
        %parallel_loop3A_948 = arith.constant 0 : i32
        %parallel_loop3A_949 = arith.index_cast %parallel_loop3A_948 : i32 to index
        %parallel_loop3A_950 = arith.index_cast %parallel_loop3A_174 : i32 to index
        %parallel_loop3A_951 = arith.constant 64 : index
        %parallel_loop3A_952 = tpu.vector_load %arg5[%parallel_loop3A_949, %parallel_loop3A_950, %parallel_loop3A_951] {strides = array<i32>} : memref<2x24x256xf32, #tpu.memory_space<vmem>>, vector<1x1x16xf32>,
        %parallel_loop3A_953 = vector.shape_cast %parallel_loop3A_952 : vector<1x1x16xf32> to vector<16xf32>
        %parallel_loop3A_954 = vector.shape_cast %parallel_loop3A_947 : vector<16xf32> to vector<1x1x16xf32>
        tpu.vector_store %arg5[%parallel_loop3A_949, %parallel_loop3A_950, %parallel_loop3A_951], %parallel_loop3A_954 {strides = array<i32>} : memref<2x24x256xf32, #tpu.memory_space<vmem>>, vector<1x1x16xf32>,
        %parallel_loop3A_955 = arith.constant 16 : i32
        %parallel_loop3A_956 = arith.addi %parallel_loop3A_176, %parallel_loop3A_955 : i32
        %parallel_loop3A_957 = arith.constant 1 : i32
        %parallel_loop3A_958 = arith.subi %parallel_loop3A_956, %parallel_loop3A_957 : i32
        %parallel_loop3A_959 = arith.constant 0 : i32
        %parallel_loop3A_960 = arith.index_cast %parallel_loop3A_959 : i32 to index
        %parallel_loop3A_961 = arith.index_cast %parallel_loop3A_958 : i32 to index
        %parallel_loop3A_962 = arith.constant 64 : index
        %parallel_loop3A_963 = tpu.vector_load %arg4[%parallel_loop3A_960, %parallel_loop3A_961, %parallel_loop3A_962] {strides = array<i32>} : memref<2x384x128xf32, #tpu.memory_space<vmem>>, vector<1x1x16xf32>,
        %parallel_loop3A_964 = vector.shape_cast %parallel_loop3A_963 : vector<1x1x16xf32> to vector<16xf32>
        %parallel_loop3A_965 = arith.constant 0 : i32
        %parallel_loop3A_966 = arith.index_cast %parallel_loop3A_965 : i32 to index
        %parallel_loop3A_967 = arith.index_cast %parallel_loop3A_174 : i32 to index
        %parallel_loop3A_968 = arith.constant 192 : index
        %parallel_loop3A_969 = tpu.vector_load %arg5[%parallel_loop3A_966, %parallel_loop3A_967, %parallel_loop3A_968] {strides = array<i32>} : memref<2x24x256xf32, #tpu.memory_space<vmem>>, vector<1x1x16xf32>,
        %parallel_loop3A_970 = vector.shape_cast %parallel_loop3A_969 : vector<1x1x16xf32> to vector<16xf32>
        %parallel_loop3A_971 = vector.shape_cast %parallel_loop3A_964 : vector<16xf32> to vector<1x1x16xf32>
        tpu.vector_store %arg5[%parallel_loop3A_966, %parallel_loop3A_967, %parallel_loop3A_968], %parallel_loop3A_971 {strides = array<i32>} : memref<2x24x256xf32, #tpu.memory_space<vmem>>, vector<1x1x16xf32>,
        %parallel_loop3A_972 = arith.constant 0 : i32
        %parallel_loop3A_973 = arith.index_cast %parallel_loop3A_972 : i32 to index
        %parallel_loop3A_974 = arith.index_cast %parallel_loop3A_176 : i32 to index
        %parallel_loop3A_975 = arith.constant 80 : index
        %parallel_loop3A_976 = tpu.vector_load %arg4[%parallel_loop3A_973, %parallel_loop3A_974, %parallel_loop3A_975] {strides = array<i32>} : memref<2x384x128xf32, #tpu.memory_space<vmem>>, vector<1x1x16xf32>,
        %parallel_loop3A_977 = vector.shape_cast %parallel_loop3A_976 : vector<1x1x16xf32> to vector<16xf32>
        %parallel_loop3A_978 = arith.constant 1 : i32
        %parallel_loop3A_979 = arith.addi %parallel_loop3A_176, %parallel_loop3A_978 : i32
        %parallel_loop3A_980 = arith.constant 0 : i32
        %parallel_loop3A_981 = arith.index_cast %parallel_loop3A_980 : i32 to index
        %parallel_loop3A_982 = arith.index_cast %parallel_loop3A_979 : i32 to index
        %parallel_loop3A_983 = arith.constant 80 : index
        %parallel_loop3A_984 = tpu.vector_load %arg4[%parallel_loop3A_981, %parallel_loop3A_982, %parallel_loop3A_983] {strides = array<i32>} : memref<2x384x128xf32, #tpu.memory_space<vmem>>, vector<1x1x16xf32>,
        %parallel_loop3A_985 = vector.shape_cast %parallel_loop3A_984 : vector<1x1x16xf32> to vector<16xf32>
        %parallel_loop3A_986 = arith.addf %parallel_loop3A_977, %parallel_loop3A_985 : vector<16xf32>
        %parallel_loop3A_987 = arith.constant 2 : i32
        %parallel_loop3A_988 = arith.addi %parallel_loop3A_176, %parallel_loop3A_987 : i32
        %parallel_loop3A_989 = arith.constant 0 : i32
        %parallel_loop3A_990 = arith.index_cast %parallel_loop3A_989 : i32 to index
        %parallel_loop3A_991 = arith.index_cast %parallel_loop3A_988 : i32 to index
        %parallel_loop3A_992 = arith.constant 80 : index
        %parallel_loop3A_993 = tpu.vector_load %arg4[%parallel_loop3A_990, %parallel_loop3A_991, %parallel_loop3A_992] {strides = array<i32>} : memref<2x384x128xf32, #tpu.memory_space<vmem>>, vector<1x1x16xf32>,
        %parallel_loop3A_994 = vector.shape_cast %parallel_loop3A_993 : vector<1x1x16xf32> to vector<16xf32>
        %parallel_loop3A_995 = arith.addf %parallel_loop3A_986, %parallel_loop3A_994 : vector<16xf32>
        %parallel_loop3A_996 = arith.constant 3 : i32
        %parallel_loop3A_997 = arith.addi %parallel_loop3A_176, %parallel_loop3A_996 : i32
        %parallel_loop3A_998 = arith.constant 0 : i32
        %parallel_loop3A_999 = arith.index_cast %parallel_loop3A_998 : i32 to index
        %parallel_loop3A_1000 = arith.index_cast %parallel_loop3A_997 : i32 to index
        %parallel_loop3A_1001 = arith.constant 80 : index
        %parallel_loop3A_1002 = tpu.vector_load %arg4[%parallel_loop3A_999, %parallel_loop3A_1000, %parallel_loop3A_1001] {strides = array<i32>} : memref<2x384x128xf32, #tpu.memory_space<vmem>>, vector<1x1x16xf32>,
        %parallel_loop3A_1003 = vector.shape_cast %parallel_loop3A_1002 : vector<1x1x16xf32> to vector<16xf32>
        %parallel_loop3A_1004 = arith.addf %parallel_loop3A_995, %parallel_loop3A_1003 : vector<16xf32>
        %parallel_loop3A_1005 = arith.constant 4 : i32
        %parallel_loop3A_1006 = arith.addi %parallel_loop3A_176, %parallel_loop3A_1005 : i32
        %parallel_loop3A_1007 = arith.constant 0 : i32
        %parallel_loop3A_1008 = arith.index_cast %parallel_loop3A_1007 : i32 to index
        %parallel_loop3A_1009 = arith.index_cast %parallel_loop3A_1006 : i32 to index
        %parallel_loop3A_1010 = arith.constant 80 : index
        %parallel_loop3A_1011 = tpu.vector_load %arg4[%parallel_loop3A_1008, %parallel_loop3A_1009, %parallel_loop3A_1010] {strides = array<i32>} : memref<2x384x128xf32, #tpu.memory_space<vmem>>, vector<1x1x16xf32>,
        %parallel_loop3A_1012 = vector.shape_cast %parallel_loop3A_1011 : vector<1x1x16xf32> to vector<16xf32>
        %parallel_loop3A_1013 = arith.addf %parallel_loop3A_1004, %parallel_loop3A_1012 : vector<16xf32>
        %parallel_loop3A_1014 = arith.constant 5 : i32
        %parallel_loop3A_1015 = arith.addi %parallel_loop3A_176, %parallel_loop3A_1014 : i32
        %parallel_loop3A_1016 = arith.constant 0 : i32
        %parallel_loop3A_1017 = arith.index_cast %parallel_loop3A_1016 : i32 to index
        %parallel_loop3A_1018 = arith.index_cast %parallel_loop3A_1015 : i32 to index
        %parallel_loop3A_1019 = arith.constant 80 : index
        %parallel_loop3A_1020 = tpu.vector_load %arg4[%parallel_loop3A_1017, %parallel_loop3A_1018, %parallel_loop3A_1019] {strides = array<i32>} : memref<2x384x128xf32, #tpu.memory_space<vmem>>, vector<1x1x16xf32>,
        %parallel_loop3A_1021 = vector.shape_cast %parallel_loop3A_1020 : vector<1x1x16xf32> to vector<16xf32>
        %parallel_loop3A_1022 = arith.addf %parallel_loop3A_1013, %parallel_loop3A_1021 : vector<16xf32>
        %parallel_loop3A_1023 = arith.constant 6 : i32
        %parallel_loop3A_1024 = arith.addi %parallel_loop3A_176, %parallel_loop3A_1023 : i32
        %parallel_loop3A_1025 = arith.constant 0 : i32
        %parallel_loop3A_1026 = arith.index_cast %parallel_loop3A_1025 : i32 to index
        %parallel_loop3A_1027 = arith.index_cast %parallel_loop3A_1024 : i32 to index
        %parallel_loop3A_1028 = arith.constant 80 : index
        %parallel_loop3A_1029 = tpu.vector_load %arg4[%parallel_loop3A_1026, %parallel_loop3A_1027, %parallel_loop3A_1028] {strides = array<i32>} : memref<2x384x128xf32, #tpu.memory_space<vmem>>, vector<1x1x16xf32>,
        %parallel_loop3A_1030 = vector.shape_cast %parallel_loop3A_1029 : vector<1x1x16xf32> to vector<16xf32>
        %parallel_loop3A_1031 = arith.addf %parallel_loop3A_1022, %parallel_loop3A_1030 : vector<16xf32>
        %parallel_loop3A_1032 = arith.constant 7 : i32
        %parallel_loop3A_1033 = arith.addi %parallel_loop3A_176, %parallel_loop3A_1032 : i32
        %parallel_loop3A_1034 = arith.constant 0 : i32
        %parallel_loop3A_1035 = arith.index_cast %parallel_loop3A_1034 : i32 to index
        %parallel_loop3A_1036 = arith.index_cast %parallel_loop3A_1033 : i32 to index
        %parallel_loop3A_1037 = arith.constant 80 : index
        %parallel_loop3A_1038 = tpu.vector_load %arg4[%parallel_loop3A_1035, %parallel_loop3A_1036, %parallel_loop3A_1037] {strides = array<i32>} : memref<2x384x128xf32, #tpu.memory_space<vmem>>, vector<1x1x16xf32>,
        %parallel_loop3A_1039 = vector.shape_cast %parallel_loop3A_1038 : vector<1x1x16xf32> to vector<16xf32>
        %parallel_loop3A_1040 = arith.addf %parallel_loop3A_1031, %parallel_loop3A_1039 : vector<16xf32>
        %parallel_loop3A_1041 = arith.constant 8 : i32
        %parallel_loop3A_1042 = arith.addi %parallel_loop3A_176, %parallel_loop3A_1041 : i32
        %parallel_loop3A_1043 = arith.constant 0 : i32
        %parallel_loop3A_1044 = arith.index_cast %parallel_loop3A_1043 : i32 to index
        %parallel_loop3A_1045 = arith.index_cast %parallel_loop3A_1042 : i32 to index
        %parallel_loop3A_1046 = arith.constant 80 : index
        %parallel_loop3A_1047 = tpu.vector_load %arg4[%parallel_loop3A_1044, %parallel_loop3A_1045, %parallel_loop3A_1046] {strides = array<i32>} : memref<2x384x128xf32, #tpu.memory_space<vmem>>, vector<1x1x16xf32>,
        %parallel_loop3A_1048 = vector.shape_cast %parallel_loop3A_1047 : vector<1x1x16xf32> to vector<16xf32>
        %parallel_loop3A_1049 = arith.addf %parallel_loop3A_1040, %parallel_loop3A_1048 : vector<16xf32>
        %parallel_loop3A_1050 = arith.constant 9 : i32
        %parallel_loop3A_1051 = arith.addi %parallel_loop3A_176, %parallel_loop3A_1050 : i32
        %parallel_loop3A_1052 = arith.constant 0 : i32
        %parallel_loop3A_1053 = arith.index_cast %parallel_loop3A_1052 : i32 to index
        %parallel_loop3A_1054 = arith.index_cast %parallel_loop3A_1051 : i32 to index
        %parallel_loop3A_1055 = arith.constant 80 : index
        %parallel_loop3A_1056 = tpu.vector_load %arg4[%parallel_loop3A_1053, %parallel_loop3A_1054, %parallel_loop3A_1055] {strides = array<i32>} : memref<2x384x128xf32, #tpu.memory_space<vmem>>, vector<1x1x16xf32>,
        %parallel_loop3A_1057 = vector.shape_cast %parallel_loop3A_1056 : vector<1x1x16xf32> to vector<16xf32>
        %parallel_loop3A_1058 = arith.addf %parallel_loop3A_1049, %parallel_loop3A_1057 : vector<16xf32>
        %parallel_loop3A_1059 = arith.constant 10 : i32
        %parallel_loop3A_1060 = arith.addi %parallel_loop3A_176, %parallel_loop3A_1059 : i32
        %parallel_loop3A_1061 = arith.constant 0 : i32
        %parallel_loop3A_1062 = arith.index_cast %parallel_loop3A_1061 : i32 to index
        %parallel_loop3A_1063 = arith.index_cast %parallel_loop3A_1060 : i32 to index
        %parallel_loop3A_1064 = arith.constant 80 : index
        %parallel_loop3A_1065 = tpu.vector_load %arg4[%parallel_loop3A_1062, %parallel_loop3A_1063, %parallel_loop3A_1064] {strides = array<i32>} : memref<2x384x128xf32, #tpu.memory_space<vmem>>, vector<1x1x16xf32>,
        %parallel_loop3A_1066 = vector.shape_cast %parallel_loop3A_1065 : vector<1x1x16xf32> to vector<16xf32>
        %parallel_loop3A_1067 = arith.addf %parallel_loop3A_1058, %parallel_loop3A_1066 : vector<16xf32>
        %parallel_loop3A_1068 = arith.constant 11 : i32
        %parallel_loop3A_1069 = arith.addi %parallel_loop3A_176, %parallel_loop3A_1068 : i32
        %parallel_loop3A_1070 = arith.constant 0 : i32
        %parallel_loop3A_1071 = arith.index_cast %parallel_loop3A_1070 : i32 to index
        %parallel_loop3A_1072 = arith.index_cast %parallel_loop3A_1069 : i32 to index
        %parallel_loop3A_1073 = arith.constant 80 : index
        %parallel_loop3A_1074 = tpu.vector_load %arg4[%parallel_loop3A_1071, %parallel_loop3A_1072, %parallel_loop3A_1073] {strides = array<i32>} : memref<2x384x128xf32, #tpu.memory_space<vmem>>, vector<1x1x16xf32>,
        %parallel_loop3A_1075 = vector.shape_cast %parallel_loop3A_1074 : vector<1x1x16xf32> to vector<16xf32>
        %parallel_loop3A_1076 = arith.addf %parallel_loop3A_1067, %parallel_loop3A_1075 : vector<16xf32>
        %parallel_loop3A_1077 = arith.constant 12 : i32
        %parallel_loop3A_1078 = arith.addi %parallel_loop3A_176, %parallel_loop3A_1077 : i32
        %parallel_loop3A_1079 = arith.constant 0 : i32
        %parallel_loop3A_1080 = arith.index_cast %parallel_loop3A_1079 : i32 to index
        %parallel_loop3A_1081 = arith.index_cast %parallel_loop3A_1078 : i32 to index
        %parallel_loop3A_1082 = arith.constant 80 : index
        %parallel_loop3A_1083 = tpu.vector_load %arg4[%parallel_loop3A_1080, %parallel_loop3A_1081, %parallel_loop3A_1082] {strides = array<i32>} : memref<2x384x128xf32, #tpu.memory_space<vmem>>, vector<1x1x16xf32>,
        %parallel_loop3A_1084 = vector.shape_cast %parallel_loop3A_1083 : vector<1x1x16xf32> to vector<16xf32>
        %parallel_loop3A_1085 = arith.addf %parallel_loop3A_1076, %parallel_loop3A_1084 : vector<16xf32>
        %parallel_loop3A_1086 = arith.constant 13 : i32
        %parallel_loop3A_1087 = arith.addi %parallel_loop3A_176, %parallel_loop3A_1086 : i32
        %parallel_loop3A_1088 = arith.constant 0 : i32
        %parallel_loop3A_1089 = arith.index_cast %parallel_loop3A_1088 : i32 to index
        %parallel_loop3A_1090 = arith.index_cast %parallel_loop3A_1087 : i32 to index
        %parallel_loop3A_1091 = arith.constant 80 : index
        %parallel_loop3A_1092 = tpu.vector_load %arg4[%parallel_loop3A_1089, %parallel_loop3A_1090, %parallel_loop3A_1091] {strides = array<i32>} : memref<2x384x128xf32, #tpu.memory_space<vmem>>, vector<1x1x16xf32>,
        %parallel_loop3A_1093 = vector.shape_cast %parallel_loop3A_1092 : vector<1x1x16xf32> to vector<16xf32>
        %parallel_loop3A_1094 = arith.addf %parallel_loop3A_1085, %parallel_loop3A_1093 : vector<16xf32>
        %parallel_loop3A_1095 = arith.constant 14 : i32
        %parallel_loop3A_1096 = arith.addi %parallel_loop3A_176, %parallel_loop3A_1095 : i32
        %parallel_loop3A_1097 = arith.constant 0 : i32
        %parallel_loop3A_1098 = arith.index_cast %parallel_loop3A_1097 : i32 to index
        %parallel_loop3A_1099 = arith.index_cast %parallel_loop3A_1096 : i32 to index
        %parallel_loop3A_1100 = arith.constant 80 : index
        %parallel_loop3A_1101 = tpu.vector_load %arg4[%parallel_loop3A_1098, %parallel_loop3A_1099, %parallel_loop3A_1100] {strides = array<i32>} : memref<2x384x128xf32, #tpu.memory_space<vmem>>, vector<1x1x16xf32>,
        %parallel_loop3A_1102 = vector.shape_cast %parallel_loop3A_1101 : vector<1x1x16xf32> to vector<16xf32>
        %parallel_loop3A_1103 = arith.addf %parallel_loop3A_1094, %parallel_loop3A_1102 : vector<16xf32>
        %parallel_loop3A_1104 = arith.constant 0.0666666701 : f32
        %parallel_loop3A_1105 = vector.broadcast %parallel_loop3A_1104 : f32 to vector<16xf32>
        %parallel_loop3A_1106 = arith.mulf %parallel_loop3A_1103, %parallel_loop3A_1105 : vector<16xf32>
        %parallel_loop3A_1107 = arith.constant 0 : i32
        %parallel_loop3A_1108 = arith.index_cast %parallel_loop3A_1107 : i32 to index
        %parallel_loop3A_1109 = arith.index_cast %parallel_loop3A_174 : i32 to index
        %parallel_loop3A_1110 = arith.constant 80 : index
        %parallel_loop3A_1111 = tpu.vector_load %arg5[%parallel_loop3A_1108, %parallel_loop3A_1109, %parallel_loop3A_1110] {strides = array<i32>} : memref<2x24x256xf32, #tpu.memory_space<vmem>>, vector<1x1x16xf32>,
        %parallel_loop3A_1112 = vector.shape_cast %parallel_loop3A_1111 : vector<1x1x16xf32> to vector<16xf32>
        %parallel_loop3A_1113 = vector.shape_cast %parallel_loop3A_1106 : vector<16xf32> to vector<1x1x16xf32>
        tpu.vector_store %arg5[%parallel_loop3A_1108, %parallel_loop3A_1109, %parallel_loop3A_1110], %parallel_loop3A_1113 {strides = array<i32>} : memref<2x24x256xf32, #tpu.memory_space<vmem>>, vector<1x1x16xf32>,
        %parallel_loop3A_1114 = arith.constant 16 : i32
        %parallel_loop3A_1115 = arith.addi %parallel_loop3A_176, %parallel_loop3A_1114 : i32
        %parallel_loop3A_1116 = arith.constant 1 : i32
        %parallel_loop3A_1117 = arith.subi %parallel_loop3A_1115, %parallel_loop3A_1116 : i32
        %parallel_loop3A_1118 = arith.constant 0 : i32
        %parallel_loop3A_1119 = arith.index_cast %parallel_loop3A_1118 : i32 to index
        %parallel_loop3A_1120 = arith.index_cast %parallel_loop3A_1117 : i32 to index
        %parallel_loop3A_1121 = arith.constant 80 : index
        %parallel_loop3A_1122 = tpu.vector_load %arg4[%parallel_loop3A_1119, %parallel_loop3A_1120, %parallel_loop3A_1121] {strides = array<i32>} : memref<2x384x128xf32, #tpu.memory_space<vmem>>, vector<1x1x16xf32>,
        %parallel_loop3A_1123 = vector.shape_cast %parallel_loop3A_1122 : vector<1x1x16xf32> to vector<16xf32>
        %parallel_loop3A_1124 = arith.constant 0 : i32
        %parallel_loop3A_1125 = arith.index_cast %parallel_loop3A_1124 : i32 to index
        %parallel_loop3A_1126 = arith.index_cast %parallel_loop3A_174 : i32 to index
        %parallel_loop3A_1127 = arith.constant 208 : index
        %parallel_loop3A_1128 = tpu.vector_load %arg5[%parallel_loop3A_1125, %parallel_loop3A_1126, %parallel_loop3A_1127] {strides = array<i32>} : memref<2x24x256xf32, #tpu.memory_space<vmem>>, vector<1x1x16xf32>,
        %parallel_loop3A_1129 = vector.shape_cast %parallel_loop3A_1128 : vector<1x1x16xf32> to vector<16xf32>
        %parallel_loop3A_1130 = vector.shape_cast %parallel_loop3A_1123 : vector<16xf32> to vector<1x1x16xf32>
        tpu.vector_store %arg5[%parallel_loop3A_1125, %parallel_loop3A_1126, %parallel_loop3A_1127], %parallel_loop3A_1130 {strides = array<i32>} : memref<2x24x256xf32, #tpu.memory_space<vmem>>, vector<1x1x16xf32>,
        %parallel_loop3A_1131 = arith.constant 0 : i32
        %parallel_loop3A_1132 = arith.index_cast %parallel_loop3A_1131 : i32 to index
        %parallel_loop3A_1133 = arith.index_cast %parallel_loop3A_176 : i32 to index
        %parallel_loop3A_1134 = arith.constant 96 : index
        %parallel_loop3A_1135 = tpu.vector_load %arg4[%parallel_loop3A_1132, %parallel_loop3A_1133, %parallel_loop3A_1134] {strides = array<i32>} : memref<2x384x128xf32, #tpu.memory_space<vmem>>, vector<1x1x16xf32>,
        %parallel_loop3A_1136 = vector.shape_cast %parallel_loop3A_1135 : vector<1x1x16xf32> to vector<16xf32>
        %parallel_loop3A_1137 = arith.constant 1 : i32
        %parallel_loop3A_1138 = arith.addi %parallel_loop3A_176, %parallel_loop3A_1137 : i32
        %parallel_loop3A_1139 = arith.constant 0 : i32
        %parallel_loop3A_1140 = arith.index_cast %parallel_loop3A_1139 : i32 to index
        %parallel_loop3A_1141 = arith.index_cast %parallel_loop3A_1138 : i32 to index
        %parallel_loop3A_1142 = arith.constant 96 : index
        %parallel_loop3A_1143 = tpu.vector_load %arg4[%parallel_loop3A_1140, %parallel_loop3A_1141, %parallel_loop3A_1142] {strides = array<i32>} : memref<2x384x128xf32, #tpu.memory_space<vmem>>, vector<1x1x16xf32>,
        %parallel_loop3A_1144 = vector.shape_cast %parallel_loop3A_1143 : vector<1x1x16xf32> to vector<16xf32>
        %parallel_loop3A_1145 = arith.addf %parallel_loop3A_1136, %parallel_loop3A_1144 : vector<16xf32>
        %parallel_loop3A_1146 = arith.constant 2 : i32
        %parallel_loop3A_1147 = arith.addi %parallel_loop3A_176, %parallel_loop3A_1146 : i32
        %parallel_loop3A_1148 = arith.constant 0 : i32
        %parallel_loop3A_1149 = arith.index_cast %parallel_loop3A_1148 : i32 to index
        %parallel_loop3A_1150 = arith.index_cast %parallel_loop3A_1147 : i32 to index
        %parallel_loop3A_1151 = arith.constant 96 : index
        %parallel_loop3A_1152 = tpu.vector_load %arg4[%parallel_loop3A_1149, %parallel_loop3A_1150, %parallel_loop3A_1151] {strides = array<i32>} : memref<2x384x128xf32, #tpu.memory_space<vmem>>, vector<1x1x16xf32>,
        %parallel_loop3A_1153 = vector.shape_cast %parallel_loop3A_1152 : vector<1x1x16xf32> to vector<16xf32>
        %parallel_loop3A_1154 = arith.addf %parallel_loop3A_1145, %parallel_loop3A_1153 : vector<16xf32>
        %parallel_loop3A_1155 = arith.constant 3 : i32
        %parallel_loop3A_1156 = arith.addi %parallel_loop3A_176, %parallel_loop3A_1155 : i32
        %parallel_loop3A_1157 = arith.constant 0 : i32
        %parallel_loop3A_1158 = arith.index_cast %parallel_loop3A_1157 : i32 to index
        %parallel_loop3A_1159 = arith.index_cast %parallel_loop3A_1156 : i32 to index
        %parallel_loop3A_1160 = arith.constant 96 : index
        %parallel_loop3A_1161 = tpu.vector_load %arg4[%parallel_loop3A_1158, %parallel_loop3A_1159, %parallel_loop3A_1160] {strides = array<i32>} : memref<2x384x128xf32, #tpu.memory_space<vmem>>, vector<1x1x16xf32>,
        %parallel_loop3A_1162 = vector.shape_cast %parallel_loop3A_1161 : vector<1x1x16xf32> to vector<16xf32>
        %parallel_loop3A_1163 = arith.addf %parallel_loop3A_1154, %parallel_loop3A_1162 : vector<16xf32>
        %parallel_loop3A_1164 = arith.constant 4 : i32
        %parallel_loop3A_1165 = arith.addi %parallel_loop3A_176, %parallel_loop3A_1164 : i32
        %parallel_loop3A_1166 = arith.constant 0 : i32
        %parallel_loop3A_1167 = arith.index_cast %parallel_loop3A_1166 : i32 to index
        %parallel_loop3A_1168 = arith.index_cast %parallel_loop3A_1165 : i32 to index
        %parallel_loop3A_1169 = arith.constant 96 : index
        %parallel_loop3A_1170 = tpu.vector_load %arg4[%parallel_loop3A_1167, %parallel_loop3A_1168, %parallel_loop3A_1169] {strides = array<i32>} : memref<2x384x128xf32, #tpu.memory_space<vmem>>, vector<1x1x16xf32>,
        %parallel_loop3A_1171 = vector.shape_cast %parallel_loop3A_1170 : vector<1x1x16xf32> to vector<16xf32>
        %parallel_loop3A_1172 = arith.addf %parallel_loop3A_1163, %parallel_loop3A_1171 : vector<16xf32>
        %parallel_loop3A_1173 = arith.constant 5 : i32
        %parallel_loop3A_1174 = arith.addi %parallel_loop3A_176, %parallel_loop3A_1173 : i32
        %parallel_loop3A_1175 = arith.constant 0 : i32
        %parallel_loop3A_1176 = arith.index_cast %parallel_loop3A_1175 : i32 to index
        %parallel_loop3A_1177 = arith.index_cast %parallel_loop3A_1174 : i32 to index
        %parallel_loop3A_1178 = arith.constant 96 : index
        %parallel_loop3A_1179 = tpu.vector_load %arg4[%parallel_loop3A_1176, %parallel_loop3A_1177, %parallel_loop3A_1178] {strides = array<i32>} : memref<2x384x128xf32, #tpu.memory_space<vmem>>, vector<1x1x16xf32>,
        %parallel_loop3A_1180 = vector.shape_cast %parallel_loop3A_1179 : vector<1x1x16xf32> to vector<16xf32>
        %parallel_loop3A_1181 = arith.addf %parallel_loop3A_1172, %parallel_loop3A_1180 : vector<16xf32>
        %parallel_loop3A_1182 = arith.constant 6 : i32
        %parallel_loop3A_1183 = arith.addi %parallel_loop3A_176, %parallel_loop3A_1182 : i32
        %parallel_loop3A_1184 = arith.constant 0 : i32
        %parallel_loop3A_1185 = arith.index_cast %parallel_loop3A_1184 : i32 to index
        %parallel_loop3A_1186 = arith.index_cast %parallel_loop3A_1183 : i32 to index
        %parallel_loop3A_1187 = arith.constant 96 : index
        %parallel_loop3A_1188 = tpu.vector_load %arg4[%parallel_loop3A_1185, %parallel_loop3A_1186, %parallel_loop3A_1187] {strides = array<i32>} : memref<2x384x128xf32, #tpu.memory_space<vmem>>, vector<1x1x16xf32>,
        %parallel_loop3A_1189 = vector.shape_cast %parallel_loop3A_1188 : vector<1x1x16xf32> to vector<16xf32>
        %parallel_loop3A_1190 = arith.addf %parallel_loop3A_1181, %parallel_loop3A_1189 : vector<16xf32>
        %parallel_loop3A_1191 = arith.constant 7 : i32
        %parallel_loop3A_1192 = arith.addi %parallel_loop3A_176, %parallel_loop3A_1191 : i32
        %parallel_loop3A_1193 = arith.constant 0 : i32
        %parallel_loop3A_1194 = arith.index_cast %parallel_loop3A_1193 : i32 to index
        %parallel_loop3A_1195 = arith.index_cast %parallel_loop3A_1192 : i32 to index
        %parallel_loop3A_1196 = arith.constant 96 : index
        %parallel_loop3A_1197 = tpu.vector_load %arg4[%parallel_loop3A_1194, %parallel_loop3A_1195, %parallel_loop3A_1196] {strides = array<i32>} : memref<2x384x128xf32, #tpu.memory_space<vmem>>, vector<1x1x16xf32>,
        %parallel_loop3A_1198 = vector.shape_cast %parallel_loop3A_1197 : vector<1x1x16xf32> to vector<16xf32>
        %parallel_loop3A_1199 = arith.addf %parallel_loop3A_1190, %parallel_loop3A_1198 : vector<16xf32>
        %parallel_loop3A_1200 = arith.constant 8 : i32
        %parallel_loop3A_1201 = arith.addi %parallel_loop3A_176, %parallel_loop3A_1200 : i32
        %parallel_loop3A_1202 = arith.constant 0 : i32
        %parallel_loop3A_1203 = arith.index_cast %parallel_loop3A_1202 : i32 to index
        %parallel_loop3A_1204 = arith.index_cast %parallel_loop3A_1201 : i32 to index
        %parallel_loop3A_1205 = arith.constant 96 : index
        %parallel_loop3A_1206 = tpu.vector_load %arg4[%parallel_loop3A_1203, %parallel_loop3A_1204, %parallel_loop3A_1205] {strides = array<i32>} : memref<2x384x128xf32, #tpu.memory_space<vmem>>, vector<1x1x16xf32>,
        %parallel_loop3A_1207 = vector.shape_cast %parallel_loop3A_1206 : vector<1x1x16xf32> to vector<16xf32>
        %parallel_loop3A_1208 = arith.addf %parallel_loop3A_1199, %parallel_loop3A_1207 : vector<16xf32>
        %parallel_loop3A_1209 = arith.constant 9 : i32
        %parallel_loop3A_1210 = arith.addi %parallel_loop3A_176, %parallel_loop3A_1209 : i32
        %parallel_loop3A_1211 = arith.constant 0 : i32
        %parallel_loop3A_1212 = arith.index_cast %parallel_loop3A_1211 : i32 to index
        %parallel_loop3A_1213 = arith.index_cast %parallel_loop3A_1210 : i32 to index
        %parallel_loop3A_1214 = arith.constant 96 : index
        %parallel_loop3A_1215 = tpu.vector_load %arg4[%parallel_loop3A_1212, %parallel_loop3A_1213, %parallel_loop3A_1214] {strides = array<i32>} : memref<2x384x128xf32, #tpu.memory_space<vmem>>, vector<1x1x16xf32>,
        %parallel_loop3A_1216 = vector.shape_cast %parallel_loop3A_1215 : vector<1x1x16xf32> to vector<16xf32>
        %parallel_loop3A_1217 = arith.addf %parallel_loop3A_1208, %parallel_loop3A_1216 : vector<16xf32>
        %parallel_loop3A_1218 = arith.constant 10 : i32
        %parallel_loop3A_1219 = arith.addi %parallel_loop3A_176, %parallel_loop3A_1218 : i32
        %parallel_loop3A_1220 = arith.constant 0 : i32
        %parallel_loop3A_1221 = arith.index_cast %parallel_loop3A_1220 : i32 to index
        %parallel_loop3A_1222 = arith.index_cast %parallel_loop3A_1219 : i32 to index
        %parallel_loop3A_1223 = arith.constant 96 : index
        %parallel_loop3A_1224 = tpu.vector_load %arg4[%parallel_loop3A_1221, %parallel_loop3A_1222, %parallel_loop3A_1223] {strides = array<i32>} : memref<2x384x128xf32, #tpu.memory_space<vmem>>, vector<1x1x16xf32>,
        %parallel_loop3A_1225 = vector.shape_cast %parallel_loop3A_1224 : vector<1x1x16xf32> to vector<16xf32>
        %parallel_loop3A_1226 = arith.addf %parallel_loop3A_1217, %parallel_loop3A_1225 : vector<16xf32>
        %parallel_loop3A_1227 = arith.constant 11 : i32
        %parallel_loop3A_1228 = arith.addi %parallel_loop3A_176, %parallel_loop3A_1227 : i32
        %parallel_loop3A_1229 = arith.constant 0 : i32
        %parallel_loop3A_1230 = arith.index_cast %parallel_loop3A_1229 : i32 to index
        %parallel_loop3A_1231 = arith.index_cast %parallel_loop3A_1228 : i32 to index
        %parallel_loop3A_1232 = arith.constant 96 : index
        %parallel_loop3A_1233 = tpu.vector_load %arg4[%parallel_loop3A_1230, %parallel_loop3A_1231, %parallel_loop3A_1232] {strides = array<i32>} : memref<2x384x128xf32, #tpu.memory_space<vmem>>, vector<1x1x16xf32>,
        %parallel_loop3A_1234 = vector.shape_cast %parallel_loop3A_1233 : vector<1x1x16xf32> to vector<16xf32>
        %parallel_loop3A_1235 = arith.addf %parallel_loop3A_1226, %parallel_loop3A_1234 : vector<16xf32>
        %parallel_loop3A_1236 = arith.constant 12 : i32
        %parallel_loop3A_1237 = arith.addi %parallel_loop3A_176, %parallel_loop3A_1236 : i32
        %parallel_loop3A_1238 = arith.constant 0 : i32
        %parallel_loop3A_1239 = arith.index_cast %parallel_loop3A_1238 : i32 to index
        %parallel_loop3A_1240 = arith.index_cast %parallel_loop3A_1237 : i32 to index
        %parallel_loop3A_1241 = arith.constant 96 : index
        %parallel_loop3A_1242 = tpu.vector_load %arg4[%parallel_loop3A_1239, %parallel_loop3A_1240, %parallel_loop3A_1241] {strides = array<i32>} : memref<2x384x128xf32, #tpu.memory_space<vmem>>, vector<1x1x16xf32>,
        %parallel_loop3A_1243 = vector.shape_cast %parallel_loop3A_1242 : vector<1x1x16xf32> to vector<16xf32>
        %parallel_loop3A_1244 = arith.addf %parallel_loop3A_1235, %parallel_loop3A_1243 : vector<16xf32>
        %parallel_loop3A_1245 = arith.constant 13 : i32
        %parallel_loop3A_1246 = arith.addi %parallel_loop3A_176, %parallel_loop3A_1245 : i32
        %parallel_loop3A_1247 = arith.constant 0 : i32
        %parallel_loop3A_1248 = arith.index_cast %parallel_loop3A_1247 : i32 to index
        %parallel_loop3A_1249 = arith.index_cast %parallel_loop3A_1246 : i32 to index
        %parallel_loop3A_1250 = arith.constant 96 : index
        %parallel_loop3A_1251 = tpu.vector_load %arg4[%parallel_loop3A_1248, %parallel_loop3A_1249, %parallel_loop3A_1250] {strides = array<i32>} : memref<2x384x128xf32, #tpu.memory_space<vmem>>, vector<1x1x16xf32>,
        %parallel_loop3A_1252 = vector.shape_cast %parallel_loop3A_1251 : vector<1x1x16xf32> to vector<16xf32>
        %parallel_loop3A_1253 = arith.addf %parallel_loop3A_1244, %parallel_loop3A_1252 : vector<16xf32>
        %parallel_loop3A_1254 = arith.constant 14 : i32
        %parallel_loop3A_1255 = arith.addi %parallel_loop3A_176, %parallel_loop3A_1254 : i32
        %parallel_loop3A_1256 = arith.constant 0 : i32
        %parallel_loop3A_1257 = arith.index_cast %parallel_loop3A_1256 : i32 to index
        %parallel_loop3A_1258 = arith.index_cast %parallel_loop3A_1255 : i32 to index
        %parallel_loop3A_1259 = arith.constant 96 : index
        %parallel_loop3A_1260 = tpu.vector_load %arg4[%parallel_loop3A_1257, %parallel_loop3A_1258, %parallel_loop3A_1259] {strides = array<i32>} : memref<2x384x128xf32, #tpu.memory_space<vmem>>, vector<1x1x16xf32>,
        %parallel_loop3A_1261 = vector.shape_cast %parallel_loop3A_1260 : vector<1x1x16xf32> to vector<16xf32>
        %parallel_loop3A_1262 = arith.addf %parallel_loop3A_1253, %parallel_loop3A_1261 : vector<16xf32>
        %parallel_loop3A_1263 = arith.constant 0.0666666701 : f32
        %parallel_loop3A_1264 = vector.broadcast %parallel_loop3A_1263 : f32 to vector<16xf32>
        %parallel_loop3A_1265 = arith.mulf %parallel_loop3A_1262, %parallel_loop3A_1264 : vector<16xf32>
        %parallel_loop3A_1266 = arith.constant 0 : i32
        %parallel_loop3A_1267 = arith.index_cast %parallel_loop3A_1266 : i32 to index
        %parallel_loop3A_1268 = arith.index_cast %parallel_loop3A_174 : i32 to index
        %parallel_loop3A_1269 = arith.constant 96 : index
        %parallel_loop3A_1270 = tpu.vector_load %arg5[%parallel_loop3A_1267, %parallel_loop3A_1268, %parallel_loop3A_1269] {strides = array<i32>} : memref<2x24x256xf32, #tpu.memory_space<vmem>>, vector<1x1x16xf32>,
        %parallel_loop3A_1271 = vector.shape_cast %parallel_loop3A_1270 : vector<1x1x16xf32> to vector<16xf32>
        %parallel_loop3A_1272 = vector.shape_cast %parallel_loop3A_1265 : vector<16xf32> to vector<1x1x16xf32>
        tpu.vector_store %arg5[%parallel_loop3A_1267, %parallel_loop3A_1268, %parallel_loop3A_1269], %parallel_loop3A_1272 {strides = array<i32>} : memref<2x24x256xf32, #tpu.memory_space<vmem>>, vector<1x1x16xf32>,
        %parallel_loop3A_1273 = arith.constant 16 : i32
        %parallel_loop3A_1274 = arith.addi %parallel_loop3A_176, %parallel_loop3A_1273 : i32
        %parallel_loop3A_1275 = arith.constant 1 : i32
        %parallel_loop3A_1276 = arith.subi %parallel_loop3A_1274, %parallel_loop3A_1275 : i32
        %parallel_loop3A_1277 = arith.constant 0 : i32
        %parallel_loop3A_1278 = arith.index_cast %parallel_loop3A_1277 : i32 to index
        %parallel_loop3A_1279 = arith.index_cast %parallel_loop3A_1276 : i32 to index
        %parallel_loop3A_1280 = arith.constant 96 : index
        %parallel_loop3A_1281 = tpu.vector_load %arg4[%parallel_loop3A_1278, %parallel_loop3A_1279, %parallel_loop3A_1280] {strides = array<i32>} : memref<2x384x128xf32, #tpu.memory_space<vmem>>, vector<1x1x16xf32>,
        %parallel_loop3A_1282 = vector.shape_cast %parallel_loop3A_1281 : vector<1x1x16xf32> to vector<16xf32>
        %parallel_loop3A_1283 = arith.constant 0 : i32
        %parallel_loop3A_1284 = arith.index_cast %parallel_loop3A_1283 : i32 to index
        %parallel_loop3A_1285 = arith.index_cast %parallel_loop3A_174 : i32 to index
        %parallel_loop3A_1286 = arith.constant 224 : index
        %parallel_loop3A_1287 = tpu.vector_load %arg5[%parallel_loop3A_1284, %parallel_loop3A_1285, %parallel_loop3A_1286] {strides = array<i32>} : memref<2x24x256xf32, #tpu.memory_space<vmem>>, vector<1x1x16xf32>,
        %parallel_loop3A_1288 = vector.shape_cast %parallel_loop3A_1287 : vector<1x1x16xf32> to vector<16xf32>
        %parallel_loop3A_1289 = vector.shape_cast %parallel_loop3A_1282 : vector<16xf32> to vector<1x1x16xf32>
        tpu.vector_store %arg5[%parallel_loop3A_1284, %parallel_loop3A_1285, %parallel_loop3A_1286], %parallel_loop3A_1289 {strides = array<i32>} : memref<2x24x256xf32, #tpu.memory_space<vmem>>, vector<1x1x16xf32>,
        %parallel_loop3A_1290 = arith.constant 0 : i32
        %parallel_loop3A_1291 = arith.index_cast %parallel_loop3A_1290 : i32 to index
        %parallel_loop3A_1292 = arith.index_cast %parallel_loop3A_176 : i32 to index
        %parallel_loop3A_1293 = arith.constant 112 : index
        %parallel_loop3A_1294 = tpu.vector_load %arg4[%parallel_loop3A_1291, %parallel_loop3A_1292, %parallel_loop3A_1293] {strides = array<i32>} : memref<2x384x128xf32, #tpu.memory_space<vmem>>, vector<1x1x16xf32>,
        %parallel_loop3A_1295 = vector.shape_cast %parallel_loop3A_1294 : vector<1x1x16xf32> to vector<16xf32>
        %parallel_loop3A_1296 = arith.constant 1 : i32
        %parallel_loop3A_1297 = arith.addi %parallel_loop3A_176, %parallel_loop3A_1296 : i32
        %parallel_loop3A_1298 = arith.constant 0 : i32
        %parallel_loop3A_1299 = arith.index_cast %parallel_loop3A_1298 : i32 to index
        %parallel_loop3A_1300 = arith.index_cast %parallel_loop3A_1297 : i32 to index
        %parallel_loop3A_1301 = arith.constant 112 : index
        %parallel_loop3A_1302 = tpu.vector_load %arg4[%parallel_loop3A_1299, %parallel_loop3A_1300, %parallel_loop3A_1301] {strides = array<i32>} : memref<2x384x128xf32, #tpu.memory_space<vmem>>, vector<1x1x16xf32>,
        %parallel_loop3A_1303 = vector.shape_cast %parallel_loop3A_1302 : vector<1x1x16xf32> to vector<16xf32>
        %parallel_loop3A_1304 = arith.addf %parallel_loop3A_1295, %parallel_loop3A_1303 : vector<16xf32>
        %parallel_loop3A_1305 = arith.constant 2 : i32
        %parallel_loop3A_1306 = arith.addi %parallel_loop3A_176, %parallel_loop3A_1305 : i32
        %parallel_loop3A_1307 = arith.constant 0 : i32
        %parallel_loop3A_1308 = arith.index_cast %parallel_loop3A_1307 : i32 to index
        %parallel_loop3A_1309 = arith.index_cast %parallel_loop3A_1306 : i32 to index
        %parallel_loop3A_1310 = arith.constant 112 : index
        %parallel_loop3A_1311 = tpu.vector_load %arg4[%parallel_loop3A_1308, %parallel_loop3A_1309, %parallel_loop3A_1310] {strides = array<i32>} : memref<2x384x128xf32, #tpu.memory_space<vmem>>, vector<1x1x16xf32>,
        %parallel_loop3A_1312 = vector.shape_cast %parallel_loop3A_1311 : vector<1x1x16xf32> to vector<16xf32>
        %parallel_loop3A_1313 = arith.addf %parallel_loop3A_1304, %parallel_loop3A_1312 : vector<16xf32>
        %parallel_loop3A_1314 = arith.constant 3 : i32
        %parallel_loop3A_1315 = arith.addi %parallel_loop3A_176, %parallel_loop3A_1314 : i32
        %parallel_loop3A_1316 = arith.constant 0 : i32
        %parallel_loop3A_1317 = arith.index_cast %parallel_loop3A_1316 : i32 to index
        %parallel_loop3A_1318 = arith.index_cast %parallel_loop3A_1315 : i32 to index
        %parallel_loop3A_1319 = arith.constant 112 : index
        %parallel_loop3A_1320 = tpu.vector_load %arg4[%parallel_loop3A_1317, %parallel_loop3A_1318, %parallel_loop3A_1319] {strides = array<i32>} : memref<2x384x128xf32, #tpu.memory_space<vmem>>, vector<1x1x16xf32>,
        %parallel_loop3A_1321 = vector.shape_cast %parallel_loop3A_1320 : vector<1x1x16xf32> to vector<16xf32>
        %parallel_loop3A_1322 = arith.addf %parallel_loop3A_1313, %parallel_loop3A_1321 : vector<16xf32>
        %parallel_loop3A_1323 = arith.constant 4 : i32
        %parallel_loop3A_1324 = arith.addi %parallel_loop3A_176, %parallel_loop3A_1323 : i32
        %parallel_loop3A_1325 = arith.constant 0 : i32
        %parallel_loop3A_1326 = arith.index_cast %parallel_loop3A_1325 : i32 to index
        %parallel_loop3A_1327 = arith.index_cast %parallel_loop3A_1324 : i32 to index
        %parallel_loop3A_1328 = arith.constant 112 : index
        %parallel_loop3A_1329 = tpu.vector_load %arg4[%parallel_loop3A_1326, %parallel_loop3A_1327, %parallel_loop3A_1328] {strides = array<i32>} : memref<2x384x128xf32, #tpu.memory_space<vmem>>, vector<1x1x16xf32>,
        %parallel_loop3A_1330 = vector.shape_cast %parallel_loop3A_1329 : vector<1x1x16xf32> to vector<16xf32>
        %parallel_loop3A_1331 = arith.addf %parallel_loop3A_1322, %parallel_loop3A_1330 : vector<16xf32>
        %parallel_loop3A_1332 = arith.constant 5 : i32
        %parallel_loop3A_1333 = arith.addi %parallel_loop3A_176, %parallel_loop3A_1332 : i32
        %parallel_loop3A_1334 = arith.constant 0 : i32
        %parallel_loop3A_1335 = arith.index_cast %parallel_loop3A_1334 : i32 to index
        %parallel_loop3A_1336 = arith.index_cast %parallel_loop3A_1333 : i32 to index
        %parallel_loop3A_1337 = arith.constant 112 : index
        %parallel_loop3A_1338 = tpu.vector_load %arg4[%parallel_loop3A_1335, %parallel_loop3A_1336, %parallel_loop3A_1337] {strides = array<i32>} : memref<2x384x128xf32, #tpu.memory_space<vmem>>, vector<1x1x16xf32>,
        %parallel_loop3A_1339 = vector.shape_cast %parallel_loop3A_1338 : vector<1x1x16xf32> to vector<16xf32>
        %parallel_loop3A_1340 = arith.addf %parallel_loop3A_1331, %parallel_loop3A_1339 : vector<16xf32>
        %parallel_loop3A_1341 = arith.constant 6 : i32
        %parallel_loop3A_1342 = arith.addi %parallel_loop3A_176, %parallel_loop3A_1341 : i32
        %parallel_loop3A_1343 = arith.constant 0 : i32
        %parallel_loop3A_1344 = arith.index_cast %parallel_loop3A_1343 : i32 to index
        %parallel_loop3A_1345 = arith.index_cast %parallel_loop3A_1342 : i32 to index
        %parallel_loop3A_1346 = arith.constant 112 : index
        %parallel_loop3A_1347 = tpu.vector_load %arg4[%parallel_loop3A_1344, %parallel_loop3A_1345, %parallel_loop3A_1346] {strides = array<i32>} : memref<2x384x128xf32, #tpu.memory_space<vmem>>, vector<1x1x16xf32>,
        %parallel_loop3A_1348 = vector.shape_cast %parallel_loop3A_1347 : vector<1x1x16xf32> to vector<16xf32>
        %parallel_loop3A_1349 = arith.addf %parallel_loop3A_1340, %parallel_loop3A_1348 : vector<16xf32>
        %parallel_loop3A_1350 = arith.constant 7 : i32
        %parallel_loop3A_1351 = arith.addi %parallel_loop3A_176, %parallel_loop3A_1350 : i32
        %parallel_loop3A_1352 = arith.constant 0 : i32
        %parallel_loop3A_1353 = arith.index_cast %parallel_loop3A_1352 : i32 to index
        %parallel_loop3A_1354 = arith.index_cast %parallel_loop3A_1351 : i32 to index
        %parallel_loop3A_1355 = arith.constant 112 : index
        %parallel_loop3A_1356 = tpu.vector_load %arg4[%parallel_loop3A_1353, %parallel_loop3A_1354, %parallel_loop3A_1355] {strides = array<i32>} : memref<2x384x128xf32, #tpu.memory_space<vmem>>, vector<1x1x16xf32>,
        %parallel_loop3A_1357 = vector.shape_cast %parallel_loop3A_1356 : vector<1x1x16xf32> to vector<16xf32>
        %parallel_loop3A_1358 = arith.addf %parallel_loop3A_1349, %parallel_loop3A_1357 : vector<16xf32>
        %parallel_loop3A_1359 = arith.constant 8 : i32
        %parallel_loop3A_1360 = arith.addi %parallel_loop3A_176, %parallel_loop3A_1359 : i32
        %parallel_loop3A_1361 = arith.constant 0 : i32
        %parallel_loop3A_1362 = arith.index_cast %parallel_loop3A_1361 : i32 to index
        %parallel_loop3A_1363 = arith.index_cast %parallel_loop3A_1360 : i32 to index
        %parallel_loop3A_1364 = arith.constant 112 : index
        %parallel_loop3A_1365 = tpu.vector_load %arg4[%parallel_loop3A_1362, %parallel_loop3A_1363, %parallel_loop3A_1364] {strides = array<i32>} : memref<2x384x128xf32, #tpu.memory_space<vmem>>, vector<1x1x16xf32>,
        %parallel_loop3A_1366 = vector.shape_cast %parallel_loop3A_1365 : vector<1x1x16xf32> to vector<16xf32>
        %parallel_loop3A_1367 = arith.addf %parallel_loop3A_1358, %parallel_loop3A_1366 : vector<16xf32>
        %parallel_loop3A_1368 = arith.constant 9 : i32
        %parallel_loop3A_1369 = arith.addi %parallel_loop3A_176, %parallel_loop3A_1368 : i32
        %parallel_loop3A_1370 = arith.constant 0 : i32
        %parallel_loop3A_1371 = arith.index_cast %parallel_loop3A_1370 : i32 to index
        %parallel_loop3A_1372 = arith.index_cast %parallel_loop3A_1369 : i32 to index
        %parallel_loop3A_1373 = arith.constant 112 : index
        %parallel_loop3A_1374 = tpu.vector_load %arg4[%parallel_loop3A_1371, %parallel_loop3A_1372, %parallel_loop3A_1373] {strides = array<i32>} : memref<2x384x128xf32, #tpu.memory_space<vmem>>, vector<1x1x16xf32>,
        %parallel_loop3A_1375 = vector.shape_cast %parallel_loop3A_1374 : vector<1x1x16xf32> to vector<16xf32>
        %parallel_loop3A_1376 = arith.addf %parallel_loop3A_1367, %parallel_loop3A_1375 : vector<16xf32>
        %parallel_loop3A_1377 = arith.constant 10 : i32
        %parallel_loop3A_1378 = arith.addi %parallel_loop3A_176, %parallel_loop3A_1377 : i32
        %parallel_loop3A_1379 = arith.constant 0 : i32
        %parallel_loop3A_1380 = arith.index_cast %parallel_loop3A_1379 : i32 to index
        %parallel_loop3A_1381 = arith.index_cast %parallel_loop3A_1378 : i32 to index
        %parallel_loop3A_1382 = arith.constant 112 : index
        %parallel_loop3A_1383 = tpu.vector_load %arg4[%parallel_loop3A_1380, %parallel_loop3A_1381, %parallel_loop3A_1382] {strides = array<i32>} : memref<2x384x128xf32, #tpu.memory_space<vmem>>, vector<1x1x16xf32>,
        %parallel_loop3A_1384 = vector.shape_cast %parallel_loop3A_1383 : vector<1x1x16xf32> to vector<16xf32>
        %parallel_loop3A_1385 = arith.addf %parallel_loop3A_1376, %parallel_loop3A_1384 : vector<16xf32>
        %parallel_loop3A_1386 = arith.constant 11 : i32
        %parallel_loop3A_1387 = arith.addi %parallel_loop3A_176, %parallel_loop3A_1386 : i32
        %parallel_loop3A_1388 = arith.constant 0 : i32
        %parallel_loop3A_1389 = arith.index_cast %parallel_loop3A_1388 : i32 to index
        %parallel_loop3A_1390 = arith.index_cast %parallel_loop3A_1387 : i32 to index
        %parallel_loop3A_1391 = arith.constant 112 : index
        %parallel_loop3A_1392 = tpu.vector_load %arg4[%parallel_loop3A_1389, %parallel_loop3A_1390, %parallel_loop3A_1391] {strides = array<i32>} : memref<2x384x128xf32, #tpu.memory_space<vmem>>, vector<1x1x16xf32>,
        %parallel_loop3A_1393 = vector.shape_cast %parallel_loop3A_1392 : vector<1x1x16xf32> to vector<16xf32>
        %parallel_loop3A_1394 = arith.addf %parallel_loop3A_1385, %parallel_loop3A_1393 : vector<16xf32>
        %parallel_loop3A_1395 = arith.constant 12 : i32
        %parallel_loop3A_1396 = arith.addi %parallel_loop3A_176, %parallel_loop3A_1395 : i32
        %parallel_loop3A_1397 = arith.constant 0 : i32
        %parallel_loop3A_1398 = arith.index_cast %parallel_loop3A_1397 : i32 to index
        %parallel_loop3A_1399 = arith.index_cast %parallel_loop3A_1396 : i32 to index
        %parallel_loop3A_1400 = arith.constant 112 : index
        %parallel_loop3A_1401 = tpu.vector_load %arg4[%parallel_loop3A_1398, %parallel_loop3A_1399, %parallel_loop3A_1400] {strides = array<i32>} : memref<2x384x128xf32, #tpu.memory_space<vmem>>, vector<1x1x16xf32>,
        %parallel_loop3A_1402 = vector.shape_cast %parallel_loop3A_1401 : vector<1x1x16xf32> to vector<16xf32>
        %parallel_loop3A_1403 = arith.addf %parallel_loop3A_1394, %parallel_loop3A_1402 : vector<16xf32>
        %parallel_loop3A_1404 = arith.constant 13 : i32
        %parallel_loop3A_1405 = arith.addi %parallel_loop3A_176, %parallel_loop3A_1404 : i32
        %parallel_loop3A_1406 = arith.constant 0 : i32
        %parallel_loop3A_1407 = arith.index_cast %parallel_loop3A_1406 : i32 to index
        %parallel_loop3A_1408 = arith.index_cast %parallel_loop3A_1405 : i32 to index
        %parallel_loop3A_1409 = arith.constant 112 : index
        %parallel_loop3A_1410 = tpu.vector_load %arg4[%parallel_loop3A_1407, %parallel_loop3A_1408, %parallel_loop3A_1409] {strides = array<i32>} : memref<2x384x128xf32, #tpu.memory_space<vmem>>, vector<1x1x16xf32>,
        %parallel_loop3A_1411 = vector.shape_cast %parallel_loop3A_1410 : vector<1x1x16xf32> to vector<16xf32>
        %parallel_loop3A_1412 = arith.addf %parallel_loop3A_1403, %parallel_loop3A_1411 : vector<16xf32>
        %parallel_loop3A_1413 = arith.constant 14 : i32
        %parallel_loop3A_1414 = arith.addi %parallel_loop3A_176, %parallel_loop3A_1413 : i32
        %parallel_loop3A_1415 = arith.constant 0 : i32
        %parallel_loop3A_1416 = arith.index_cast %parallel_loop3A_1415 : i32 to index
        %parallel_loop3A_1417 = arith.index_cast %parallel_loop3A_1414 : i32 to index
        %parallel_loop3A_1418 = arith.constant 112 : index
        %parallel_loop3A_1419 = tpu.vector_load %arg4[%parallel_loop3A_1416, %parallel_loop3A_1417, %parallel_loop3A_1418] {strides = array<i32>} : memref<2x384x128xf32, #tpu.memory_space<vmem>>, vector<1x1x16xf32>,
        %parallel_loop3A_1420 = vector.shape_cast %parallel_loop3A_1419 : vector<1x1x16xf32> to vector<16xf32>
        %parallel_loop3A_1421 = arith.addf %parallel_loop3A_1412, %parallel_loop3A_1420 : vector<16xf32>
        %parallel_loop3A_1422 = arith.constant 0.0666666701 : f32
        %parallel_loop3A_1423 = vector.broadcast %parallel_loop3A_1422 : f32 to vector<16xf32>
        %parallel_loop3A_1424 = arith.mulf %parallel_loop3A_1421, %parallel_loop3A_1423 : vector<16xf32>
        %parallel_loop3A_1425 = arith.constant 0 : i32
        %parallel_loop3A_1426 = arith.index_cast %parallel_loop3A_1425 : i32 to index
        %parallel_loop3A_1427 = arith.index_cast %parallel_loop3A_174 : i32 to index
        %parallel_loop3A_1428 = arith.constant 112 : index
        %parallel_loop3A_1429 = tpu.vector_load %arg5[%parallel_loop3A_1426, %parallel_loop3A_1427, %parallel_loop3A_1428] {strides = array<i32>} : memref<2x24x256xf32, #tpu.memory_space<vmem>>, vector<1x1x16xf32>,
        %parallel_loop3A_1430 = vector.shape_cast %parallel_loop3A_1429 : vector<1x1x16xf32> to vector<16xf32>
        %parallel_loop3A_1431 = vector.shape_cast %parallel_loop3A_1424 : vector<16xf32> to vector<1x1x16xf32>
        tpu.vector_store %arg5[%parallel_loop3A_1426, %parallel_loop3A_1427, %parallel_loop3A_1428], %parallel_loop3A_1431 {strides = array<i32>} : memref<2x24x256xf32, #tpu.memory_space<vmem>>, vector<1x1x16xf32>,
        %parallel_loop3A_1432 = arith.constant 16 : i32
        %parallel_loop3A_1433 = arith.addi %parallel_loop3A_176, %parallel_loop3A_1432 : i32
        %parallel_loop3A_1434 = arith.constant 1 : i32
        %parallel_loop3A_1435 = arith.subi %parallel_loop3A_1433, %parallel_loop3A_1434 : i32
        %parallel_loop3A_1436 = arith.constant 0 : i32
        %parallel_loop3A_1437 = arith.index_cast %parallel_loop3A_1436 : i32 to index
        %parallel_loop3A_1438 = arith.index_cast %parallel_loop3A_1435 : i32 to index
        %parallel_loop3A_1439 = arith.constant 112 : index
        %parallel_loop3A_1440 = tpu.vector_load %arg4[%parallel_loop3A_1437, %parallel_loop3A_1438, %parallel_loop3A_1439] {strides = array<i32>} : memref<2x384x128xf32, #tpu.memory_space<vmem>>, vector<1x1x16xf32>,
        %parallel_loop3A_1441 = vector.shape_cast %parallel_loop3A_1440 : vector<1x1x16xf32> to vector<16xf32>
        %parallel_loop3A_1442 = arith.constant 0 : i32
        %parallel_loop3A_1443 = arith.index_cast %parallel_loop3A_1442 : i32 to index
        %parallel_loop3A_1444 = arith.index_cast %parallel_loop3A_174 : i32 to index
        %parallel_loop3A_1445 = arith.constant 240 : index
        %parallel_loop3A_1446 = tpu.vector_load %arg5[%parallel_loop3A_1443, %parallel_loop3A_1444, %parallel_loop3A_1445] {strides = array<i32>} : memref<2x24x256xf32, #tpu.memory_space<vmem>>, vector<1x1x16xf32>,
        %parallel_loop3A_1447 = vector.shape_cast %parallel_loop3A_1446 : vector<1x1x16xf32> to vector<16xf32>
        %parallel_loop3A_1448 = vector.shape_cast %parallel_loop3A_1441 : vector<16xf32> to vector<1x1x16xf32>
        tpu.vector_store %arg5[%parallel_loop3A_1443, %parallel_loop3A_1444, %parallel_loop3A_1445], %parallel_loop3A_1448 {strides = array<i32>} : memref<2x24x256xf32, #tpu.memory_space<vmem>>, vector<1x1x16xf32>,
      } {sc.loop_unroll_factor = 2 : i64, sc.parallel_access}
      %mul3A_98 = arith.constant 24 : i32
      %mul3A_99 = arith.muli %add3A_66, %mul3A_98 : i32
      %add3A_100 = arith.addi %mul3A_2, %mul3A_99 : i32
      %dma_start3A_101 = arith.constant 0 : i32
      %dma_start3A_102 = arith.constant 0 : i32
      %dma_start3A_103 = arith.constant 0 : i32
      %dma_start3A_104 = arith.constant 0 : i32
      %dma_start3A_105 = tpu.memref_slice %arg5[%dma_start3A_101, %dma_start3A_103, %dma_start3A_104] : memref<2x24x256xf32, #tpu.memory_space<vmem>> -> memref<1x24x256xf32, #tpu.memory_space<vmem>>
      %dma_start3A_106 = tpu.memref_squeeze %dma_start3A_105 : memref<1x24x256xf32, #tpu.memory_space<vmem>> -> memref<24x256xf32, #tpu.memory_space<vmem>>
      %dma_start3A_107 = arith.constant 0 : i32
      %dma_start3A_108 = tpu.memref_slice %arg3[%add3A_100, %dma_start3A_107] : memref<9216x256xf32, #tpu.memory_space<hbm>> -> memref<24x256xf32, #tpu.memory_space<hbm>>
      %dma_start3A_109 = tpu.memref_slice %arg7[%dma_start3A_102] : memref<2x!tpu.dma_semaphore, #tpu.memory_space<semaphore_mem>> -> memref<1x!tpu.dma_semaphore, #tpu.memory_space<semaphore_mem>>
      %dma_start3A_110 = tpu.memref_squeeze %dma_start3A_109 : memref<1x!tpu.dma_semaphore, #tpu.memory_space<semaphore_mem>> -> memref<!tpu.dma_semaphore, #tpu.memory_space<semaphore_mem>>
      %dma_start3A_111 = arith.constant 0 : i32
      %dma_start3A_112 = tpu.memref_slice %arg3[%add3A_100, %dma_start3A_111] : memref<9216x256xf32, #tpu.memory_space<hbm>> -> memref<24x256xf32, #tpu.memory_space<hbm>>
      %dma_start3A_113 = arith.constant 0 : i32
      %dma_start3A_114 = arith.constant 0 : i32
      %dma_start3A_115 = tpu.memref_slice %arg5[%dma_start3A_101, %dma_start3A_113, %dma_start3A_114] : memref<2x24x256xf32, #tpu.memory_space<vmem>> -> memref<1x24x256xf32, #tpu.memory_space<vmem>>
      %dma_start3A_116 = tpu.memref_squeeze %dma_start3A_115 : memref<1x24x256xf32, #tpu.memory_space<vmem>> -> memref<24x256xf32, #tpu.memory_space<vmem>>
      tpu.enqueue_dma source(%dma_start3A_116 : memref<24x256xf32, #tpu.memory_space<vmem>>) target(%dma_start3A_112 : memref<24x256xf32, #tpu.memory_space<hbm>>) target_semaphore(%dma_start3A_110 : memref<!tpu.dma_semaphore, #tpu.memory_space<semaphore_mem>>)
      %add3A_117 = arith.constant 1 : i32
      %add3A_118 = arith.addi %mul3A_64, %add3A_117 : i32
      %add3A_119 = arith.constant 1 : i32
      %add3A_120 = arith.addi %add3A_118, %add3A_119 : i32
      %lt3A_121 = arith.constant 12 : i32
      %lt3A_122 = arith.cmpi slt, %add3A_120, %lt3A_121 : i32
      %convert_element_type3A_123 = arith.extui %lt3A_122 : i1 to i32
      %cond3A_124 = arith.constant 0 : i32
      %cond3A_125 = arith.cmpi ne, %convert_element_type3A_123, %cond3A_124 : i32
      scf.if %cond3A_125 {
        %add3A_174 = arith.constant 1 : i32
        %add3A_175 = arith.addi %add3A_118, %add3A_174 : i32
        %mul3A_176 = arith.constant 24 : i32
        %mul3A_177 = arith.muli %add3A_175, %mul3A_176 : i32
        %add3A_178 = arith.addi %mul3A_2, %mul3A_177 : i32
        %mul3A_179 = arith.constant 16 : i32
        %mul3A_180 = arith.muli %add3A_178, %mul3A_179 : i32
        %dma_start3A_181 = arith.constant 0 : i32
        %dma_start3A_182 = arith.constant 0 : i32
        %dma_start3A_183 = arith.constant 0 : i32
        %dma_start3A_184 = arith.constant 0 : i32
        %dma_start3A_185 = tpu.memref_slice %arg4[%dma_start3A_181, %dma_start3A_183, %dma_start3A_184] : memref<2x384x128xf32, #tpu.memory_space<vmem>> -> memref<1x384x128xf32, #tpu.memory_space<vmem>>
        %dma_start3A_186 = tpu.memref_squeeze %dma_start3A_185 : memref<1x384x128xf32, #tpu.memory_space<vmem>> -> memref<384x128xf32, #tpu.memory_space<vmem>>
        %dma_start3A_187 = arith.constant 0 : i32
        %dma_start3A_188 = tpu.memref_slice %arg2[%mul3A_180, %dma_start3A_187] : memref<262144x128xf32, #tpu.memory_space<hbm>> -> memref<384x128xf32, #tpu.memory_space<hbm>>
        %dma_start3A_189 = tpu.memref_slice %arg6[%dma_start3A_182] : memref<2x!tpu.dma_semaphore, #tpu.memory_space<semaphore_mem>> -> memref<1x!tpu.dma_semaphore, #tpu.memory_space<semaphore_mem>>
        %dma_start3A_190 = tpu.memref_squeeze %dma_start3A_189 : memref<1x!tpu.dma_semaphore, #tpu.memory_space<semaphore_mem>> -> memref<!tpu.dma_semaphore, #tpu.memory_space<semaphore_mem>>
        %dma_start3A_191 = arith.constant 0 : i32
        %dma_start3A_192 = arith.constant 0 : i32
        %dma_start3A_193 = tpu.memref_slice %arg4[%dma_start3A_181, %dma_start3A_191, %dma_start3A_192] : memref<2x384x128xf32, #tpu.memory_space<vmem>> -> memref<1x384x128xf32, #tpu.memory_space<vmem>>
        %dma_start3A_194 = tpu.memref_squeeze %dma_start3A_193 : memref<1x384x128xf32, #tpu.memory_space<vmem>> -> memref<384x128xf32, #tpu.memory_space<vmem>>
        %dma_start3A_195 = arith.constant 0 : i32
        %dma_start3A_196 = tpu.memref_slice %arg2[%mul3A_180, %dma_start3A_195] : memref<262144x128xf32, #tpu.memory_space<hbm>> -> memref<384x128xf32, #tpu.memory_space<hbm>>
        tpu.enqueue_dma source(%dma_start3A_196 : memref<384x128xf32, #tpu.memory_space<hbm>>) target(%dma_start3A_194 : memref<384x128xf32, #tpu.memory_space<vmem>>) target_semaphore(%dma_start3A_190 : memref<!tpu.dma_semaphore, #tpu.memory_space<semaphore_mem>>)
      } else {
      }
      %mul3A_126 = arith.constant 24 : i32
      %mul3A_127 = arith.muli %add3A_118, %mul3A_126 : i32
      %add3A_128 = arith.addi %mul3A_2, %mul3A_127 : i32
      %mul3A_129 = arith.constant 16 : i32
      %mul3A_130 = arith.muli %add3A_128, %mul3A_129 : i32
      %dma_wait3A_131 = arith.constant 1 : i32
      %dma_wait3A_132 = arith.constant 1 : i32
      %dma_wait3A_133 = arith.constant 0 : i32
      %dma_wait3A_134 = arith.constant 0 : i32
      %dma_wait3A_135 = tpu.memref_slice %arg4[%dma_wait3A_131, %dma_wait3A_133, %dma_wait3A_134] : memref<2x384x128xf32, #tpu.memory_space<vmem>> -> memref<1x384x128xf32, #tpu.memory_space<vmem>>
      %dma_wait3A_136 = tpu.memref_squeeze %dma_wait3A_135 : memref<1x384x128xf32, #tpu.memory_space<vmem>> -> memref<384x128xf32, #tpu.memory_space<vmem>>
      %dma_wait3A_137 = arith.constant 0 : i32
      %dma_wait3A_138 = tpu.memref_slice %arg2[%mul3A_130, %dma_wait3A_137] : memref<262144x128xf32, #tpu.memory_space<hbm>> -> memref<384x128xf32, #tpu.memory_space<hbm>>
      %dma_wait3A_139 = tpu.memref_slice %arg6[%dma_wait3A_132] : memref<2x!tpu.dma_semaphore, #tpu.memory_space<semaphore_mem>> -> memref<1x!tpu.dma_semaphore, #tpu.memory_space<semaphore_mem>>
      %dma_wait3A_140 = tpu.memref_squeeze %dma_wait3A_139 : memref<1x!tpu.dma_semaphore, #tpu.memory_space<semaphore_mem>> -> memref<!tpu.dma_semaphore, #tpu.memory_space<semaphore_mem>>
      %dma_wait3A_141 = arith.constant 0 : i32
      %dma_wait3A_142 = arith.constant 0 : i32
      %dma_wait3A_143 = tpu.memref_slice %arg4[%dma_wait3A_131, %dma_wait3A_141, %dma_wait3A_142] : memref<2x384x128xf32, #tpu.memory_space<vmem>> -> memref<1x384x128xf32, #tpu.memory_space<vmem>>
      %dma_wait3A_144 = tpu.memref_squeeze %dma_wait3A_143 : memref<1x384x128xf32, #tpu.memory_space<vmem>> -> memref<384x128xf32, #tpu.memory_space<vmem>>
      %dma_wait3A_145 = arith.constant 0 : i32
      %dma_wait3A_146 = tpu.memref_slice %arg2[%mul3A_130, %dma_wait3A_145] : memref<262144x128xf32, #tpu.memory_space<hbm>> -> memref<384x128xf32, #tpu.memory_space<hbm>>
      tpu.wait_dma2 semaphore(%dma_wait3A_140 : memref<!tpu.dma_semaphore, #tpu.memory_space<semaphore_mem>>) src(%dma_wait3A_146 : memref<384x128xf32, #tpu.memory_space<hbm>>) dst(%dma_wait3A_144 : memref<384x128xf32, #tpu.memory_space<vmem>>)
      %ge3A_147 = arith.constant 2 : i32
      %ge3A_148 = arith.cmpi sge, %add3A_118, %ge3A_147 : i32
      %convert_element_type3A_149 = arith.extui %ge3A_148 : i1 to i32
      %cond3A_150 = arith.constant 0 : i32
      %cond3A_151 = arith.cmpi ne, %convert_element_type3A_149, %cond3A_150 : i32
      scf.if %cond3A_151 {
        %sub3A = arith.constant 2 : i32
        %sub3A_174 = arith.subi %add3A_118, %sub3A : i32
        %mul3A_175 = arith.constant 24 : i32
        %mul3A_176 = arith.muli %sub3A_174, %mul3A_175 : i32
        %add3A_177 = arith.addi %mul3A_2, %mul3A_176 : i32
        %dma_wait3A_178 = arith.constant 1 : i32
        %dma_wait3A_179 = arith.constant 1 : i32
        %dma_wait3A_180 = arith.constant 0 : i32
        %dma_wait3A_181 = arith.constant 0 : i32
        %dma_wait3A_182 = tpu.memref_slice %arg5[%dma_wait3A_178, %dma_wait3A_180, %dma_wait3A_181] : memref<2x24x256xf32, #tpu.memory_space<vmem>> -> memref<1x24x256xf32, #tpu.memory_space<vmem>>
        %dma_wait3A_183 = tpu.memref_squeeze %dma_wait3A_182 : memref<1x24x256xf32, #tpu.memory_space<vmem>> -> memref<24x256xf32, #tpu.memory_space<vmem>>
        %dma_wait3A_184 = arith.constant 0 : i32
        %dma_wait3A_185 = tpu.memref_slice %arg3[%add3A_177, %dma_wait3A_184] : memref<9216x256xf32, #tpu.memory_space<hbm>> -> memref<24x256xf32, #tpu.memory_space<hbm>>
        %dma_wait3A_186 = tpu.memref_slice %arg7[%dma_wait3A_179] : memref<2x!tpu.dma_semaphore, #tpu.memory_space<semaphore_mem>> -> memref<1x!tpu.dma_semaphore, #tpu.memory_space<semaphore_mem>>
        %dma_wait3A_187 = tpu.memref_squeeze %dma_wait3A_186 : memref<1x!tpu.dma_semaphore, #tpu.memory_space<semaphore_mem>> -> memref<!tpu.dma_semaphore, #tpu.memory_space<semaphore_mem>>
        %dma_wait3A_188 = arith.constant 0 : i32
        %dma_wait3A_189 = tpu.memref_slice %arg3[%add3A_177, %dma_wait3A_188] : memref<9216x256xf32, #tpu.memory_space<hbm>> -> memref<24x256xf32, #tpu.memory_space<hbm>>
        %dma_wait3A_190 = arith.constant 0 : i32
        %dma_wait3A_191 = arith.constant 0 : i32
        %dma_wait3A_192 = tpu.memref_slice %arg5[%dma_wait3A_178, %dma_wait3A_190, %dma_wait3A_191] : memref<2x24x256xf32, #tpu.memory_space<vmem>> -> memref<1x24x256xf32, #tpu.memory_space<vmem>>
        %dma_wait3A_193 = tpu.memref_squeeze %dma_wait3A_192 : memref<1x24x256xf32, #tpu.memory_space<vmem>> -> memref<24x256xf32, #tpu.memory_space<vmem>>
        tpu.wait_dma2 semaphore(%dma_wait3A_187 : memref<!tpu.dma_semaphore, #tpu.memory_space<semaphore_mem>>) src(%dma_wait3A_193 : memref<24x256xf32, #tpu.memory_space<vmem>>) dst(%dma_wait3A_189 : memref<24x256xf32, #tpu.memory_space<hbm>>)
      } else {
      }
      %parallel_loop3A_152 = arith.constant 0 : i32
      %parallel_loop3A_153 = arith.constant 24 : i32
      %parallel_loop3A_154 = arith.constant 1 : i32
      scf.for %parallel_loop3A_174 = %parallel_loop3A_152 to %parallel_loop3A_153 step %parallel_loop3A_154  : i32 {
        %parallel_loop3A_175 = arith.constant 16 : i32
        %parallel_loop3A_176 = arith.muli %parallel_loop3A_174, %parallel_loop3A_175 : i32
        %parallel_loop3A_177 = arith.constant 1 : i32
        %parallel_loop3A_178 = arith.index_cast %parallel_loop3A_177 : i32 to index
        %parallel_loop3A_179 = arith.index_cast %parallel_loop3A_176 : i32 to index
        %parallel_loop3A_180 = arith.constant 0 : index
        %parallel_loop3A_181 = tpu.vector_load %arg4[%parallel_loop3A_178, %parallel_loop3A_179, %parallel_loop3A_180] {strides = array<i32>} : memref<2x384x128xf32, #tpu.memory_space<vmem>>, vector<1x1x16xf32>,
        %parallel_loop3A_182 = vector.shape_cast %parallel_loop3A_181 : vector<1x1x16xf32> to vector<16xf32>
        %parallel_loop3A_183 = arith.constant 1 : i32
        %parallel_loop3A_184 = arith.addi %parallel_loop3A_176, %parallel_loop3A_183 : i32
        %parallel_loop3A_185 = arith.constant 1 : i32
        %parallel_loop3A_186 = arith.index_cast %parallel_loop3A_185 : i32 to index
        %parallel_loop3A_187 = arith.index_cast %parallel_loop3A_184 : i32 to index
        %parallel_loop3A_188 = arith.constant 0 : index
        %parallel_loop3A_189 = tpu.vector_load %arg4[%parallel_loop3A_186, %parallel_loop3A_187, %parallel_loop3A_188] {strides = array<i32>} : memref<2x384x128xf32, #tpu.memory_space<vmem>>, vector<1x1x16xf32>,
        %parallel_loop3A_190 = vector.shape_cast %parallel_loop3A_189 : vector<1x1x16xf32> to vector<16xf32>
        %parallel_loop3A_191 = arith.addf %parallel_loop3A_182, %parallel_loop3A_190 : vector<16xf32>
        %parallel_loop3A_192 = arith.constant 2 : i32
        %parallel_loop3A_193 = arith.addi %parallel_loop3A_176, %parallel_loop3A_192 : i32
        %parallel_loop3A_194 = arith.constant 1 : i32
        %parallel_loop3A_195 = arith.index_cast %parallel_loop3A_194 : i32 to index
        %parallel_loop3A_196 = arith.index_cast %parallel_loop3A_193 : i32 to index
        %parallel_loop3A_197 = arith.constant 0 : index
        %parallel_loop3A_198 = tpu.vector_load %arg4[%parallel_loop3A_195, %parallel_loop3A_196, %parallel_loop3A_197] {strides = array<i32>} : memref<2x384x128xf32, #tpu.memory_space<vmem>>, vector<1x1x16xf32>,
        %parallel_loop3A_199 = vector.shape_cast %parallel_loop3A_198 : vector<1x1x16xf32> to vector<16xf32>
        %parallel_loop3A_200 = arith.addf %parallel_loop3A_191, %parallel_loop3A_199 : vector<16xf32>
        %parallel_loop3A_201 = arith.constant 3 : i32
        %parallel_loop3A_202 = arith.addi %parallel_loop3A_176, %parallel_loop3A_201 : i32
        %parallel_loop3A_203 = arith.constant 1 : i32
        %parallel_loop3A_204 = arith.index_cast %parallel_loop3A_203 : i32 to index
        %parallel_loop3A_205 = arith.index_cast %parallel_loop3A_202 : i32 to index
        %parallel_loop3A_206 = arith.constant 0 : index
        %parallel_loop3A_207 = tpu.vector_load %arg4[%parallel_loop3A_204, %parallel_loop3A_205, %parallel_loop3A_206] {strides = array<i32>} : memref<2x384x128xf32, #tpu.memory_space<vmem>>, vector<1x1x16xf32>,
        %parallel_loop3A_208 = vector.shape_cast %parallel_loop3A_207 : vector<1x1x16xf32> to vector<16xf32>
        %parallel_loop3A_209 = arith.addf %parallel_loop3A_200, %parallel_loop3A_208 : vector<16xf32>
        %parallel_loop3A_210 = arith.constant 4 : i32
        %parallel_loop3A_211 = arith.addi %parallel_loop3A_176, %parallel_loop3A_210 : i32
        %parallel_loop3A_212 = arith.constant 1 : i32
        %parallel_loop3A_213 = arith.index_cast %parallel_loop3A_212 : i32 to index
        %parallel_loop3A_214 = arith.index_cast %parallel_loop3A_211 : i32 to index
        %parallel_loop3A_215 = arith.constant 0 : index
        %parallel_loop3A_216 = tpu.vector_load %arg4[%parallel_loop3A_213, %parallel_loop3A_214, %parallel_loop3A_215] {strides = array<i32>} : memref<2x384x128xf32, #tpu.memory_space<vmem>>, vector<1x1x16xf32>,
        %parallel_loop3A_217 = vector.shape_cast %parallel_loop3A_216 : vector<1x1x16xf32> to vector<16xf32>
        %parallel_loop3A_218 = arith.addf %parallel_loop3A_209, %parallel_loop3A_217 : vector<16xf32>
        %parallel_loop3A_219 = arith.constant 5 : i32
        %parallel_loop3A_220 = arith.addi %parallel_loop3A_176, %parallel_loop3A_219 : i32
        %parallel_loop3A_221 = arith.constant 1 : i32
        %parallel_loop3A_222 = arith.index_cast %parallel_loop3A_221 : i32 to index
        %parallel_loop3A_223 = arith.index_cast %parallel_loop3A_220 : i32 to index
        %parallel_loop3A_224 = arith.constant 0 : index
        %parallel_loop3A_225 = tpu.vector_load %arg4[%parallel_loop3A_222, %parallel_loop3A_223, %parallel_loop3A_224] {strides = array<i32>} : memref<2x384x128xf32, #tpu.memory_space<vmem>>, vector<1x1x16xf32>,
        %parallel_loop3A_226 = vector.shape_cast %parallel_loop3A_225 : vector<1x1x16xf32> to vector<16xf32>
        %parallel_loop3A_227 = arith.addf %parallel_loop3A_218, %parallel_loop3A_226 : vector<16xf32>
        %parallel_loop3A_228 = arith.constant 6 : i32
        %parallel_loop3A_229 = arith.addi %parallel_loop3A_176, %parallel_loop3A_228 : i32
        %parallel_loop3A_230 = arith.constant 1 : i32
        %parallel_loop3A_231 = arith.index_cast %parallel_loop3A_230 : i32 to index
        %parallel_loop3A_232 = arith.index_cast %parallel_loop3A_229 : i32 to index
        %parallel_loop3A_233 = arith.constant 0 : index
        %parallel_loop3A_234 = tpu.vector_load %arg4[%parallel_loop3A_231, %parallel_loop3A_232, %parallel_loop3A_233] {strides = array<i32>} : memref<2x384x128xf32, #tpu.memory_space<vmem>>, vector<1x1x16xf32>,
        %parallel_loop3A_235 = vector.shape_cast %parallel_loop3A_234 : vector<1x1x16xf32> to vector<16xf32>
        %parallel_loop3A_236 = arith.addf %parallel_loop3A_227, %parallel_loop3A_235 : vector<16xf32>
        %parallel_loop3A_237 = arith.constant 7 : i32
        %parallel_loop3A_238 = arith.addi %parallel_loop3A_176, %parallel_loop3A_237 : i32
        %parallel_loop3A_239 = arith.constant 1 : i32
        %parallel_loop3A_240 = arith.index_cast %parallel_loop3A_239 : i32 to index
        %parallel_loop3A_241 = arith.index_cast %parallel_loop3A_238 : i32 to index
        %parallel_loop3A_242 = arith.constant 0 : index
        %parallel_loop3A_243 = tpu.vector_load %arg4[%parallel_loop3A_240, %parallel_loop3A_241, %parallel_loop3A_242] {strides = array<i32>} : memref<2x384x128xf32, #tpu.memory_space<vmem>>, vector<1x1x16xf32>,
        %parallel_loop3A_244 = vector.shape_cast %parallel_loop3A_243 : vector<1x1x16xf32> to vector<16xf32>
        %parallel_loop3A_245 = arith.addf %parallel_loop3A_236, %parallel_loop3A_244 : vector<16xf32>
        %parallel_loop3A_246 = arith.constant 8 : i32
        %parallel_loop3A_247 = arith.addi %parallel_loop3A_176, %parallel_loop3A_246 : i32
        %parallel_loop3A_248 = arith.constant 1 : i32
        %parallel_loop3A_249 = arith.index_cast %parallel_loop3A_248 : i32 to index
        %parallel_loop3A_250 = arith.index_cast %parallel_loop3A_247 : i32 to index
        %parallel_loop3A_251 = arith.constant 0 : index
        %parallel_loop3A_252 = tpu.vector_load %arg4[%parallel_loop3A_249, %parallel_loop3A_250, %parallel_loop3A_251] {strides = array<i32>} : memref<2x384x128xf32, #tpu.memory_space<vmem>>, vector<1x1x16xf32>,
        %parallel_loop3A_253 = vector.shape_cast %parallel_loop3A_252 : vector<1x1x16xf32> to vector<16xf32>
        %parallel_loop3A_254 = arith.addf %parallel_loop3A_245, %parallel_loop3A_253 : vector<16xf32>
        %parallel_loop3A_255 = arith.constant 9 : i32
        %parallel_loop3A_256 = arith.addi %parallel_loop3A_176, %parallel_loop3A_255 : i32
        %parallel_loop3A_257 = arith.constant 1 : i32
        %parallel_loop3A_258 = arith.index_cast %parallel_loop3A_257 : i32 to index
        %parallel_loop3A_259 = arith.index_cast %parallel_loop3A_256 : i32 to index
        %parallel_loop3A_260 = arith.constant 0 : index
        %parallel_loop3A_261 = tpu.vector_load %arg4[%parallel_loop3A_258, %parallel_loop3A_259, %parallel_loop3A_260] {strides = array<i32>} : memref<2x384x128xf32, #tpu.memory_space<vmem>>, vector<1x1x16xf32>,
        %parallel_loop3A_262 = vector.shape_cast %parallel_loop3A_261 : vector<1x1x16xf32> to vector<16xf32>
        %parallel_loop3A_263 = arith.addf %parallel_loop3A_254, %parallel_loop3A_262 : vector<16xf32>
        %parallel_loop3A_264 = arith.constant 10 : i32
        %parallel_loop3A_265 = arith.addi %parallel_loop3A_176, %parallel_loop3A_264 : i32
        %parallel_loop3A_266 = arith.constant 1 : i32
        %parallel_loop3A_267 = arith.index_cast %parallel_loop3A_266 : i32 to index
        %parallel_loop3A_268 = arith.index_cast %parallel_loop3A_265 : i32 to index
        %parallel_loop3A_269 = arith.constant 0 : index
        %parallel_loop3A_270 = tpu.vector_load %arg4[%parallel_loop3A_267, %parallel_loop3A_268, %parallel_loop3A_269] {strides = array<i32>} : memref<2x384x128xf32, #tpu.memory_space<vmem>>, vector<1x1x16xf32>,
        %parallel_loop3A_271 = vector.shape_cast %parallel_loop3A_270 : vector<1x1x16xf32> to vector<16xf32>
        %parallel_loop3A_272 = arith.addf %parallel_loop3A_263, %parallel_loop3A_271 : vector<16xf32>
        %parallel_loop3A_273 = arith.constant 11 : i32
        %parallel_loop3A_274 = arith.addi %parallel_loop3A_176, %parallel_loop3A_273 : i32
        %parallel_loop3A_275 = arith.constant 1 : i32
        %parallel_loop3A_276 = arith.index_cast %parallel_loop3A_275 : i32 to index
        %parallel_loop3A_277 = arith.index_cast %parallel_loop3A_274 : i32 to index
        %parallel_loop3A_278 = arith.constant 0 : index
        %parallel_loop3A_279 = tpu.vector_load %arg4[%parallel_loop3A_276, %parallel_loop3A_277, %parallel_loop3A_278] {strides = array<i32>} : memref<2x384x128xf32, #tpu.memory_space<vmem>>, vector<1x1x16xf32>,
        %parallel_loop3A_280 = vector.shape_cast %parallel_loop3A_279 : vector<1x1x16xf32> to vector<16xf32>
        %parallel_loop3A_281 = arith.addf %parallel_loop3A_272, %parallel_loop3A_280 : vector<16xf32>
        %parallel_loop3A_282 = arith.constant 12 : i32
        %parallel_loop3A_283 = arith.addi %parallel_loop3A_176, %parallel_loop3A_282 : i32
        %parallel_loop3A_284 = arith.constant 1 : i32
        %parallel_loop3A_285 = arith.index_cast %parallel_loop3A_284 : i32 to index
        %parallel_loop3A_286 = arith.index_cast %parallel_loop3A_283 : i32 to index
        %parallel_loop3A_287 = arith.constant 0 : index
        %parallel_loop3A_288 = tpu.vector_load %arg4[%parallel_loop3A_285, %parallel_loop3A_286, %parallel_loop3A_287] {strides = array<i32>} : memref<2x384x128xf32, #tpu.memory_space<vmem>>, vector<1x1x16xf32>,
        %parallel_loop3A_289 = vector.shape_cast %parallel_loop3A_288 : vector<1x1x16xf32> to vector<16xf32>
        %parallel_loop3A_290 = arith.addf %parallel_loop3A_281, %parallel_loop3A_289 : vector<16xf32>
        %parallel_loop3A_291 = arith.constant 13 : i32
        %parallel_loop3A_292 = arith.addi %parallel_loop3A_176, %parallel_loop3A_291 : i32
        %parallel_loop3A_293 = arith.constant 1 : i32
        %parallel_loop3A_294 = arith.index_cast %parallel_loop3A_293 : i32 to index
        %parallel_loop3A_295 = arith.index_cast %parallel_loop3A_292 : i32 to index
        %parallel_loop3A_296 = arith.constant 0 : index
        %parallel_loop3A_297 = tpu.vector_load %arg4[%parallel_loop3A_294, %parallel_loop3A_295, %parallel_loop3A_296] {strides = array<i32>} : memref<2x384x128xf32, #tpu.memory_space<vmem>>, vector<1x1x16xf32>,
        %parallel_loop3A_298 = vector.shape_cast %parallel_loop3A_297 : vector<1x1x16xf32> to vector<16xf32>
        %parallel_loop3A_299 = arith.addf %parallel_loop3A_290, %parallel_loop3A_298 : vector<16xf32>
        %parallel_loop3A_300 = arith.constant 14 : i32
        %parallel_loop3A_301 = arith.addi %parallel_loop3A_176, %parallel_loop3A_300 : i32
        %parallel_loop3A_302 = arith.constant 1 : i32
        %parallel_loop3A_303 = arith.index_cast %parallel_loop3A_302 : i32 to index
        %parallel_loop3A_304 = arith.index_cast %parallel_loop3A_301 : i32 to index
        %parallel_loop3A_305 = arith.constant 0 : index
        %parallel_loop3A_306 = tpu.vector_load %arg4[%parallel_loop3A_303, %parallel_loop3A_304, %parallel_loop3A_305] {strides = array<i32>} : memref<2x384x128xf32, #tpu.memory_space<vmem>>, vector<1x1x16xf32>,
        %parallel_loop3A_307 = vector.shape_cast %parallel_loop3A_306 : vector<1x1x16xf32> to vector<16xf32>
        %parallel_loop3A_308 = arith.addf %parallel_loop3A_299, %parallel_loop3A_307 : vector<16xf32>
        %parallel_loop3A_309 = arith.constant 0.0666666701 : f32
        %parallel_loop3A_310 = vector.broadcast %parallel_loop3A_309 : f32 to vector<16xf32>
        %parallel_loop3A_311 = arith.mulf %parallel_loop3A_308, %parallel_loop3A_310 : vector<16xf32>
        %parallel_loop3A_312 = arith.constant 1 : i32
        %parallel_loop3A_313 = arith.index_cast %parallel_loop3A_312 : i32 to index
        %parallel_loop3A_314 = arith.index_cast %parallel_loop3A_174 : i32 to index
        %parallel_loop3A_315 = arith.constant 0 : index
        %parallel_loop3A_316 = tpu.vector_load %arg5[%parallel_loop3A_313, %parallel_loop3A_314, %parallel_loop3A_315] {strides = array<i32>} : memref<2x24x256xf32, #tpu.memory_space<vmem>>, vector<1x1x16xf32>,
        %parallel_loop3A_317 = vector.shape_cast %parallel_loop3A_316 : vector<1x1x16xf32> to vector<16xf32>
        %parallel_loop3A_318 = vector.shape_cast %parallel_loop3A_311 : vector<16xf32> to vector<1x1x16xf32>
        tpu.vector_store %arg5[%parallel_loop3A_313, %parallel_loop3A_314, %parallel_loop3A_315], %parallel_loop3A_318 {strides = array<i32>} : memref<2x24x256xf32, #tpu.memory_space<vmem>>, vector<1x1x16xf32>,
        %parallel_loop3A_319 = arith.constant 16 : i32
        %parallel_loop3A_320 = arith.addi %parallel_loop3A_176, %parallel_loop3A_319 : i32
        %parallel_loop3A_321 = arith.constant 1 : i32
        %parallel_loop3A_322 = arith.subi %parallel_loop3A_320, %parallel_loop3A_321 : i32
        %parallel_loop3A_323 = arith.constant 1 : i32
        %parallel_loop3A_324 = arith.index_cast %parallel_loop3A_323 : i32 to index
        %parallel_loop3A_325 = arith.index_cast %parallel_loop3A_322 : i32 to index
        %parallel_loop3A_326 = arith.constant 0 : index
        %parallel_loop3A_327 = tpu.vector_load %arg4[%parallel_loop3A_324, %parallel_loop3A_325, %parallel_loop3A_326] {strides = array<i32>} : memref<2x384x128xf32, #tpu.memory_space<vmem>>, vector<1x1x16xf32>,
        %parallel_loop3A_328 = vector.shape_cast %parallel_loop3A_327 : vector<1x1x16xf32> to vector<16xf32>
        %parallel_loop3A_329 = arith.constant 1 : i32
        %parallel_loop3A_330 = arith.index_cast %parallel_loop3A_329 : i32 to index
        %parallel_loop3A_331 = arith.index_cast %parallel_loop3A_174 : i32 to index
        %parallel_loop3A_332 = arith.constant 128 : index
        %parallel_loop3A_333 = tpu.vector_load %arg5[%parallel_loop3A_330, %parallel_loop3A_331, %parallel_loop3A_332] {strides = array<i32>} : memref<2x24x256xf32, #tpu.memory_space<vmem>>, vector<1x1x16xf32>,
        %parallel_loop3A_334 = vector.shape_cast %parallel_loop3A_333 : vector<1x1x16xf32> to vector<16xf32>
        %parallel_loop3A_335 = vector.shape_cast %parallel_loop3A_328 : vector<16xf32> to vector<1x1x16xf32>
        tpu.vector_store %arg5[%parallel_loop3A_330, %parallel_loop3A_331, %parallel_loop3A_332], %parallel_loop3A_335 {strides = array<i32>} : memref<2x24x256xf32, #tpu.memory_space<vmem>>, vector<1x1x16xf32>,
        %parallel_loop3A_336 = arith.constant 1 : i32
        %parallel_loop3A_337 = arith.index_cast %parallel_loop3A_336 : i32 to index
        %parallel_loop3A_338 = arith.index_cast %parallel_loop3A_176 : i32 to index
        %parallel_loop3A_339 = arith.constant 16 : index
        %parallel_loop3A_340 = tpu.vector_load %arg4[%parallel_loop3A_337, %parallel_loop3A_338, %parallel_loop3A_339] {strides = array<i32>} : memref<2x384x128xf32, #tpu.memory_space<vmem>>, vector<1x1x16xf32>,
        %parallel_loop3A_341 = vector.shape_cast %parallel_loop3A_340 : vector<1x1x16xf32> to vector<16xf32>
        %parallel_loop3A_342 = arith.constant 1 : i32
        %parallel_loop3A_343 = arith.addi %parallel_loop3A_176, %parallel_loop3A_342 : i32
        %parallel_loop3A_344 = arith.constant 1 : i32
        %parallel_loop3A_345 = arith.index_cast %parallel_loop3A_344 : i32 to index
        %parallel_loop3A_346 = arith.index_cast %parallel_loop3A_343 : i32 to index
        %parallel_loop3A_347 = arith.constant 16 : index
        %parallel_loop3A_348 = tpu.vector_load %arg4[%parallel_loop3A_345, %parallel_loop3A_346, %parallel_loop3A_347] {strides = array<i32>} : memref<2x384x128xf32, #tpu.memory_space<vmem>>, vector<1x1x16xf32>,
        %parallel_loop3A_349 = vector.shape_cast %parallel_loop3A_348 : vector<1x1x16xf32> to vector<16xf32>
        %parallel_loop3A_350 = arith.addf %parallel_loop3A_341, %parallel_loop3A_349 : vector<16xf32>
        %parallel_loop3A_351 = arith.constant 2 : i32
        %parallel_loop3A_352 = arith.addi %parallel_loop3A_176, %parallel_loop3A_351 : i32
        %parallel_loop3A_353 = arith.constant 1 : i32
        %parallel_loop3A_354 = arith.index_cast %parallel_loop3A_353 : i32 to index
        %parallel_loop3A_355 = arith.index_cast %parallel_loop3A_352 : i32 to index
        %parallel_loop3A_356 = arith.constant 16 : index
        %parallel_loop3A_357 = tpu.vector_load %arg4[%parallel_loop3A_354, %parallel_loop3A_355, %parallel_loop3A_356] {strides = array<i32>} : memref<2x384x128xf32, #tpu.memory_space<vmem>>, vector<1x1x16xf32>,
        %parallel_loop3A_358 = vector.shape_cast %parallel_loop3A_357 : vector<1x1x16xf32> to vector<16xf32>
        %parallel_loop3A_359 = arith.addf %parallel_loop3A_350, %parallel_loop3A_358 : vector<16xf32>
        %parallel_loop3A_360 = arith.constant 3 : i32
        %parallel_loop3A_361 = arith.addi %parallel_loop3A_176, %parallel_loop3A_360 : i32
        %parallel_loop3A_362 = arith.constant 1 : i32
        %parallel_loop3A_363 = arith.index_cast %parallel_loop3A_362 : i32 to index
        %parallel_loop3A_364 = arith.index_cast %parallel_loop3A_361 : i32 to index
        %parallel_loop3A_365 = arith.constant 16 : index
        %parallel_loop3A_366 = tpu.vector_load %arg4[%parallel_loop3A_363, %parallel_loop3A_364, %parallel_loop3A_365] {strides = array<i32>} : memref<2x384x128xf32, #tpu.memory_space<vmem>>, vector<1x1x16xf32>,
        %parallel_loop3A_367 = vector.shape_cast %parallel_loop3A_366 : vector<1x1x16xf32> to vector<16xf32>
        %parallel_loop3A_368 = arith.addf %parallel_loop3A_359, %parallel_loop3A_367 : vector<16xf32>
        %parallel_loop3A_369 = arith.constant 4 : i32
        %parallel_loop3A_370 = arith.addi %parallel_loop3A_176, %parallel_loop3A_369 : i32
        %parallel_loop3A_371 = arith.constant 1 : i32
        %parallel_loop3A_372 = arith.index_cast %parallel_loop3A_371 : i32 to index
        %parallel_loop3A_373 = arith.index_cast %parallel_loop3A_370 : i32 to index
        %parallel_loop3A_374 = arith.constant 16 : index
        %parallel_loop3A_375 = tpu.vector_load %arg4[%parallel_loop3A_372, %parallel_loop3A_373, %parallel_loop3A_374] {strides = array<i32>} : memref<2x384x128xf32, #tpu.memory_space<vmem>>, vector<1x1x16xf32>,
        %parallel_loop3A_376 = vector.shape_cast %parallel_loop3A_375 : vector<1x1x16xf32> to vector<16xf32>
        %parallel_loop3A_377 = arith.addf %parallel_loop3A_368, %parallel_loop3A_376 : vector<16xf32>
        %parallel_loop3A_378 = arith.constant 5 : i32
        %parallel_loop3A_379 = arith.addi %parallel_loop3A_176, %parallel_loop3A_378 : i32
        %parallel_loop3A_380 = arith.constant 1 : i32
        %parallel_loop3A_381 = arith.index_cast %parallel_loop3A_380 : i32 to index
        %parallel_loop3A_382 = arith.index_cast %parallel_loop3A_379 : i32 to index
        %parallel_loop3A_383 = arith.constant 16 : index
        %parallel_loop3A_384 = tpu.vector_load %arg4[%parallel_loop3A_381, %parallel_loop3A_382, %parallel_loop3A_383] {strides = array<i32>} : memref<2x384x128xf32, #tpu.memory_space<vmem>>, vector<1x1x16xf32>,
        %parallel_loop3A_385 = vector.shape_cast %parallel_loop3A_384 : vector<1x1x16xf32> to vector<16xf32>
        %parallel_loop3A_386 = arith.addf %parallel_loop3A_377, %parallel_loop3A_385 : vector<16xf32>
        %parallel_loop3A_387 = arith.constant 6 : i32
        %parallel_loop3A_388 = arith.addi %parallel_loop3A_176, %parallel_loop3A_387 : i32
        %parallel_loop3A_389 = arith.constant 1 : i32
        %parallel_loop3A_390 = arith.index_cast %parallel_loop3A_389 : i32 to index
        %parallel_loop3A_391 = arith.index_cast %parallel_loop3A_388 : i32 to index
        %parallel_loop3A_392 = arith.constant 16 : index
        %parallel_loop3A_393 = tpu.vector_load %arg4[%parallel_loop3A_390, %parallel_loop3A_391, %parallel_loop3A_392] {strides = array<i32>} : memref<2x384x128xf32, #tpu.memory_space<vmem>>, vector<1x1x16xf32>,
        %parallel_loop3A_394 = vector.shape_cast %parallel_loop3A_393 : vector<1x1x16xf32> to vector<16xf32>
        %parallel_loop3A_395 = arith.addf %parallel_loop3A_386, %parallel_loop3A_394 : vector<16xf32>
        %parallel_loop3A_396 = arith.constant 7 : i32
        %parallel_loop3A_397 = arith.addi %parallel_loop3A_176, %parallel_loop3A_396 : i32
        %parallel_loop3A_398 = arith.constant 1 : i32
        %parallel_loop3A_399 = arith.index_cast %parallel_loop3A_398 : i32 to index
        %parallel_loop3A_400 = arith.index_cast %parallel_loop3A_397 : i32 to index
        %parallel_loop3A_401 = arith.constant 16 : index
        %parallel_loop3A_402 = tpu.vector_load %arg4[%parallel_loop3A_399, %parallel_loop3A_400, %parallel_loop3A_401] {strides = array<i32>} : memref<2x384x128xf32, #tpu.memory_space<vmem>>, vector<1x1x16xf32>,
        %parallel_loop3A_403 = vector.shape_cast %parallel_loop3A_402 : vector<1x1x16xf32> to vector<16xf32>
        %parallel_loop3A_404 = arith.addf %parallel_loop3A_395, %parallel_loop3A_403 : vector<16xf32>
        %parallel_loop3A_405 = arith.constant 8 : i32
        %parallel_loop3A_406 = arith.addi %parallel_loop3A_176, %parallel_loop3A_405 : i32
        %parallel_loop3A_407 = arith.constant 1 : i32
        %parallel_loop3A_408 = arith.index_cast %parallel_loop3A_407 : i32 to index
        %parallel_loop3A_409 = arith.index_cast %parallel_loop3A_406 : i32 to index
        %parallel_loop3A_410 = arith.constant 16 : index
        %parallel_loop3A_411 = tpu.vector_load %arg4[%parallel_loop3A_408, %parallel_loop3A_409, %parallel_loop3A_410] {strides = array<i32>} : memref<2x384x128xf32, #tpu.memory_space<vmem>>, vector<1x1x16xf32>,
        %parallel_loop3A_412 = vector.shape_cast %parallel_loop3A_411 : vector<1x1x16xf32> to vector<16xf32>
        %parallel_loop3A_413 = arith.addf %parallel_loop3A_404, %parallel_loop3A_412 : vector<16xf32>
        %parallel_loop3A_414 = arith.constant 9 : i32
        %parallel_loop3A_415 = arith.addi %parallel_loop3A_176, %parallel_loop3A_414 : i32
        %parallel_loop3A_416 = arith.constant 1 : i32
        %parallel_loop3A_417 = arith.index_cast %parallel_loop3A_416 : i32 to index
        %parallel_loop3A_418 = arith.index_cast %parallel_loop3A_415 : i32 to index
        %parallel_loop3A_419 = arith.constant 16 : index
        %parallel_loop3A_420 = tpu.vector_load %arg4[%parallel_loop3A_417, %parallel_loop3A_418, %parallel_loop3A_419] {strides = array<i32>} : memref<2x384x128xf32, #tpu.memory_space<vmem>>, vector<1x1x16xf32>,
        %parallel_loop3A_421 = vector.shape_cast %parallel_loop3A_420 : vector<1x1x16xf32> to vector<16xf32>
        %parallel_loop3A_422 = arith.addf %parallel_loop3A_413, %parallel_loop3A_421 : vector<16xf32>
        %parallel_loop3A_423 = arith.constant 10 : i32
        %parallel_loop3A_424 = arith.addi %parallel_loop3A_176, %parallel_loop3A_423 : i32
        %parallel_loop3A_425 = arith.constant 1 : i32
        %parallel_loop3A_426 = arith.index_cast %parallel_loop3A_425 : i32 to index
        %parallel_loop3A_427 = arith.index_cast %parallel_loop3A_424 : i32 to index
        %parallel_loop3A_428 = arith.constant 16 : index
        %parallel_loop3A_429 = tpu.vector_load %arg4[%parallel_loop3A_426, %parallel_loop3A_427, %parallel_loop3A_428] {strides = array<i32>} : memref<2x384x128xf32, #tpu.memory_space<vmem>>, vector<1x1x16xf32>,
        %parallel_loop3A_430 = vector.shape_cast %parallel_loop3A_429 : vector<1x1x16xf32> to vector<16xf32>
        %parallel_loop3A_431 = arith.addf %parallel_loop3A_422, %parallel_loop3A_430 : vector<16xf32>
        %parallel_loop3A_432 = arith.constant 11 : i32
        %parallel_loop3A_433 = arith.addi %parallel_loop3A_176, %parallel_loop3A_432 : i32
        %parallel_loop3A_434 = arith.constant 1 : i32
        %parallel_loop3A_435 = arith.index_cast %parallel_loop3A_434 : i32 to index
        %parallel_loop3A_436 = arith.index_cast %parallel_loop3A_433 : i32 to index
        %parallel_loop3A_437 = arith.constant 16 : index
        %parallel_loop3A_438 = tpu.vector_load %arg4[%parallel_loop3A_435, %parallel_loop3A_436, %parallel_loop3A_437] {strides = array<i32>} : memref<2x384x128xf32, #tpu.memory_space<vmem>>, vector<1x1x16xf32>,
        %parallel_loop3A_439 = vector.shape_cast %parallel_loop3A_438 : vector<1x1x16xf32> to vector<16xf32>
        %parallel_loop3A_440 = arith.addf %parallel_loop3A_431, %parallel_loop3A_439 : vector<16xf32>
        %parallel_loop3A_441 = arith.constant 12 : i32
        %parallel_loop3A_442 = arith.addi %parallel_loop3A_176, %parallel_loop3A_441 : i32
        %parallel_loop3A_443 = arith.constant 1 : i32
        %parallel_loop3A_444 = arith.index_cast %parallel_loop3A_443 : i32 to index
        %parallel_loop3A_445 = arith.index_cast %parallel_loop3A_442 : i32 to index
        %parallel_loop3A_446 = arith.constant 16 : index
        %parallel_loop3A_447 = tpu.vector_load %arg4[%parallel_loop3A_444, %parallel_loop3A_445, %parallel_loop3A_446] {strides = array<i32>} : memref<2x384x128xf32, #tpu.memory_space<vmem>>, vector<1x1x16xf32>,
        %parallel_loop3A_448 = vector.shape_cast %parallel_loop3A_447 : vector<1x1x16xf32> to vector<16xf32>
        %parallel_loop3A_449 = arith.addf %parallel_loop3A_440, %parallel_loop3A_448 : vector<16xf32>
        %parallel_loop3A_450 = arith.constant 13 : i32
        %parallel_loop3A_451 = arith.addi %parallel_loop3A_176, %parallel_loop3A_450 : i32
        %parallel_loop3A_452 = arith.constant 1 : i32
        %parallel_loop3A_453 = arith.index_cast %parallel_loop3A_452 : i32 to index
        %parallel_loop3A_454 = arith.index_cast %parallel_loop3A_451 : i32 to index
        %parallel_loop3A_455 = arith.constant 16 : index
        %parallel_loop3A_456 = tpu.vector_load %arg4[%parallel_loop3A_453, %parallel_loop3A_454, %parallel_loop3A_455] {strides = array<i32>} : memref<2x384x128xf32, #tpu.memory_space<vmem>>, vector<1x1x16xf32>,
        %parallel_loop3A_457 = vector.shape_cast %parallel_loop3A_456 : vector<1x1x16xf32> to vector<16xf32>
        %parallel_loop3A_458 = arith.addf %parallel_loop3A_449, %parallel_loop3A_457 : vector<16xf32>
        %parallel_loop3A_459 = arith.constant 14 : i32
        %parallel_loop3A_460 = arith.addi %parallel_loop3A_176, %parallel_loop3A_459 : i32
        %parallel_loop3A_461 = arith.constant 1 : i32
        %parallel_loop3A_462 = arith.index_cast %parallel_loop3A_461 : i32 to index
        %parallel_loop3A_463 = arith.index_cast %parallel_loop3A_460 : i32 to index
        %parallel_loop3A_464 = arith.constant 16 : index
        %parallel_loop3A_465 = tpu.vector_load %arg4[%parallel_loop3A_462, %parallel_loop3A_463, %parallel_loop3A_464] {strides = array<i32>} : memref<2x384x128xf32, #tpu.memory_space<vmem>>, vector<1x1x16xf32>,
        %parallel_loop3A_466 = vector.shape_cast %parallel_loop3A_465 : vector<1x1x16xf32> to vector<16xf32>
        %parallel_loop3A_467 = arith.addf %parallel_loop3A_458, %parallel_loop3A_466 : vector<16xf32>
        %parallel_loop3A_468 = arith.constant 0.0666666701 : f32
        %parallel_loop3A_469 = vector.broadcast %parallel_loop3A_468 : f32 to vector<16xf32>
        %parallel_loop3A_470 = arith.mulf %parallel_loop3A_467, %parallel_loop3A_469 : vector<16xf32>
        %parallel_loop3A_471 = arith.constant 1 : i32
        %parallel_loop3A_472 = arith.index_cast %parallel_loop3A_471 : i32 to index
        %parallel_loop3A_473 = arith.index_cast %parallel_loop3A_174 : i32 to index
        %parallel_loop3A_474 = arith.constant 16 : index
        %parallel_loop3A_475 = tpu.vector_load %arg5[%parallel_loop3A_472, %parallel_loop3A_473, %parallel_loop3A_474] {strides = array<i32>} : memref<2x24x256xf32, #tpu.memory_space<vmem>>, vector<1x1x16xf32>,
        %parallel_loop3A_476 = vector.shape_cast %parallel_loop3A_475 : vector<1x1x16xf32> to vector<16xf32>
        %parallel_loop3A_477 = vector.shape_cast %parallel_loop3A_470 : vector<16xf32> to vector<1x1x16xf32>
        tpu.vector_store %arg5[%parallel_loop3A_472, %parallel_loop3A_473, %parallel_loop3A_474], %parallel_loop3A_477 {strides = array<i32>} : memref<2x24x256xf32, #tpu.memory_space<vmem>>, vector<1x1x16xf32>,
        %parallel_loop3A_478 = arith.constant 16 : i32
        %parallel_loop3A_479 = arith.addi %parallel_loop3A_176, %parallel_loop3A_478 : i32
        %parallel_loop3A_480 = arith.constant 1 : i32
        %parallel_loop3A_481 = arith.subi %parallel_loop3A_479, %parallel_loop3A_480 : i32
        %parallel_loop3A_482 = arith.constant 1 : i32
        %parallel_loop3A_483 = arith.index_cast %parallel_loop3A_482 : i32 to index
        %parallel_loop3A_484 = arith.index_cast %parallel_loop3A_481 : i32 to index
        %parallel_loop3A_485 = arith.constant 16 : index
        %parallel_loop3A_486 = tpu.vector_load %arg4[%parallel_loop3A_483, %parallel_loop3A_484, %parallel_loop3A_485] {strides = array<i32>} : memref<2x384x128xf32, #tpu.memory_space<vmem>>, vector<1x1x16xf32>,
        %parallel_loop3A_487 = vector.shape_cast %parallel_loop3A_486 : vector<1x1x16xf32> to vector<16xf32>
        %parallel_loop3A_488 = arith.constant 1 : i32
        %parallel_loop3A_489 = arith.index_cast %parallel_loop3A_488 : i32 to index
        %parallel_loop3A_490 = arith.index_cast %parallel_loop3A_174 : i32 to index
        %parallel_loop3A_491 = arith.constant 144 : index
        %parallel_loop3A_492 = tpu.vector_load %arg5[%parallel_loop3A_489, %parallel_loop3A_490, %parallel_loop3A_491] {strides = array<i32>} : memref<2x24x256xf32, #tpu.memory_space<vmem>>, vector<1x1x16xf32>,
        %parallel_loop3A_493 = vector.shape_cast %parallel_loop3A_492 : vector<1x1x16xf32> to vector<16xf32>
        %parallel_loop3A_494 = vector.shape_cast %parallel_loop3A_487 : vector<16xf32> to vector<1x1x16xf32>
        tpu.vector_store %arg5[%parallel_loop3A_489, %parallel_loop3A_490, %parallel_loop3A_491], %parallel_loop3A_494 {strides = array<i32>} : memref<2x24x256xf32, #tpu.memory_space<vmem>>, vector<1x1x16xf32>,
        %parallel_loop3A_495 = arith.constant 1 : i32
        %parallel_loop3A_496 = arith.index_cast %parallel_loop3A_495 : i32 to index
        %parallel_loop3A_497 = arith.index_cast %parallel_loop3A_176 : i32 to index
        %parallel_loop3A_498 = arith.constant 32 : index
        %parallel_loop3A_499 = tpu.vector_load %arg4[%parallel_loop3A_496, %parallel_loop3A_497, %parallel_loop3A_498] {strides = array<i32>} : memref<2x384x128xf32, #tpu.memory_space<vmem>>, vector<1x1x16xf32>,
        %parallel_loop3A_500 = vector.shape_cast %parallel_loop3A_499 : vector<1x1x16xf32> to vector<16xf32>
        %parallel_loop3A_501 = arith.constant 1 : i32
        %parallel_loop3A_502 = arith.addi %parallel_loop3A_176, %parallel_loop3A_501 : i32
        %parallel_loop3A_503 = arith.constant 1 : i32
        %parallel_loop3A_504 = arith.index_cast %parallel_loop3A_503 : i32 to index
        %parallel_loop3A_505 = arith.index_cast %parallel_loop3A_502 : i32 to index
        %parallel_loop3A_506 = arith.constant 32 : index
        %parallel_loop3A_507 = tpu.vector_load %arg4[%parallel_loop3A_504, %parallel_loop3A_505, %parallel_loop3A_506] {strides = array<i32>} : memref<2x384x128xf32, #tpu.memory_space<vmem>>, vector<1x1x16xf32>,
        %parallel_loop3A_508 = vector.shape_cast %parallel_loop3A_507 : vector<1x1x16xf32> to vector<16xf32>
        %parallel_loop3A_509 = arith.addf %parallel_loop3A_500, %parallel_loop3A_508 : vector<16xf32>
        %parallel_loop3A_510 = arith.constant 2 : i32
        %parallel_loop3A_511 = arith.addi %parallel_loop3A_176, %parallel_loop3A_510 : i32
        %parallel_loop3A_512 = arith.constant 1 : i32
        %parallel_loop3A_513 = arith.index_cast %parallel_loop3A_512 : i32 to index
        %parallel_loop3A_514 = arith.index_cast %parallel_loop3A_511 : i32 to index
        %parallel_loop3A_515 = arith.constant 32 : index
        %parallel_loop3A_516 = tpu.vector_load %arg4[%parallel_loop3A_513, %parallel_loop3A_514, %parallel_loop3A_515] {strides = array<i32>} : memref<2x384x128xf32, #tpu.memory_space<vmem>>, vector<1x1x16xf32>,
        %parallel_loop3A_517 = vector.shape_cast %parallel_loop3A_516 : vector<1x1x16xf32> to vector<16xf32>
        %parallel_loop3A_518 = arith.addf %parallel_loop3A_509, %parallel_loop3A_517 : vector<16xf32>
        %parallel_loop3A_519 = arith.constant 3 : i32
        %parallel_loop3A_520 = arith.addi %parallel_loop3A_176, %parallel_loop3A_519 : i32
        %parallel_loop3A_521 = arith.constant 1 : i32
        %parallel_loop3A_522 = arith.index_cast %parallel_loop3A_521 : i32 to index
        %parallel_loop3A_523 = arith.index_cast %parallel_loop3A_520 : i32 to index
        %parallel_loop3A_524 = arith.constant 32 : index
        %parallel_loop3A_525 = tpu.vector_load %arg4[%parallel_loop3A_522, %parallel_loop3A_523, %parallel_loop3A_524] {strides = array<i32>} : memref<2x384x128xf32, #tpu.memory_space<vmem>>, vector<1x1x16xf32>,
        %parallel_loop3A_526 = vector.shape_cast %parallel_loop3A_525 : vector<1x1x16xf32> to vector<16xf32>
        %parallel_loop3A_527 = arith.addf %parallel_loop3A_518, %parallel_loop3A_526 : vector<16xf32>
        %parallel_loop3A_528 = arith.constant 4 : i32
        %parallel_loop3A_529 = arith.addi %parallel_loop3A_176, %parallel_loop3A_528 : i32
        %parallel_loop3A_530 = arith.constant 1 : i32
        %parallel_loop3A_531 = arith.index_cast %parallel_loop3A_530 : i32 to index
        %parallel_loop3A_532 = arith.index_cast %parallel_loop3A_529 : i32 to index
        %parallel_loop3A_533 = arith.constant 32 : index
        %parallel_loop3A_534 = tpu.vector_load %arg4[%parallel_loop3A_531, %parallel_loop3A_532, %parallel_loop3A_533] {strides = array<i32>} : memref<2x384x128xf32, #tpu.memory_space<vmem>>, vector<1x1x16xf32>,
        %parallel_loop3A_535 = vector.shape_cast %parallel_loop3A_534 : vector<1x1x16xf32> to vector<16xf32>
        %parallel_loop3A_536 = arith.addf %parallel_loop3A_527, %parallel_loop3A_535 : vector<16xf32>
        %parallel_loop3A_537 = arith.constant 5 : i32
        %parallel_loop3A_538 = arith.addi %parallel_loop3A_176, %parallel_loop3A_537 : i32
        %parallel_loop3A_539 = arith.constant 1 : i32
        %parallel_loop3A_540 = arith.index_cast %parallel_loop3A_539 : i32 to index
        %parallel_loop3A_541 = arith.index_cast %parallel_loop3A_538 : i32 to index
        %parallel_loop3A_542 = arith.constant 32 : index
        %parallel_loop3A_543 = tpu.vector_load %arg4[%parallel_loop3A_540, %parallel_loop3A_541, %parallel_loop3A_542] {strides = array<i32>} : memref<2x384x128xf32, #tpu.memory_space<vmem>>, vector<1x1x16xf32>,
        %parallel_loop3A_544 = vector.shape_cast %parallel_loop3A_543 : vector<1x1x16xf32> to vector<16xf32>
        %parallel_loop3A_545 = arith.addf %parallel_loop3A_536, %parallel_loop3A_544 : vector<16xf32>
        %parallel_loop3A_546 = arith.constant 6 : i32
        %parallel_loop3A_547 = arith.addi %parallel_loop3A_176, %parallel_loop3A_546 : i32
        %parallel_loop3A_548 = arith.constant 1 : i32
        %parallel_loop3A_549 = arith.index_cast %parallel_loop3A_548 : i32 to index
        %parallel_loop3A_550 = arith.index_cast %parallel_loop3A_547 : i32 to index
        %parallel_loop3A_551 = arith.constant 32 : index
        %parallel_loop3A_552 = tpu.vector_load %arg4[%parallel_loop3A_549, %parallel_loop3A_550, %parallel_loop3A_551] {strides = array<i32>} : memref<2x384x128xf32, #tpu.memory_space<vmem>>, vector<1x1x16xf32>,
        %parallel_loop3A_553 = vector.shape_cast %parallel_loop3A_552 : vector<1x1x16xf32> to vector<16xf32>
        %parallel_loop3A_554 = arith.addf %parallel_loop3A_545, %parallel_loop3A_553 : vector<16xf32>
        %parallel_loop3A_555 = arith.constant 7 : i32
        %parallel_loop3A_556 = arith.addi %parallel_loop3A_176, %parallel_loop3A_555 : i32
        %parallel_loop3A_557 = arith.constant 1 : i32
        %parallel_loop3A_558 = arith.index_cast %parallel_loop3A_557 : i32 to index
        %parallel_loop3A_559 = arith.index_cast %parallel_loop3A_556 : i32 to index
        %parallel_loop3A_560 = arith.constant 32 : index
        %parallel_loop3A_561 = tpu.vector_load %arg4[%parallel_loop3A_558, %parallel_loop3A_559, %parallel_loop3A_560] {strides = array<i32>} : memref<2x384x128xf32, #tpu.memory_space<vmem>>, vector<1x1x16xf32>,
        %parallel_loop3A_562 = vector.shape_cast %parallel_loop3A_561 : vector<1x1x16xf32> to vector<16xf32>
        %parallel_loop3A_563 = arith.addf %parallel_loop3A_554, %parallel_loop3A_562 : vector<16xf32>
        %parallel_loop3A_564 = arith.constant 8 : i32
        %parallel_loop3A_565 = arith.addi %parallel_loop3A_176, %parallel_loop3A_564 : i32
        %parallel_loop3A_566 = arith.constant 1 : i32
        %parallel_loop3A_567 = arith.index_cast %parallel_loop3A_566 : i32 to index
        %parallel_loop3A_568 = arith.index_cast %parallel_loop3A_565 : i32 to index
        %parallel_loop3A_569 = arith.constant 32 : index
        %parallel_loop3A_570 = tpu.vector_load %arg4[%parallel_loop3A_567, %parallel_loop3A_568, %parallel_loop3A_569] {strides = array<i32>} : memref<2x384x128xf32, #tpu.memory_space<vmem>>, vector<1x1x16xf32>,
        %parallel_loop3A_571 = vector.shape_cast %parallel_loop3A_570 : vector<1x1x16xf32> to vector<16xf32>
        %parallel_loop3A_572 = arith.addf %parallel_loop3A_563, %parallel_loop3A_571 : vector<16xf32>
        %parallel_loop3A_573 = arith.constant 9 : i32
        %parallel_loop3A_574 = arith.addi %parallel_loop3A_176, %parallel_loop3A_573 : i32
        %parallel_loop3A_575 = arith.constant 1 : i32
        %parallel_loop3A_576 = arith.index_cast %parallel_loop3A_575 : i32 to index
        %parallel_loop3A_577 = arith.index_cast %parallel_loop3A_574 : i32 to index
        %parallel_loop3A_578 = arith.constant 32 : index
        %parallel_loop3A_579 = tpu.vector_load %arg4[%parallel_loop3A_576, %parallel_loop3A_577, %parallel_loop3A_578] {strides = array<i32>} : memref<2x384x128xf32, #tpu.memory_space<vmem>>, vector<1x1x16xf32>,
        %parallel_loop3A_580 = vector.shape_cast %parallel_loop3A_579 : vector<1x1x16xf32> to vector<16xf32>
        %parallel_loop3A_581 = arith.addf %parallel_loop3A_572, %parallel_loop3A_580 : vector<16xf32>
        %parallel_loop3A_582 = arith.constant 10 : i32
        %parallel_loop3A_583 = arith.addi %parallel_loop3A_176, %parallel_loop3A_582 : i32
        %parallel_loop3A_584 = arith.constant 1 : i32
        %parallel_loop3A_585 = arith.index_cast %parallel_loop3A_584 : i32 to index
        %parallel_loop3A_586 = arith.index_cast %parallel_loop3A_583 : i32 to index
        %parallel_loop3A_587 = arith.constant 32 : index
        %parallel_loop3A_588 = tpu.vector_load %arg4[%parallel_loop3A_585, %parallel_loop3A_586, %parallel_loop3A_587] {strides = array<i32>} : memref<2x384x128xf32, #tpu.memory_space<vmem>>, vector<1x1x16xf32>,
        %parallel_loop3A_589 = vector.shape_cast %parallel_loop3A_588 : vector<1x1x16xf32> to vector<16xf32>
        %parallel_loop3A_590 = arith.addf %parallel_loop3A_581, %parallel_loop3A_589 : vector<16xf32>
        %parallel_loop3A_591 = arith.constant 11 : i32
        %parallel_loop3A_592 = arith.addi %parallel_loop3A_176, %parallel_loop3A_591 : i32
        %parallel_loop3A_593 = arith.constant 1 : i32
        %parallel_loop3A_594 = arith.index_cast %parallel_loop3A_593 : i32 to index
        %parallel_loop3A_595 = arith.index_cast %parallel_loop3A_592 : i32 to index
        %parallel_loop3A_596 = arith.constant 32 : index
        %parallel_loop3A_597 = tpu.vector_load %arg4[%parallel_loop3A_594, %parallel_loop3A_595, %parallel_loop3A_596] {strides = array<i32>} : memref<2x384x128xf32, #tpu.memory_space<vmem>>, vector<1x1x16xf32>,
        %parallel_loop3A_598 = vector.shape_cast %parallel_loop3A_597 : vector<1x1x16xf32> to vector<16xf32>
        %parallel_loop3A_599 = arith.addf %parallel_loop3A_590, %parallel_loop3A_598 : vector<16xf32>
        %parallel_loop3A_600 = arith.constant 12 : i32
        %parallel_loop3A_601 = arith.addi %parallel_loop3A_176, %parallel_loop3A_600 : i32
        %parallel_loop3A_602 = arith.constant 1 : i32
        %parallel_loop3A_603 = arith.index_cast %parallel_loop3A_602 : i32 to index
        %parallel_loop3A_604 = arith.index_cast %parallel_loop3A_601 : i32 to index
        %parallel_loop3A_605 = arith.constant 32 : index
        %parallel_loop3A_606 = tpu.vector_load %arg4[%parallel_loop3A_603, %parallel_loop3A_604, %parallel_loop3A_605] {strides = array<i32>} : memref<2x384x128xf32, #tpu.memory_space<vmem>>, vector<1x1x16xf32>,
        %parallel_loop3A_607 = vector.shape_cast %parallel_loop3A_606 : vector<1x1x16xf32> to vector<16xf32>
        %parallel_loop3A_608 = arith.addf %parallel_loop3A_599, %parallel_loop3A_607 : vector<16xf32>
        %parallel_loop3A_609 = arith.constant 13 : i32
        %parallel_loop3A_610 = arith.addi %parallel_loop3A_176, %parallel_loop3A_609 : i32
        %parallel_loop3A_611 = arith.constant 1 : i32
        %parallel_loop3A_612 = arith.index_cast %parallel_loop3A_611 : i32 to index
        %parallel_loop3A_613 = arith.index_cast %parallel_loop3A_610 : i32 to index
        %parallel_loop3A_614 = arith.constant 32 : index
        %parallel_loop3A_615 = tpu.vector_load %arg4[%parallel_loop3A_612, %parallel_loop3A_613, %parallel_loop3A_614] {strides = array<i32>} : memref<2x384x128xf32, #tpu.memory_space<vmem>>, vector<1x1x16xf32>,
        %parallel_loop3A_616 = vector.shape_cast %parallel_loop3A_615 : vector<1x1x16xf32> to vector<16xf32>
        %parallel_loop3A_617 = arith.addf %parallel_loop3A_608, %parallel_loop3A_616 : vector<16xf32>
        %parallel_loop3A_618 = arith.constant 14 : i32
        %parallel_loop3A_619 = arith.addi %parallel_loop3A_176, %parallel_loop3A_618 : i32
        %parallel_loop3A_620 = arith.constant 1 : i32
        %parallel_loop3A_621 = arith.index_cast %parallel_loop3A_620 : i32 to index
        %parallel_loop3A_622 = arith.index_cast %parallel_loop3A_619 : i32 to index
        %parallel_loop3A_623 = arith.constant 32 : index
        %parallel_loop3A_624 = tpu.vector_load %arg4[%parallel_loop3A_621, %parallel_loop3A_622, %parallel_loop3A_623] {strides = array<i32>} : memref<2x384x128xf32, #tpu.memory_space<vmem>>, vector<1x1x16xf32>,
        %parallel_loop3A_625 = vector.shape_cast %parallel_loop3A_624 : vector<1x1x16xf32> to vector<16xf32>
        %parallel_loop3A_626 = arith.addf %parallel_loop3A_617, %parallel_loop3A_625 : vector<16xf32>
        %parallel_loop3A_627 = arith.constant 0.0666666701 : f32
        %parallel_loop3A_628 = vector.broadcast %parallel_loop3A_627 : f32 to vector<16xf32>
        %parallel_loop3A_629 = arith.mulf %parallel_loop3A_626, %parallel_loop3A_628 : vector<16xf32>
        %parallel_loop3A_630 = arith.constant 1 : i32
        %parallel_loop3A_631 = arith.index_cast %parallel_loop3A_630 : i32 to index
        %parallel_loop3A_632 = arith.index_cast %parallel_loop3A_174 : i32 to index
        %parallel_loop3A_633 = arith.constant 32 : index
        %parallel_loop3A_634 = tpu.vector_load %arg5[%parallel_loop3A_631, %parallel_loop3A_632, %parallel_loop3A_633] {strides = array<i32>} : memref<2x24x256xf32, #tpu.memory_space<vmem>>, vector<1x1x16xf32>,
        %parallel_loop3A_635 = vector.shape_cast %parallel_loop3A_634 : vector<1x1x16xf32> to vector<16xf32>
        %parallel_loop3A_636 = vector.shape_cast %parallel_loop3A_629 : vector<16xf32> to vector<1x1x16xf32>
        tpu.vector_store %arg5[%parallel_loop3A_631, %parallel_loop3A_632, %parallel_loop3A_633], %parallel_loop3A_636 {strides = array<i32>} : memref<2x24x256xf32, #tpu.memory_space<vmem>>, vector<1x1x16xf32>,
        %parallel_loop3A_637 = arith.constant 16 : i32
        %parallel_loop3A_638 = arith.addi %parallel_loop3A_176, %parallel_loop3A_637 : i32
        %parallel_loop3A_639 = arith.constant 1 : i32
        %parallel_loop3A_640 = arith.subi %parallel_loop3A_638, %parallel_loop3A_639 : i32
        %parallel_loop3A_641 = arith.constant 1 : i32
        %parallel_loop3A_642 = arith.index_cast %parallel_loop3A_641 : i32 to index
        %parallel_loop3A_643 = arith.index_cast %parallel_loop3A_640 : i32 to index
        %parallel_loop3A_644 = arith.constant 32 : index
        %parallel_loop3A_645 = tpu.vector_load %arg4[%parallel_loop3A_642, %parallel_loop3A_643, %parallel_loop3A_644] {strides = array<i32>} : memref<2x384x128xf32, #tpu.memory_space<vmem>>, vector<1x1x16xf32>,
        %parallel_loop3A_646 = vector.shape_cast %parallel_loop3A_645 : vector<1x1x16xf32> to vector<16xf32>
        %parallel_loop3A_647 = arith.constant 1 : i32
        %parallel_loop3A_648 = arith.index_cast %parallel_loop3A_647 : i32 to index
        %parallel_loop3A_649 = arith.index_cast %parallel_loop3A_174 : i32 to index
        %parallel_loop3A_650 = arith.constant 160 : index
        %parallel_loop3A_651 = tpu.vector_load %arg5[%parallel_loop3A_648, %parallel_loop3A_649, %parallel_loop3A_650] {strides = array<i32>} : memref<2x24x256xf32, #tpu.memory_space<vmem>>, vector<1x1x16xf32>,
        %parallel_loop3A_652 = vector.shape_cast %parallel_loop3A_651 : vector<1x1x16xf32> to vector<16xf32>
        %parallel_loop3A_653 = vector.shape_cast %parallel_loop3A_646 : vector<16xf32> to vector<1x1x16xf32>
        tpu.vector_store %arg5[%parallel_loop3A_648, %parallel_loop3A_649, %parallel_loop3A_650], %parallel_loop3A_653 {strides = array<i32>} : memref<2x24x256xf32, #tpu.memory_space<vmem>>, vector<1x1x16xf32>,
        %parallel_loop3A_654 = arith.constant 1 : i32
        %parallel_loop3A_655 = arith.index_cast %parallel_loop3A_654 : i32 to index
        %parallel_loop3A_656 = arith.index_cast %parallel_loop3A_176 : i32 to index
        %parallel_loop3A_657 = arith.constant 48 : index
        %parallel_loop3A_658 = tpu.vector_load %arg4[%parallel_loop3A_655, %parallel_loop3A_656, %parallel_loop3A_657] {strides = array<i32>} : memref<2x384x128xf32, #tpu.memory_space<vmem>>, vector<1x1x16xf32>,
        %parallel_loop3A_659 = vector.shape_cast %parallel_loop3A_658 : vector<1x1x16xf32> to vector<16xf32>
        %parallel_loop3A_660 = arith.constant 1 : i32
        %parallel_loop3A_661 = arith.addi %parallel_loop3A_176, %parallel_loop3A_660 : i32
        %parallel_loop3A_662 = arith.constant 1 : i32
        %parallel_loop3A_663 = arith.index_cast %parallel_loop3A_662 : i32 to index
        %parallel_loop3A_664 = arith.index_cast %parallel_loop3A_661 : i32 to index
        %parallel_loop3A_665 = arith.constant 48 : index
        %parallel_loop3A_666 = tpu.vector_load %arg4[%parallel_loop3A_663, %parallel_loop3A_664, %parallel_loop3A_665] {strides = array<i32>} : memref<2x384x128xf32, #tpu.memory_space<vmem>>, vector<1x1x16xf32>,
        %parallel_loop3A_667 = vector.shape_cast %parallel_loop3A_666 : vector<1x1x16xf32> to vector<16xf32>
        %parallel_loop3A_668 = arith.addf %parallel_loop3A_659, %parallel_loop3A_667 : vector<16xf32>
        %parallel_loop3A_669 = arith.constant 2 : i32
        %parallel_loop3A_670 = arith.addi %parallel_loop3A_176, %parallel_loop3A_669 : i32
        %parallel_loop3A_671 = arith.constant 1 : i32
        %parallel_loop3A_672 = arith.index_cast %parallel_loop3A_671 : i32 to index
        %parallel_loop3A_673 = arith.index_cast %parallel_loop3A_670 : i32 to index
        %parallel_loop3A_674 = arith.constant 48 : index
        %parallel_loop3A_675 = tpu.vector_load %arg4[%parallel_loop3A_672, %parallel_loop3A_673, %parallel_loop3A_674] {strides = array<i32>} : memref<2x384x128xf32, #tpu.memory_space<vmem>>, vector<1x1x16xf32>,
        %parallel_loop3A_676 = vector.shape_cast %parallel_loop3A_675 : vector<1x1x16xf32> to vector<16xf32>
        %parallel_loop3A_677 = arith.addf %parallel_loop3A_668, %parallel_loop3A_676 : vector<16xf32>
        %parallel_loop3A_678 = arith.constant 3 : i32
        %parallel_loop3A_679 = arith.addi %parallel_loop3A_176, %parallel_loop3A_678 : i32
        %parallel_loop3A_680 = arith.constant 1 : i32
        %parallel_loop3A_681 = arith.index_cast %parallel_loop3A_680 : i32 to index
        %parallel_loop3A_682 = arith.index_cast %parallel_loop3A_679 : i32 to index
        %parallel_loop3A_683 = arith.constant 48 : index
        %parallel_loop3A_684 = tpu.vector_load %arg4[%parallel_loop3A_681, %parallel_loop3A_682, %parallel_loop3A_683] {strides = array<i32>} : memref<2x384x128xf32, #tpu.memory_space<vmem>>, vector<1x1x16xf32>,
        %parallel_loop3A_685 = vector.shape_cast %parallel_loop3A_684 : vector<1x1x16xf32> to vector<16xf32>
        %parallel_loop3A_686 = arith.addf %parallel_loop3A_677, %parallel_loop3A_685 : vector<16xf32>
        %parallel_loop3A_687 = arith.constant 4 : i32
        %parallel_loop3A_688 = arith.addi %parallel_loop3A_176, %parallel_loop3A_687 : i32
        %parallel_loop3A_689 = arith.constant 1 : i32
        %parallel_loop3A_690 = arith.index_cast %parallel_loop3A_689 : i32 to index
        %parallel_loop3A_691 = arith.index_cast %parallel_loop3A_688 : i32 to index
        %parallel_loop3A_692 = arith.constant 48 : index
        %parallel_loop3A_693 = tpu.vector_load %arg4[%parallel_loop3A_690, %parallel_loop3A_691, %parallel_loop3A_692] {strides = array<i32>} : memref<2x384x128xf32, #tpu.memory_space<vmem>>, vector<1x1x16xf32>,
        %parallel_loop3A_694 = vector.shape_cast %parallel_loop3A_693 : vector<1x1x16xf32> to vector<16xf32>
        %parallel_loop3A_695 = arith.addf %parallel_loop3A_686, %parallel_loop3A_694 : vector<16xf32>
        %parallel_loop3A_696 = arith.constant 5 : i32
        %parallel_loop3A_697 = arith.addi %parallel_loop3A_176, %parallel_loop3A_696 : i32
        %parallel_loop3A_698 = arith.constant 1 : i32
        %parallel_loop3A_699 = arith.index_cast %parallel_loop3A_698 : i32 to index
        %parallel_loop3A_700 = arith.index_cast %parallel_loop3A_697 : i32 to index
        %parallel_loop3A_701 = arith.constant 48 : index
        %parallel_loop3A_702 = tpu.vector_load %arg4[%parallel_loop3A_699, %parallel_loop3A_700, %parallel_loop3A_701] {strides = array<i32>} : memref<2x384x128xf32, #tpu.memory_space<vmem>>, vector<1x1x16xf32>,
        %parallel_loop3A_703 = vector.shape_cast %parallel_loop3A_702 : vector<1x1x16xf32> to vector<16xf32>
        %parallel_loop3A_704 = arith.addf %parallel_loop3A_695, %parallel_loop3A_703 : vector<16xf32>
        %parallel_loop3A_705 = arith.constant 6 : i32
        %parallel_loop3A_706 = arith.addi %parallel_loop3A_176, %parallel_loop3A_705 : i32
        %parallel_loop3A_707 = arith.constant 1 : i32
        %parallel_loop3A_708 = arith.index_cast %parallel_loop3A_707 : i32 to index
        %parallel_loop3A_709 = arith.index_cast %parallel_loop3A_706 : i32 to index
        %parallel_loop3A_710 = arith.constant 48 : index
        %parallel_loop3A_711 = tpu.vector_load %arg4[%parallel_loop3A_708, %parallel_loop3A_709, %parallel_loop3A_710] {strides = array<i32>} : memref<2x384x128xf32, #tpu.memory_space<vmem>>, vector<1x1x16xf32>,
        %parallel_loop3A_712 = vector.shape_cast %parallel_loop3A_711 : vector<1x1x16xf32> to vector<16xf32>
        %parallel_loop3A_713 = arith.addf %parallel_loop3A_704, %parallel_loop3A_712 : vector<16xf32>
        %parallel_loop3A_714 = arith.constant 7 : i32
        %parallel_loop3A_715 = arith.addi %parallel_loop3A_176, %parallel_loop3A_714 : i32
        %parallel_loop3A_716 = arith.constant 1 : i32
        %parallel_loop3A_717 = arith.index_cast %parallel_loop3A_716 : i32 to index
        %parallel_loop3A_718 = arith.index_cast %parallel_loop3A_715 : i32 to index
        %parallel_loop3A_719 = arith.constant 48 : index
        %parallel_loop3A_720 = tpu.vector_load %arg4[%parallel_loop3A_717, %parallel_loop3A_718, %parallel_loop3A_719] {strides = array<i32>} : memref<2x384x128xf32, #tpu.memory_space<vmem>>, vector<1x1x16xf32>,
        %parallel_loop3A_721 = vector.shape_cast %parallel_loop3A_720 : vector<1x1x16xf32> to vector<16xf32>
        %parallel_loop3A_722 = arith.addf %parallel_loop3A_713, %parallel_loop3A_721 : vector<16xf32>
        %parallel_loop3A_723 = arith.constant 8 : i32
        %parallel_loop3A_724 = arith.addi %parallel_loop3A_176, %parallel_loop3A_723 : i32
        %parallel_loop3A_725 = arith.constant 1 : i32
        %parallel_loop3A_726 = arith.index_cast %parallel_loop3A_725 : i32 to index
        %parallel_loop3A_727 = arith.index_cast %parallel_loop3A_724 : i32 to index
        %parallel_loop3A_728 = arith.constant 48 : index
        %parallel_loop3A_729 = tpu.vector_load %arg4[%parallel_loop3A_726, %parallel_loop3A_727, %parallel_loop3A_728] {strides = array<i32>} : memref<2x384x128xf32, #tpu.memory_space<vmem>>, vector<1x1x16xf32>,
        %parallel_loop3A_730 = vector.shape_cast %parallel_loop3A_729 : vector<1x1x16xf32> to vector<16xf32>
        %parallel_loop3A_731 = arith.addf %parallel_loop3A_722, %parallel_loop3A_730 : vector<16xf32>
        %parallel_loop3A_732 = arith.constant 9 : i32
        %parallel_loop3A_733 = arith.addi %parallel_loop3A_176, %parallel_loop3A_732 : i32
        %parallel_loop3A_734 = arith.constant 1 : i32
        %parallel_loop3A_735 = arith.index_cast %parallel_loop3A_734 : i32 to index
        %parallel_loop3A_736 = arith.index_cast %parallel_loop3A_733 : i32 to index
        %parallel_loop3A_737 = arith.constant 48 : index
        %parallel_loop3A_738 = tpu.vector_load %arg4[%parallel_loop3A_735, %parallel_loop3A_736, %parallel_loop3A_737] {strides = array<i32>} : memref<2x384x128xf32, #tpu.memory_space<vmem>>, vector<1x1x16xf32>,
        %parallel_loop3A_739 = vector.shape_cast %parallel_loop3A_738 : vector<1x1x16xf32> to vector<16xf32>
        %parallel_loop3A_740 = arith.addf %parallel_loop3A_731, %parallel_loop3A_739 : vector<16xf32>
        %parallel_loop3A_741 = arith.constant 10 : i32
        %parallel_loop3A_742 = arith.addi %parallel_loop3A_176, %parallel_loop3A_741 : i32
        %parallel_loop3A_743 = arith.constant 1 : i32
        %parallel_loop3A_744 = arith.index_cast %parallel_loop3A_743 : i32 to index
        %parallel_loop3A_745 = arith.index_cast %parallel_loop3A_742 : i32 to index
        %parallel_loop3A_746 = arith.constant 48 : index
        %parallel_loop3A_747 = tpu.vector_load %arg4[%parallel_loop3A_744, %parallel_loop3A_745, %parallel_loop3A_746] {strides = array<i32>} : memref<2x384x128xf32, #tpu.memory_space<vmem>>, vector<1x1x16xf32>,
        %parallel_loop3A_748 = vector.shape_cast %parallel_loop3A_747 : vector<1x1x16xf32> to vector<16xf32>
        %parallel_loop3A_749 = arith.addf %parallel_loop3A_740, %parallel_loop3A_748 : vector<16xf32>
        %parallel_loop3A_750 = arith.constant 11 : i32
        %parallel_loop3A_751 = arith.addi %parallel_loop3A_176, %parallel_loop3A_750 : i32
        %parallel_loop3A_752 = arith.constant 1 : i32
        %parallel_loop3A_753 = arith.index_cast %parallel_loop3A_752 : i32 to index
        %parallel_loop3A_754 = arith.index_cast %parallel_loop3A_751 : i32 to index
        %parallel_loop3A_755 = arith.constant 48 : index
        %parallel_loop3A_756 = tpu.vector_load %arg4[%parallel_loop3A_753, %parallel_loop3A_754, %parallel_loop3A_755] {strides = array<i32>} : memref<2x384x128xf32, #tpu.memory_space<vmem>>, vector<1x1x16xf32>,
        %parallel_loop3A_757 = vector.shape_cast %parallel_loop3A_756 : vector<1x1x16xf32> to vector<16xf32>
        %parallel_loop3A_758 = arith.addf %parallel_loop3A_749, %parallel_loop3A_757 : vector<16xf32>
        %parallel_loop3A_759 = arith.constant 12 : i32
        %parallel_loop3A_760 = arith.addi %parallel_loop3A_176, %parallel_loop3A_759 : i32
        %parallel_loop3A_761 = arith.constant 1 : i32
        %parallel_loop3A_762 = arith.index_cast %parallel_loop3A_761 : i32 to index
        %parallel_loop3A_763 = arith.index_cast %parallel_loop3A_760 : i32 to index
        %parallel_loop3A_764 = arith.constant 48 : index
        %parallel_loop3A_765 = tpu.vector_load %arg4[%parallel_loop3A_762, %parallel_loop3A_763, %parallel_loop3A_764] {strides = array<i32>} : memref<2x384x128xf32, #tpu.memory_space<vmem>>, vector<1x1x16xf32>,
        %parallel_loop3A_766 = vector.shape_cast %parallel_loop3A_765 : vector<1x1x16xf32> to vector<16xf32>
        %parallel_loop3A_767 = arith.addf %parallel_loop3A_758, %parallel_loop3A_766 : vector<16xf32>
        %parallel_loop3A_768 = arith.constant 13 : i32
        %parallel_loop3A_769 = arith.addi %parallel_loop3A_176, %parallel_loop3A_768 : i32
        %parallel_loop3A_770 = arith.constant 1 : i32
        %parallel_loop3A_771 = arith.index_cast %parallel_loop3A_770 : i32 to index
        %parallel_loop3A_772 = arith.index_cast %parallel_loop3A_769 : i32 to index
        %parallel_loop3A_773 = arith.constant 48 : index
        %parallel_loop3A_774 = tpu.vector_load %arg4[%parallel_loop3A_771, %parallel_loop3A_772, %parallel_loop3A_773] {strides = array<i32>} : memref<2x384x128xf32, #tpu.memory_space<vmem>>, vector<1x1x16xf32>,
        %parallel_loop3A_775 = vector.shape_cast %parallel_loop3A_774 : vector<1x1x16xf32> to vector<16xf32>
        %parallel_loop3A_776 = arith.addf %parallel_loop3A_767, %parallel_loop3A_775 : vector<16xf32>
        %parallel_loop3A_777 = arith.constant 14 : i32
        %parallel_loop3A_778 = arith.addi %parallel_loop3A_176, %parallel_loop3A_777 : i32
        %parallel_loop3A_779 = arith.constant 1 : i32
        %parallel_loop3A_780 = arith.index_cast %parallel_loop3A_779 : i32 to index
        %parallel_loop3A_781 = arith.index_cast %parallel_loop3A_778 : i32 to index
        %parallel_loop3A_782 = arith.constant 48 : index
        %parallel_loop3A_783 = tpu.vector_load %arg4[%parallel_loop3A_780, %parallel_loop3A_781, %parallel_loop3A_782] {strides = array<i32>} : memref<2x384x128xf32, #tpu.memory_space<vmem>>, vector<1x1x16xf32>,
        %parallel_loop3A_784 = vector.shape_cast %parallel_loop3A_783 : vector<1x1x16xf32> to vector<16xf32>
        %parallel_loop3A_785 = arith.addf %parallel_loop3A_776, %parallel_loop3A_784 : vector<16xf32>
        %parallel_loop3A_786 = arith.constant 0.0666666701 : f32
        %parallel_loop3A_787 = vector.broadcast %parallel_loop3A_786 : f32 to vector<16xf32>
        %parallel_loop3A_788 = arith.mulf %parallel_loop3A_785, %parallel_loop3A_787 : vector<16xf32>
        %parallel_loop3A_789 = arith.constant 1 : i32
        %parallel_loop3A_790 = arith.index_cast %parallel_loop3A_789 : i32 to index
        %parallel_loop3A_791 = arith.index_cast %parallel_loop3A_174 : i32 to index
        %parallel_loop3A_792 = arith.constant 48 : index
        %parallel_loop3A_793 = tpu.vector_load %arg5[%parallel_loop3A_790, %parallel_loop3A_791, %parallel_loop3A_792] {strides = array<i32>} : memref<2x24x256xf32, #tpu.memory_space<vmem>>, vector<1x1x16xf32>,
        %parallel_loop3A_794 = vector.shape_cast %parallel_loop3A_793 : vector<1x1x16xf32> to vector<16xf32>
        %parallel_loop3A_795 = vector.shape_cast %parallel_loop3A_788 : vector<16xf32> to vector<1x1x16xf32>
        tpu.vector_store %arg5[%parallel_loop3A_790, %parallel_loop3A_791, %parallel_loop3A_792], %parallel_loop3A_795 {strides = array<i32>} : memref<2x24x256xf32, #tpu.memory_space<vmem>>, vector<1x1x16xf32>,
        %parallel_loop3A_796 = arith.constant 16 : i32
        %parallel_loop3A_797 = arith.addi %parallel_loop3A_176, %parallel_loop3A_796 : i32
        %parallel_loop3A_798 = arith.constant 1 : i32
        %parallel_loop3A_799 = arith.subi %parallel_loop3A_797, %parallel_loop3A_798 : i32
        %parallel_loop3A_800 = arith.constant 1 : i32
        %parallel_loop3A_801 = arith.index_cast %parallel_loop3A_800 : i32 to index
        %parallel_loop3A_802 = arith.index_cast %parallel_loop3A_799 : i32 to index
        %parallel_loop3A_803 = arith.constant 48 : index
        %parallel_loop3A_804 = tpu.vector_load %arg4[%parallel_loop3A_801, %parallel_loop3A_802, %parallel_loop3A_803] {strides = array<i32>} : memref<2x384x128xf32, #tpu.memory_space<vmem>>, vector<1x1x16xf32>,
        %parallel_loop3A_805 = vector.shape_cast %parallel_loop3A_804 : vector<1x1x16xf32> to vector<16xf32>
        %parallel_loop3A_806 = arith.constant 1 : i32
        %parallel_loop3A_807 = arith.index_cast %parallel_loop3A_806 : i32 to index
        %parallel_loop3A_808 = arith.index_cast %parallel_loop3A_174 : i32 to index
        %parallel_loop3A_809 = arith.constant 176 : index
        %parallel_loop3A_810 = tpu.vector_load %arg5[%parallel_loop3A_807, %parallel_loop3A_808, %parallel_loop3A_809] {strides = array<i32>} : memref<2x24x256xf32, #tpu.memory_space<vmem>>, vector<1x1x16xf32>,
        %parallel_loop3A_811 = vector.shape_cast %parallel_loop3A_810 : vector<1x1x16xf32> to vector<16xf32>
        %parallel_loop3A_812 = vector.shape_cast %parallel_loop3A_805 : vector<16xf32> to vector<1x1x16xf32>
        tpu.vector_store %arg5[%parallel_loop3A_807, %parallel_loop3A_808, %parallel_loop3A_809], %parallel_loop3A_812 {strides = array<i32>} : memref<2x24x256xf32, #tpu.memory_space<vmem>>, vector<1x1x16xf32>,
        %parallel_loop3A_813 = arith.constant 1 : i32
        %parallel_loop3A_814 = arith.index_cast %parallel_loop3A_813 : i32 to index
        %parallel_loop3A_815 = arith.index_cast %parallel_loop3A_176 : i32 to index
        %parallel_loop3A_816 = arith.constant 64 : index
        %parallel_loop3A_817 = tpu.vector_load %arg4[%parallel_loop3A_814, %parallel_loop3A_815, %parallel_loop3A_816] {strides = array<i32>} : memref<2x384x128xf32, #tpu.memory_space<vmem>>, vector<1x1x16xf32>,
        %parallel_loop3A_818 = vector.shape_cast %parallel_loop3A_817 : vector<1x1x16xf32> to vector<16xf32>
        %parallel_loop3A_819 = arith.constant 1 : i32
        %parallel_loop3A_820 = arith.addi %parallel_loop3A_176, %parallel_loop3A_819 : i32
        %parallel_loop3A_821 = arith.constant 1 : i32
        %parallel_loop3A_822 = arith.index_cast %parallel_loop3A_821 : i32 to index
        %parallel_loop3A_823 = arith.index_cast %parallel_loop3A_820 : i32 to index
        %parallel_loop3A_824 = arith.constant 64 : index
        %parallel_loop3A_825 = tpu.vector_load %arg4[%parallel_loop3A_822, %parallel_loop3A_823, %parallel_loop3A_824] {strides = array<i32>} : memref<2x384x128xf32, #tpu.memory_space<vmem>>, vector<1x1x16xf32>,
        %parallel_loop3A_826 = vector.shape_cast %parallel_loop3A_825 : vector<1x1x16xf32> to vector<16xf32>
        %parallel_loop3A_827 = arith.addf %parallel_loop3A_818, %parallel_loop3A_826 : vector<16xf32>
        %parallel_loop3A_828 = arith.constant 2 : i32
        %parallel_loop3A_829 = arith.addi %parallel_loop3A_176, %parallel_loop3A_828 : i32
        %parallel_loop3A_830 = arith.constant 1 : i32
        %parallel_loop3A_831 = arith.index_cast %parallel_loop3A_830 : i32 to index
        %parallel_loop3A_832 = arith.index_cast %parallel_loop3A_829 : i32 to index
        %parallel_loop3A_833 = arith.constant 64 : index
        %parallel_loop3A_834 = tpu.vector_load %arg4[%parallel_loop3A_831, %parallel_loop3A_832, %parallel_loop3A_833] {strides = array<i32>} : memref<2x384x128xf32, #tpu.memory_space<vmem>>, vector<1x1x16xf32>,
        %parallel_loop3A_835 = vector.shape_cast %parallel_loop3A_834 : vector<1x1x16xf32> to vector<16xf32>
        %parallel_loop3A_836 = arith.addf %parallel_loop3A_827, %parallel_loop3A_835 : vector<16xf32>
        %parallel_loop3A_837 = arith.constant 3 : i32
        %parallel_loop3A_838 = arith.addi %parallel_loop3A_176, %parallel_loop3A_837 : i32
        %parallel_loop3A_839 = arith.constant 1 : i32
        %parallel_loop3A_840 = arith.index_cast %parallel_loop3A_839 : i32 to index
        %parallel_loop3A_841 = arith.index_cast %parallel_loop3A_838 : i32 to index
        %parallel_loop3A_842 = arith.constant 64 : index
        %parallel_loop3A_843 = tpu.vector_load %arg4[%parallel_loop3A_840, %parallel_loop3A_841, %parallel_loop3A_842] {strides = array<i32>} : memref<2x384x128xf32, #tpu.memory_space<vmem>>, vector<1x1x16xf32>,
        %parallel_loop3A_844 = vector.shape_cast %parallel_loop3A_843 : vector<1x1x16xf32> to vector<16xf32>
        %parallel_loop3A_845 = arith.addf %parallel_loop3A_836, %parallel_loop3A_844 : vector<16xf32>
        %parallel_loop3A_846 = arith.constant 4 : i32
        %parallel_loop3A_847 = arith.addi %parallel_loop3A_176, %parallel_loop3A_846 : i32
        %parallel_loop3A_848 = arith.constant 1 : i32
        %parallel_loop3A_849 = arith.index_cast %parallel_loop3A_848 : i32 to index
        %parallel_loop3A_850 = arith.index_cast %parallel_loop3A_847 : i32 to index
        %parallel_loop3A_851 = arith.constant 64 : index
        %parallel_loop3A_852 = tpu.vector_load %arg4[%parallel_loop3A_849, %parallel_loop3A_850, %parallel_loop3A_851] {strides = array<i32>} : memref<2x384x128xf32, #tpu.memory_space<vmem>>, vector<1x1x16xf32>,
        %parallel_loop3A_853 = vector.shape_cast %parallel_loop3A_852 : vector<1x1x16xf32> to vector<16xf32>
        %parallel_loop3A_854 = arith.addf %parallel_loop3A_845, %parallel_loop3A_853 : vector<16xf32>
        %parallel_loop3A_855 = arith.constant 5 : i32
        %parallel_loop3A_856 = arith.addi %parallel_loop3A_176, %parallel_loop3A_855 : i32
        %parallel_loop3A_857 = arith.constant 1 : i32
        %parallel_loop3A_858 = arith.index_cast %parallel_loop3A_857 : i32 to index
        %parallel_loop3A_859 = arith.index_cast %parallel_loop3A_856 : i32 to index
        %parallel_loop3A_860 = arith.constant 64 : index
        %parallel_loop3A_861 = tpu.vector_load %arg4[%parallel_loop3A_858, %parallel_loop3A_859, %parallel_loop3A_860] {strides = array<i32>} : memref<2x384x128xf32, #tpu.memory_space<vmem>>, vector<1x1x16xf32>,
        %parallel_loop3A_862 = vector.shape_cast %parallel_loop3A_861 : vector<1x1x16xf32> to vector<16xf32>
        %parallel_loop3A_863 = arith.addf %parallel_loop3A_854, %parallel_loop3A_862 : vector<16xf32>
        %parallel_loop3A_864 = arith.constant 6 : i32
        %parallel_loop3A_865 = arith.addi %parallel_loop3A_176, %parallel_loop3A_864 : i32
        %parallel_loop3A_866 = arith.constant 1 : i32
        %parallel_loop3A_867 = arith.index_cast %parallel_loop3A_866 : i32 to index
        %parallel_loop3A_868 = arith.index_cast %parallel_loop3A_865 : i32 to index
        %parallel_loop3A_869 = arith.constant 64 : index
        %parallel_loop3A_870 = tpu.vector_load %arg4[%parallel_loop3A_867, %parallel_loop3A_868, %parallel_loop3A_869] {strides = array<i32>} : memref<2x384x128xf32, #tpu.memory_space<vmem>>, vector<1x1x16xf32>,
        %parallel_loop3A_871 = vector.shape_cast %parallel_loop3A_870 : vector<1x1x16xf32> to vector<16xf32>
        %parallel_loop3A_872 = arith.addf %parallel_loop3A_863, %parallel_loop3A_871 : vector<16xf32>
        %parallel_loop3A_873 = arith.constant 7 : i32
        %parallel_loop3A_874 = arith.addi %parallel_loop3A_176, %parallel_loop3A_873 : i32
        %parallel_loop3A_875 = arith.constant 1 : i32
        %parallel_loop3A_876 = arith.index_cast %parallel_loop3A_875 : i32 to index
        %parallel_loop3A_877 = arith.index_cast %parallel_loop3A_874 : i32 to index
        %parallel_loop3A_878 = arith.constant 64 : index
        %parallel_loop3A_879 = tpu.vector_load %arg4[%parallel_loop3A_876, %parallel_loop3A_877, %parallel_loop3A_878] {strides = array<i32>} : memref<2x384x128xf32, #tpu.memory_space<vmem>>, vector<1x1x16xf32>,
        %parallel_loop3A_880 = vector.shape_cast %parallel_loop3A_879 : vector<1x1x16xf32> to vector<16xf32>
        %parallel_loop3A_881 = arith.addf %parallel_loop3A_872, %parallel_loop3A_880 : vector<16xf32>
        %parallel_loop3A_882 = arith.constant 8 : i32
        %parallel_loop3A_883 = arith.addi %parallel_loop3A_176, %parallel_loop3A_882 : i32
        %parallel_loop3A_884 = arith.constant 1 : i32
        %parallel_loop3A_885 = arith.index_cast %parallel_loop3A_884 : i32 to index
        %parallel_loop3A_886 = arith.index_cast %parallel_loop3A_883 : i32 to index
        %parallel_loop3A_887 = arith.constant 64 : index
        %parallel_loop3A_888 = tpu.vector_load %arg4[%parallel_loop3A_885, %parallel_loop3A_886, %parallel_loop3A_887] {strides = array<i32>} : memref<2x384x128xf32, #tpu.memory_space<vmem>>, vector<1x1x16xf32>,
        %parallel_loop3A_889 = vector.shape_cast %parallel_loop3A_888 : vector<1x1x16xf32> to vector<16xf32>
        %parallel_loop3A_890 = arith.addf %parallel_loop3A_881, %parallel_loop3A_889 : vector<16xf32>
        %parallel_loop3A_891 = arith.constant 9 : i32
        %parallel_loop3A_892 = arith.addi %parallel_loop3A_176, %parallel_loop3A_891 : i32
        %parallel_loop3A_893 = arith.constant 1 : i32
        %parallel_loop3A_894 = arith.index_cast %parallel_loop3A_893 : i32 to index
        %parallel_loop3A_895 = arith.index_cast %parallel_loop3A_892 : i32 to index
        %parallel_loop3A_896 = arith.constant 64 : index
        %parallel_loop3A_897 = tpu.vector_load %arg4[%parallel_loop3A_894, %parallel_loop3A_895, %parallel_loop3A_896] {strides = array<i32>} : memref<2x384x128xf32, #tpu.memory_space<vmem>>, vector<1x1x16xf32>,
        %parallel_loop3A_898 = vector.shape_cast %parallel_loop3A_897 : vector<1x1x16xf32> to vector<16xf32>
        %parallel_loop3A_899 = arith.addf %parallel_loop3A_890, %parallel_loop3A_898 : vector<16xf32>
        %parallel_loop3A_900 = arith.constant 10 : i32
        %parallel_loop3A_901 = arith.addi %parallel_loop3A_176, %parallel_loop3A_900 : i32
        %parallel_loop3A_902 = arith.constant 1 : i32
        %parallel_loop3A_903 = arith.index_cast %parallel_loop3A_902 : i32 to index
        %parallel_loop3A_904 = arith.index_cast %parallel_loop3A_901 : i32 to index
        %parallel_loop3A_905 = arith.constant 64 : index
        %parallel_loop3A_906 = tpu.vector_load %arg4[%parallel_loop3A_903, %parallel_loop3A_904, %parallel_loop3A_905] {strides = array<i32>} : memref<2x384x128xf32, #tpu.memory_space<vmem>>, vector<1x1x16xf32>,
        %parallel_loop3A_907 = vector.shape_cast %parallel_loop3A_906 : vector<1x1x16xf32> to vector<16xf32>
        %parallel_loop3A_908 = arith.addf %parallel_loop3A_899, %parallel_loop3A_907 : vector<16xf32>
        %parallel_loop3A_909 = arith.constant 11 : i32
        %parallel_loop3A_910 = arith.addi %parallel_loop3A_176, %parallel_loop3A_909 : i32
        %parallel_loop3A_911 = arith.constant 1 : i32
        %parallel_loop3A_912 = arith.index_cast %parallel_loop3A_911 : i32 to index
        %parallel_loop3A_913 = arith.index_cast %parallel_loop3A_910 : i32 to index
        %parallel_loop3A_914 = arith.constant 64 : index
        %parallel_loop3A_915 = tpu.vector_load %arg4[%parallel_loop3A_912, %parallel_loop3A_913, %parallel_loop3A_914] {strides = array<i32>} : memref<2x384x128xf32, #tpu.memory_space<vmem>>, vector<1x1x16xf32>,
        %parallel_loop3A_916 = vector.shape_cast %parallel_loop3A_915 : vector<1x1x16xf32> to vector<16xf32>
        %parallel_loop3A_917 = arith.addf %parallel_loop3A_908, %parallel_loop3A_916 : vector<16xf32>
        %parallel_loop3A_918 = arith.constant 12 : i32
        %parallel_loop3A_919 = arith.addi %parallel_loop3A_176, %parallel_loop3A_918 : i32
        %parallel_loop3A_920 = arith.constant 1 : i32
        %parallel_loop3A_921 = arith.index_cast %parallel_loop3A_920 : i32 to index
        %parallel_loop3A_922 = arith.index_cast %parallel_loop3A_919 : i32 to index
        %parallel_loop3A_923 = arith.constant 64 : index
        %parallel_loop3A_924 = tpu.vector_load %arg4[%parallel_loop3A_921, %parallel_loop3A_922, %parallel_loop3A_923] {strides = array<i32>} : memref<2x384x128xf32, #tpu.memory_space<vmem>>, vector<1x1x16xf32>,
        %parallel_loop3A_925 = vector.shape_cast %parallel_loop3A_924 : vector<1x1x16xf32> to vector<16xf32>
        %parallel_loop3A_926 = arith.addf %parallel_loop3A_917, %parallel_loop3A_925 : vector<16xf32>
        %parallel_loop3A_927 = arith.constant 13 : i32
        %parallel_loop3A_928 = arith.addi %parallel_loop3A_176, %parallel_loop3A_927 : i32
        %parallel_loop3A_929 = arith.constant 1 : i32
        %parallel_loop3A_930 = arith.index_cast %parallel_loop3A_929 : i32 to index
        %parallel_loop3A_931 = arith.index_cast %parallel_loop3A_928 : i32 to index
        %parallel_loop3A_932 = arith.constant 64 : index
        %parallel_loop3A_933 = tpu.vector_load %arg4[%parallel_loop3A_930, %parallel_loop3A_931, %parallel_loop3A_932] {strides = array<i32>} : memref<2x384x128xf32, #tpu.memory_space<vmem>>, vector<1x1x16xf32>,
        %parallel_loop3A_934 = vector.shape_cast %parallel_loop3A_933 : vector<1x1x16xf32> to vector<16xf32>
        %parallel_loop3A_935 = arith.addf %parallel_loop3A_926, %parallel_loop3A_934 : vector<16xf32>
        %parallel_loop3A_936 = arith.constant 14 : i32
        %parallel_loop3A_937 = arith.addi %parallel_loop3A_176, %parallel_loop3A_936 : i32
        %parallel_loop3A_938 = arith.constant 1 : i32
        %parallel_loop3A_939 = arith.index_cast %parallel_loop3A_938 : i32 to index
        %parallel_loop3A_940 = arith.index_cast %parallel_loop3A_937 : i32 to index
        %parallel_loop3A_941 = arith.constant 64 : index
        %parallel_loop3A_942 = tpu.vector_load %arg4[%parallel_loop3A_939, %parallel_loop3A_940, %parallel_loop3A_941] {strides = array<i32>} : memref<2x384x128xf32, #tpu.memory_space<vmem>>, vector<1x1x16xf32>,
        %parallel_loop3A_943 = vector.shape_cast %parallel_loop3A_942 : vector<1x1x16xf32> to vector<16xf32>
        %parallel_loop3A_944 = arith.addf %parallel_loop3A_935, %parallel_loop3A_943 : vector<16xf32>
        %parallel_loop3A_945 = arith.constant 0.0666666701 : f32
        %parallel_loop3A_946 = vector.broadcast %parallel_loop3A_945 : f32 to vector<16xf32>
        %parallel_loop3A_947 = arith.mulf %parallel_loop3A_944, %parallel_loop3A_946 : vector<16xf32>
        %parallel_loop3A_948 = arith.constant 1 : i32
        %parallel_loop3A_949 = arith.index_cast %parallel_loop3A_948 : i32 to index
        %parallel_loop3A_950 = arith.index_cast %parallel_loop3A_174 : i32 to index
        %parallel_loop3A_951 = arith.constant 64 : index
        %parallel_loop3A_952 = tpu.vector_load %arg5[%parallel_loop3A_949, %parallel_loop3A_950, %parallel_loop3A_951] {strides = array<i32>} : memref<2x24x256xf32, #tpu.memory_space<vmem>>, vector<1x1x16xf32>,
        %parallel_loop3A_953 = vector.shape_cast %parallel_loop3A_952 : vector<1x1x16xf32> to vector<16xf32>
        %parallel_loop3A_954 = vector.shape_cast %parallel_loop3A_947 : vector<16xf32> to vector<1x1x16xf32>
        tpu.vector_store %arg5[%parallel_loop3A_949, %parallel_loop3A_950, %parallel_loop3A_951], %parallel_loop3A_954 {strides = array<i32>} : memref<2x24x256xf32, #tpu.memory_space<vmem>>, vector<1x1x16xf32>,
        %parallel_loop3A_955 = arith.constant 16 : i32
        %parallel_loop3A_956 = arith.addi %parallel_loop3A_176, %parallel_loop3A_955 : i32
        %parallel_loop3A_957 = arith.constant 1 : i32
        %parallel_loop3A_958 = arith.subi %parallel_loop3A_956, %parallel_loop3A_957 : i32
        %parallel_loop3A_959 = arith.constant 1 : i32
        %parallel_loop3A_960 = arith.index_cast %parallel_loop3A_959 : i32 to index
        %parallel_loop3A_961 = arith.index_cast %parallel_loop3A_958 : i32 to index
        %parallel_loop3A_962 = arith.constant 64 : index
        %parallel_loop3A_963 = tpu.vector_load %arg4[%parallel_loop3A_960, %parallel_loop3A_961, %parallel_loop3A_962] {strides = array<i32>} : memref<2x384x128xf32, #tpu.memory_space<vmem>>, vector<1x1x16xf32>,
        %parallel_loop3A_964 = vector.shape_cast %parallel_loop3A_963 : vector<1x1x16xf32> to vector<16xf32>
        %parallel_loop3A_965 = arith.constant 1 : i32
        %parallel_loop3A_966 = arith.index_cast %parallel_loop3A_965 : i32 to index
        %parallel_loop3A_967 = arith.index_cast %parallel_loop3A_174 : i32 to index
        %parallel_loop3A_968 = arith.constant 192 : index
        %parallel_loop3A_969 = tpu.vector_load %arg5[%parallel_loop3A_966, %parallel_loop3A_967, %parallel_loop3A_968] {strides = array<i32>} : memref<2x24x256xf32, #tpu.memory_space<vmem>>, vector<1x1x16xf32>,
        %parallel_loop3A_970 = vector.shape_cast %parallel_loop3A_969 : vector<1x1x16xf32> to vector<16xf32>
        %parallel_loop3A_971 = vector.shape_cast %parallel_loop3A_964 : vector<16xf32> to vector<1x1x16xf32>
        tpu.vector_store %arg5[%parallel_loop3A_966, %parallel_loop3A_967, %parallel_loop3A_968], %parallel_loop3A_971 {strides = array<i32>} : memref<2x24x256xf32, #tpu.memory_space<vmem>>, vector<1x1x16xf32>,
        %parallel_loop3A_972 = arith.constant 1 : i32
        %parallel_loop3A_973 = arith.index_cast %parallel_loop3A_972 : i32 to index
        %parallel_loop3A_974 = arith.index_cast %parallel_loop3A_176 : i32 to index
        %parallel_loop3A_975 = arith.constant 80 : index
        %parallel_loop3A_976 = tpu.vector_load %arg4[%parallel_loop3A_973, %parallel_loop3A_974, %parallel_loop3A_975] {strides = array<i32>} : memref<2x384x128xf32, #tpu.memory_space<vmem>>, vector<1x1x16xf32>,
        %parallel_loop3A_977 = vector.shape_cast %parallel_loop3A_976 : vector<1x1x16xf32> to vector<16xf32>
        %parallel_loop3A_978 = arith.constant 1 : i32
        %parallel_loop3A_979 = arith.addi %parallel_loop3A_176, %parallel_loop3A_978 : i32
        %parallel_loop3A_980 = arith.constant 1 : i32
        %parallel_loop3A_981 = arith.index_cast %parallel_loop3A_980 : i32 to index
        %parallel_loop3A_982 = arith.index_cast %parallel_loop3A_979 : i32 to index
        %parallel_loop3A_983 = arith.constant 80 : index
        %parallel_loop3A_984 = tpu.vector_load %arg4[%parallel_loop3A_981, %parallel_loop3A_982, %parallel_loop3A_983] {strides = array<i32>} : memref<2x384x128xf32, #tpu.memory_space<vmem>>, vector<1x1x16xf32>,
        %parallel_loop3A_985 = vector.shape_cast %parallel_loop3A_984 : vector<1x1x16xf32> to vector<16xf32>
        %parallel_loop3A_986 = arith.addf %parallel_loop3A_977, %parallel_loop3A_985 : vector<16xf32>
        %parallel_loop3A_987 = arith.constant 2 : i32
        %parallel_loop3A_988 = arith.addi %parallel_loop3A_176, %parallel_loop3A_987 : i32
        %parallel_loop3A_989 = arith.constant 1 : i32
        %parallel_loop3A_990 = arith.index_cast %parallel_loop3A_989 : i32 to index
        %parallel_loop3A_991 = arith.index_cast %parallel_loop3A_988 : i32 to index
        %parallel_loop3A_992 = arith.constant 80 : index
        %parallel_loop3A_993 = tpu.vector_load %arg4[%parallel_loop3A_990, %parallel_loop3A_991, %parallel_loop3A_992] {strides = array<i32>} : memref<2x384x128xf32, #tpu.memory_space<vmem>>, vector<1x1x16xf32>,
        %parallel_loop3A_994 = vector.shape_cast %parallel_loop3A_993 : vector<1x1x16xf32> to vector<16xf32>
        %parallel_loop3A_995 = arith.addf %parallel_loop3A_986, %parallel_loop3A_994 : vector<16xf32>
        %parallel_loop3A_996 = arith.constant 3 : i32
        %parallel_loop3A_997 = arith.addi %parallel_loop3A_176, %parallel_loop3A_996 : i32
        %parallel_loop3A_998 = arith.constant 1 : i32
        %parallel_loop3A_999 = arith.index_cast %parallel_loop3A_998 : i32 to index
        %parallel_loop3A_1000 = arith.index_cast %parallel_loop3A_997 : i32 to index
        %parallel_loop3A_1001 = arith.constant 80 : index
        %parallel_loop3A_1002 = tpu.vector_load %arg4[%parallel_loop3A_999, %parallel_loop3A_1000, %parallel_loop3A_1001] {strides = array<i32>} : memref<2x384x128xf32, #tpu.memory_space<vmem>>, vector<1x1x16xf32>,
        %parallel_loop3A_1003 = vector.shape_cast %parallel_loop3A_1002 : vector<1x1x16xf32> to vector<16xf32>
        %parallel_loop3A_1004 = arith.addf %parallel_loop3A_995, %parallel_loop3A_1003 : vector<16xf32>
        %parallel_loop3A_1005 = arith.constant 4 : i32
        %parallel_loop3A_1006 = arith.addi %parallel_loop3A_176, %parallel_loop3A_1005 : i32
        %parallel_loop3A_1007 = arith.constant 1 : i32
        %parallel_loop3A_1008 = arith.index_cast %parallel_loop3A_1007 : i32 to index
        %parallel_loop3A_1009 = arith.index_cast %parallel_loop3A_1006 : i32 to index
        %parallel_loop3A_1010 = arith.constant 80 : index
        %parallel_loop3A_1011 = tpu.vector_load %arg4[%parallel_loop3A_1008, %parallel_loop3A_1009, %parallel_loop3A_1010] {strides = array<i32>} : memref<2x384x128xf32, #tpu.memory_space<vmem>>, vector<1x1x16xf32>,
        %parallel_loop3A_1012 = vector.shape_cast %parallel_loop3A_1011 : vector<1x1x16xf32> to vector<16xf32>
        %parallel_loop3A_1013 = arith.addf %parallel_loop3A_1004, %parallel_loop3A_1012 : vector<16xf32>
        %parallel_loop3A_1014 = arith.constant 5 : i32
        %parallel_loop3A_1015 = arith.addi %parallel_loop3A_176, %parallel_loop3A_1014 : i32
        %parallel_loop3A_1016 = arith.constant 1 : i32
        %parallel_loop3A_1017 = arith.index_cast %parallel_loop3A_1016 : i32 to index
        %parallel_loop3A_1018 = arith.index_cast %parallel_loop3A_1015 : i32 to index
        %parallel_loop3A_1019 = arith.constant 80 : index
        %parallel_loop3A_1020 = tpu.vector_load %arg4[%parallel_loop3A_1017, %parallel_loop3A_1018, %parallel_loop3A_1019] {strides = array<i32>} : memref<2x384x128xf32, #tpu.memory_space<vmem>>, vector<1x1x16xf32>,
        %parallel_loop3A_1021 = vector.shape_cast %parallel_loop3A_1020 : vector<1x1x16xf32> to vector<16xf32>
        %parallel_loop3A_1022 = arith.addf %parallel_loop3A_1013, %parallel_loop3A_1021 : vector<16xf32>
        %parallel_loop3A_1023 = arith.constant 6 : i32
        %parallel_loop3A_1024 = arith.addi %parallel_loop3A_176, %parallel_loop3A_1023 : i32
        %parallel_loop3A_1025 = arith.constant 1 : i32
        %parallel_loop3A_1026 = arith.index_cast %parallel_loop3A_1025 : i32 to index
        %parallel_loop3A_1027 = arith.index_cast %parallel_loop3A_1024 : i32 to index
        %parallel_loop3A_1028 = arith.constant 80 : index
        %parallel_loop3A_1029 = tpu.vector_load %arg4[%parallel_loop3A_1026, %parallel_loop3A_1027, %parallel_loop3A_1028] {strides = array<i32>} : memref<2x384x128xf32, #tpu.memory_space<vmem>>, vector<1x1x16xf32>,
        %parallel_loop3A_1030 = vector.shape_cast %parallel_loop3A_1029 : vector<1x1x16xf32> to vector<16xf32>
        %parallel_loop3A_1031 = arith.addf %parallel_loop3A_1022, %parallel_loop3A_1030 : vector<16xf32>
        %parallel_loop3A_1032 = arith.constant 7 : i32
        %parallel_loop3A_1033 = arith.addi %parallel_loop3A_176, %parallel_loop3A_1032 : i32
        %parallel_loop3A_1034 = arith.constant 1 : i32
        %parallel_loop3A_1035 = arith.index_cast %parallel_loop3A_1034 : i32 to index
        %parallel_loop3A_1036 = arith.index_cast %parallel_loop3A_1033 : i32 to index
        %parallel_loop3A_1037 = arith.constant 80 : index
        %parallel_loop3A_1038 = tpu.vector_load %arg4[%parallel_loop3A_1035, %parallel_loop3A_1036, %parallel_loop3A_1037] {strides = array<i32>} : memref<2x384x128xf32, #tpu.memory_space<vmem>>, vector<1x1x16xf32>,
        %parallel_loop3A_1039 = vector.shape_cast %parallel_loop3A_1038 : vector<1x1x16xf32> to vector<16xf32>
        %parallel_loop3A_1040 = arith.addf %parallel_loop3A_1031, %parallel_loop3A_1039 : vector<16xf32>
        %parallel_loop3A_1041 = arith.constant 8 : i32
        %parallel_loop3A_1042 = arith.addi %parallel_loop3A_176, %parallel_loop3A_1041 : i32
        %parallel_loop3A_1043 = arith.constant 1 : i32
        %parallel_loop3A_1044 = arith.index_cast %parallel_loop3A_1043 : i32 to index
        %parallel_loop3A_1045 = arith.index_cast %parallel_loop3A_1042 : i32 to index
        %parallel_loop3A_1046 = arith.constant 80 : index
        %parallel_loop3A_1047 = tpu.vector_load %arg4[%parallel_loop3A_1044, %parallel_loop3A_1045, %parallel_loop3A_1046] {strides = array<i32>} : memref<2x384x128xf32, #tpu.memory_space<vmem>>, vector<1x1x16xf32>,
        %parallel_loop3A_1048 = vector.shape_cast %parallel_loop3A_1047 : vector<1x1x16xf32> to vector<16xf32>
        %parallel_loop3A_1049 = arith.addf %parallel_loop3A_1040, %parallel_loop3A_1048 : vector<16xf32>
        %parallel_loop3A_1050 = arith.constant 9 : i32
        %parallel_loop3A_1051 = arith.addi %parallel_loop3A_176, %parallel_loop3A_1050 : i32
        %parallel_loop3A_1052 = arith.constant 1 : i32
        %parallel_loop3A_1053 = arith.index_cast %parallel_loop3A_1052 : i32 to index
        %parallel_loop3A_1054 = arith.index_cast %parallel_loop3A_1051 : i32 to index
        %parallel_loop3A_1055 = arith.constant 80 : index
        %parallel_loop3A_1056 = tpu.vector_load %arg4[%parallel_loop3A_1053, %parallel_loop3A_1054, %parallel_loop3A_1055] {strides = array<i32>} : memref<2x384x128xf32, #tpu.memory_space<vmem>>, vector<1x1x16xf32>,
        %parallel_loop3A_1057 = vector.shape_cast %parallel_loop3A_1056 : vector<1x1x16xf32> to vector<16xf32>
        %parallel_loop3A_1058 = arith.addf %parallel_loop3A_1049, %parallel_loop3A_1057 : vector<16xf32>
        %parallel_loop3A_1059 = arith.constant 10 : i32
        %parallel_loop3A_1060 = arith.addi %parallel_loop3A_176, %parallel_loop3A_1059 : i32
        %parallel_loop3A_1061 = arith.constant 1 : i32
        %parallel_loop3A_1062 = arith.index_cast %parallel_loop3A_1061 : i32 to index
        %parallel_loop3A_1063 = arith.index_cast %parallel_loop3A_1060 : i32 to index
        %parallel_loop3A_1064 = arith.constant 80 : index
        %parallel_loop3A_1065 = tpu.vector_load %arg4[%parallel_loop3A_1062, %parallel_loop3A_1063, %parallel_loop3A_1064] {strides = array<i32>} : memref<2x384x128xf32, #tpu.memory_space<vmem>>, vector<1x1x16xf32>,
        %parallel_loop3A_1066 = vector.shape_cast %parallel_loop3A_1065 : vector<1x1x16xf32> to vector<16xf32>
        %parallel_loop3A_1067 = arith.addf %parallel_loop3A_1058, %parallel_loop3A_1066 : vector<16xf32>
        %parallel_loop3A_1068 = arith.constant 11 : i32
        %parallel_loop3A_1069 = arith.addi %parallel_loop3A_176, %parallel_loop3A_1068 : i32
        %parallel_loop3A_1070 = arith.constant 1 : i32
        %parallel_loop3A_1071 = arith.index_cast %parallel_loop3A_1070 : i32 to index
        %parallel_loop3A_1072 = arith.index_cast %parallel_loop3A_1069 : i32 to index
        %parallel_loop3A_1073 = arith.constant 80 : index
        %parallel_loop3A_1074 = tpu.vector_load %arg4[%parallel_loop3A_1071, %parallel_loop3A_1072, %parallel_loop3A_1073] {strides = array<i32>} : memref<2x384x128xf32, #tpu.memory_space<vmem>>, vector<1x1x16xf32>,
        %parallel_loop3A_1075 = vector.shape_cast %parallel_loop3A_1074 : vector<1x1x16xf32> to vector<16xf32>
        %parallel_loop3A_1076 = arith.addf %parallel_loop3A_1067, %parallel_loop3A_1075 : vector<16xf32>
        %parallel_loop3A_1077 = arith.constant 12 : i32
        %parallel_loop3A_1078 = arith.addi %parallel_loop3A_176, %parallel_loop3A_1077 : i32
        %parallel_loop3A_1079 = arith.constant 1 : i32
        %parallel_loop3A_1080 = arith.index_cast %parallel_loop3A_1079 : i32 to index
        %parallel_loop3A_1081 = arith.index_cast %parallel_loop3A_1078 : i32 to index
        %parallel_loop3A_1082 = arith.constant 80 : index
        %parallel_loop3A_1083 = tpu.vector_load %arg4[%parallel_loop3A_1080, %parallel_loop3A_1081, %parallel_loop3A_1082] {strides = array<i32>} : memref<2x384x128xf32, #tpu.memory_space<vmem>>, vector<1x1x16xf32>,
        %parallel_loop3A_1084 = vector.shape_cast %parallel_loop3A_1083 : vector<1x1x16xf32> to vector<16xf32>
        %parallel_loop3A_1085 = arith.addf %parallel_loop3A_1076, %parallel_loop3A_1084 : vector<16xf32>
        %parallel_loop3A_1086 = arith.constant 13 : i32
        %parallel_loop3A_1087 = arith.addi %parallel_loop3A_176, %parallel_loop3A_1086 : i32
        %parallel_loop3A_1088 = arith.constant 1 : i32
        %parallel_loop3A_1089 = arith.index_cast %parallel_loop3A_1088 : i32 to index
        %parallel_loop3A_1090 = arith.index_cast %parallel_loop3A_1087 : i32 to index
        %parallel_loop3A_1091 = arith.constant 80 : index
        %parallel_loop3A_1092 = tpu.vector_load %arg4[%parallel_loop3A_1089, %parallel_loop3A_1090, %parallel_loop3A_1091] {strides = array<i32>} : memref<2x384x128xf32, #tpu.memory_space<vmem>>, vector<1x1x16xf32>,
        %parallel_loop3A_1093 = vector.shape_cast %parallel_loop3A_1092 : vector<1x1x16xf32> to vector<16xf32>
        %parallel_loop3A_1094 = arith.addf %parallel_loop3A_1085, %parallel_loop3A_1093 : vector<16xf32>
        %parallel_loop3A_1095 = arith.constant 14 : i32
        %parallel_loop3A_1096 = arith.addi %parallel_loop3A_176, %parallel_loop3A_1095 : i32
        %parallel_loop3A_1097 = arith.constant 1 : i32
        %parallel_loop3A_1098 = arith.index_cast %parallel_loop3A_1097 : i32 to index
        %parallel_loop3A_1099 = arith.index_cast %parallel_loop3A_1096 : i32 to index
        %parallel_loop3A_1100 = arith.constant 80 : index
        %parallel_loop3A_1101 = tpu.vector_load %arg4[%parallel_loop3A_1098, %parallel_loop3A_1099, %parallel_loop3A_1100] {strides = array<i32>} : memref<2x384x128xf32, #tpu.memory_space<vmem>>, vector<1x1x16xf32>,
        %parallel_loop3A_1102 = vector.shape_cast %parallel_loop3A_1101 : vector<1x1x16xf32> to vector<16xf32>
        %parallel_loop3A_1103 = arith.addf %parallel_loop3A_1094, %parallel_loop3A_1102 : vector<16xf32>
        %parallel_loop3A_1104 = arith.constant 0.0666666701 : f32
        %parallel_loop3A_1105 = vector.broadcast %parallel_loop3A_1104 : f32 to vector<16xf32>
        %parallel_loop3A_1106 = arith.mulf %parallel_loop3A_1103, %parallel_loop3A_1105 : vector<16xf32>
        %parallel_loop3A_1107 = arith.constant 1 : i32
        %parallel_loop3A_1108 = arith.index_cast %parallel_loop3A_1107 : i32 to index
        %parallel_loop3A_1109 = arith.index_cast %parallel_loop3A_174 : i32 to index
        %parallel_loop3A_1110 = arith.constant 80 : index
        %parallel_loop3A_1111 = tpu.vector_load %arg5[%parallel_loop3A_1108, %parallel_loop3A_1109, %parallel_loop3A_1110] {strides = array<i32>} : memref<2x24x256xf32, #tpu.memory_space<vmem>>, vector<1x1x16xf32>,
        %parallel_loop3A_1112 = vector.shape_cast %parallel_loop3A_1111 : vector<1x1x16xf32> to vector<16xf32>
        %parallel_loop3A_1113 = vector.shape_cast %parallel_loop3A_1106 : vector<16xf32> to vector<1x1x16xf32>
        tpu.vector_store %arg5[%parallel_loop3A_1108, %parallel_loop3A_1109, %parallel_loop3A_1110], %parallel_loop3A_1113 {strides = array<i32>} : memref<2x24x256xf32, #tpu.memory_space<vmem>>, vector<1x1x16xf32>,
        %parallel_loop3A_1114 = arith.constant 16 : i32
        %parallel_loop3A_1115 = arith.addi %parallel_loop3A_176, %parallel_loop3A_1114 : i32
        %parallel_loop3A_1116 = arith.constant 1 : i32
        %parallel_loop3A_1117 = arith.subi %parallel_loop3A_1115, %parallel_loop3A_1116 : i32
        %parallel_loop3A_1118 = arith.constant 1 : i32
        %parallel_loop3A_1119 = arith.index_cast %parallel_loop3A_1118 : i32 to index
        %parallel_loop3A_1120 = arith.index_cast %parallel_loop3A_1117 : i32 to index
        %parallel_loop3A_1121 = arith.constant 80 : index
        %parallel_loop3A_1122 = tpu.vector_load %arg4[%parallel_loop3A_1119, %parallel_loop3A_1120, %parallel_loop3A_1121] {strides = array<i32>} : memref<2x384x128xf32, #tpu.memory_space<vmem>>, vector<1x1x16xf32>,
        %parallel_loop3A_1123 = vector.shape_cast %parallel_loop3A_1122 : vector<1x1x16xf32> to vector<16xf32>
        %parallel_loop3A_1124 = arith.constant 1 : i32
        %parallel_loop3A_1125 = arith.index_cast %parallel_loop3A_1124 : i32 to index
        %parallel_loop3A_1126 = arith.index_cast %parallel_loop3A_174 : i32 to index
        %parallel_loop3A_1127 = arith.constant 208 : index
        %parallel_loop3A_1128 = tpu.vector_load %arg5[%parallel_loop3A_1125, %parallel_loop3A_1126, %parallel_loop3A_1127] {strides = array<i32>} : memref<2x24x256xf32, #tpu.memory_space<vmem>>, vector<1x1x16xf32>,
        %parallel_loop3A_1129 = vector.shape_cast %parallel_loop3A_1128 : vector<1x1x16xf32> to vector<16xf32>
        %parallel_loop3A_1130 = vector.shape_cast %parallel_loop3A_1123 : vector<16xf32> to vector<1x1x16xf32>
        tpu.vector_store %arg5[%parallel_loop3A_1125, %parallel_loop3A_1126, %parallel_loop3A_1127], %parallel_loop3A_1130 {strides = array<i32>} : memref<2x24x256xf32, #tpu.memory_space<vmem>>, vector<1x1x16xf32>,
        %parallel_loop3A_1131 = arith.constant 1 : i32
        %parallel_loop3A_1132 = arith.index_cast %parallel_loop3A_1131 : i32 to index
        %parallel_loop3A_1133 = arith.index_cast %parallel_loop3A_176 : i32 to index
        %parallel_loop3A_1134 = arith.constant 96 : index
        %parallel_loop3A_1135 = tpu.vector_load %arg4[%parallel_loop3A_1132, %parallel_loop3A_1133, %parallel_loop3A_1134] {strides = array<i32>} : memref<2x384x128xf32, #tpu.memory_space<vmem>>, vector<1x1x16xf32>,
        %parallel_loop3A_1136 = vector.shape_cast %parallel_loop3A_1135 : vector<1x1x16xf32> to vector<16xf32>
        %parallel_loop3A_1137 = arith.constant 1 : i32
        %parallel_loop3A_1138 = arith.addi %parallel_loop3A_176, %parallel_loop3A_1137 : i32
        %parallel_loop3A_1139 = arith.constant 1 : i32
        %parallel_loop3A_1140 = arith.index_cast %parallel_loop3A_1139 : i32 to index
        %parallel_loop3A_1141 = arith.index_cast %parallel_loop3A_1138 : i32 to index
        %parallel_loop3A_1142 = arith.constant 96 : index
        %parallel_loop3A_1143 = tpu.vector_load %arg4[%parallel_loop3A_1140, %parallel_loop3A_1141, %parallel_loop3A_1142] {strides = array<i32>} : memref<2x384x128xf32, #tpu.memory_space<vmem>>, vector<1x1x16xf32>,
        %parallel_loop3A_1144 = vector.shape_cast %parallel_loop3A_1143 : vector<1x1x16xf32> to vector<16xf32>
        %parallel_loop3A_1145 = arith.addf %parallel_loop3A_1136, %parallel_loop3A_1144 : vector<16xf32>
        %parallel_loop3A_1146 = arith.constant 2 : i32
        %parallel_loop3A_1147 = arith.addi %parallel_loop3A_176, %parallel_loop3A_1146 : i32
        %parallel_loop3A_1148 = arith.constant 1 : i32
        %parallel_loop3A_1149 = arith.index_cast %parallel_loop3A_1148 : i32 to index
        %parallel_loop3A_1150 = arith.index_cast %parallel_loop3A_1147 : i32 to index
        %parallel_loop3A_1151 = arith.constant 96 : index
        %parallel_loop3A_1152 = tpu.vector_load %arg4[%parallel_loop3A_1149, %parallel_loop3A_1150, %parallel_loop3A_1151] {strides = array<i32>} : memref<2x384x128xf32, #tpu.memory_space<vmem>>, vector<1x1x16xf32>,
        %parallel_loop3A_1153 = vector.shape_cast %parallel_loop3A_1152 : vector<1x1x16xf32> to vector<16xf32>
        %parallel_loop3A_1154 = arith.addf %parallel_loop3A_1145, %parallel_loop3A_1153 : vector<16xf32>
        %parallel_loop3A_1155 = arith.constant 3 : i32
        %parallel_loop3A_1156 = arith.addi %parallel_loop3A_176, %parallel_loop3A_1155 : i32
        %parallel_loop3A_1157 = arith.constant 1 : i32
        %parallel_loop3A_1158 = arith.index_cast %parallel_loop3A_1157 : i32 to index
        %parallel_loop3A_1159 = arith.index_cast %parallel_loop3A_1156 : i32 to index
        %parallel_loop3A_1160 = arith.constant 96 : index
        %parallel_loop3A_1161 = tpu.vector_load %arg4[%parallel_loop3A_1158, %parallel_loop3A_1159, %parallel_loop3A_1160] {strides = array<i32>} : memref<2x384x128xf32, #tpu.memory_space<vmem>>, vector<1x1x16xf32>,
        %parallel_loop3A_1162 = vector.shape_cast %parallel_loop3A_1161 : vector<1x1x16xf32> to vector<16xf32>
        %parallel_loop3A_1163 = arith.addf %parallel_loop3A_1154, %parallel_loop3A_1162 : vector<16xf32>
        %parallel_loop3A_1164 = arith.constant 4 : i32
        %parallel_loop3A_1165 = arith.addi %parallel_loop3A_176, %parallel_loop3A_1164 : i32
        %parallel_loop3A_1166 = arith.constant 1 : i32
        %parallel_loop3A_1167 = arith.index_cast %parallel_loop3A_1166 : i32 to index
        %parallel_loop3A_1168 = arith.index_cast %parallel_loop3A_1165 : i32 to index
        %parallel_loop3A_1169 = arith.constant 96 : index
        %parallel_loop3A_1170 = tpu.vector_load %arg4[%parallel_loop3A_1167, %parallel_loop3A_1168, %parallel_loop3A_1169] {strides = array<i32>} : memref<2x384x128xf32, #tpu.memory_space<vmem>>, vector<1x1x16xf32>,
        %parallel_loop3A_1171 = vector.shape_cast %parallel_loop3A_1170 : vector<1x1x16xf32> to vector<16xf32>
        %parallel_loop3A_1172 = arith.addf %parallel_loop3A_1163, %parallel_loop3A_1171 : vector<16xf32>
        %parallel_loop3A_1173 = arith.constant 5 : i32
        %parallel_loop3A_1174 = arith.addi %parallel_loop3A_176, %parallel_loop3A_1173 : i32
        %parallel_loop3A_1175 = arith.constant 1 : i32
        %parallel_loop3A_1176 = arith.index_cast %parallel_loop3A_1175 : i32 to index
        %parallel_loop3A_1177 = arith.index_cast %parallel_loop3A_1174 : i32 to index
        %parallel_loop3A_1178 = arith.constant 96 : index
        %parallel_loop3A_1179 = tpu.vector_load %arg4[%parallel_loop3A_1176, %parallel_loop3A_1177, %parallel_loop3A_1178] {strides = array<i32>} : memref<2x384x128xf32, #tpu.memory_space<vmem>>, vector<1x1x16xf32>,
        %parallel_loop3A_1180 = vector.shape_cast %parallel_loop3A_1179 : vector<1x1x16xf32> to vector<16xf32>
        %parallel_loop3A_1181 = arith.addf %parallel_loop3A_1172, %parallel_loop3A_1180 : vector<16xf32>
        %parallel_loop3A_1182 = arith.constant 6 : i32
        %parallel_loop3A_1183 = arith.addi %parallel_loop3A_176, %parallel_loop3A_1182 : i32
        %parallel_loop3A_1184 = arith.constant 1 : i32
        %parallel_loop3A_1185 = arith.index_cast %parallel_loop3A_1184 : i32 to index
        %parallel_loop3A_1186 = arith.index_cast %parallel_loop3A_1183 : i32 to index
        %parallel_loop3A_1187 = arith.constant 96 : index
        %parallel_loop3A_1188 = tpu.vector_load %arg4[%parallel_loop3A_1185, %parallel_loop3A_1186, %parallel_loop3A_1187] {strides = array<i32>} : memref<2x384x128xf32, #tpu.memory_space<vmem>>, vector<1x1x16xf32>,
        %parallel_loop3A_1189 = vector.shape_cast %parallel_loop3A_1188 : vector<1x1x16xf32> to vector<16xf32>
        %parallel_loop3A_1190 = arith.addf %parallel_loop3A_1181, %parallel_loop3A_1189 : vector<16xf32>
        %parallel_loop3A_1191 = arith.constant 7 : i32
        %parallel_loop3A_1192 = arith.addi %parallel_loop3A_176, %parallel_loop3A_1191 : i32
        %parallel_loop3A_1193 = arith.constant 1 : i32
        %parallel_loop3A_1194 = arith.index_cast %parallel_loop3A_1193 : i32 to index
        %parallel_loop3A_1195 = arith.index_cast %parallel_loop3A_1192 : i32 to index
        %parallel_loop3A_1196 = arith.constant 96 : index
        %parallel_loop3A_1197 = tpu.vector_load %arg4[%parallel_loop3A_1194, %parallel_loop3A_1195, %parallel_loop3A_1196] {strides = array<i32>} : memref<2x384x128xf32, #tpu.memory_space<vmem>>, vector<1x1x16xf32>,
        %parallel_loop3A_1198 = vector.shape_cast %parallel_loop3A_1197 : vector<1x1x16xf32> to vector<16xf32>
        %parallel_loop3A_1199 = arith.addf %parallel_loop3A_1190, %parallel_loop3A_1198 : vector<16xf32>
        %parallel_loop3A_1200 = arith.constant 8 : i32
        %parallel_loop3A_1201 = arith.addi %parallel_loop3A_176, %parallel_loop3A_1200 : i32
        %parallel_loop3A_1202 = arith.constant 1 : i32
        %parallel_loop3A_1203 = arith.index_cast %parallel_loop3A_1202 : i32 to index
        %parallel_loop3A_1204 = arith.index_cast %parallel_loop3A_1201 : i32 to index
        %parallel_loop3A_1205 = arith.constant 96 : index
        %parallel_loop3A_1206 = tpu.vector_load %arg4[%parallel_loop3A_1203, %parallel_loop3A_1204, %parallel_loop3A_1205] {strides = array<i32>} : memref<2x384x128xf32, #tpu.memory_space<vmem>>, vector<1x1x16xf32>,
        %parallel_loop3A_1207 = vector.shape_cast %parallel_loop3A_1206 : vector<1x1x16xf32> to vector<16xf32>
        %parallel_loop3A_1208 = arith.addf %parallel_loop3A_1199, %parallel_loop3A_1207 : vector<16xf32>
        %parallel_loop3A_1209 = arith.constant 9 : i32
        %parallel_loop3A_1210 = arith.addi %parallel_loop3A_176, %parallel_loop3A_1209 : i32
        %parallel_loop3A_1211 = arith.constant 1 : i32
        %parallel_loop3A_1212 = arith.index_cast %parallel_loop3A_1211 : i32 to index
        %parallel_loop3A_1213 = arith.index_cast %parallel_loop3A_1210 : i32 to index
        %parallel_loop3A_1214 = arith.constant 96 : index
        %parallel_loop3A_1215 = tpu.vector_load %arg4[%parallel_loop3A_1212, %parallel_loop3A_1213, %parallel_loop3A_1214] {strides = array<i32>} : memref<2x384x128xf32, #tpu.memory_space<vmem>>, vector<1x1x16xf32>,
        %parallel_loop3A_1216 = vector.shape_cast %parallel_loop3A_1215 : vector<1x1x16xf32> to vector<16xf32>
        %parallel_loop3A_1217 = arith.addf %parallel_loop3A_1208, %parallel_loop3A_1216 : vector<16xf32>
        %parallel_loop3A_1218 = arith.constant 10 : i32
        %parallel_loop3A_1219 = arith.addi %parallel_loop3A_176, %parallel_loop3A_1218 : i32
        %parallel_loop3A_1220 = arith.constant 1 : i32
        %parallel_loop3A_1221 = arith.index_cast %parallel_loop3A_1220 : i32 to index
        %parallel_loop3A_1222 = arith.index_cast %parallel_loop3A_1219 : i32 to index
        %parallel_loop3A_1223 = arith.constant 96 : index
        %parallel_loop3A_1224 = tpu.vector_load %arg4[%parallel_loop3A_1221, %parallel_loop3A_1222, %parallel_loop3A_1223] {strides = array<i32>} : memref<2x384x128xf32, #tpu.memory_space<vmem>>, vector<1x1x16xf32>,
        %parallel_loop3A_1225 = vector.shape_cast %parallel_loop3A_1224 : vector<1x1x16xf32> to vector<16xf32>
        %parallel_loop3A_1226 = arith.addf %parallel_loop3A_1217, %parallel_loop3A_1225 : vector<16xf32>
        %parallel_loop3A_1227 = arith.constant 11 : i32
        %parallel_loop3A_1228 = arith.addi %parallel_loop3A_176, %parallel_loop3A_1227 : i32
        %parallel_loop3A_1229 = arith.constant 1 : i32
        %parallel_loop3A_1230 = arith.index_cast %parallel_loop3A_1229 : i32 to index
        %parallel_loop3A_1231 = arith.index_cast %parallel_loop3A_1228 : i32 to index
        %parallel_loop3A_1232 = arith.constant 96 : index
        %parallel_loop3A_1233 = tpu.vector_load %arg4[%parallel_loop3A_1230, %parallel_loop3A_1231, %parallel_loop3A_1232] {strides = array<i32>} : memref<2x384x128xf32, #tpu.memory_space<vmem>>, vector<1x1x16xf32>,
        %parallel_loop3A_1234 = vector.shape_cast %parallel_loop3A_1233 : vector<1x1x16xf32> to vector<16xf32>
        %parallel_loop3A_1235 = arith.addf %parallel_loop3A_1226, %parallel_loop3A_1234 : vector<16xf32>
        %parallel_loop3A_1236 = arith.constant 12 : i32
        %parallel_loop3A_1237 = arith.addi %parallel_loop3A_176, %parallel_loop3A_1236 : i32
        %parallel_loop3A_1238 = arith.constant 1 : i32
        %parallel_loop3A_1239 = arith.index_cast %parallel_loop3A_1238 : i32 to index
        %parallel_loop3A_1240 = arith.index_cast %parallel_loop3A_1237 : i32 to index
        %parallel_loop3A_1241 = arith.constant 96 : index
        %parallel_loop3A_1242 = tpu.vector_load %arg4[%parallel_loop3A_1239, %parallel_loop3A_1240, %parallel_loop3A_1241] {strides = array<i32>} : memref<2x384x128xf32, #tpu.memory_space<vmem>>, vector<1x1x16xf32>,
        %parallel_loop3A_1243 = vector.shape_cast %parallel_loop3A_1242 : vector<1x1x16xf32> to vector<16xf32>
        %parallel_loop3A_1244 = arith.addf %parallel_loop3A_1235, %parallel_loop3A_1243 : vector<16xf32>
        %parallel_loop3A_1245 = arith.constant 13 : i32
        %parallel_loop3A_1246 = arith.addi %parallel_loop3A_176, %parallel_loop3A_1245 : i32
        %parallel_loop3A_1247 = arith.constant 1 : i32
        %parallel_loop3A_1248 = arith.index_cast %parallel_loop3A_1247 : i32 to index
        %parallel_loop3A_1249 = arith.index_cast %parallel_loop3A_1246 : i32 to index
        %parallel_loop3A_1250 = arith.constant 96 : index
        %parallel_loop3A_1251 = tpu.vector_load %arg4[%parallel_loop3A_1248, %parallel_loop3A_1249, %parallel_loop3A_1250] {strides = array<i32>} : memref<2x384x128xf32, #tpu.memory_space<vmem>>, vector<1x1x16xf32>,
        %parallel_loop3A_1252 = vector.shape_cast %parallel_loop3A_1251 : vector<1x1x16xf32> to vector<16xf32>
        %parallel_loop3A_1253 = arith.addf %parallel_loop3A_1244, %parallel_loop3A_1252 : vector<16xf32>
        %parallel_loop3A_1254 = arith.constant 14 : i32
        %parallel_loop3A_1255 = arith.addi %parallel_loop3A_176, %parallel_loop3A_1254 : i32
        %parallel_loop3A_1256 = arith.constant 1 : i32
        %parallel_loop3A_1257 = arith.index_cast %parallel_loop3A_1256 : i32 to index
        %parallel_loop3A_1258 = arith.index_cast %parallel_loop3A_1255 : i32 to index
        %parallel_loop3A_1259 = arith.constant 96 : index
        %parallel_loop3A_1260 = tpu.vector_load %arg4[%parallel_loop3A_1257, %parallel_loop3A_1258, %parallel_loop3A_1259] {strides = array<i32>} : memref<2x384x128xf32, #tpu.memory_space<vmem>>, vector<1x1x16xf32>,
        %parallel_loop3A_1261 = vector.shape_cast %parallel_loop3A_1260 : vector<1x1x16xf32> to vector<16xf32>
        %parallel_loop3A_1262 = arith.addf %parallel_loop3A_1253, %parallel_loop3A_1261 : vector<16xf32>
        %parallel_loop3A_1263 = arith.constant 0.0666666701 : f32
        %parallel_loop3A_1264 = vector.broadcast %parallel_loop3A_1263 : f32 to vector<16xf32>
        %parallel_loop3A_1265 = arith.mulf %parallel_loop3A_1262, %parallel_loop3A_1264 : vector<16xf32>
        %parallel_loop3A_1266 = arith.constant 1 : i32
        %parallel_loop3A_1267 = arith.index_cast %parallel_loop3A_1266 : i32 to index
        %parallel_loop3A_1268 = arith.index_cast %parallel_loop3A_174 : i32 to index
        %parallel_loop3A_1269 = arith.constant 96 : index
        %parallel_loop3A_1270 = tpu.vector_load %arg5[%parallel_loop3A_1267, %parallel_loop3A_1268, %parallel_loop3A_1269] {strides = array<i32>} : memref<2x24x256xf32, #tpu.memory_space<vmem>>, vector<1x1x16xf32>,
        %parallel_loop3A_1271 = vector.shape_cast %parallel_loop3A_1270 : vector<1x1x16xf32> to vector<16xf32>
        %parallel_loop3A_1272 = vector.shape_cast %parallel_loop3A_1265 : vector<16xf32> to vector<1x1x16xf32>
        tpu.vector_store %arg5[%parallel_loop3A_1267, %parallel_loop3A_1268, %parallel_loop3A_1269], %parallel_loop3A_1272 {strides = array<i32>} : memref<2x24x256xf32, #tpu.memory_space<vmem>>, vector<1x1x16xf32>,
        %parallel_loop3A_1273 = arith.constant 16 : i32
        %parallel_loop3A_1274 = arith.addi %parallel_loop3A_176, %parallel_loop3A_1273 : i32
        %parallel_loop3A_1275 = arith.constant 1 : i32
        %parallel_loop3A_1276 = arith.subi %parallel_loop3A_1274, %parallel_loop3A_1275 : i32
        %parallel_loop3A_1277 = arith.constant 1 : i32
        %parallel_loop3A_1278 = arith.index_cast %parallel_loop3A_1277 : i32 to index
        %parallel_loop3A_1279 = arith.index_cast %parallel_loop3A_1276 : i32 to index
        %parallel_loop3A_1280 = arith.constant 96 : index
        %parallel_loop3A_1281 = tpu.vector_load %arg4[%parallel_loop3A_1278, %parallel_loop3A_1279, %parallel_loop3A_1280] {strides = array<i32>} : memref<2x384x128xf32, #tpu.memory_space<vmem>>, vector<1x1x16xf32>,
        %parallel_loop3A_1282 = vector.shape_cast %parallel_loop3A_1281 : vector<1x1x16xf32> to vector<16xf32>
        %parallel_loop3A_1283 = arith.constant 1 : i32
        %parallel_loop3A_1284 = arith.index_cast %parallel_loop3A_1283 : i32 to index
        %parallel_loop3A_1285 = arith.index_cast %parallel_loop3A_174 : i32 to index
        %parallel_loop3A_1286 = arith.constant 224 : index
        %parallel_loop3A_1287 = tpu.vector_load %arg5[%parallel_loop3A_1284, %parallel_loop3A_1285, %parallel_loop3A_1286] {strides = array<i32>} : memref<2x24x256xf32, #tpu.memory_space<vmem>>, vector<1x1x16xf32>,
        %parallel_loop3A_1288 = vector.shape_cast %parallel_loop3A_1287 : vector<1x1x16xf32> to vector<16xf32>
        %parallel_loop3A_1289 = vector.shape_cast %parallel_loop3A_1282 : vector<16xf32> to vector<1x1x16xf32>
        tpu.vector_store %arg5[%parallel_loop3A_1284, %parallel_loop3A_1285, %parallel_loop3A_1286], %parallel_loop3A_1289 {strides = array<i32>} : memref<2x24x256xf32, #tpu.memory_space<vmem>>, vector<1x1x16xf32>,
        %parallel_loop3A_1290 = arith.constant 1 : i32
        %parallel_loop3A_1291 = arith.index_cast %parallel_loop3A_1290 : i32 to index
        %parallel_loop3A_1292 = arith.index_cast %parallel_loop3A_176 : i32 to index
        %parallel_loop3A_1293 = arith.constant 112 : index
        %parallel_loop3A_1294 = tpu.vector_load %arg4[%parallel_loop3A_1291, %parallel_loop3A_1292, %parallel_loop3A_1293] {strides = array<i32>} : memref<2x384x128xf32, #tpu.memory_space<vmem>>, vector<1x1x16xf32>,
        %parallel_loop3A_1295 = vector.shape_cast %parallel_loop3A_1294 : vector<1x1x16xf32> to vector<16xf32>
        %parallel_loop3A_1296 = arith.constant 1 : i32
        %parallel_loop3A_1297 = arith.addi %parallel_loop3A_176, %parallel_loop3A_1296 : i32
        %parallel_loop3A_1298 = arith.constant 1 : i32
        %parallel_loop3A_1299 = arith.index_cast %parallel_loop3A_1298 : i32 to index
        %parallel_loop3A_1300 = arith.index_cast %parallel_loop3A_1297 : i32 to index
        %parallel_loop3A_1301 = arith.constant 112 : index
        %parallel_loop3A_1302 = tpu.vector_load %arg4[%parallel_loop3A_1299, %parallel_loop3A_1300, %parallel_loop3A_1301] {strides = array<i32>} : memref<2x384x128xf32, #tpu.memory_space<vmem>>, vector<1x1x16xf32>,
        %parallel_loop3A_1303 = vector.shape_cast %parallel_loop3A_1302 : vector<1x1x16xf32> to vector<16xf32>
        %parallel_loop3A_1304 = arith.addf %parallel_loop3A_1295, %parallel_loop3A_1303 : vector<16xf32>
        %parallel_loop3A_1305 = arith.constant 2 : i32
        %parallel_loop3A_1306 = arith.addi %parallel_loop3A_176, %parallel_loop3A_1305 : i32
        %parallel_loop3A_1307 = arith.constant 1 : i32
        %parallel_loop3A_1308 = arith.index_cast %parallel_loop3A_1307 : i32 to index
        %parallel_loop3A_1309 = arith.index_cast %parallel_loop3A_1306 : i32 to index
        %parallel_loop3A_1310 = arith.constant 112 : index
        %parallel_loop3A_1311 = tpu.vector_load %arg4[%parallel_loop3A_1308, %parallel_loop3A_1309, %parallel_loop3A_1310] {strides = array<i32>} : memref<2x384x128xf32, #tpu.memory_space<vmem>>, vector<1x1x16xf32>,
        %parallel_loop3A_1312 = vector.shape_cast %parallel_loop3A_1311 : vector<1x1x16xf32> to vector<16xf32>
        %parallel_loop3A_1313 = arith.addf %parallel_loop3A_1304, %parallel_loop3A_1312 : vector<16xf32>
        %parallel_loop3A_1314 = arith.constant 3 : i32
        %parallel_loop3A_1315 = arith.addi %parallel_loop3A_176, %parallel_loop3A_1314 : i32
        %parallel_loop3A_1316 = arith.constant 1 : i32
        %parallel_loop3A_1317 = arith.index_cast %parallel_loop3A_1316 : i32 to index
        %parallel_loop3A_1318 = arith.index_cast %parallel_loop3A_1315 : i32 to index
        %parallel_loop3A_1319 = arith.constant 112 : index
        %parallel_loop3A_1320 = tpu.vector_load %arg4[%parallel_loop3A_1317, %parallel_loop3A_1318, %parallel_loop3A_1319] {strides = array<i32>} : memref<2x384x128xf32, #tpu.memory_space<vmem>>, vector<1x1x16xf32>,
        %parallel_loop3A_1321 = vector.shape_cast %parallel_loop3A_1320 : vector<1x1x16xf32> to vector<16xf32>
        %parallel_loop3A_1322 = arith.addf %parallel_loop3A_1313, %parallel_loop3A_1321 : vector<16xf32>
        %parallel_loop3A_1323 = arith.constant 4 : i32
        %parallel_loop3A_1324 = arith.addi %parallel_loop3A_176, %parallel_loop3A_1323 : i32
        %parallel_loop3A_1325 = arith.constant 1 : i32
        %parallel_loop3A_1326 = arith.index_cast %parallel_loop3A_1325 : i32 to index
        %parallel_loop3A_1327 = arith.index_cast %parallel_loop3A_1324 : i32 to index
        %parallel_loop3A_1328 = arith.constant 112 : index
        %parallel_loop3A_1329 = tpu.vector_load %arg4[%parallel_loop3A_1326, %parallel_loop3A_1327, %parallel_loop3A_1328] {strides = array<i32>} : memref<2x384x128xf32, #tpu.memory_space<vmem>>, vector<1x1x16xf32>,
        %parallel_loop3A_1330 = vector.shape_cast %parallel_loop3A_1329 : vector<1x1x16xf32> to vector<16xf32>
        %parallel_loop3A_1331 = arith.addf %parallel_loop3A_1322, %parallel_loop3A_1330 : vector<16xf32>
        %parallel_loop3A_1332 = arith.constant 5 : i32
        %parallel_loop3A_1333 = arith.addi %parallel_loop3A_176, %parallel_loop3A_1332 : i32
        %parallel_loop3A_1334 = arith.constant 1 : i32
        %parallel_loop3A_1335 = arith.index_cast %parallel_loop3A_1334 : i32 to index
        %parallel_loop3A_1336 = arith.index_cast %parallel_loop3A_1333 : i32 to index
        %parallel_loop3A_1337 = arith.constant 112 : index
        %parallel_loop3A_1338 = tpu.vector_load %arg4[%parallel_loop3A_1335, %parallel_loop3A_1336, %parallel_loop3A_1337] {strides = array<i32>} : memref<2x384x128xf32, #tpu.memory_space<vmem>>, vector<1x1x16xf32>,
        %parallel_loop3A_1339 = vector.shape_cast %parallel_loop3A_1338 : vector<1x1x16xf32> to vector<16xf32>
        %parallel_loop3A_1340 = arith.addf %parallel_loop3A_1331, %parallel_loop3A_1339 : vector<16xf32>
        %parallel_loop3A_1341 = arith.constant 6 : i32
        %parallel_loop3A_1342 = arith.addi %parallel_loop3A_176, %parallel_loop3A_1341 : i32
        %parallel_loop3A_1343 = arith.constant 1 : i32
        %parallel_loop3A_1344 = arith.index_cast %parallel_loop3A_1343 : i32 to index
        %parallel_loop3A_1345 = arith.index_cast %parallel_loop3A_1342 : i32 to index
        %parallel_loop3A_1346 = arith.constant 112 : index
        %parallel_loop3A_1347 = tpu.vector_load %arg4[%parallel_loop3A_1344, %parallel_loop3A_1345, %parallel_loop3A_1346] {strides = array<i32>} : memref<2x384x128xf32, #tpu.memory_space<vmem>>, vector<1x1x16xf32>,
        %parallel_loop3A_1348 = vector.shape_cast %parallel_loop3A_1347 : vector<1x1x16xf32> to vector<16xf32>
        %parallel_loop3A_1349 = arith.addf %parallel_loop3A_1340, %parallel_loop3A_1348 : vector<16xf32>
        %parallel_loop3A_1350 = arith.constant 7 : i32
        %parallel_loop3A_1351 = arith.addi %parallel_loop3A_176, %parallel_loop3A_1350 : i32
        %parallel_loop3A_1352 = arith.constant 1 : i32
        %parallel_loop3A_1353 = arith.index_cast %parallel_loop3A_1352 : i32 to index
        %parallel_loop3A_1354 = arith.index_cast %parallel_loop3A_1351 : i32 to index
        %parallel_loop3A_1355 = arith.constant 112 : index
        %parallel_loop3A_1356 = tpu.vector_load %arg4[%parallel_loop3A_1353, %parallel_loop3A_1354, %parallel_loop3A_1355] {strides = array<i32>} : memref<2x384x128xf32, #tpu.memory_space<vmem>>, vector<1x1x16xf32>,
        %parallel_loop3A_1357 = vector.shape_cast %parallel_loop3A_1356 : vector<1x1x16xf32> to vector<16xf32>
        %parallel_loop3A_1358 = arith.addf %parallel_loop3A_1349, %parallel_loop3A_1357 : vector<16xf32>
        %parallel_loop3A_1359 = arith.constant 8 : i32
        %parallel_loop3A_1360 = arith.addi %parallel_loop3A_176, %parallel_loop3A_1359 : i32
        %parallel_loop3A_1361 = arith.constant 1 : i32
        %parallel_loop3A_1362 = arith.index_cast %parallel_loop3A_1361 : i32 to index
        %parallel_loop3A_1363 = arith.index_cast %parallel_loop3A_1360 : i32 to index
        %parallel_loop3A_1364 = arith.constant 112 : index
        %parallel_loop3A_1365 = tpu.vector_load %arg4[%parallel_loop3A_1362, %parallel_loop3A_1363, %parallel_loop3A_1364] {strides = array<i32>} : memref<2x384x128xf32, #tpu.memory_space<vmem>>, vector<1x1x16xf32>,
        %parallel_loop3A_1366 = vector.shape_cast %parallel_loop3A_1365 : vector<1x1x16xf32> to vector<16xf32>
        %parallel_loop3A_1367 = arith.addf %parallel_loop3A_1358, %parallel_loop3A_1366 : vector<16xf32>
        %parallel_loop3A_1368 = arith.constant 9 : i32
        %parallel_loop3A_1369 = arith.addi %parallel_loop3A_176, %parallel_loop3A_1368 : i32
        %parallel_loop3A_1370 = arith.constant 1 : i32
        %parallel_loop3A_1371 = arith.index_cast %parallel_loop3A_1370 : i32 to index
        %parallel_loop3A_1372 = arith.index_cast %parallel_loop3A_1369 : i32 to index
        %parallel_loop3A_1373 = arith.constant 112 : index
        %parallel_loop3A_1374 = tpu.vector_load %arg4[%parallel_loop3A_1371, %parallel_loop3A_1372, %parallel_loop3A_1373] {strides = array<i32>} : memref<2x384x128xf32, #tpu.memory_space<vmem>>, vector<1x1x16xf32>,
        %parallel_loop3A_1375 = vector.shape_cast %parallel_loop3A_1374 : vector<1x1x16xf32> to vector<16xf32>
        %parallel_loop3A_1376 = arith.addf %parallel_loop3A_1367, %parallel_loop3A_1375 : vector<16xf32>
        %parallel_loop3A_1377 = arith.constant 10 : i32
        %parallel_loop3A_1378 = arith.addi %parallel_loop3A_176, %parallel_loop3A_1377 : i32
        %parallel_loop3A_1379 = arith.constant 1 : i32
        %parallel_loop3A_1380 = arith.index_cast %parallel_loop3A_1379 : i32 to index
        %parallel_loop3A_1381 = arith.index_cast %parallel_loop3A_1378 : i32 to index
        %parallel_loop3A_1382 = arith.constant 112 : index
        %parallel_loop3A_1383 = tpu.vector_load %arg4[%parallel_loop3A_1380, %parallel_loop3A_1381, %parallel_loop3A_1382] {strides = array<i32>} : memref<2x384x128xf32, #tpu.memory_space<vmem>>, vector<1x1x16xf32>,
        %parallel_loop3A_1384 = vector.shape_cast %parallel_loop3A_1383 : vector<1x1x16xf32> to vector<16xf32>
        %parallel_loop3A_1385 = arith.addf %parallel_loop3A_1376, %parallel_loop3A_1384 : vector<16xf32>
        %parallel_loop3A_1386 = arith.constant 11 : i32
        %parallel_loop3A_1387 = arith.addi %parallel_loop3A_176, %parallel_loop3A_1386 : i32
        %parallel_loop3A_1388 = arith.constant 1 : i32
        %parallel_loop3A_1389 = arith.index_cast %parallel_loop3A_1388 : i32 to index
        %parallel_loop3A_1390 = arith.index_cast %parallel_loop3A_1387 : i32 to index
        %parallel_loop3A_1391 = arith.constant 112 : index
        %parallel_loop3A_1392 = tpu.vector_load %arg4[%parallel_loop3A_1389, %parallel_loop3A_1390, %parallel_loop3A_1391] {strides = array<i32>} : memref<2x384x128xf32, #tpu.memory_space<vmem>>, vector<1x1x16xf32>,
        %parallel_loop3A_1393 = vector.shape_cast %parallel_loop3A_1392 : vector<1x1x16xf32> to vector<16xf32>
        %parallel_loop3A_1394 = arith.addf %parallel_loop3A_1385, %parallel_loop3A_1393 : vector<16xf32>
        %parallel_loop3A_1395 = arith.constant 12 : i32
        %parallel_loop3A_1396 = arith.addi %parallel_loop3A_176, %parallel_loop3A_1395 : i32
        %parallel_loop3A_1397 = arith.constant 1 : i32
        %parallel_loop3A_1398 = arith.index_cast %parallel_loop3A_1397 : i32 to index
        %parallel_loop3A_1399 = arith.index_cast %parallel_loop3A_1396 : i32 to index
        %parallel_loop3A_1400 = arith.constant 112 : index
        %parallel_loop3A_1401 = tpu.vector_load %arg4[%parallel_loop3A_1398, %parallel_loop3A_1399, %parallel_loop3A_1400] {strides = array<i32>} : memref<2x384x128xf32, #tpu.memory_space<vmem>>, vector<1x1x16xf32>,
        %parallel_loop3A_1402 = vector.shape_cast %parallel_loop3A_1401 : vector<1x1x16xf32> to vector<16xf32>
        %parallel_loop3A_1403 = arith.addf %parallel_loop3A_1394, %parallel_loop3A_1402 : vector<16xf32>
        %parallel_loop3A_1404 = arith.constant 13 : i32
        %parallel_loop3A_1405 = arith.addi %parallel_loop3A_176, %parallel_loop3A_1404 : i32
        %parallel_loop3A_1406 = arith.constant 1 : i32
        %parallel_loop3A_1407 = arith.index_cast %parallel_loop3A_1406 : i32 to index
        %parallel_loop3A_1408 = arith.index_cast %parallel_loop3A_1405 : i32 to index
        %parallel_loop3A_1409 = arith.constant 112 : index
        %parallel_loop3A_1410 = tpu.vector_load %arg4[%parallel_loop3A_1407, %parallel_loop3A_1408, %parallel_loop3A_1409] {strides = array<i32>} : memref<2x384x128xf32, #tpu.memory_space<vmem>>, vector<1x1x16xf32>,
        %parallel_loop3A_1411 = vector.shape_cast %parallel_loop3A_1410 : vector<1x1x16xf32> to vector<16xf32>
        %parallel_loop3A_1412 = arith.addf %parallel_loop3A_1403, %parallel_loop3A_1411 : vector<16xf32>
        %parallel_loop3A_1413 = arith.constant 14 : i32
        %parallel_loop3A_1414 = arith.addi %parallel_loop3A_176, %parallel_loop3A_1413 : i32
        %parallel_loop3A_1415 = arith.constant 1 : i32
        %parallel_loop3A_1416 = arith.index_cast %parallel_loop3A_1415 : i32 to index
        %parallel_loop3A_1417 = arith.index_cast %parallel_loop3A_1414 : i32 to index
        %parallel_loop3A_1418 = arith.constant 112 : index
        %parallel_loop3A_1419 = tpu.vector_load %arg4[%parallel_loop3A_1416, %parallel_loop3A_1417, %parallel_loop3A_1418] {strides = array<i32>} : memref<2x384x128xf32, #tpu.memory_space<vmem>>, vector<1x1x16xf32>,
        %parallel_loop3A_1420 = vector.shape_cast %parallel_loop3A_1419 : vector<1x1x16xf32> to vector<16xf32>
        %parallel_loop3A_1421 = arith.addf %parallel_loop3A_1412, %parallel_loop3A_1420 : vector<16xf32>
        %parallel_loop3A_1422 = arith.constant 0.0666666701 : f32
        %parallel_loop3A_1423 = vector.broadcast %parallel_loop3A_1422 : f32 to vector<16xf32>
        %parallel_loop3A_1424 = arith.mulf %parallel_loop3A_1421, %parallel_loop3A_1423 : vector<16xf32>
        %parallel_loop3A_1425 = arith.constant 1 : i32
        %parallel_loop3A_1426 = arith.index_cast %parallel_loop3A_1425 : i32 to index
        %parallel_loop3A_1427 = arith.index_cast %parallel_loop3A_174 : i32 to index
        %parallel_loop3A_1428 = arith.constant 112 : index
        %parallel_loop3A_1429 = tpu.vector_load %arg5[%parallel_loop3A_1426, %parallel_loop3A_1427, %parallel_loop3A_1428] {strides = array<i32>} : memref<2x24x256xf32, #tpu.memory_space<vmem>>, vector<1x1x16xf32>,
        %parallel_loop3A_1430 = vector.shape_cast %parallel_loop3A_1429 : vector<1x1x16xf32> to vector<16xf32>
        %parallel_loop3A_1431 = vector.shape_cast %parallel_loop3A_1424 : vector<16xf32> to vector<1x1x16xf32>
        tpu.vector_store %arg5[%parallel_loop3A_1426, %parallel_loop3A_1427, %parallel_loop3A_1428], %parallel_loop3A_1431 {strides = array<i32>} : memref<2x24x256xf32, #tpu.memory_space<vmem>>, vector<1x1x16xf32>,
        %parallel_loop3A_1432 = arith.constant 16 : i32
        %parallel_loop3A_1433 = arith.addi %parallel_loop3A_176, %parallel_loop3A_1432 : i32
        %parallel_loop3A_1434 = arith.constant 1 : i32
        %parallel_loop3A_1435 = arith.subi %parallel_loop3A_1433, %parallel_loop3A_1434 : i32
        %parallel_loop3A_1436 = arith.constant 1 : i32
        %parallel_loop3A_1437 = arith.index_cast %parallel_loop3A_1436 : i32 to index
        %parallel_loop3A_1438 = arith.index_cast %parallel_loop3A_1435 : i32 to index
        %parallel_loop3A_1439 = arith.constant 112 : index
        %parallel_loop3A_1440 = tpu.vector_load %arg4[%parallel_loop3A_1437, %parallel_loop3A_1438, %parallel_loop3A_1439] {strides = array<i32>} : memref<2x384x128xf32, #tpu.memory_space<vmem>>, vector<1x1x16xf32>,
        %parallel_loop3A_1441 = vector.shape_cast %parallel_loop3A_1440 : vector<1x1x16xf32> to vector<16xf32>
        %parallel_loop3A_1442 = arith.constant 1 : i32
        %parallel_loop3A_1443 = arith.index_cast %parallel_loop3A_1442 : i32 to index
        %parallel_loop3A_1444 = arith.index_cast %parallel_loop3A_174 : i32 to index
        %parallel_loop3A_1445 = arith.constant 240 : index
        %parallel_loop3A_1446 = tpu.vector_load %arg5[%parallel_loop3A_1443, %parallel_loop3A_1444, %parallel_loop3A_1445] {strides = array<i32>} : memref<2x24x256xf32, #tpu.memory_space<vmem>>, vector<1x1x16xf32>,
        %parallel_loop3A_1447 = vector.shape_cast %parallel_loop3A_1446 : vector<1x1x16xf32> to vector<16xf32>
        %parallel_loop3A_1448 = vector.shape_cast %parallel_loop3A_1441 : vector<16xf32> to vector<1x1x16xf32>
        tpu.vector_store %arg5[%parallel_loop3A_1443, %parallel_loop3A_1444, %parallel_loop3A_1445], %parallel_loop3A_1448 {strides = array<i32>} : memref<2x24x256xf32, #tpu.memory_space<vmem>>, vector<1x1x16xf32>,
      } {sc.loop_unroll_factor = 2 : i64, sc.parallel_access}
      %mul3A_155 = arith.constant 24 : i32
      %mul3A_156 = arith.muli %add3A_118, %mul3A_155 : i32
      %add3A_157 = arith.addi %mul3A_2, %mul3A_156 : i32
      %dma_start3A_158 = arith.constant 1 : i32
      %dma_start3A_159 = arith.constant 1 : i32
      %dma_start3A_160 = arith.constant 0 : i32
      %dma_start3A_161 = arith.constant 0 : i32
      %dma_start3A_162 = tpu.memref_slice %arg5[%dma_start3A_158, %dma_start3A_160, %dma_start3A_161] : memref<2x24x256xf32, #tpu.memory_space<vmem>> -> memref<1x24x256xf32, #tpu.memory_space<vmem>>
      %dma_start3A_163 = tpu.memref_squeeze %dma_start3A_162 : memref<1x24x256xf32, #tpu.memory_space<vmem>> -> memref<24x256xf32, #tpu.memory_space<vmem>>
      %dma_start3A_164 = arith.constant 0 : i32
      %dma_start3A_165 = tpu.memref_slice %arg3[%add3A_157, %dma_start3A_164] : memref<9216x256xf32, #tpu.memory_space<hbm>> -> memref<24x256xf32, #tpu.memory_space<hbm>>
      %dma_start3A_166 = tpu.memref_slice %arg7[%dma_start3A_159] : memref<2x!tpu.dma_semaphore, #tpu.memory_space<semaphore_mem>> -> memref<1x!tpu.dma_semaphore, #tpu.memory_space<semaphore_mem>>
      %dma_start3A_167 = tpu.memref_squeeze %dma_start3A_166 : memref<1x!tpu.dma_semaphore, #tpu.memory_space<semaphore_mem>> -> memref<!tpu.dma_semaphore, #tpu.memory_space<semaphore_mem>>
      %dma_start3A_168 = arith.constant 0 : i32
      %dma_start3A_169 = tpu.memref_slice %arg3[%add3A_157, %dma_start3A_168] : memref<9216x256xf32, #tpu.memory_space<hbm>> -> memref<24x256xf32, #tpu.memory_space<hbm>>
      %dma_start3A_170 = arith.constant 0 : i32
      %dma_start3A_171 = arith.constant 0 : i32
      %dma_start3A_172 = tpu.memref_slice %arg5[%dma_start3A_158, %dma_start3A_170, %dma_start3A_171] : memref<2x24x256xf32, #tpu.memory_space<vmem>> -> memref<1x24x256xf32, #tpu.memory_space<vmem>>
      %dma_start3A_173 = tpu.memref_squeeze %dma_start3A_172 : memref<1x24x256xf32, #tpu.memory_space<vmem>> -> memref<24x256xf32, #tpu.memory_space<vmem>>
      tpu.enqueue_dma source(%dma_start3A_173 : memref<24x256xf32, #tpu.memory_space<vmem>>) target(%dma_start3A_169 : memref<24x256xf32, #tpu.memory_space<hbm>>) target_semaphore(%dma_start3A_167 : memref<!tpu.dma_semaphore, #tpu.memory_space<semaphore_mem>>)
    }
    %scan3A_26 = arith.constant 6 : i32
    %add3A_27 = arith.constant 240 : i32
    %add3A_28 = arith.addi %mul3A_2, %add3A_27 : i32
    %dma_wait3A = arith.constant 0 : i32
    %dma_wait3A_29 = arith.constant 0 : i32
    %dma_wait3A_30 = arith.constant 0 : i32
    %dma_wait3A_31 = arith.constant 0 : i32
    %dma_wait3A_32 = tpu.memref_slice %arg5[%dma_wait3A, %dma_wait3A_30, %dma_wait3A_31] : memref<2x24x256xf32, #tpu.memory_space<vmem>> -> memref<1x24x256xf32, #tpu.memory_space<vmem>>
    %dma_wait3A_33 = tpu.memref_squeeze %dma_wait3A_32 : memref<1x24x256xf32, #tpu.memory_space<vmem>> -> memref<24x256xf32, #tpu.memory_space<vmem>>
    %dma_wait3A_34 = arith.constant 0 : i32
    %dma_wait3A_35 = tpu.memref_slice %arg3[%add3A_28, %dma_wait3A_34] : memref<9216x256xf32, #tpu.memory_space<hbm>> -> memref<24x256xf32, #tpu.memory_space<hbm>>
    %dma_wait3A_36 = tpu.memref_slice %arg7[%dma_wait3A_29] : memref<2x!tpu.dma_semaphore, #tpu.memory_space<semaphore_mem>> -> memref<1x!tpu.dma_semaphore, #tpu.memory_space<semaphore_mem>>
    %dma_wait3A_37 = tpu.memref_squeeze %dma_wait3A_36 : memref<1x!tpu.dma_semaphore, #tpu.memory_space<semaphore_mem>> -> memref<!tpu.dma_semaphore, #tpu.memory_space<semaphore_mem>>
    %dma_wait3A_38 = arith.constant 0 : i32
    %dma_wait3A_39 = tpu.memref_slice %arg3[%add3A_28, %dma_wait3A_38] : memref<9216x256xf32, #tpu.memory_space<hbm>> -> memref<24x256xf32, #tpu.memory_space<hbm>>
    %dma_wait3A_40 = arith.constant 0 : i32
    %dma_wait3A_41 = arith.constant 0 : i32
    %dma_wait3A_42 = tpu.memref_slice %arg5[%dma_wait3A, %dma_wait3A_40, %dma_wait3A_41] : memref<2x24x256xf32, #tpu.memory_space<vmem>> -> memref<1x24x256xf32, #tpu.memory_space<vmem>>
    %dma_wait3A_43 = tpu.memref_squeeze %dma_wait3A_42 : memref<1x24x256xf32, #tpu.memory_space<vmem>> -> memref<24x256xf32, #tpu.memory_space<vmem>>
    tpu.wait_dma2 semaphore(%dma_wait3A_37 : memref<!tpu.dma_semaphore, #tpu.memory_space<semaphore_mem>>) src(%dma_wait3A_43 : memref<24x256xf32, #tpu.memory_space<vmem>>) dst(%dma_wait3A_39 : memref<24x256xf32, #tpu.memory_space<hbm>>)
    %add3A_44 = arith.constant 264 : i32
    %add3A_45 = arith.addi %mul3A_2, %add3A_44 : i32
    %dma_wait3A_46 = arith.constant 1 : i32
    %dma_wait3A_47 = arith.constant 1 : i32
    %dma_wait3A_48 = arith.constant 0 : i32
    %dma_wait3A_49 = arith.constant 0 : i32
    %dma_wait3A_50 = tpu.memref_slice %arg5[%dma_wait3A_46, %dma_wait3A_48, %dma_wait3A_49] : memref<2x24x256xf32, #tpu.memory_space<vmem>> -> memref<1x24x256xf32, #tpu.memory_space<vmem>>
    %dma_wait3A_51 = tpu.memref_squeeze %dma_wait3A_50 : memref<1x24x256xf32, #tpu.memory_space<vmem>> -> memref<24x256xf32, #tpu.memory_space<vmem>>
    %dma_wait3A_52 = arith.constant 0 : i32
    %dma_wait3A_53 = tpu.memref_slice %arg3[%add3A_45, %dma_wait3A_52] : memref<9216x256xf32, #tpu.memory_space<hbm>> -> memref<24x256xf32, #tpu.memory_space<hbm>>
    %dma_wait3A_54 = tpu.memref_slice %arg7[%dma_wait3A_47] : memref<2x!tpu.dma_semaphore, #tpu.memory_space<semaphore_mem>> -> memref<1x!tpu.dma_semaphore, #tpu.memory_space<semaphore_mem>>
    %dma_wait3A_55 = tpu.memref_squeeze %dma_wait3A_54 : memref<1x!tpu.dma_semaphore, #tpu.memory_space<semaphore_mem>> -> memref<!tpu.dma_semaphore, #tpu.memory_space<semaphore_mem>>
    %dma_wait3A_56 = arith.constant 0 : i32
    %dma_wait3A_57 = tpu.memref_slice %arg3[%add3A_45, %dma_wait3A_56] : memref<9216x256xf32, #tpu.memory_space<hbm>> -> memref<24x256xf32, #tpu.memory_space<hbm>>
    %dma_wait3A_58 = arith.constant 0 : i32
    %dma_wait3A_59 = arith.constant 0 : i32
    %dma_wait3A_60 = tpu.memref_slice %arg5[%dma_wait3A_46, %dma_wait3A_58, %dma_wait3A_59] : memref<2x24x256xf32, #tpu.memory_space<vmem>> -> memref<1x24x256xf32, #tpu.memory_space<vmem>>
    %dma_wait3A_61 = tpu.memref_squeeze %dma_wait3A_60 : memref<1x24x256xf32, #tpu.memory_space<vmem>> -> memref<24x256xf32, #tpu.memory_space<vmem>>
    tpu.wait_dma2 semaphore(%dma_wait3A_55 : memref<!tpu.dma_semaphore, #tpu.memory_space<semaphore_mem>>) src(%dma_wait3A_61 : memref<24x256xf32, #tpu.memory_space<vmem>>) dst(%dma_wait3A_57 : memref<24x256xf32, #tpu.memory_space<hbm>>)
    return
  }
}

module attributes {stable_mosaic.version = 14 : i64} {
  func.func @body(%arg0: i32, %arg1: memref<512x128xf32, #tpu.memory_space<vmem>>, %arg2: memref<8192x128xf32, #tpu.memory_space<vmem>>, %arg3: memref<128x128xf32, #tpu.memory_space<vmem>>, %arg4: memref<128x128xf32, #tpu.memory_space<vmem>>, %arg5: memref<128x128xf32, #tpu.memory_space<vmem>>, %arg6: memref<128xf32, #tpu.memory_space<vmem>>, %arg7: memref<128x64xf32, #tpu.memory_space<vmem>>, %arg8: memref<64xf32, #tpu.memory_space<vmem>>, %arg9: memref<64x1xf32, #tpu.memory_space<vmem>>, %arg10: memref<512xf32, #tpu.memory_space<vmem>>) attributes {dimension_semantics = [#tpu.dimension_semantics<arbitrary>], iteration_bounds = array<i64: 14>, scalar_prefetch = 0 : i64, scratch_operands = 0 : i64, tpu.core_type = #tpu.core_type<tc>, window_params = [{transform_indices = @transform_0, window_bounds = array<i64: 512, 128>}, {transform_indices = @transform_1, window_bounds = array<i64: 8192, 128>}, {transform_indices = @transform_2, window_bounds = array<i64: 128, 128>}, {transform_indices = @transform_3, window_bounds = array<i64: 128, 128>}, {transform_indices = @transform_4, window_bounds = array<i64: 128, 128>}, {pipeline_mode = #tpu.pipeline_mode<synchronous>, transform_indices = @transform_5, window_bounds = array<i64: 128>}, {pipeline_mode = #tpu.pipeline_mode<synchronous>, transform_indices = @transform_6, window_bounds = array<i64: 128, 64>}, {pipeline_mode = #tpu.pipeline_mode<synchronous>, transform_indices = @transform_7, window_bounds = array<i64: 64>}, {pipeline_mode = #tpu.pipeline_mode<synchronous>, transform_indices = @transform_8, window_bounds = array<i64: 64, 1>}, {transform_indices = @transform_9, window_bounds = array<i64: 512>}]} {
    %get3A = arith.constant 0 : index
    %get3A_0 = arith.constant 0 : index
    %get3A_1 = tpu.strided_load %arg2[%get3A, %get3A_0] {strides = array<i32: 16, 1>} : memref<8192x128xf32, #tpu.memory_space<vmem>>, vector<512x128xf32>
    %get3A_2 = arith.constant 1 : index
    %get3A_3 = arith.constant 0 : index
    %get3A_4 = tpu.strided_load %arg2[%get3A_2, %get3A_3] {strides = array<i32: 16, 1>} : memref<8192x128xf32, #tpu.memory_space<vmem>>, vector<512x128xf32>
    %add3A = arith.addf %get3A_1, %get3A_4 : vector<512x128xf32>
    %get3A_5 = arith.constant 2 : index
    %get3A_6 = arith.constant 0 : index
    %get3A_7 = tpu.strided_load %arg2[%get3A_5, %get3A_6] {strides = array<i32: 16, 1>} : memref<8192x128xf32, #tpu.memory_space<vmem>>, vector<512x128xf32>
    %add3A_8 = arith.addf %add3A, %get3A_7 : vector<512x128xf32>
    %get3A_9 = arith.constant 3 : index
    %get3A_10 = arith.constant 0 : index
    %get3A_11 = tpu.strided_load %arg2[%get3A_9, %get3A_10] {strides = array<i32: 16, 1>} : memref<8192x128xf32, #tpu.memory_space<vmem>>, vector<512x128xf32>
    %add3A_12 = arith.addf %add3A_8, %get3A_11 : vector<512x128xf32>
    %get3A_13 = arith.constant 4 : index
    %get3A_14 = arith.constant 0 : index
    %get3A_15 = tpu.strided_load %arg2[%get3A_13, %get3A_14] {strides = array<i32: 16, 1>} : memref<8192x128xf32, #tpu.memory_space<vmem>>, vector<512x128xf32>
    %add3A_16 = arith.addf %add3A_12, %get3A_15 : vector<512x128xf32>
    %get3A_17 = arith.constant 5 : index
    %get3A_18 = arith.constant 0 : index
    %get3A_19 = tpu.strided_load %arg2[%get3A_17, %get3A_18] {strides = array<i32: 16, 1>} : memref<8192x128xf32, #tpu.memory_space<vmem>>, vector<512x128xf32>
    %add3A_20 = arith.addf %add3A_16, %get3A_19 : vector<512x128xf32>
    %get3A_21 = arith.constant 6 : index
    %get3A_22 = arith.constant 0 : index
    %get3A_23 = tpu.strided_load %arg2[%get3A_21, %get3A_22] {strides = array<i32: 16, 1>} : memref<8192x128xf32, #tpu.memory_space<vmem>>, vector<512x128xf32>
    %add3A_24 = arith.addf %add3A_20, %get3A_23 : vector<512x128xf32>
    %get3A_25 = arith.constant 7 : index
    %get3A_26 = arith.constant 0 : index
    %get3A_27 = tpu.strided_load %arg2[%get3A_25, %get3A_26] {strides = array<i32: 16, 1>} : memref<8192x128xf32, #tpu.memory_space<vmem>>, vector<512x128xf32>
    %add3A_28 = arith.addf %add3A_24, %get3A_27 : vector<512x128xf32>
    %get3A_29 = arith.constant 8 : index
    %get3A_30 = arith.constant 0 : index
    %get3A_31 = tpu.strided_load %arg2[%get3A_29, %get3A_30] {strides = array<i32: 16, 1>} : memref<8192x128xf32, #tpu.memory_space<vmem>>, vector<512x128xf32>
    %add3A_32 = arith.addf %add3A_28, %get3A_31 : vector<512x128xf32>
    %get3A_33 = arith.constant 9 : index
    %get3A_34 = arith.constant 0 : index
    %get3A_35 = tpu.strided_load %arg2[%get3A_33, %get3A_34] {strides = array<i32: 16, 1>} : memref<8192x128xf32, #tpu.memory_space<vmem>>, vector<512x128xf32>
    %add3A_36 = arith.addf %add3A_32, %get3A_35 : vector<512x128xf32>
    %get3A_37 = arith.constant 10 : index
    %get3A_38 = arith.constant 0 : index
    %get3A_39 = tpu.strided_load %arg2[%get3A_37, %get3A_38] {strides = array<i32: 16, 1>} : memref<8192x128xf32, #tpu.memory_space<vmem>>, vector<512x128xf32>
    %add3A_40 = arith.addf %add3A_36, %get3A_39 : vector<512x128xf32>
    %get3A_41 = arith.constant 11 : index
    %get3A_42 = arith.constant 0 : index
    %get3A_43 = tpu.strided_load %arg2[%get3A_41, %get3A_42] {strides = array<i32: 16, 1>} : memref<8192x128xf32, #tpu.memory_space<vmem>>, vector<512x128xf32>
    %add3A_44 = arith.addf %add3A_40, %get3A_43 : vector<512x128xf32>
    %get3A_45 = arith.constant 12 : index
    %get3A_46 = arith.constant 0 : index
    %get3A_47 = tpu.strided_load %arg2[%get3A_45, %get3A_46] {strides = array<i32: 16, 1>} : memref<8192x128xf32, #tpu.memory_space<vmem>>, vector<512x128xf32>
    %add3A_48 = arith.addf %add3A_44, %get3A_47 : vector<512x128xf32>
    %get3A_49 = arith.constant 13 : index
    %get3A_50 = arith.constant 0 : index
    %get3A_51 = tpu.strided_load %arg2[%get3A_49, %get3A_50] {strides = array<i32: 16, 1>} : memref<8192x128xf32, #tpu.memory_space<vmem>>, vector<512x128xf32>
    %add3A_52 = arith.addf %add3A_48, %get3A_51 : vector<512x128xf32>
    %get3A_53 = arith.constant 14 : index
    %get3A_54 = arith.constant 0 : index
    %get3A_55 = tpu.strided_load %arg2[%get3A_53, %get3A_54] {strides = array<i32: 16, 1>} : memref<8192x128xf32, #tpu.memory_space<vmem>>, vector<512x128xf32>
    %add3A_56 = arith.addf %add3A_52, %get3A_55 : vector<512x128xf32>
    %mul3A = arith.constant 0.0666666701 : f32
    %mul3A_57 = vector.broadcast %mul3A : f32 to vector<512x128xf32>
    %mul3A_58 = arith.mulf %add3A_56, %mul3A_57 : vector<512x128xf32>
    %get3A_59 = arith.constant 15 : index
    %get3A_60 = arith.constant 0 : index
    %get3A_61 = tpu.strided_load %arg2[%get3A_59, %get3A_60] {strides = array<i32: 16, 1>} : memref<8192x128xf32, #tpu.memory_space<vmem>>, vector<512x128xf32>
    %get3A_62 = arith.constant 0 : index
    %get3A_63 = arith.constant 0 : index
    %get3A_64 = vector.load %arg1[%get3A_62, %get3A_63] : memref<512x128xf32, #tpu.memory_space<vmem>>, vector<512x128xf32>
    %get3A_65 = arith.constant 0 : index
    %get3A_66 = arith.constant 0 : index
    %get3A_67 = vector.load %arg3[%get3A_65, %get3A_66] : memref<128x128xf32, #tpu.memory_space<vmem>>, vector<128x128xf32>
    %dot_general3A = arith.constant dense<0.000000e+00> : vector<512x128xf32>
    %dot_general3A_68 = tpu.matmul %get3A_64, %get3A_67, %dot_general3A {dimension_numbers = #tpu.dot_dimension_numbers<[1], [0], [0], [1], [0, 0, 1, 1], [], []>, transpose_lhs_hint = false} : vector<512x128xf32>, vector<128x128xf32>, vector<512x128xf32> -> vector<512x128xf32>
    %get3A_69 = arith.constant 0 : index
    %get3A_70 = arith.constant 0 : index
    %get3A_71 = vector.load %arg4[%get3A_69, %get3A_70] : memref<128x128xf32, #tpu.memory_space<vmem>>, vector<128x128xf32>
    %dot_general3A_72 = arith.constant dense<0.000000e+00> : vector<512x128xf32>
    %dot_general3A_73 = tpu.matmul %mul3A_58, %get3A_71, %dot_general3A_72 {dimension_numbers = #tpu.dot_dimension_numbers<[1], [0], [0], [1], [0, 0, 1, 1], [], []>, transpose_lhs_hint = false} : vector<512x128xf32>, vector<128x128xf32>, vector<512x128xf32> -> vector<512x128xf32>
    %add3A_74 = arith.addf %dot_general3A_68, %dot_general3A_73 : vector<512x128xf32>
    %get3A_75 = arith.constant 0 : index
    %get3A_76 = arith.constant 0 : index
    %get3A_77 = vector.load %arg5[%get3A_75, %get3A_76] : memref<128x128xf32, #tpu.memory_space<vmem>>, vector<128x128xf32>
    %dot_general3A_78 = arith.constant dense<0.000000e+00> : vector<512x128xf32>
    %dot_general3A_79 = tpu.matmul %get3A_61, %get3A_77, %dot_general3A_78 {dimension_numbers = #tpu.dot_dimension_numbers<[1], [0], [0], [1], [0, 0, 1, 1], [], []>, transpose_lhs_hint = false} : vector<512x128xf32>, vector<128x128xf32>, vector<512x128xf32> -> vector<512x128xf32>
    %add3A_80 = arith.addf %add3A_74, %dot_general3A_79 : vector<512x128xf32>
    %get3A_81 = arith.constant 0 : index
    %get3A_82 = vector.load %arg6[%get3A_81] : memref<128xf32, #tpu.memory_space<vmem>>, vector<128xf32>
    %broadcast_in_dim3A = vector.shape_cast %get3A_82 : vector<128xf32> to vector<1x128xf32>
    %add3A_83 = vector.broadcast %broadcast_in_dim3A : vector<1x128xf32> to vector<512x128xf32>
    %add3A_84 = arith.addf %add3A_80, %add3A_83 : vector<512x128xf32>
    %max3A = arith.constant 0.000000e+00 : f32
    %max3A_85 = vector.broadcast %max3A : f32 to vector<512x128xf32>
    %max3A_86 = arith.maximumf %add3A_84, %max3A_85 : vector<512x128xf32>
    %get3A_87 = arith.constant 0 : index
    %get3A_88 = arith.constant 0 : index
    %get3A_89 = vector.load %arg7[%get3A_87, %get3A_88] : memref<128x64xf32, #tpu.memory_space<vmem>>, vector<128x64xf32>
    %dot_general3A_90 = arith.constant dense<0.000000e+00> : vector<512x64xf32>
    %dot_general3A_91 = tpu.matmul %max3A_86, %get3A_89, %dot_general3A_90 {dimension_numbers = #tpu.dot_dimension_numbers<[1], [0], [0], [1], [0, 0, 1, 1], [], []>, transpose_lhs_hint = false} : vector<512x128xf32>, vector<128x64xf32>, vector<512x64xf32> -> vector<512x64xf32>
    %get3A_92 = arith.constant 0 : index
    %get3A_93 = vector.load %arg8[%get3A_92] : memref<64xf32, #tpu.memory_space<vmem>>, vector<64xf32>
    %broadcast_in_dim3A_94 = vector.shape_cast %get3A_93 : vector<64xf32> to vector<1x64xf32>
    %add3A_95 = vector.broadcast %broadcast_in_dim3A_94 : vector<1x64xf32> to vector<512x64xf32>
    %add3A_96 = arith.addf %dot_general3A_91, %add3A_95 : vector<512x64xf32>
    %max3A_97 = arith.constant 0.000000e+00 : f32
    %max3A_98 = vector.broadcast %max3A_97 : f32 to vector<512x64xf32>
    %max3A_99 = arith.maximumf %add3A_96, %max3A_98 : vector<512x64xf32>
    %get3A_100 = arith.constant 0 : index
    %get3A_101 = arith.constant 0 : index
    %get3A_102 = vector.load %arg9[%get3A_100, %get3A_101] : memref<64x1xf32, #tpu.memory_space<vmem>>, vector<64x1xf32>
    %dot_general3A_103 = arith.constant dense<0.000000e+00> : vector<512x1xf32>
    %dot_general3A_104 = tpu.matmul %max3A_99, %get3A_102, %dot_general3A_103 {dimension_numbers = #tpu.dot_dimension_numbers<[1], [0], [0], [1], [0, 0, 1, 1], [], []>, transpose_lhs_hint = false} : vector<512x64xf32>, vector<64x1xf32>, vector<512x1xf32> -> vector<512x1xf32>
    %squeeze3A = vector.shape_cast %dot_general3A_104 : vector<512x1xf32> to vector<512xf32>
    %swap3A = arith.constant 0 : index
    %swap3A_105 = vector.load %arg10[%swap3A] : memref<512xf32, #tpu.memory_space<vmem>>, vector<512xf32>
    tpu.vector_store %arg10[%swap3A], %squeeze3A {strides = array<i32>} : memref<512xf32, #tpu.memory_space<vmem>>, vector<512xf32>,
    return
  }
  func.func @transform_0(%arg0: i32) -> (i32, i32) {
    %add3A = arith.constant 18 : i32
    %add3A_0 = arith.addi %arg0, %add3A : i32
    %c0_i32 = arith.constant 0 : i32
    %c0_i32_1 = arith.constant 0 : i32
    return %add3A_0, %c0_i32 : i32, i32
  }
  func.func @transform_1(%arg0: i32) -> (i32, i32) {
    %add3A = arith.constant 18 : i32
    %add3A_0 = arith.addi %arg0, %add3A : i32
    %c0_i32 = arith.constant 0 : i32
    %c0_i32_1 = arith.constant 0 : i32
    return %add3A_0, %c0_i32 : i32, i32
  }
  func.func @transform_2(%arg0: i32) -> (i32, i32) {
    %c0_i32 = arith.constant 0 : i32
    %c0_i32_0 = arith.constant 0 : i32
    %c0_i32_1 = arith.constant 0 : i32
    return %c0_i32, %c0_i32_0 : i32, i32
  }
  func.func @transform_3(%arg0: i32) -> (i32, i32) {
    %c1_i32 = arith.constant 1 : i32
    %c0_i32 = arith.constant 0 : i32
    %c0_i32_0 = arith.constant 0 : i32
    return %c1_i32, %c0_i32 : i32, i32
  }
  func.func @transform_4(%arg0: i32) -> (i32, i32) {
    %c2_i32 = arith.constant 2 : i32
    %c0_i32 = arith.constant 0 : i32
    %c0_i32_0 = arith.constant 0 : i32
    return %c2_i32, %c0_i32 : i32, i32
  }
  func.func @transform_5(%arg0: i32) -> i32 {
    %c0_i32 = arith.constant 0 : i32
    %c0_i32_0 = arith.constant 0 : i32
    return %c0_i32 : i32
  }
  func.func @transform_6(%arg0: i32) -> (i32, i32) {
    %c0_i32 = arith.constant 0 : i32
    %c0_i32_0 = arith.constant 0 : i32
    %c0_i32_1 = arith.constant 0 : i32
    return %c0_i32, %c0_i32_0 : i32, i32
  }
  func.func @transform_7(%arg0: i32) -> i32 {
    %c0_i32 = arith.constant 0 : i32
    %c0_i32_0 = arith.constant 0 : i32
    return %c0_i32 : i32
  }
  func.func @transform_8(%arg0: i32) -> (i32, i32) {
    %c0_i32 = arith.constant 0 : i32
    %c0_i32_0 = arith.constant 0 : i32
    %c0_i32_1 = arith.constant 0 : i32
    return %c0_i32, %c0_i32_0 : i32, i32
  }
  func.func @transform_9(%arg0: i32) -> i32 {
    %c0_i32 = arith.constant 0 : i32
    return %arg0 : i32
  }
}

module attributes {stable_mosaic.version = 14 : i64} {
  func.func @body(%arg0: i32, %arg1: memref<1024x128xf32, #tpu.memory_space<vmem>>, %arg2: memref<1024x256xf32, #tpu.memory_space<vmem>>, %arg3: memref<128x128xf32, #tpu.memory_space<vmem>>, %arg4: memref<128x128xf32, #tpu.memory_space<vmem>>, %arg5: memref<128x128xf32, #tpu.memory_space<vmem>>, %arg6: memref<128xf32, #tpu.memory_space<vmem>>, %arg7: memref<128x64xf32, #tpu.memory_space<vmem>>, %arg8: memref<64xf32, #tpu.memory_space<vmem>>, %arg9: memref<64x1xf32, #tpu.memory_space<vmem>>, %arg10: memref<1024xf32, #tpu.memory_space<vmem>>) attributes {dimension_semantics = [#tpu.dimension_semantics<arbitrary>], iteration_bounds = array<i64: 9>, scalar_prefetch = 0 : i64, scratch_operands = 0 : i64, tpu.core_type = #tpu.core_type<tc>, window_params = [{transform_indices = @transform_0, window_bounds = array<i64: 1024, 128>}, {transform_indices = @transform_1, window_bounds = array<i64: 1024, 256>}, {transform_indices = @transform_2, window_bounds = array<i64: 128, 128>}, {transform_indices = @transform_3, window_bounds = array<i64: 128, 128>}, {transform_indices = @transform_4, window_bounds = array<i64: 128, 128>}, {pipeline_mode = #tpu.pipeline_mode<synchronous>, transform_indices = @transform_5, window_bounds = array<i64: 128>}, {pipeline_mode = #tpu.pipeline_mode<synchronous>, transform_indices = @transform_6, window_bounds = array<i64: 128, 64>}, {pipeline_mode = #tpu.pipeline_mode<synchronous>, transform_indices = @transform_7, window_bounds = array<i64: 64>}, {pipeline_mode = #tpu.pipeline_mode<synchronous>, transform_indices = @transform_8, window_bounds = array<i64: 64, 1>}, {transform_indices = @transform_9, window_bounds = array<i64: 1024>}]} {
    %get3A = arith.constant 0 : index
    %get3A_0 = arith.constant 0 : index
    %get3A_1 = vector.load %arg1[%get3A, %get3A_0] : memref<1024x128xf32, #tpu.memory_space<vmem>>, vector<1024x128xf32>
    %get3A_2 = arith.constant 0 : index
    %get3A_3 = arith.constant 0 : index
    %get3A_4 = vector.load %arg3[%get3A_2, %get3A_3] : memref<128x128xf32, #tpu.memory_space<vmem>>, vector<128x128xf32>
    %dot_general3A = arith.constant dense<0.000000e+00> : vector<1024x128xf32>
    %dot_general3A_5 = tpu.matmul %get3A_1, %get3A_4, %dot_general3A {dimension_numbers = #tpu.dot_dimension_numbers<[1], [0], [0], [1], [0, 0, 1, 1], [], []>, transpose_lhs_hint = false} : vector<1024x128xf32>, vector<128x128xf32>, vector<1024x128xf32> -> vector<1024x128xf32>
    %get3A_6 = arith.constant 0 : index
    %get3A_7 = arith.constant 0 : index
    %get3A_8 = vector.load %arg2[%get3A_6, %get3A_7] : memref<1024x256xf32, #tpu.memory_space<vmem>>, vector<1024x256xf32>
    %slice3A = vector.extract_strided_slice %get3A_8 {offsets = [0, 0], sizes = [1024, 128], strides = [1, 1]} : vector<1024x256xf32> to vector<1024x128xf32>
    %get3A_9 = arith.constant 0 : index
    %get3A_10 = arith.constant 0 : index
    %get3A_11 = vector.load %arg4[%get3A_9, %get3A_10] : memref<128x128xf32, #tpu.memory_space<vmem>>, vector<128x128xf32>
    %dot_general3A_12 = arith.constant dense<0.000000e+00> : vector<1024x128xf32>
    %dot_general3A_13 = tpu.matmul %slice3A, %get3A_11, %dot_general3A_12 {dimension_numbers = #tpu.dot_dimension_numbers<[1], [0], [0], [1], [0, 0, 1, 1], [], []>, transpose_lhs_hint = false} : vector<1024x128xf32>, vector<128x128xf32>, vector<1024x128xf32> -> vector<1024x128xf32>
    %add3A = arith.addf %dot_general3A_5, %dot_general3A_13 : vector<1024x128xf32>
    %get3A_14 = arith.constant 0 : index
    %get3A_15 = arith.constant 0 : index
    %get3A_16 = vector.load %arg2[%get3A_14, %get3A_15] : memref<1024x256xf32, #tpu.memory_space<vmem>>, vector<1024x256xf32>
    %slice3A_17 = vector.extract_strided_slice %get3A_16 {offsets = [0, 128], sizes = [1024, 128], strides = [1, 1]} : vector<1024x256xf32> to vector<1024x128xf32>
    %get3A_18 = arith.constant 0 : index
    %get3A_19 = arith.constant 0 : index
    %get3A_20 = vector.load %arg5[%get3A_18, %get3A_19] : memref<128x128xf32, #tpu.memory_space<vmem>>, vector<128x128xf32>
    %dot_general3A_21 = arith.constant dense<0.000000e+00> : vector<1024x128xf32>
    %dot_general3A_22 = tpu.matmul %slice3A_17, %get3A_20, %dot_general3A_21 {dimension_numbers = #tpu.dot_dimension_numbers<[1], [0], [0], [1], [0, 0, 1, 1], [], []>, transpose_lhs_hint = false} : vector<1024x128xf32>, vector<128x128xf32>, vector<1024x128xf32> -> vector<1024x128xf32>
    %add3A_23 = arith.addf %add3A, %dot_general3A_22 : vector<1024x128xf32>
    %get3A_24 = arith.constant 0 : index
    %get3A_25 = vector.load %arg6[%get3A_24] : memref<128xf32, #tpu.memory_space<vmem>>, vector<128xf32>
    %broadcast_in_dim3A = vector.shape_cast %get3A_25 : vector<128xf32> to vector<1x128xf32>
    %add3A_26 = vector.broadcast %broadcast_in_dim3A : vector<1x128xf32> to vector<1024x128xf32>
    %add3A_27 = arith.addf %add3A_23, %add3A_26 : vector<1024x128xf32>
    %max3A = arith.constant 0.000000e+00 : f32
    %max3A_28 = vector.broadcast %max3A : f32 to vector<1024x128xf32>
    %max3A_29 = arith.maximumf %add3A_27, %max3A_28 : vector<1024x128xf32>
    %get3A_30 = arith.constant 0 : index
    %get3A_31 = arith.constant 0 : index
    %get3A_32 = vector.load %arg7[%get3A_30, %get3A_31] : memref<128x64xf32, #tpu.memory_space<vmem>>, vector<128x64xf32>
    %dot_general3A_33 = arith.constant dense<0.000000e+00> : vector<1024x64xf32>
    %dot_general3A_34 = tpu.matmul %max3A_29, %get3A_32, %dot_general3A_33 {dimension_numbers = #tpu.dot_dimension_numbers<[1], [0], [0], [1], [0, 0, 1, 1], [], []>, transpose_lhs_hint = false} : vector<1024x128xf32>, vector<128x64xf32>, vector<1024x64xf32> -> vector<1024x64xf32>
    %get3A_35 = arith.constant 0 : index
    %get3A_36 = vector.load %arg8[%get3A_35] : memref<64xf32, #tpu.memory_space<vmem>>, vector<64xf32>
    %broadcast_in_dim3A_37 = vector.shape_cast %get3A_36 : vector<64xf32> to vector<1x64xf32>
    %add3A_38 = vector.broadcast %broadcast_in_dim3A_37 : vector<1x64xf32> to vector<1024x64xf32>
    %add3A_39 = arith.addf %dot_general3A_34, %add3A_38 : vector<1024x64xf32>
    %max3A_40 = arith.constant 0.000000e+00 : f32
    %max3A_41 = vector.broadcast %max3A_40 : f32 to vector<1024x64xf32>
    %max3A_42 = arith.maximumf %add3A_39, %max3A_41 : vector<1024x64xf32>
    %get3A_43 = arith.constant 0 : index
    %get3A_44 = arith.constant 0 : index
    %get3A_45 = vector.load %arg9[%get3A_43, %get3A_44] : memref<64x1xf32, #tpu.memory_space<vmem>>, vector<64x1xf32>
    %dot_general3A_46 = arith.constant dense<0.000000e+00> : vector<1024x1xf32>
    %dot_general3A_47 = tpu.matmul %max3A_42, %get3A_45, %dot_general3A_46 {dimension_numbers = #tpu.dot_dimension_numbers<[1], [0], [0], [1], [0, 0, 1, 1], [], []>, transpose_lhs_hint = false} : vector<1024x64xf32>, vector<64x1xf32>, vector<1024x1xf32> -> vector<1024x1xf32>
    %squeeze3A = vector.shape_cast %dot_general3A_47 : vector<1024x1xf32> to vector<1024xf32>
    %swap3A = arith.constant 0 : index
    %swap3A_48 = vector.load %arg10[%swap3A] : memref<1024xf32, #tpu.memory_space<vmem>>, vector<1024xf32>
    tpu.vector_store %arg10[%swap3A], %squeeze3A {strides = array<i32>} : memref<1024xf32, #tpu.memory_space<vmem>>, vector<1024xf32>,
    return
  }
  func.func @transform_0(%arg0: i32) -> (i32, i32) {
    %c0_i32 = arith.constant 0 : i32
    %c0_i32_0 = arith.constant 0 : i32
    return %arg0, %c0_i32 : i32, i32
  }
  func.func @transform_1(%arg0: i32) -> (i32, i32) {
    %c0_i32 = arith.constant 0 : i32
    %c0_i32_0 = arith.constant 0 : i32
    return %arg0, %c0_i32 : i32, i32
  }
  func.func @transform_2(%arg0: i32) -> (i32, i32) {
    %c0_i32 = arith.constant 0 : i32
    %c0_i32_0 = arith.constant 0 : i32
    %c0_i32_1 = arith.constant 0 : i32
    return %c0_i32, %c0_i32_0 : i32, i32
  }
  func.func @transform_3(%arg0: i32) -> (i32, i32) {
    %c1_i32 = arith.constant 1 : i32
    %c0_i32 = arith.constant 0 : i32
    %c0_i32_0 = arith.constant 0 : i32
    return %c1_i32, %c0_i32 : i32, i32
  }
  func.func @transform_4(%arg0: i32) -> (i32, i32) {
    %c2_i32 = arith.constant 2 : i32
    %c0_i32 = arith.constant 0 : i32
    %c0_i32_0 = arith.constant 0 : i32
    return %c2_i32, %c0_i32 : i32, i32
  }
  func.func @transform_5(%arg0: i32) -> i32 {
    %c0_i32 = arith.constant 0 : i32
    %c0_i32_0 = arith.constant 0 : i32
    return %c0_i32 : i32
  }
  func.func @transform_6(%arg0: i32) -> (i32, i32) {
    %c0_i32 = arith.constant 0 : i32
    %c0_i32_0 = arith.constant 0 : i32
    %c0_i32_1 = arith.constant 0 : i32
    return %c0_i32, %c0_i32_0 : i32, i32
  }
  func.func @transform_7(%arg0: i32) -> i32 {
    %c0_i32 = arith.constant 0 : i32
    %c0_i32_0 = arith.constant 0 : i32
    return %c0_i32 : i32
  }
  func.func @transform_8(%arg0: i32) -> (i32, i32) {
    %c0_i32 = arith.constant 0 : i32
    %c0_i32_0 = arith.constant 0 : i32
    %c0_i32_1 = arith.constant 0 : i32
    return %c0_i32, %c0_i32_0 : i32, i32
  }
  func.func @transform_9(%arg0: i32) -> i32 {
    %c0_i32 = arith.constant 0 : i32
    return %arg0 : i32
  }
}

</mosaic_0001>

<sc_bundles>
// kernel: kernel.5.cloned.1.call-start
scs
__scs_entry_jumppad:
0x0: {  	(pc) =	sbr.rel $0x88, $3  }
0x1: {  	(tag) =	ssettag $0x0;
	lr =	simm.s32 $0x1  }
0x2: {  	[smem:$0x3F99] =	sst lr;
	_ =	strace $0xD0000000  }
0x3: {  	_ = 	snop  }
0x4: {  	_ = 	snop  }
0x5: {  	_ = 	snop  }
0x6: {  	_ = 	snop  }
0x7: {  	_ = 	snop  }
__scs_overlays_trampoline_lowered:
0x8: {  	[smem:$0x3FA8] =	sst s0  }
0x9: {  	[smem:$0x3FA9] =	sst s1  }
0xa: {  	[smem:$0x3FAA] =	sst s2  }
0xb: {  	[smem:$0x3FAB] =	sst s3  }
0xc: {  	[smem:$0x3FAC] =	sst s4  }
0xd: {  	[smem:$0x3FAD] =	sst s5  }
0xe: {  	[smem:$0x3FAE] =	sst s6  }
0xf: {  	[smem:$0x3FAF] =	sst s7  }
0x10: {  	[smem:$0x3FB0] =	sst s8  }
0x11: {  	[smem:$0x3FB1] =	sst s9;
	s0 =	simm.s32 @!p0 $0x0  }
0x12: {  	s1 =	sld [smem:$0x3F97];
	s0 =	simm.s32 @p0 $0x1  }
0x13: {  	[smem:$0x3FB2] =	sst s0;
	s0 =	simm.s32 @!p1 $0x0  }
0x14: {  	s2 =	sld [smem:$0x3F96];
	s0 =	simm.s32 @p1 $0x1  }
0x15: {  	[smem:$0x3FB3] =	sst s0;
	s0 =	simm.s32 @!p2 $0x0  }
0x16: {  	s3 =	sld [smem:$0x3FDB];
	s0 =	simm.s32 @p2 $0x1  }
0x17: {  	s4 =	simm.s32 $0x1BF5;
	[smem:$0x3FB5] =	sst s0  }
0x18: {  	s0 =	sld [smem:$0x3F98];
	_ =	swait.ge [sflag:s4], $0x0  }
0x19: {  	s7 =	sld [smem:$0x3F99]  }
0x1a: {  	s8 =	sadd.s32 $0xFFFFE003, lr  }
0x1b: {  	s9 =	sadd.s32 $0xFFFFFEF7, lr;
	s5 =	simm.s32 $0xFFFFFFFF;
	p2 =	slt.u32 s8, $0xFFFFF086  }
0x1c: {  	p1 =	slt.u32 s9, $0xF7A;
	s5 =	simm.s32 @!p2 $0x0  }
0x1d: {  	s5 =	simm.s32 @p1 $0x1;
	p0 =	seq.s32 s7, s2  }
0x1e: {  	s7 =	smul.u32 @!p0 $0xF7A, s2;
	p2 =	seq.s32 @!p0 s5, $0x0  }
0x1f: {  	s9 =	smul.u32 $0xF7A, s1;
	s8 =	simm.s32 @!p0 $0x1BF5;
	p2 =	por !p2, p0  }
0x20: {  	[sflag:s8] =	ssyncset.s32 @!p0 $0xFFFFF086;
	s6 =	sadd.s32 @!p0 s3, s7;
	s7 =	simm.s32 @!p0 $0x108  }
0x21: {  	s3 =	sadd.s32 s3, s9;
	s6 =	sadd.s32 @!p0 $0x88, s6;
	s7 =	simm.s32 @p2 $0x1082  }
0x22: {  	[simem:s7], [sflag:s8] =	dma.local @!p0 [hbm:s6], $0xF7A  }
0x23: {  	s9 =	sor.u32 $0xD0000000, s2;
	s6 =	simm.s32 $0x108;
	_ =	swait.ge @!p0 [sflag:s8], $0x0  }
0x24: {  	s3 =	sadd.s32 $0x88, s3;
	s6 =	simm.s32 @!p1 $0x1082;
	[sflag:s4] =	ssyncset.s32 $0xFFFFF086  }
0x25: {  	[simem:s6], [sflag:s4] =	dma.local [hbm:s3], $0xF7A  }
0x26: {  	[smem:$0x3F99] =	sst s1;
	(tag) =	ssettag s2;
	_ =	strace s9  }
0x27: {  	s1 =	sld [smem:$0x3FA9]  }
0x28: {  	s2 =	sld [smem:$0x3FAA]  }
0x29: {  	s4 =	sld [smem:$0x3FAC]  }
0x2a: {  	p0 =	seq.s32 s5, $0x0;
	s5 =	sld [smem:$0x3FAD]  }
0x2b: {  	s6 =	sld [smem:$0x3FAE]  }
0x2c: {  	s7 =	sld [smem:$0x3FAF]  }
0x2d: {  	s3 =	simm.s32 $0x108;
	s8 =	sld [smem:$0x3FB0]  }
0x2e: {  	s3 =	simm.s32 @!p0 $0x1082;
	s9 =	sld [smem:$0x3FB1]  }
0x2f: {  	lr =	sadd.s32 s0, s3;
	s0 =	sld [smem:$0x3FA8]  }
0x30: {  	s3 =	sld [smem:$0x3FAB]  }
0x31: {  	[smem:$0x3FB4] =	sst s10  }
0x32: {  	s10 =	sld [smem:$0x3FB2];
	_ =	sdelay $0x3  }
0x33: {  	p0 =	seq.s32 s10, $0x1;
	s10 =	sld [smem:$0x3FB4];
	_ =	sdelay $0x3  }
0x34: {  	[smem:$0x3FB4] =	sst s10  }
0x35: {  	s10 =	sld [smem:$0x3FB3];
	_ =	sdelay $0x3  }
0x36: {  	p1 =	seq.s32 s10, $0x1;
	s10 =	sld [smem:$0x3FB4];
	_ =	sdelay $0x3  }
0x37: {  	[smem:$0x3FB4] =	sst s10  }
0x38: {  	s10 =	sld [smem:$0x3FB5]  }
0x39: {  	_ = 	snop;
	(pc) =	sbr.ind lr, $3  }
0x3a: {  	_ = 	snop  }
0x3b: {  	_ = 	snop  }
0x3c: {  	p2 =	seq.s32 s10, $0x1;
	s10 =	sld [smem:$0x3FB4]  }
0x3d: {  	_ =	shalt  }
0x3e: {  	_ =	shalt  }
0x3f: {  	_ =	shalt  }
0x40: {  	_ =	shalt  }
0x41: {  	_ =	shalt  }
0x42: {  	_ =	shalt  }
0x43: {  	_ =	shalt  }
0x44: {  	_ =	shalt  }
0x45: {  	_ =	shalt  }
0x46: {  	_ =	shalt  }
0x47: {  	_ =	shalt  }
0x48: {  	_ =	shalt  }
0x49: {  	_ =	shalt  }
0x4a: {  	_ =	shalt  }
0x4b: {  	_ =	shalt  }
0x4c: {  	_ =	shalt  }
0x4d: {  	_ =	shalt  }
0x4e: {  	_ =	shalt  }
0x4f: {  	_ =	shalt  }
0x50: {  	_ =	shalt  }
0x51: {  	_ =	shalt  }
0x52: {  	_ =	shalt  }
0x53: {  	_ =	shalt  }
0x54: {  	_ =	shalt  }
0x55: {  	_ =	shalt  }
0x56: {  	_ =	shalt  }
0x57: {  	_ =	shalt  }
0x58: {  	_ =	shalt  }
0x59: {  	_ =	shalt  }
0x5a: {  	_ =	shalt  }
0x5b: {  	_ =	shalt  }
0x5c: {  	_ =	shalt  }
0x5d: {  	_ =	shalt  }
0x5e: {  	_ =	shalt  }
0x5f: {  	_ =	shalt  }
0x60: {  	_ =	shalt  }
0x61: {  	_ =	shalt  }
0x62: {  	_ =	shalt  }
0x63: {  	_ =	shalt  }
0x64: {  	_ =	shalt  }
0x65: {  	_ =	shalt  }
0x66: {  	_ =	shalt  }
0x67: {  	_ =	shalt  }
0x68: {  	_ =	shalt  }
0x69: {  	_ =	shalt  }
0x6a: {  	_ =	shalt  }
0x6b: {  	_ =	shalt  }
0x6c: {  	_ =	shalt  }
0x6d: {  	_ =	shalt  }
0x6e: {  	_ =	shalt  }
0x6f: {  	_ =	shalt  }
0x70: {  	_ =	shalt  }
0x71: {  	_ =	shalt  }
0x72: {  	_ =	shalt  }
0x73: {  	_ =	shalt  }
0x74: {  	_ =	shalt  }
0x75: {  	_ =	shalt  }
0x76: {  	_ =	shalt  }
0x77: {  	_ =	shalt  }
0x78: {  	_ =	shalt  }
0x79: {  	_ =	shalt  }
0x7a: {  	_ =	shalt  }
0x7b: {  	_ =	shalt  }
0x7c: {  	_ =	shalt  }
0x7d: {  	_ =	shalt  }
0x7e: {  	_ =	shalt  }
0x7f: {  	_ =	shalt  }
0x80: {  	_ =	shalt  }
0x81: {  	_ =	shalt  }
0x82: {  	_ =	shalt  }
0x83: {  	_ =	shalt  }
0x84: {  	_ =	shalt  }
0x85: {  	_ =	shalt  }
0x86: {  	_ =	shalt  }
0x87: {  	_ =	shalt  }
.Lfunc_end0:
.L_simem_size_0:
called_computation_lowered:
.L_overlay_start_0:
0x88: {  	s2 =	sld [smem:$0x3FD9]  }
0x89: {  	s3 =	sld [smem:$0x3FFE];
	_ =	sdelay $0x1  }
0x8a: {  	s1 =	srdreg.scid  }
0x8b: {  	s0 =	sand.u32 $0x1, s1  }
0x8c: {  	s17 =	sshll.u32 s0, $0xA;
	s2 =	sadd.s32 s3, s2  }
0x8d: {  	s2 =	sadd.s32 s2, s17  }
0x8e: {  	[smem:$0x3FC0] =	sst s2  }
0x8f: {  	_ = 	snop  }
0x90: {  	s2 =	sld [smem:$0x3FC8];
	(tm) =	ssettm $0x1  }
0x91: {  	s18 =	sld [smem:$0x3FFB];
	_ =	sdelay $0x3  }
0x92: {  	_ =	strace s18  }
0x93: {  	s3 =	sld [smem:$0x3FFC];
	_ =	sdelay $0x3  }
0x94: {  	_ =	strace s3  }
0x95: {  	s3 =	sld [smem:$0x3FFD];
	_ =	sdelay $0x3  }
0x96: {  	_ =	strace s3  }
0x97: {  	_ =	strace $0x8FFFFFFF  }
0x98: {  	s19 =	sld [smem:$0x3FDB];
	_ =	sdelay $0x1  }
0x99: {  	s4 =	simm.s32 $_scs_section_size  }
0x9a: {  	s5 =	simm.s32 $_size__tile_overlayer_lowered;
	s6 =	simm.s32 $_tile_overlayer_lowered  }
0x9b: {  	s22 =	simm.s32 $0x1BFF;
	s21 =	sshll.u32 s6, $0x1;
	s3 =	sadd.s32 s4, s19  }
0x9c: {  	s7 =	simm.s32 $0x0;
	s20 =	sshll.u32 s5, $0x1;
	s5 =	sadd.s32 s21, s3  }
0x9d: {  	[timem:s7], [sflag:s22] =	dma.local [hbm:s5], s20  }
0x9e: {  	_ =	swait.ge [sflag:s22], s20  }
0x9f: {  	s4 =	ssub.s32 $0x0, s20;
	[sflag:s22] =	ssyncset.done $0x0  }
0xa0: {  	[sflag:s22] =	ssyncadd.s32 s4;
	_ =	sdelay $0x1  }
0xa1: {  	s23 =	simm.s32 $0x1B8B  }
0xa2: {  	_ =	swait.ge [sflag:s23], $0x1  }
0xa3: {  	[sflag:s23] =	ssyncset.done $0x0  }
0xa4: {  	s25 =	simm.s32 $0x1B8E;
	s24 =	sld [smem:$0x3FFE];
	[sflag:s23] =	ssyncadd.s32 $0xFFFFFFFF  }
0xa5: {  	s26 =	simm.s32 $execute0_lowered;
	[smem:$0x3FD2] =	sst s25  }
0xa6: {  	s5 =	sshll.u32 s26, $0x1;
	_ =	strace $0x80000046;
	[dreg:$0x1] =	wrdreg $0xFFFFFFFF  }
0xa7: {  	s28 =	simm.s32 $_size_execute0_lowered;
	s3 =	sadd.s32 s3, s5;
	[dreg:$0x0] =	wrdreg $0x0  }
0xa8: {  	s5 =	sshll.u32 s28, $0x1;
	[dreg:$0x2] =	wrdreg s3  }
0xa9: {  	[dreg:$0x3] =	wrdreg s5  }
0xaa: {  	[dreg:$0x4] =	wrdreg $0xC0  }
0xab: {  	_ =	task [dreg:s7], $0x5FFFF  }
0xac: {  	[dreg:$0x1] =	wrdreg $0xFFFFFFFF  }
0xad: {  	[dreg:$0x0] =	wrdreg $0x60  }
0xae: {  	[dreg:$0x2] =	wrdreg s2  }
0xaf: {  	[dreg:$0x3] =	wrdreg s24  }
0xb0: {  	[dreg:$0x4] =	wrdreg $0x9  }
0xb1: {  	_ =	task.clear_ibuf [dreg:s7], $0x5FFFF;
	_ =	strace $0x90000046  }
0xb2: {  	s29 =	simm.s32 $0x9;
	_ =	strace $0x80000048  }
0xb3: {  	_ =	swait.ge [sflag:s29], $0x1  }
0xb4: {  	[sflag:s29] =	ssyncadd.s32 $0xFFFFFFFF  }
0xb5: {  	_ =	strace $0x90000048  }
0xb6: {  	_ =	sfence  }
0xb7: {  	s30 =	sld [smem:$0x0];
	_ =	sdelay $0x2  }
0xb8: {  	s31 =	sshll.u32 s1, $0xD;
	s1 =	sshrl.u32 s1, $0x2  }
0xb9: {  	s3 =	sand.u32 $0x4000, s31;
	s1 =	sadd.s32 s1, s30  }
0xba: {  	s0 =	sor.u32 s3, s0;
	s1 =	sshll.u32 s1, $0x11  }
0xbb: {  	s0 =	sor.u32 s1, s0  }
0xbc: {  	s0 =	sadd.s32 $0x8F2B, s0  }
0xbd: {  	[sflag:s0] =	ssyncadd.remote.s32 $0x1  }
0xbe: {  	_ =	sfence.sel $0xFFFF  }
0xbf: {  	[dreg:$0x0] =	wrdreg $0xFFFFFFFF;
	(pc) =	sbr.abs _section_cstart, $3  }
0xc0: {  	[dreg:$0x1] =	wrdreg $0xFFFFFFFF  }
0xc1: {  	_ =	task.clear_ibuf [dreg:s7], $0x2FFFF;
	_ =	strace $0x9FFFFFFF  }
0xc2: {  	(tm) =	ssettm $0x7FFFFFFF  }
0xc3: {  	_ =	shalt  }
tec
execute0_lowered:
.L_overlay_start_1:
0x0: {  	(tag) =	ssettag $0x1  }
0x1: {  	s2 =	rddreg [dreg:$0x0];
	s1 =	srdreg.scid  }
0x2: {  	s0 =	stileid.u32;
	s5 =	rddreg [dreg:$0x1];
	s10 =	simm.s32 $0xC000  }
0x3: {  	s11 =	simm.s32 $0x1;
	s12 =	simm.s32 $0x18000;
	s13 =	simm.s32 $0x2  }
0x4: {  	s14 =	simm.s32 $0x4;
	s4 =	sand.u32 $0x1, s1;
	s3 =	sshll.u32 s0, $0x1  }
0x5: {  	s15 =	simm.s32 $0x19800;
	s16 =	simm.s32 $0x3;
	s6 =	sor.u32 s4, s3  }
0x6: {  	s17 =	simm.s32 $0x0;
	s7 =	ssub.s32 $0x2, s4;
	s4 =	smul.u32 $0x120, s6  }
0x7: {  	s1 =	rddreg [dreg:$0x2];
	s3 =	simm.s32 $0x0;
	s6 =	smul.u32 $0x12000, s6  }
0x8: {  	s5 =	sadd.s32 $0x1200, s5;
	[smem:$0x7FF] =	sst s3;
	s8 =	sshrl.u32 s7, $0x1  }
0x9: {  	_ =	strace $0x80000047;
	s9 =	ssub.s32 s7, s8;
	s6 =	sadd.s32 s2, s6  }
0xa: {  	s7 =	sor.u32 $0x18, s4;
	s8 =	sadd.s32 $0x30, s4;
	s9 =	smax.u32 s9, $0x1  }
.LBB2_1:
0xb: {  	[tilespmem:s3], [sflag:$0x1] =	stream.linear.gather [hbm4b:s6+s3], $0xC000, $0x38;
	[tilespmem:$0x1B000] =	vst v63  }
0xc: {  	s18 =	simm.s32 $0x0  }
.LBB2_2:
0xd: {  	s20 =	smul.u32 $0x30, s18;
	_ =	sdelay $0x1  }
0xe: {  	s19 =	sadd.s32 s20, s7  }
0xf: {  	s21 =	sshll.u32 s19, $0x8  }
0x10: {  	s21 =	sand.u32 $0x1FFFF800, s21  }
0x11: {  	s21 =	sadd.s32 s2, s21  }
0x12: {  	[tilespmem:s10], [sflag:$0x2] =	stream.linear.gather [hbm4b:s21+s3], $0xC000, $0x38;
	[tilespmem:$0x1B000] =	vst v63  }
0x13: {  	_ =	swait.ge [sflag:s11], $0xC000  }
0x14: {  	p0 =	seq.s32 s18, $0x0;
	[sflag:s11] =	ssyncset.done $0x0  }
0x15: {  	s22 =	simm.s32 @!p0 $0x3;
	[sflag:s11] =	ssyncadd.s32 $0xFFFF4000  }
0x16: {  	_ =	swait.ge @!p0 [sflag:s22], $0x1800  }
0x17: {  	[sflag:s22] =	ssyncset.done @!p0 $0x0  }
0x18: {  	s21 =	sadd.s32 s4, s20;
	[sflag:s22] =	ssyncadd.s32 @!p0 $0xFFFFE800;
	s22 =	simm.s32 $0x0  }
.LBB2_3:
0x19: {  	s23 =	sshll.u32 s22, $0xB  }
0x1a: {  	s23 =	sand.u32 $0x3FFFF800, s23  }
0x1b: {  	s26 =	sor.u32 $0x1, s22;
	v0 =	vld [tilespmem:s23+$0x0]  }
0x1c: {  	s24 =	sshll.u32 s26, $0xB;
	v1 =	vld [tilespmem:s23+$0x80]  }
0x1d: {  	v2 =	vld [tilespmem:s23+$0x100];
	s24 =	sand.u32 $0x3FFFF800, s24  }
0x1e: {  	v3 =	vld [tilespmem:s24+$0x0]  }
0x1f: {  	v4 =	vld [tilespmem:s24+$0x80]  }
0x20: {  	v5 =	vld [tilespmem:s23+$0x180]  }
0x21: {  	v9 =	vld [tilespmem:s24+$0x100];
	v0 =	vadd.f32 v1, v0  }
0x22: {  	v6 =	vld [tilespmem:s23+$0x200]  }
0x23: {  	v10 =	vld [tilespmem:s24+$0x180];
	v0 =	vadd.f32 v2, v0  }
0x24: {  	v7 =	vld [tilespmem:s23+$0x280];
	v3 =	vadd.f32 v4, v3  }
0x25: {  	v11 =	vld [tilespmem:s24+$0x200];
	v0 =	vadd.f32 v5, v0  }
0x26: {  	v12 =	vld [tilespmem:s23+$0x300];
	v1 =	vadd.f32 v9, v3  }
0x27: {  	v13 =	vld [tilespmem:s24+$0x280];
	v0 =	vadd.f32 v6, v0  }
0x28: {  	v14 =	vld [tilespmem:s23+$0x380];
	v1 =	vadd.f32 v10, v1  }
0x29: {  	v15 =	vld [tilespmem:s24+$0x300];
	v0 =	vadd.f32 v7, v0  }
0x2a: {  	v16 =	vld [tilespmem:s23+$0x400];
	v1 =	vadd.f32 v11, v1  }
0x2b: {  	v17 =	vld [tilespmem:s24+$0x380];
	v0 =	vadd.f32 v12, v0  }
0x2c: {  	v18 =	vld [tilespmem:s23+$0x480];
	v1 =	vadd.f32 v13, v1  }
0x2d: {  	v19 =	vld [tilespmem:s24+$0x400];
	v0 =	vadd.f32 v14, v0  }
0x2e: {  	v20 =	vld [tilespmem:s23+$0x500];
	v1 =	vadd.f32 v15, v1  }
0x2f: {  	v21 =	vld [tilespmem:s24+$0x480];
	v0 =	vadd.f32 v16, v0  }
0x30: {  	v22 =	vld [tilespmem:s23+$0x580];
	v1 =	vadd.f32 v17, v1  }
0x31: {  	v23 =	vld [tilespmem:s24+$0x500];
	v0 =	vadd.f32 v18, v0  }
0x32: {  	v24 =	vld [tilespmem:s23+$0x600];
	v1 =	vadd.f32 v19, v1  }
0x33: {  	v25 =	vld [tilespmem:s24+$0x580];
	v0 =	vadd.f32 v20, v0  }
0x34: {  	v26 =	vld [tilespmem:s23+$0x680];
	v1 =	vadd.f32 v21, v1  }
0x35: {  	v27 =	vld [tilespmem:s24+$0x600];
	v0 =	vadd.f32 v22, v0  }
0x36: {  	v28 =	vld [tilespmem:s23+$0x700];
	v1 =	vadd.f32 v23, v1  }
0x37: {  	v29 =	vld [tilespmem:s24+$0x680];
	v0 =	vadd.f32 v24, v0  }
0x38: {  	v1 =	vadd.f32 v25, v1  }
0x39: {  	v30 =	vld [tilespmem:s24+$0x700];
	v0 =	vadd.f32 v26, v0  }
0x3a: {  	v1 =	vadd.f32 v27, v1  }
0x3b: {  	s25 =	sshll.u32 s22, $0x8;
	v0 =	vadd.f32 v28, v0  }
0x3c: {  	s28 =	sshll.u32 s22, $0x7;
	s25 =	sand.u32 $0x1800, s25;
	v1 =	vadd.f32 v29, v1  }
0x3d: {  	s28 =	sand.u32 $0x300, s28;
	s29 =	sor.u32 $0x18000, s25;
	v0 =	vmul.f32 $6.666667010e-02, v0  }
0x3e: {  	s25 =	sor.u32 s28, s29;
	v1 =	vadd.f32 v30, v1  }
0x3f: {  	s26 =	sshll.u32 s26, $0x7;
	[tilespmem:s25+$0x0] =	vst v0  }
0x40: {  	s26 =	sand.u32 $0x380, s26;
	v1 =	vmul.f32 $6.666667010e-02, v1;
	v0 =	vld [tilespmem:s23+$0x780]  }
0x41: {  	s26 =	sor.u32 s26, s29  }
0x42: {  	[tilespmem:s26+$0x0] =	vst v1  }
0x43: {  	v1 =	vld [tilespmem:s24+$0x780];
	_ =	sdelay $0x1  }
0x44: {  	[tilespmem:s25+$0x400] =	vst v0  }
0x45: {  	v0 =	vld [tilespmem:s23+$0x10]  }
0x46: {  	v31 =	vld [tilespmem:s23+$0x90]  }
0x47: {  	v32 =	vld [tilespmem:s23+$0x110];
	[tilespmem:s26+$0x400] =	vst v1  }
0x48: {  	v1 =	vld [tilespmem:s24+$0x10]  }
0x49: {  	v33 =	vld [tilespmem:s24+$0x90]  }
0x4a: {  	v34 =	vld [tilespmem:s23+$0x190]  }
0x4b: {  	v35 =	vld [tilespmem:s24+$0x110];
	v0 =	vadd.f32 v31, v0  }
0x4c: {  	v36 =	vld [tilespmem:s23+$0x210]  }
0x4d: {  	v37 =	vld [tilespmem:s24+$0x190];
	v0 =	vadd.f32 v32, v0  }
0x4e: {  	v38 =	vld [tilespmem:s23+$0x290];
	v1 =	vadd.f32 v33, v1  }
0x4f: {  	v39 =	vld [tilespmem:s24+$0x210];
	v0 =	vadd.f32 v34, v0  }
0x50: {  	v40 =	vld [tilespmem:s23+$0x310];
	v1 =	vadd.f32 v35, v1  }
0x51: {  	v41 =	vld [tilespmem:s24+$0x290];
	v0 =	vadd.f32 v36, v0  }
0x52: {  	v42 =	vld [tilespmem:s23+$0x390];
	v1 =	vadd.f32 v37, v1  }
0x53: {  	v43 =	vld [tilespmem:s24+$0x310];
	v0 =	vadd.f32 v38, v0  }
0x54: {  	v44 =	vld [tilespmem:s23+$0x410];
	v1 =	vadd.f32 v39, v1  }
0x55: {  	v45 =	vld [tilespmem:s24+$0x390];
	v0 =	vadd.f32 v40, v0  }
0x56: {  	v46 =	vld [tilespmem:s23+$0x490];
	v1 =	vadd.f32 v41, v1  }
0x57: {  	v47 =	vld [tilespmem:s24+$0x410];
	v0 =	vadd.f32 v42, v0  }
0x58: {  	v48 =	vld [tilespmem:s23+$0x510];
	v1 =	vadd.f32 v43, v1  }
0x59: {  	v49 =	vld [tilespmem:s24+$0x490];
	v0 =	vadd.f32 v44, v0  }
0x5a: {  	v50 =	vld [tilespmem:s23+$0x590];
	v1 =	vadd.f32 v45, v1  }
0x5b: {  	v51 =	vld [tilespmem:s24+$0x510];
	v0 =	vadd.f32 v46, v0  }
0x5c: {  	v52 =	vld [tilespmem:s23+$0x610];
	v1 =	vadd.f32 v47, v1  }
0x5d: {  	v53 =	vld [tilespmem:s24+$0x590];
	v0 =	vadd.f32 v48, v0  }
0x5e: {  	v54 =	vld [tilespmem:s23+$0x690];
	v1 =	vadd.f32 v49, v1  }
0x5f: {  	v55 =	vld [tilespmem:s24+$0x610];
	v0 =	vadd.f32 v50, v0  }
0x60: {  	v56 =	vld [tilespmem:s23+$0x710];
	v1 =	vadd.f32 v51, v1  }
0x61: {  	v57 =	vld [tilespmem:s24+$0x690];
	v0 =	vadd.f32 v52, v0  }
0x62: {  	v1 =	vadd.f32 v53, v1  }
0x63: {  	v58 =	vld [tilespmem:s24+$0x710];
	v0 =	vadd.f32 v54, v0  }
0x64: {  	v1 =	vadd.f32 v55, v1  }
0x65: {  	v0 =	vadd.f32 v56, v0  }
0x66: {  	v1 =	vadd.f32 v57, v1  }
0x67: {  	v0 =	vmul.f32 $6.666667010e-02, v0  }
0x68: {  	v1 =	vadd.f32 v58, v1  }
0x69: {  	[tilespmem:s25+$0x10] =	vst v0  }
0x6a: {  	v1 =	vmul.f32 $6.666667010e-02, v1;
	v0 =	vld [tilespmem:s23+$0x790];
	_ =	sdelay $0x1  }
0x6b: {  	[tilespmem:s26+$0x10] =	vst v1  }
0x6c: {  	v1 =	vld [tilespmem:s24+$0x790];
	_ =	sdelay $0x1  }
0x6d: {  	[tilespmem:s25+$0x410] =	vst v0  }
0x6e: {  	v0 =	vld [tilespmem:s23+$0x20]  }
0x6f: {  	v59 =	vld [tilespmem:s23+$0xA0]  }
0x70: {  	v60 =	vld [tilespmem:s23+$0x120];
	[tilespmem:s26+$0x410] =	vst v1  }
0x71: {  	v1 =	vld [tilespmem:s24+$0x20]  }
0x72: {  	v61 =	vld [tilespmem:s24+$0xA0]  }
0x73: {  	v62 =	vld [tilespmem:s23+$0x1A0]  }
0x74: {  	v63 =	vld [tilespmem:s24+$0x120];
	v0 =	vadd.f32 v59, v0  }
0x75: {  	v9 =	vld [tilespmem:s23+$0x220]  }
0x76: {  	v10 =	vld [tilespmem:s24+$0x1A0];
	v0 =	vadd.f32 v60, v0  }
0x77: {  	v11 =	vld [tilespmem:s23+$0x2A0];
	v1 =	vadd.f32 v61, v1  }
0x78: {  	v12 =	vld [tilespmem:s24+$0x220];
	v0 =	vadd.f32 v62, v0  }
0x79: {  	v13 =	vld [tilespmem:s23+$0x320];
	v1 =	vadd.f32 v63, v1  }
0x7a: {  	v14 =	vld [tilespmem:s24+$0x2A0];
	v0 =	vadd.f32 v9, v0  }
0x7b: {  	v15 =	vld [tilespmem:s23+$0x3A0];
	v1 =	vadd.f32 v10, v1  }
0x7c: {  	v16 =	vld [tilespmem:s24+$0x320];
	v0 =	vadd.f32 v11, v0  }
0x7d: {  	v17 =	vld [tilespmem:s23+$0x420];
	v1 =	vadd.f32 v12, v1  }
0x7e: {  	v18 =	vld [tilespmem:s24+$0x3A0];
	v0 =	vadd.f32 v13, v0  }
0x7f: {  	v19 =	vld [tilespmem:s23+$0x4A0];
	v1 =	vadd.f32 v14, v1  }
0x80: {  	v20 =	vld [tilespmem:s24+$0x420];
	v0 =	vadd.f32 v15, v0  }
0x81: {  	v21 =	vld [tilespmem:s23+$0x520];
	v1 =	vadd.f32 v16, v1  }
0x82: {  	v22 =	vld [tilespmem:s24+$0x4A0];
	v0 =	vadd.f32 v17, v0  }
0x83: {  	v23 =	vld [tilespmem:s23+$0x5A0];
	v1 =	vadd.f32 v18, v1  }
0x84: {  	v24 =	vld [tilespmem:s24+$0x520];
	v0 =	vadd.f32 v19, v0  }
0x85: {  	v25 =	vld [tilespmem:s23+$0x620];
	v1 =	vadd.f32 v20, v1  }
0x86: {  	v26 =	vld [tilespmem:s24+$0x5A0];
	v0 =	vadd.f32 v21, v0  }
0x87: {  	v27 =	vld [tilespmem:s23+$0x6A0];
	v1 =	vadd.f32 v22, v1  }
0x88: {  	v28 =	vld [tilespmem:s24+$0x620];
	v0 =	vadd.f32 v23, v0  }
0x89: {  	v29 =	vld [tilespmem:s23+$0x720];
	v1 =	vadd.f32 v24, v1  }
0x8a: {  	v30 =	vld [tilespmem:s24+$0x6A0];
	v0 =	vadd.f32 v25, v0  }
0x8b: {  	v1 =	vadd.f32 v26, v1  }
0x8c: {  	v31 =	vld [tilespmem:s24+$0x720];
	v0 =	vadd.f32 v27, v0  }
0x8d: {  	v1 =	vadd.f32 v28, v1  }
0x8e: {  	v0 =	vadd.f32 v29, v0  }
0x8f: {  	v1 =	vadd.f32 v30, v1  }
0x90: {  	v0 =	vmul.f32 $6.666667010e-02, v0  }
0x91: {  	v1 =	vadd.f32 v31, v1  }
0x92: {  	[tilespmem:s25+$0x20] =	vst v0  }
0x93: {  	v1 =	vmul.f32 $6.666667010e-02, v1;
	v0 =	vld [tilespmem:s23+$0x7A0];
	_ =	sdelay $0x1  }
0x94: {  	[tilespmem:s26+$0x20] =	vst v1  }
0x95: {  	v1 =	vld [tilespmem:s24+$0x7A0];
	_ =	sdelay $0x1  }
0x96: {  	[tilespmem:s25+$0x420] =	vst v0  }
0x97: {  	v0 =	vld [tilespmem:s23+$0x30]  }
0x98: {  	v32 =	vld [tilespmem:s23+$0xB0]  }
0x99: {  	v33 =	vld [tilespmem:s23+$0x130];
	[tilespmem:s26+$0x420] =	vst v1  }
0x9a: {  	v1 =	vld [tilespmem:s24+$0x30]  }
0x9b: {  	v34 =	vld [tilespmem:s24+$0xB0]  }
0x9c: {  	v35 =	vld [tilespmem:s23+$0x1B0]  }
0x9d: {  	v36 =	vld [tilespmem:s24+$0x130];
	v0 =	vadd.f32 v32, v0  }
0x9e: {  	v37 =	vld [tilespmem:s23+$0x230]  }
0x9f: {  	v38 =	vld [tilespmem:s24+$0x1B0];
	v0 =	vadd.f32 v33, v0  }
0xa0: {  	v39 =	vld [tilespmem:s23+$0x2B0];
	v1 =	vadd.f32 v34, v1  }
0xa1: {  	v40 =	vld [tilespmem:s24+$0x230];
	v0 =	vadd.f32 v35, v0  }
0xa2: {  	v41 =	vld [tilespmem:s23+$0x330];
	v1 =	vadd.f32 v36, v1  }
0xa3: {  	v42 =	vld [tilespmem:s24+$0x2B0];
	v0 =	vadd.f32 v37, v0  }
0xa4: {  	v43 =	vld [tilespmem:s23+$0x3B0];
	v1 =	vadd.f32 v38, v1  }
0xa5: {  	v44 =	vld [tilespmem:s24+$0x330];
	v0 =	vadd.f32 v39, v0  }
0xa6: {  	v45 =	vld [tilespmem:s23+$0x430];
	v1 =	vadd.f32 v40, v1  }
0xa7: {  	v46 =	vld [tilespmem:s24+$0x3B0];
	v0 =	vadd.f32 v41, v0  }
0xa8: {  	v47 =	vld [tilespmem:s23+$0x4B0];
	v1 =	vadd.f32 v42, v1  }
0xa9: {  	v48 =	vld [tilespmem:s24+$0x430];
	v0 =	vadd.f32 v43, v0  }
0xaa: {  	v49 =	vld [tilespmem:s23+$0x530];
	v1 =	vadd.f32 v44, v1  }
0xab: {  	v50 =	vld [tilespmem:s24+$0x4B0];
	v0 =	vadd.f32 v45, v0  }
0xac: {  	v51 =	vld [tilespmem:s23+$0x5B0];
	v1 =	vadd.f32 v46, v1  }
0xad: {  	v52 =	vld [tilespmem:s24+$0x530];
	v0 =	vadd.f32 v47, v0  }
0xae: {  	v53 =	vld [tilespmem:s23+$0x630];
	v1 =	vadd.f32 v48, v1  }
0xaf: {  	v54 =	vld [tilespmem:s24+$0x5B0];
	v0 =	vadd.f32 v49, v0  }
0xb0: {  	v55 =	vld [tilespmem:s23+$0x6B0];
	v1 =	vadd.f32 v50, v1  }
0xb1: {  	v56 =	vld [tilespmem:s24+$0x630];
	v0 =	vadd.f32 v51, v0  }
0xb2: {  	v57 =	vld [tilespmem:s23+$0x730];
	v1 =	vadd.f32 v52, v1  }
0xb3: {  	v58 =	vld [tilespmem:s24+$0x6B0];
	v0 =	vadd.f32 v53, v0  }
0xb4: {  	v1 =	vadd.f32 v54, v1  }
0xb5: {  	v59 =	vld [tilespmem:s24+$0x730];
	v0 =	vadd.f32 v55, v0  }
0xb6: {  	v1 =	vadd.f32 v56, v1  }
0xb7: {  	v0 =	vadd.f32 v57, v0  }
0xb8: {  	v1 =	vadd.f32 v58, v1  }
0xb9: {  	v0 =	vmul.f32 $6.666667010e-02, v0  }
0xba: {  	v1 =	vadd.f32 v59, v1  }
0xbb: {  	[tilespmem:s25+$0x30] =	vst v0  }
0xbc: {  	v1 =	vmul.f32 $6.666667010e-02, v1;
	v0 =	vld [tilespmem:s23+$0x7B0];
	_ =	sdelay $0x1  }
0xbd: {  	[tilespmem:s26+$0x30] =	vst v1  }
0xbe: {  	v1 =	vld [tilespmem:s24+$0x7B0];
	_ =	sdelay $0x1  }
0xbf: {  	[tilespmem:s25+$0x430] =	vst v0  }
0xc0: {  	v0 =	vld [tilespmem:s23+$0x40]  }
0xc1: {  	v60 =	vld [tilespmem:s23+$0xC0]  }
0xc2: {  	v61 =	vld [tilespmem:s23+$0x140];
	[tilespmem:s26+$0x430] =	vst v1  }
0xc3: {  	v1 =	vld [tilespmem:s24+$0x40]  }
0xc4: {  	v62 =	vld [tilespmem:s24+$0xC0]  }
0xc5: {  	v63 =	vld [tilespmem:s23+$0x1C0]  }
0xc6: {  	v9 =	vld [tilespmem:s24+$0x140];
	v0 =	vadd.f32 v60, v0  }
0xc7: {  	v10 =	vld [tilespmem:s23+$0x240]  }
0xc8: {  	v11 =	vld [tilespmem:s24+$0x1C0];
	v0 =	vadd.f32 v61, v0  }
0xc9: {  	v12 =	vld [tilespmem:s23+$0x2C0];
	v1 =	vadd.f32 v62, v1  }
0xca: {  	v13 =	vld [tilespmem:s24+$0x240];
	v0 =	vadd.f32 v63, v0  }
0xcb: {  	v14 =	vld [tilespmem:s23+$0x340];
	v1 =	vadd.f32 v9, v1  }
0xcc: {  	v15 =	vld [tilespmem:s24+$0x2C0];
	v0 =	vadd.f32 v10, v0  }
0xcd: {  	v16 =	vld [tilespmem:s23+$0x3C0];
	v1 =	vadd.f32 v11, v1  }
0xce: {  	v17 =	vld [tilespmem:s24+$0x340];
	v0 =	vadd.f32 v12, v0  }
0xcf: {  	v18 =	vld [tilespmem:s23+$0x440];
	v1 =	vadd.f32 v13, v1  }
0xd0: {  	v19 =	vld [tilespmem:s24+$0x3C0];
	v0 =	vadd.f32 v14, v0  }
0xd1: {  	v20 =	vld [tilespmem:s23+$0x4C0];
	v1 =	vadd.f32 v15, v1  }
0xd2: {  	v21 =	vld [tilespmem:s24+$0x440];
	v0 =	vadd.f32 v16, v0  }
0xd3: {  	v22 =	vld [tilespmem:s23+$0x540];
	v1 =	vadd.f32 v17, v1  }
0xd4: {  	v23 =	vld [tilespmem:s24+$0x4C0];
	v0 =	vadd.f32 v18, v0  }
0xd5: {  	v24 =	vld [tilespmem:s23+$0x5C0];
	v1 =	vadd.f32 v19, v1  }
0xd6: {  	v25 =	vld [tilespmem:s24+$0x540];
	v0 =	vadd.f32 v20, v0  }
0xd7: {  	v26 =	vld [tilespmem:s23+$0x640];
	v1 =	vadd.f32 v21, v1  }
0xd8: {  	v27 =	vld [tilespmem:s24+$0x5C0];
	v0 =	vadd.f32 v22, v0  }
0xd9: {  	v28 =	vld [tilespmem:s23+$0x6C0];
	v1 =	vadd.f32 v23, v1  }
0xda: {  	v29 =	vld [tilespmem:s24+$0x640];
	v0 =	vadd.f32 v24, v0  }
0xdb: {  	v30 =	vld [tilespmem:s23+$0x740];
	v1 =	vadd.f32 v25, v1  }
0xdc: {  	v31 =	vld [tilespmem:s24+$0x6C0];
	v0 =	vadd.f32 v26, v0  }
0xdd: {  	v1 =	vadd.f32 v27, v1  }
0xde: {  	v32 =	vld [tilespmem:s24+$0x740];
	v0 =	vadd.f32 v28, v0  }
0xdf: {  	v1 =	vadd.f32 v29, v1  }
0xe0: {  	v0 =	vadd.f32 v30, v0  }
0xe1: {  	v1 =	vadd.f32 v31, v1  }
0xe2: {  	v0 =	vmul.f32 $6.666667010e-02, v0  }
0xe3: {  	v1 =	vadd.f32 v32, v1  }
0xe4: {  	[tilespmem:s25+$0x40] =	vst v0  }
0xe5: {  	v1 =	vmul.f32 $6.666667010e-02, v1;
	v0 =	vld [tilespmem:s23+$0x7C0];
	_ =	sdelay $0x1  }
0xe6: {  	[tilespmem:s26+$0x40] =	vst v1  }
0xe7: {  	v1 =	vld [tilespmem:s24+$0x7C0];
	_ =	sdelay $0x1  }
0xe8: {  	[tilespmem:s25+$0x440] =	vst v0  }
0xe9: {  	v0 =	vld [tilespmem:s23+$0x50]  }
0xea: {  	v33 =	vld [tilespmem:s23+$0xD0]  }
0xeb: {  	v34 =	vld [tilespmem:s23+$0x150];
	[tilespmem:s26+$0x440] =	vst v1  }
0xec: {  	v1 =	vld [tilespmem:s24+$0x50]  }
0xed: {  	v35 =	vld [tilespmem:s24+$0xD0]  }
0xee: {  	v36 =	vld [tilespmem:s23+$0x1D0]  }
0xef: {  	v37 =	vld [tilespmem:s24+$0x150];
	v0 =	vadd.f32 v33, v0  }
0xf0: {  	v38 =	vld [tilespmem:s23+$0x250]  }
0xf1: {  	v39 =	vld [tilespmem:s24+$0x1D0];
	v0 =	vadd.f32 v34, v0  }
0xf2: {  	v40 =	vld [tilespmem:s23+$0x2D0];
	v1 =	vadd.f32 v35, v1  }
0xf3: {  	v41 =	vld [tilespmem:s24+$0x250];
	v0 =	vadd.f32 v36, v0  }
0xf4: {  	v42 =	vld [tilespmem:s23+$0x350];
	v1 =	vadd.f32 v37, v1  }
0xf5: {  	v43 =	vld [tilespmem:s24+$0x2D0];
	v0 =	vadd.f32 v38, v0  }
0xf6: {  	v44 =	vld [tilespmem:s23+$0x3D0];
	v1 =	vadd.f32 v39, v1  }
0xf7: {  	v45 =	vld [tilespmem:s24+$0x350];
	v0 =	vadd.f32 v40, v0  }
0xf8: {  	v46 =	vld [tilespmem:s23+$0x450];
	v1 =	vadd.f32 v41, v1  }
0xf9: {  	v47 =	vld [tilespmem:s24+$0x3D0];
	v0 =	vadd.f32 v42, v0  }
0xfa: {  	v48 =	vld [tilespmem:s23+$0x4D0];
	v1 =	vadd.f32 v43, v1  }
0xfb: {  	v49 =	vld [tilespmem:s24+$0x450];
	v0 =	vadd.f32 v44, v0  }
0xfc: {  	v50 =	vld [tilespmem:s23+$0x550];
	v1 =	vadd.f32 v45, v1  }
0xfd: {  	v51 =	vld [tilespmem:s24+$0x4D0];
	v0 =	vadd.f32 v46, v0  }
0xfe: {  	v52 =	vld [tilespmem:s23+$0x5D0];
	v1 =	vadd.f32 v47, v1  }
0xff: {  	v53 =	vld [tilespmem:s24+$0x550];
	v0 =	vadd.f32 v48, v0  }
0x100: {  	v54 =	vld [tilespmem:s23+$0x650];
	v1 =	vadd.f32 v49, v1  }
0x101: {  	v55 =	vld [tilespmem:s24+$0x5D0];
	v0 =	vadd.f32 v50, v0  }
0x102: {  	v56 =	vld [tilespmem:s23+$0x6D0];
	v1 =	vadd.f32 v51, v1  }
0x103: {  	v57 =	vld [tilespmem:s24+$0x650];
	v0 =	vadd.f32 v52, v0  }
0x104: {  	v58 =	vld [tilespmem:s23+$0x750];
	v1 =	vadd.f32 v53, v1  }
0x105: {  	v59 =	vld [tilespmem:s24+$0x6D0];
	v0 =	vadd.f32 v54, v0  }
0x106: {  	v1 =	vadd.f32 v55, v1  }
0x107: {  	v60 =	vld [tilespmem:s24+$0x750];
	v0 =	vadd.f32 v56, v0  }
0x108: {  	v1 =	vadd.f32 v57, v1  }
0x109: {  	v0 =	vadd.f32 v58, v0  }
0x10a: {  	v1 =	vadd.f32 v59, v1  }
0x10b: {  	v0 =	vmul.f32 $6.666667010e-02, v0  }
0x10c: {  	v1 =	vadd.f32 v60, v1  }
0x10d: {  	[tilespmem:s25+$0x50] =	vst v0  }
0x10e: {  	v1 =	vmul.f32 $6.666667010e-02, v1;
	v0 =	vld [tilespmem:s23+$0x7D0];
	_ =	sdelay $0x1  }
0x10f: {  	[tilespmem:s26+$0x50] =	vst v1  }
0x110: {  	v1 =	vld [tilespmem:s24+$0x7D0];
	_ =	sdelay $0x1  }
0x111: {  	[tilespmem:s25+$0x450] =	vst v0  }
0x112: {  	v0 =	vld [tilespmem:s23+$0x60]  }
0x113: {  	v61 =	vld [tilespmem:s23+$0xE0]  }
0x114: {  	v62 =	vld [tilespmem:s23+$0x160];
	[tilespmem:s26+$0x450] =	vst v1  }
0x115: {  	v1 =	vld [tilespmem:s24+$0x60]  }
0x116: {  	v63 =	vld [tilespmem:s24+$0xE0]  }
0x117: {  	v9 =	vld [tilespmem:s23+$0x1E0]  }
0x118: {  	v10 =	vld [tilespmem:s24+$0x160]  }
0x119: {  	v11 =	vld [tilespmem:s23+$0x260];
	v0 =	vadd.f32 v61, v0  }
0x11a: {  	v12 =	vld [tilespmem:s24+$0x1E0]  }
0x11b: {  	v13 =	vld [tilespmem:s23+$0x2E0];
	v1 =	vadd.f32 v63, v1;
	v0 =	vadd.f32 v62, v0  }
0x11c: {  	v14 =	vld [tilespmem:s24+$0x260]  }
0x11d: {  	v15 =	vld [tilespmem:s23+$0x360];
	v1 =	vadd.f32 v10, v1;
	v0 =	vadd.f32 v9, v0  }
0x11e: {  	v16 =	vld [tilespmem:s24+$0x2E0]  }
0x11f: {  	v17 =	vld [tilespmem:s23+$0x3E0];
	v1 =	vadd.f32 v12, v1;
	v0 =	vadd.f32 v11, v0  }
0x120: {  	v18 =	vld [tilespmem:s24+$0x360]  }
0x121: {  	v19 =	vld [tilespmem:s23+$0x460];
	v1 =	vadd.f32 v14, v1;
	v0 =	vadd.f32 v13, v0  }
0x122: {  	v20 =	vld [tilespmem:s24+$0x3E0]  }
0x123: {  	v21 =	vld [tilespmem:s23+$0x4E0];
	v1 =	vadd.f32 v16, v1;
	v0 =	vadd.f32 v15, v0  }
0x124: {  	v22 =	vld [tilespmem:s24+$0x460]  }
0x125: {  	v23 =	vld [tilespmem:s23+$0x560];
	v1 =	vadd.f32 v18, v1;
	v0 =	vadd.f32 v17, v0  }
0x126: {  	v24 =	vld [tilespmem:s24+$0x4E0]  }
0x127: {  	v25 =	vld [tilespmem:s23+$0x5E0];
	v1 =	vadd.f32 v20, v1;
	v0 =	vadd.f32 v19, v0  }
0x128: {  	v26 =	vld [tilespmem:s24+$0x560]  }
0x129: {  	v27 =	vld [tilespmem:s23+$0x660];
	v1 =	vadd.f32 v22, v1;
	v0 =	vadd.f32 v21, v0  }
0x12a: {  	v28 =	vld [tilespmem:s24+$0x5E0]  }
0x12b: {  	v29 =	vld [tilespmem:s23+$0x6E0];
	v1 =	vadd.f32 v24, v1;
	v0 =	vadd.f32 v23, v0  }
0x12c: {  	v30 =	vld [tilespmem:s24+$0x660]  }
0x12d: {  	v31 =	vld [tilespmem:s23+$0x760];
	v1 =	vadd.f32 v26, v1;
	v0 =	vadd.f32 v25, v0  }
0x12e: {  	v32 =	vld [tilespmem:s24+$0x6E0]  }
0x12f: {  	v1 =	vadd.f32 v28, v1;
	v0 =	vadd.f32 v27, v0  }
0x130: {  	v33 =	vld [tilespmem:s24+$0x760]  }
0x131: {  	v1 =	vadd.f32 v30, v1;
	v0 =	vadd.f32 v29, v0;
	_ =	sdelay $0x1  }
0x132: {  	v1 =	vadd.f32 v32, v1;
	v0 =	vadd.f32 v31, v0;
	_ =	sdelay $0x1  }
0x133: {  	v1 =	vadd.f32 v33, v1;
	v0 =	vmul.f32 $6.666667010e-02, v0;
	_ =	sdelay $0x1  }
0x134: {  	v34 =	vmul.f32 $6.666667010e-02, v1;
	[tilespmem:s25+$0x60] =	vst v0  }
0x135: {  	v35 =	vld [tilespmem:s23+$0x7E0]  }
0x136: {  	[tilespmem:s26+$0x60] =	vst v34  }
0x137: {  	v0 =	vld [tilespmem:s24+$0x7E0];
	_ =	sdelay $0x2  }
0x138: {  	[tilespmem:s25+$0x460] =	vst v35  }
0x139: {  	v1 =	vld [tilespmem:s23+$0x70]  }
0x13a: {  	v36 =	vld [tilespmem:s23+$0xF0];
	[tilespmem:s26+$0x460] =	vst v0  }
0x13b: {  	v0 =	vld [tilespmem:s24+$0x70]  }
0x13c: {  	v37 =	vld [tilespmem:s24+$0xF0]  }
0x13d: {  	v38 =	vld [tilespmem:s23+$0x170]  }
0x13e: {  	v39 =	vld [tilespmem:s24+$0x170]  }
0x13f: {  	v40 =	vld [tilespmem:s23+$0x1F0]  }
0x140: {  	v41 =	vld [tilespmem:s24+$0x1F0];
	v1 =	vadd.f32 v36, v1  }
0x141: {  	v42 =	vld [tilespmem:s23+$0x270];
	v0 =	vadd.f32 v37, v0  }
0x142: {  	v43 =	vld [tilespmem:s24+$0x270];
	v1 =	vadd.f32 v38, v1  }
0x143: {  	v44 =	vld [tilespmem:s23+$0x2F0];
	v0 =	vadd.f32 v39, v0  }
0x144: {  	v45 =	vld [tilespmem:s24+$0x2F0];
	v1 =	vadd.f32 v40, v1  }
0x145: {  	v46 =	vld [tilespmem:s23+$0x370];
	v0 =	vadd.f32 v41, v0  }
0x146: {  	v47 =	vld [tilespmem:s24+$0x370];
	v1 =	vadd.f32 v42, v1  }
0x147: {  	v48 =	vld [tilespmem:s23+$0x3F0];
	v0 =	vadd.f32 v43, v0  }
0x148: {  	v49 =	vld [tilespmem:s24+$0x3F0];
	v1 =	vadd.f32 v44, v1  }
0x149: {  	v50 =	vld [tilespmem:s23+$0x470];
	v0 =	vadd.f32 v45, v0  }
0x14a: {  	v51 =	vld [tilespmem:s24+$0x470];
	v1 =	vadd.f32 v46, v1  }
0x14b: {  	v52 =	vld [tilespmem:s23+$0x4F0];
	v0 =	vadd.f32 v47, v0  }
0x14c: {  	v53 =	vld [tilespmem:s24+$0x4F0];
	v1 =	vadd.f32 v48, v1  }
0x14d: {  	v54 =	vld [tilespmem:s23+$0x570];
	v0 =	vadd.f32 v49, v0  }
0x14e: {  	v55 =	vld [tilespmem:s24+$0x570];
	v1 =	vadd.f32 v50, v1  }
0x14f: {  	v56 =	vld [tilespmem:s23+$0x5F0];
	v0 =	vadd.f32 v51, v0  }
0x150: {  	v57 =	vld [tilespmem:s24+$0x5F0];
	v1 =	vadd.f32 v52, v1  }
0x151: {  	v58 =	vld [tilespmem:s23+$0x670];
	v0 =	vadd.f32 v53, v0  }
0x152: {  	v59 =	vld [tilespmem:s24+$0x670];
	v1 =	vadd.f32 v54, v1  }
0x153: {  	v60 =	vld [tilespmem:s23+$0x6F0];
	v0 =	vadd.f32 v55, v0  }
0x154: {  	v61 =	vld [tilespmem:s24+$0x6F0];
	v1 =	vadd.f32 v56, v1  }
0x155: {  	v62 =	vld [tilespmem:s23+$0x770];
	v0 =	vadd.f32 v57, v0  }
0x156: {  	v63 =	vld [tilespmem:s24+$0x770];
	v1 =	vadd.f32 v58, v1  }
0x157: {  	v0 =	vadd.f32 v59, v0  }
0x158: {  	v1 =	vadd.f32 v60, v1  }
0x159: {  	v0 =	vadd.f32 v61, v0  }
0x15a: {  	v1 =	vadd.f32 v62, v1  }
0x15b: {  	v0 =	vadd.f32 v63, v0  }
0x15c: {  	v1 =	vmul.f32 $6.666667010e-02, v1  }
0x15d: {  	v0 =	vmul.f32 $6.666667010e-02, v0  }
0x15e: {  	[tilespmem:s25+$0x70] =	vst v1  }
0x15f: {  	v1 =	vld [tilespmem:s23+$0x7F0];
	[tilespmem:s26+$0x70] =	vst v0  }
0x160: {  	p1 =	slt.u32 s22, $0x16;
	v0 =	vld [tilespmem:s24+$0x7F0]  }
.Ltmp0:
0x161: {  	_ = 	snop;
	(pc) =	sbr.rel @p1 .LBB2_3-.Ltmp0, $3  }
0x162: {  	_ =	sdelay $0x1  }
0x163: {  	s31 =	sadd.s32 $0x2, s22;
	[tilespmem:s25+$0x470] =	vst v1  }
0x164: {  	s22 =	smov.u32 s31;
	[tilespmem:s26+$0x470] =	vst v0  }
0x165: {  	p1 =	sne.s32 s18, $0x5  }
.Ltmp1:
0x166: {  	_ = 	snop;
	(pc) =	sbr.rel @p1 .LBB2_6-.Ltmp1, $4  }
0x167: {  	_ = 	snop  }
0x168: {  	s21 =	sshll.u32 s21, $0x5  }
0x169: {  	s21 =	sadd.s32 s5, s21  }
0x16a: {  	[hbm4b:s21+s3] =	stream.linear.scatter [tilespmem:s12], [sflag:$0x3], $0x1800, $0x38;
	[tilespmem:$0x1B000] =	vst v63  }
.Ltmp2:
0x16b: {  	(pc) =	sbr.rel .LBB2_7-.Ltmp2, $4  }
0x16c: {  	_ = 	snop  }
0x16d: {  	_ =	swait.ge [sflag:s13], $0xC000  }
0x16e: {  	[sflag:s13] =	ssyncset.done $0x0  }
0x16f: {  	[sflag:s13] =	ssyncadd.s32 $0xFFFF4000  }
.LBB2_6:
0x170: {  	s20 =	sadd.s32 s20, s8  }
0x171: {  	s20 =	sshll.u32 s20, $0x8  }
0x172: {  	s20 =	sand.u32 $0x1FFFF000, s20  }
.Ltmp3:
0x173: {  	s20 =	sadd.s32 s2, s20;
	(pc) =	sbr.rel @p0 .LBB2_8-.Ltmp3, $4  }
0x174: {  	[tilespmem:s3], [sflag:$0x1] =	stream.linear.gather [hbm4b:s20+s3], $0xC000, $0x38;
	[tilespmem:$0x1B000] =	vst v63  }
0x175: {  	_ =	swait.ge [sflag:s13], $0xC000  }
0x176: {  	[sflag:s13] =	ssyncset.done $0x0  }
0x177: {  	[sflag:s13] =	ssyncadd.s32 $0xFFFF4000  }
.LBB2_7:
0x178: {  	_ =	swait.ge [sflag:s14], $0x1800  }
0x179: {  	[sflag:s14] =	ssyncset.done $0x0  }
0x17a: {  	[sflag:s14] =	ssyncadd.s32 $0xFFFFE800  }
.LBB2_8:
0x17b: {  	s20 =	simm.s32 $0x0  }
.LBB2_9:
0x17c: {  	s21 =	sshll.u32 s20, $0xB  }
0x17d: {  	s21 =	sand.u32 $0x3FFFF800, s21  }
0x17e: {  	s24 =	sor.u32 $0x1, s20;
	v0 =	vld [tilespmem:s21+$0xC000]  }
0x17f: {  	s22 =	sshll.u32 s24, $0xB;
	v1 =	vld [tilespmem:s21+$0xC080]  }
0x180: {  	v2 =	vld [tilespmem:s21+$0xC100];
	s22 =	sand.u32 $0x3FFFF800, s22  }
0x181: {  	v3 =	vld [tilespmem:s22+$0xC000]  }
0x182: {  	v4 =	vld [tilespmem:s22+$0xC080]  }
0x183: {  	v5 =	vld [tilespmem:s21+$0xC180]  }
0x184: {  	v9 =	vld [tilespmem:s22+$0xC100];
	v0 =	vadd.f32 v1, v0  }
0x185: {  	v6 =	vld [tilespmem:s21+$0xC200]  }
0x186: {  	v10 =	vld [tilespmem:s22+$0xC180];
	v0 =	vadd.f32 v2, v0  }
0x187: {  	v7 =	vld [tilespmem:s21+$0xC280];
	v3 =	vadd.f32 v4, v3  }
0x188: {  	v11 =	vld [tilespmem:s22+$0xC200];
	v0 =	vadd.f32 v5, v0  }
0x189: {  	v12 =	vld [tilespmem:s21+$0xC300];
	v1 =	vadd.f32 v9, v3  }
0x18a: {  	v13 =	vld [tilespmem:s22+$0xC280];
	v0 =	vadd.f32 v6, v0  }
0x18b: {  	v14 =	vld [tilespmem:s21+$0xC380];
	v1 =	vadd.f32 v10, v1  }
0x18c: {  	v15 =	vld [tilespmem:s22+$0xC300];
	v0 =	vadd.f32 v7, v0  }
0x18d: {  	v16 =	vld [tilespmem:s21+$0xC400];
	v1 =	vadd.f32 v11, v1  }
0x18e: {  	v17 =	vld [tilespmem:s22+$0xC380];
	v0 =	vadd.f32 v12, v0  }
0x18f: {  	v18 =	vld [tilespmem:s21+$0xC480];
	v1 =	vadd.f32 v13, v1  }
0x190: {  	v19 =	vld [tilespmem:s22+$0xC400];
	v0 =	vadd.f32 v14, v0  }
0x191: {  	v20 =	vld [tilespmem:s21+$0xC500];
	v1 =	vadd.f32 v15, v1  }
0x192: {  	v21 =	vld [tilespmem:s22+$0xC480];
	v0 =	vadd.f32 v16, v0  }
0x193: {  	v22 =	vld [tilespmem:s21+$0xC580];
	v1 =	vadd.f32 v17, v1  }
0x194: {  	v23 =	vld [tilespmem:s22+$0xC500];
	v0 =	vadd.f32 v18, v0  }
0x195: {  	v24 =	vld [tilespmem:s21+$0xC600];
	v1 =	vadd.f32 v19, v1  }
0x196: {  	v25 =	vld [tilespmem:s22+$0xC580];
	v0 =	vadd.f32 v20, v0  }
0x197: {  	v26 =	vld [tilespmem:s21+$0xC680];
	v1 =	vadd.f32 v21, v1  }
0x198: {  	v27 =	vld [tilespmem:s22+$0xC600];
	v0 =	vadd.f32 v22, v0  }
0x199: {  	v28 =	vld [tilespmem:s21+$0xC700];
	v1 =	vadd.f32 v23, v1  }
0x19a: {  	v29 =	vld [tilespmem:s22+$0xC680];
	v0 =	vadd.f32 v24, v0  }
0x19b: {  	v1 =	vadd.f32 v25, v1  }
0x19c: {  	v30 =	vld [tilespmem:s22+$0xC700];
	v0 =	vadd.f32 v26, v0  }
0x19d: {  	v1 =	vadd.f32 v27, v1  }
0x19e: {  	s23 =	sshll.u32 s20, $0x8;
	v0 =	vadd.f32 v28, v0  }
0x19f: {  	s30 =	sshll.u32 s20, $0x7;
	s25 =	sand.u32 $0x1800, s23;
	v1 =	vadd.f32 v29, v1  }
0x1a0: {  	s26 =	sand.u32 $0x300, s30;
	s28 =	sadd.s32 $0x19800, s25;
	v0 =	vmul.f32 $6.666667010e-02, v0  }
0x1a1: {  	s23 =	sor.u32 s26, s28;
	v1 =	vadd.f32 v30, v1  }
0x1a2: {  	s24 =	sshll.u32 s24, $0x7;
	[tilespmem:s23+$0x0] =	vst v0  }
0x1a3: {  	s29 =	sand.u32 $0x380, s24;
	v1 =	vmul.f32 $6.666667010e-02, v1;
	v0 =	vld [tilespmem:s21+$0xC780]  }
0x1a4: {  	s24 =	sor.u32 s29, s28  }
0x1a5: {  	[tilespmem:s24+$0x0] =	vst v1  }
0x1a6: {  	s31 =	sadd.s32 $0x19C00, s25;
	v1 =	vld [tilespmem:s22+$0xC780]  }
0x1a7: {  	s25 =	sor.u32 s26, s31  }
0x1a8: {  	[tilespmem:s25+$0x0] =	vst v0  }
0x1a9: {  	v0 =	vld [tilespmem:s21+$0xC010]  }
0x1aa: {  	s30 =	sor.u32 s29, s31;
	v31 =	vld [tilespmem:s21+$0xC090]  }
0x1ab: {  	v32 =	vld [tilespmem:s21+$0xC110];
	[tilespmem:s30+$0x0] =	vst v1  }
0x1ac: {  	v1 =	vld [tilespmem:s22+$0xC010]  }
0x1ad: {  	v33 =	vld [tilespmem:s22+$0xC090]  }
0x1ae: {  	v34 =	vld [tilespmem:s21+$0xC190]  }
0x1af: {  	v35 =	vld [tilespmem:s22+$0xC110];
	v0 =	vadd.f32 v31, v0  }
0x1b0: {  	v36 =	vld [tilespmem:s21+$0xC210]  }
0x1b1: {  	v37 =	vld [tilespmem:s22+$0xC190];
	v0 =	vadd.f32 v32, v0  }
0x1b2: {  	v38 =	vld [tilespmem:s21+$0xC290];
	v1 =	vadd.f32 v33, v1  }
0x1b3: {  	v39 =	vld [tilespmem:s22+$0xC210];
	v0 =	vadd.f32 v34, v0  }
0x1b4: {  	v40 =	vld [tilespmem:s21+$0xC310];
	v1 =	vadd.f32 v35, v1  }
0x1b5: {  	v41 =	vld [tilespmem:s22+$0xC290];
	v0 =	vadd.f32 v36, v0  }
0x1b6: {  	v42 =	vld [tilespmem:s21+$0xC390];
	v1 =	vadd.f32 v37, v1  }
0x1b7: {  	v43 =	vld [tilespmem:s22+$0xC310];
	v0 =	vadd.f32 v38, v0  }
0x1b8: {  	v44 =	vld [tilespmem:s21+$0xC410];
	v1 =	vadd.f32 v39, v1  }
0x1b9: {  	v45 =	vld [tilespmem:s22+$0xC390];
	v0 =	vadd.f32 v40, v0  }
0x1ba: {  	v46 =	vld [tilespmem:s21+$0xC490];
	v1 =	vadd.f32 v41, v1  }
0x1bb: {  	v47 =	vld [tilespmem:s22+$0xC410];
	v0 =	vadd.f32 v42, v0  }
0x1bc: {  	v48 =	vld [tilespmem:s21+$0xC510];
	v1 =	vadd.f32 v43, v1  }
0x1bd: {  	v49 =	vld [tilespmem:s22+$0xC490];
	v0 =	vadd.f32 v44, v0  }
0x1be: {  	v50 =	vld [tilespmem:s21+$0xC590];
	v1 =	vadd.f32 v45, v1  }
0x1bf: {  	v51 =	vld [tilespmem:s22+$0xC510];
	v0 =	vadd.f32 v46, v0  }
0x1c0: {  	v52 =	vld [tilespmem:s21+$0xC610];
	v1 =	vadd.f32 v47, v1  }
0x1c1: {  	v53 =	vld [tilespmem:s22+$0xC590];
	v0 =	vadd.f32 v48, v0  }
0x1c2: {  	v54 =	vld [tilespmem:s21+$0xC690];
	v1 =	vadd.f32 v49, v1  }
0x1c3: {  	v55 =	vld [tilespmem:s22+$0xC610];
	v0 =	vadd.f32 v50, v0  }
0x1c4: {  	v56 =	vld [tilespmem:s21+$0xC710];
	v1 =	vadd.f32 v51, v1  }
0x1c5: {  	v57 =	vld [tilespmem:s22+$0xC690];
	v0 =	vadd.f32 v52, v0  }
0x1c6: {  	v1 =	vadd.f32 v53, v1  }
0x1c7: {  	v58 =	vld [tilespmem:s22+$0xC710];
	v0 =	vadd.f32 v54, v0  }
0x1c8: {  	v1 =	vadd.f32 v55, v1  }
0x1c9: {  	v0 =	vadd.f32 v56, v0  }
0x1ca: {  	v1 =	vadd.f32 v57, v1  }
0x1cb: {  	v0 =	vmul.f32 $6.666667010e-02, v0  }
0x1cc: {  	v1 =	vadd.f32 v58, v1  }
0x1cd: {  	[tilespmem:s23+$0x10] =	vst v0  }
0x1ce: {  	v1 =	vmul.f32 $6.666667010e-02, v1;
	v0 =	vld [tilespmem:s21+$0xC790];
	_ =	sdelay $0x1  }
0x1cf: {  	[tilespmem:s24+$0x10] =	vst v1  }
0x1d0: {  	v1 =	vld [tilespmem:s22+$0xC790];
	_ =	sdelay $0x1  }
0x1d1: {  	[tilespmem:s25+$0x10] =	vst v0  }
0x1d2: {  	v0 =	vld [tilespmem:s21+$0xC020]  }
0x1d3: {  	v59 =	vld [tilespmem:s21+$0xC0A0]  }
0x1d4: {  	v60 =	vld [tilespmem:s21+$0xC120];
	[tilespmem:s30+$0x10] =	vst v1  }
0x1d5: {  	v1 =	vld [tilespmem:s22+$0xC020]  }
0x1d6: {  	v61 =	vld [tilespmem:s22+$0xC0A0]  }
0x1d7: {  	v62 =	vld [tilespmem:s21+$0xC1A0]  }
0x1d8: {  	v63 =	vld [tilespmem:s22+$0xC120];
	v0 =	vadd.f32 v59, v0  }
0x1d9: {  	v9 =	vld [tilespmem:s21+$0xC220]  }
0x1da: {  	v10 =	vld [tilespmem:s22+$0xC1A0];
	v0 =	vadd.f32 v60, v0  }
0x1db: {  	v11 =	vld [tilespmem:s21+$0xC2A0];
	v1 =	vadd.f32 v61, v1  }
0x1dc: {  	v12 =	vld [tilespmem:s22+$0xC220];
	v0 =	vadd.f32 v62, v0  }
0x1dd: {  	v13 =	vld [tilespmem:s21+$0xC320];
	v1 =	vadd.f32 v63, v1  }
0x1de: {  	v14 =	vld [tilespmem:s22+$0xC2A0];
	v0 =	vadd.f32 v9, v0  }
0x1df: {  	v15 =	vld [tilespmem:s21+$0xC3A0];
	v1 =	vadd.f32 v10, v1  }
0x1e0: {  	v16 =	vld [tilespmem:s22+$0xC320];
	v0 =	vadd.f32 v11, v0  }
0x1e1: {  	v17 =	vld [tilespmem:s21+$0xC420];
	v1 =	vadd.f32 v12, v1  }
0x1e2: {  	v18 =	vld [tilespmem:s22+$0xC3A0];
	v0 =	vadd.f32 v13, v0  }
0x1e3: {  	v19 =	vld [tilespmem:s21+$0xC4A0];
	v1 =	vadd.f32 v14, v1  }
0x1e4: {  	v20 =	vld [tilespmem:s22+$0xC420];
	v0 =	vadd.f32 v15, v0  }
0x1e5: {  	v21 =	vld [tilespmem:s21+$0xC520];
	v1 =	vadd.f32 v16, v1  }
0x1e6: {  	v22 =	vld [tilespmem:s22+$0xC4A0];
	v0 =	vadd.f32 v17, v0  }
0x1e7: {  	v23 =	vld [tilespmem:s21+$0xC5A0];
	v1 =	vadd.f32 v18, v1  }
0x1e8: {  	v24 =	vld [tilespmem:s22+$0xC520];
	v0 =	vadd.f32 v19, v0  }
0x1e9: {  	v25 =	vld [tilespmem:s21+$0xC620];
	v1 =	vadd.f32 v20, v1  }
0x1ea: {  	v26 =	vld [tilespmem:s22+$0xC5A0];
	v0 =	vadd.f32 v21, v0  }
0x1eb: {  	v27 =	vld [tilespmem:s21+$0xC6A0];
	v1 =	vadd.f32 v22, v1  }
0x1ec: {  	v28 =	vld [tilespmem:s22+$0xC620];
	v0 =	vadd.f32 v23, v0  }
0x1ed: {  	v29 =	vld [tilespmem:s21+$0xC720];
	v1 =	vadd.f32 v24, v1  }
0x1ee: {  	v30 =	vld [tilespmem:s22+$0xC6A0];
	v0 =	vadd.f32 v25, v0  }
0x1ef: {  	v1 =	vadd.f32 v26, v1  }
0x1f0: {  	v31 =	vld [tilespmem:s22+$0xC720];
	v0 =	vadd.f32 v27, v0  }
0x1f1: {  	v1 =	vadd.f32 v28, v1  }
0x1f2: {  	v0 =	vadd.f32 v29, v0  }
0x1f3: {  	v1 =	vadd.f32 v30, v1  }
0x1f4: {  	v0 =	vmul.f32 $6.666667010e-02, v0  }
0x1f5: {  	v1 =	vadd.f32 v31, v1  }
0x1f6: {  	[tilespmem:s23+$0x20] =	vst v0  }
0x1f7: {  	v1 =	vmul.f32 $6.666667010e-02, v1;
	v0 =	vld [tilespmem:s21+$0xC7A0];
	_ =	sdelay $0x1  }
0x1f8: {  	[tilespmem:s24+$0x20] =	vst v1  }
0x1f9: {  	v1 =	vld [tilespmem:s22+$0xC7A0];
	_ =	sdelay $0x1  }
0x1fa: {  	[tilespmem:s25+$0x20] =	vst v0  }
0x1fb: {  	v0 =	vld [tilespmem:s21+$0xC030]  }
0x1fc: {  	v32 =	vld [tilespmem:s21+$0xC0B0]  }
0x1fd: {  	v33 =	vld [tilespmem:s21+$0xC130];
	[tilespmem:s30+$0x20] =	vst v1  }
0x1fe: {  	v1 =	vld [tilespmem:s22+$0xC030]  }
0x1ff: {  	v34 =	vld [tilespmem:s22+$0xC0B0]  }
0x200: {  	v35 =	vld [tilespmem:s21+$0xC1B0]  }
0x201: {  	v36 =	vld [tilespmem:s22+$0xC130];
	v0 =	vadd.f32 v32, v0  }
0x202: {  	v37 =	vld [tilespmem:s21+$0xC230]  }
0x203: {  	v38 =	vld [tilespmem:s22+$0xC1B0];
	v0 =	vadd.f32 v33, v0  }
0x204: {  	v39 =	vld [tilespmem:s21+$0xC2B0];
	v1 =	vadd.f32 v34, v1  }
0x205: {  	v40 =	vld [tilespmem:s22+$0xC230];
	v0 =	vadd.f32 v35, v0  }
0x206: {  	v41 =	vld [tilespmem:s21+$0xC330];
	v1 =	vadd.f32 v36, v1  }
0x207: {  	v42 =	vld [tilespmem:s22+$0xC2B0];
	v0 =	vadd.f32 v37, v0  }
0x208: {  	v43 =	vld [tilespmem:s21+$0xC3B0];
	v1 =	vadd.f32 v38, v1  }
0x209: {  	v44 =	vld [tilespmem:s22+$0xC330];
	v0 =	vadd.f32 v39, v0  }
0x20a: {  	v45 =	vld [tilespmem:s21+$0xC430];
	v1 =	vadd.f32 v40, v1  }
0x20b: {  	v46 =	vld [tilespmem:s22+$0xC3B0];
	v0 =	vadd.f32 v41, v0  }
0x20c: {  	v47 =	vld [tilespmem:s21+$0xC4B0];
	v1 =	vadd.f32 v42, v1  }
0x20d: {  	v48 =	vld [tilespmem:s22+$0xC430];
	v0 =	vadd.f32 v43, v0  }
0x20e: {  	v49 =	vld [tilespmem:s21+$0xC530];
	v1 =	vadd.f32 v44, v1  }
0x20f: {  	v50 =	vld [tilespmem:s22+$0xC4B0];
	v0 =	vadd.f32 v45, v0  }
0x210: {  	v51 =	vld [tilespmem:s21+$0xC5B0];
	v1 =	vadd.f32 v46, v1  }
0x211: {  	v52 =	vld [tilespmem:s22+$0xC530];
	v0 =	vadd.f32 v47, v0  }
0x212: {  	v53 =	vld [tilespmem:s21+$0xC630];
	v1 =	vadd.f32 v48, v1  }
0x213: {  	v54 =	vld [tilespmem:s22+$0xC5B0];
	v0 =	vadd.f32 v49, v0  }
0x214: {  	v55 =	vld [tilespmem:s21+$0xC6B0];
	v1 =	vadd.f32 v50, v1  }
0x215: {  	v56 =	vld [tilespmem:s22+$0xC630];
	v0 =	vadd.f32 v51, v0  }
0x216: {  	v57 =	vld [tilespmem:s21+$0xC730];
	v1 =	vadd.f32 v52, v1  }
0x217: {  	v58 =	vld [tilespmem:s22+$0xC6B0];
	v0 =	vadd.f32 v53, v0  }
0x218: {  	v1 =	vadd.f32 v54, v1  }
0x219: {  	v59 =	vld [tilespmem:s22+$0xC730];
	v0 =	vadd.f32 v55, v0  }
0x21a: {  	v1 =	vadd.f32 v56, v1  }
0x21b: {  	v0 =	vadd.f32 v57, v0  }
0x21c: {  	v1 =	vadd.f32 v58, v1  }
0x21d: {  	v0 =	vmul.f32 $6.666667010e-02, v0  }
0x21e: {  	v1 =	vadd.f32 v59, v1  }
0x21f: {  	[tilespmem:s23+$0x30] =	vst v0  }
0x220: {  	v1 =	vmul.f32 $6.666667010e-02, v1;
	v0 =	vld [tilespmem:s21+$0xC7B0];
	_ =	sdelay $0x1  }
0x221: {  	[tilespmem:s24+$0x30] =	vst v1  }
0x222: {  	v1 =	vld [tilespmem:s22+$0xC7B0];
	_ =	sdelay $0x1  }
0x223: {  	[tilespmem:s25+$0x30] =	vst v0  }
0x224: {  	v0 =	vld [tilespmem:s21+$0xC040]  }
0x225: {  	v60 =	vld [tilespmem:s21+$0xC0C0]  }
0x226: {  	v61 =	vld [tilespmem:s21+$0xC140];
	[tilespmem:s30+$0x30] =	vst v1  }
0x227: {  	v1 =	vld [tilespmem:s22+$0xC040]  }
0x228: {  	v62 =	vld [tilespmem:s22+$0xC0C0]  }
0x229: {  	v63 =	vld [tilespmem:s21+$0xC1C0]  }
0x22a: {  	v9 =	vld [tilespmem:s22+$0xC140];
	v0 =	vadd.f32 v60, v0  }
0x22b: {  	v10 =	vld [tilespmem:s21+$0xC240]  }
0x22c: {  	v11 =	vld [tilespmem:s22+$0xC1C0];
	v0 =	vadd.f32 v61, v0  }
0x22d: {  	v12 =	vld [tilespmem:s21+$0xC2C0];
	v1 =	vadd.f32 v62, v1  }
0x22e: {  	v13 =	vld [tilespmem:s22+$0xC240];
	v0 =	vadd.f32 v63, v0  }
0x22f: {  	v14 =	vld [tilespmem:s21+$0xC340];
	v1 =	vadd.f32 v9, v1  }
0x230: {  	v15 =	vld [tilespmem:s22+$0xC2C0];
	v0 =	vadd.f32 v10, v0  }
0x231: {  	v16 =	vld [tilespmem:s21+$0xC3C0];
	v1 =	vadd.f32 v11, v1  }
0x232: {  	v17 =	vld [tilespmem:s22+$0xC340];
	v0 =	vadd.f32 v12, v0  }
0x233: {  	v18 =	vld [tilespmem:s21+$0xC440];
	v1 =	vadd.f32 v13, v1  }
0x234: {  	v19 =	vld [tilespmem:s22+$0xC3C0];
	v0 =	vadd.f32 v14, v0  }
0x235: {  	v20 =	vld [tilespmem:s21+$0xC4C0];
	v1 =	vadd.f32 v15, v1  }
0x236: {  	v21 =	vld [tilespmem:s22+$0xC440];
	v0 =	vadd.f32 v16, v0  }
0x237: {  	v22 =	vld [tilespmem:s21+$0xC540];
	v1 =	vadd.f32 v17, v1  }
0x238: {  	v23 =	vld [tilespmem:s22+$0xC4C0];
	v0 =	vadd.f32 v18, v0  }
0x239: {  	v24 =	vld [tilespmem:s21+$0xC5C0];
	v1 =	vadd.f32 v19, v1  }
0x23a: {  	v25 =	vld [tilespmem:s22+$0xC540];
	v0 =	vadd.f32 v20, v0  }
0x23b: {  	v26 =	vld [tilespmem:s21+$0xC640];
	v1 =	vadd.f32 v21, v1  }
0x23c: {  	v27 =	vld [tilespmem:s22+$0xC5C0];
	v0 =	vadd.f32 v22, v0  }
0x23d: {  	v28 =	vld [tilespmem:s21+$0xC6C0];
	v1 =	vadd.f32 v23, v1  }
0x23e: {  	v29 =	vld [tilespmem:s22+$0xC640];
	v0 =	vadd.f32 v24, v0  }
0x23f: {  	v30 =	vld [tilespmem:s21+$0xC740];
	v1 =	vadd.f32 v25, v1  }
0x240: {  	v31 =	vld [tilespmem:s22+$0xC6C0];
	v0 =	vadd.f32 v26, v0  }
0x241: {  	v1 =	vadd.f32 v27, v1  }
0x242: {  	v32 =	vld [tilespmem:s22+$0xC740];
	v0 =	vadd.f32 v28, v0  }
0x243: {  	v1 =	vadd.f32 v29, v1  }
0x244: {  	v0 =	vadd.f32 v30, v0  }
0x245: {  	v1 =	vadd.f32 v31, v1  }
0x246: {  	v0 =	vmul.f32 $6.666667010e-02, v0  }
0x247: {  	v1 =	vadd.f32 v32, v1  }
0x248: {  	[tilespmem:s23+$0x40] =	vst v0  }
0x249: {  	v1 =	vmul.f32 $6.666667010e-02, v1;
	v0 =	vld [tilespmem:s21+$0xC7C0];
	_ =	sdelay $0x1  }
0x24a: {  	[tilespmem:s24+$0x40] =	vst v1  }
0x24b: {  	v1 =	vld [tilespmem:s22+$0xC7C0];
	_ =	sdelay $0x1  }
0x24c: {  	[tilespmem:s25+$0x40] =	vst v0  }
0x24d: {  	v0 =	vld [tilespmem:s21+$0xC050]  }
0x24e: {  	v33 =	vld [tilespmem:s21+$0xC0D0]  }
0x24f: {  	v34 =	vld [tilespmem:s21+$0xC150];
	[tilespmem:s30+$0x40] =	vst v1  }
0x250: {  	v1 =	vld [tilespmem:s22+$0xC050]  }
0x251: {  	v35 =	vld [tilespmem:s22+$0xC0D0]  }
0x252: {  	v36 =	vld [tilespmem:s21+$0xC1D0]  }
0x253: {  	v37 =	vld [tilespmem:s22+$0xC150];
	v0 =	vadd.f32 v33, v0  }
0x254: {  	v38 =	vld [tilespmem:s21+$0xC250]  }
0x255: {  	v39 =	vld [tilespmem:s22+$0xC1D0];
	v0 =	vadd.f32 v34, v0  }
0x256: {  	v40 =	vld [tilespmem:s21+$0xC2D0];
	v1 =	vadd.f32 v35, v1  }
0x257: {  	v41 =	vld [tilespmem:s22+$0xC250];
	v0 =	vadd.f32 v36, v0  }
0x258: {  	v42 =	vld [tilespmem:s21+$0xC350];
	v1 =	vadd.f32 v37, v1  }
0x259: {  	v43 =	vld [tilespmem:s22+$0xC2D0];
	v0 =	vadd.f32 v38, v0  }
0x25a: {  	v44 =	vld [tilespmem:s21+$0xC3D0];
	v1 =	vadd.f32 v39, v1  }
0x25b: {  	v45 =	vld [tilespmem:s22+$0xC350];
	v0 =	vadd.f32 v40, v0  }
0x25c: {  	v46 =	vld [tilespmem:s21+$0xC450];
	v1 =	vadd.f32 v41, v1  }
0x25d: {  	v47 =	vld [tilespmem:s22+$0xC3D0];
	v0 =	vadd.f32 v42, v0  }
0x25e: {  	v48 =	vld [tilespmem:s21+$0xC4D0];
	v1 =	vadd.f32 v43, v1  }
0x25f: {  	v49 =	vld [tilespmem:s22+$0xC450];
	v0 =	vadd.f32 v44, v0  }
0x260: {  	v50 =	vld [tilespmem:s21+$0xC550];
	v1 =	vadd.f32 v45, v1  }
0x261: {  	v51 =	vld [tilespmem:s22+$0xC4D0];
	v0 =	vadd.f32 v46, v0  }
0x262: {  	v52 =	vld [tilespmem:s21+$0xC5D0];
	v1 =	vadd.f32 v47, v1  }
0x263: {  	v53 =	vld [tilespmem:s22+$0xC550];
	v0 =	vadd.f32 v48, v0  }
0x264: {  	v54 =	vld [tilespmem:s21+$0xC650];
	v1 =	vadd.f32 v49, v1  }
0x265: {  	v55 =	vld [tilespmem:s22+$0xC5D0];
	v0 =	vadd.f32 v50, v0  }
0x266: {  	v56 =	vld [tilespmem:s21+$0xC6D0];
	v1 =	vadd.f32 v51, v1  }
0x267: {  	v57 =	vld [tilespmem:s22+$0xC650];
	v0 =	vadd.f32 v52, v0  }
0x268: {  	v58 =	vld [tilespmem:s21+$0xC750];
	v1 =	vadd.f32 v53, v1  }
0x269: {  	v59 =	vld [tilespmem:s22+$0xC6D0];
	v0 =	vadd.f32 v54, v0  }
0x26a: {  	v1 =	vadd.f32 v55, v1  }
0x26b: {  	v60 =	vld [tilespmem:s22+$0xC750];
	v0 =	vadd.f32 v56, v0  }
0x26c: {  	v1 =	vadd.f32 v57, v1  }
0x26d: {  	v0 =	vadd.f32 v58, v0  }
0x26e: {  	v1 =	vadd.f32 v59, v1  }
0x26f: {  	v0 =	vmul.f32 $6.666667010e-02, v0  }
0x270: {  	v1 =	vadd.f32 v60, v1  }
0x271: {  	[tilespmem:s23+$0x50] =	vst v0  }
0x272: {  	v1 =	vmul.f32 $6.666667010e-02, v1;
	v0 =	vld [tilespmem:s21+$0xC7D0];
	_ =	sdelay $0x1  }
0x273: {  	[tilespmem:s24+$0x50] =	vst v1  }
0x274: {  	v1 =	vld [tilespmem:s22+$0xC7D0];
	_ =	sdelay $0x1  }
0x275: {  	[tilespmem:s25+$0x50] =	vst v0  }
0x276: {  	v0 =	vld [tilespmem:s21+$0xC060]  }
0x277: {  	v61 =	vld [tilespmem:s21+$0xC0E0]  }
0x278: {  	v62 =	vld [tilespmem:s21+$0xC160];
	[tilespmem:s30+$0x50] =	vst v1  }
0x279: {  	v1 =	vld [tilespmem:s22+$0xC060]  }
0x27a: {  	v63 =	vld [tilespmem:s22+$0xC0E0]  }
0x27b: {  	v9 =	vld [tilespmem:s21+$0xC1E0]  }
0x27c: {  	v10 =	vld [tilespmem:s22+$0xC160]  }
0x27d: {  	v11 =	vld [tilespmem:s21+$0xC260];
	v0 =	vadd.f32 v61, v0  }
0x27e: {  	v12 =	vld [tilespmem:s22+$0xC1E0]  }
0x27f: {  	v13 =	vld [tilespmem:s21+$0xC2E0];
	v1 =	vadd.f32 v63, v1;
	v0 =	vadd.f32 v62, v0  }
0x280: {  	v14 =	vld [tilespmem:s22+$0xC260]  }
0x281: {  	v15 =	vld [tilespmem:s21+$0xC360];
	v1 =	vadd.f32 v10, v1;
	v0 =	vadd.f32 v9, v0  }
0x282: {  	v16 =	vld [tilespmem:s22+$0xC2E0]  }
0x283: {  	v17 =	vld [tilespmem:s21+$0xC3E0];
	v1 =	vadd.f32 v12, v1;
	v0 =	vadd.f32 v11, v0  }
0x284: {  	v18 =	vld [tilespmem:s22+$0xC360]  }
0x285: {  	v19 =	vld [tilespmem:s21+$0xC460];
	v1 =	vadd.f32 v14, v1;
	v0 =	vadd.f32 v13, v0  }
0x286: {  	v20 =	vld [tilespmem:s22+$0xC3E0]  }
0x287: {  	v21 =	vld [tilespmem:s21+$0xC4E0];
	v1 =	vadd.f32 v16, v1;
	v0 =	vadd.f32 v15, v0  }
0x288: {  	v22 =	vld [tilespmem:s22+$0xC460]  }
0x289: {  	v23 =	vld [tilespmem:s21+$0xC560];
	v1 =	vadd.f32 v18, v1;
	v0 =	vadd.f32 v17, v0  }
0x28a: {  	v24 =	vld [tilespmem:s22+$0xC4E0]  }
0x28b: {  	v25 =	vld [tilespmem:s21+$0xC5E0];
	v1 =	vadd.f32 v20, v1;
	v0 =	vadd.f32 v19, v0  }
0x28c: {  	v26 =	vld [tilespmem:s22+$0xC560]  }
0x28d: {  	v27 =	vld [tilespmem:s21+$0xC660];
	v1 =	vadd.f32 v22, v1;
	v0 =	vadd.f32 v21, v0  }
0x28e: {  	v28 =	vld [tilespmem:s22+$0xC5E0]  }
0x28f: {  	v29 =	vld [tilespmem:s21+$0xC6E0];
	v1 =	vadd.f32 v24, v1;
	v0 =	vadd.f32 v23, v0  }
0x290: {  	v30 =	vld [tilespmem:s22+$0xC660]  }
0x291: {  	v31 =	vld [tilespmem:s21+$0xC760];
	v1 =	vadd.f32 v26, v1;
	v0 =	vadd.f32 v25, v0  }
0x292: {  	v32 =	vld [tilespmem:s22+$0xC6E0]  }
0x293: {  	v1 =	vadd.f32 v28, v1;
	v0 =	vadd.f32 v27, v0  }
0x294: {  	v33 =	vld [tilespmem:s22+$0xC760]  }
0x295: {  	v1 =	vadd.f32 v30, v1;
	v0 =	vadd.f32 v29, v0;
	_ =	sdelay $0x1  }
0x296: {  	v1 =	vadd.f32 v32, v1;
	v0 =	vadd.f32 v31, v0;
	_ =	sdelay $0x1  }
0x297: {  	v1 =	vadd.f32 v33, v1;
	v0 =	vmul.f32 $6.666667010e-02, v0;
	_ =	sdelay $0x1  }
0x298: {  	v34 =	vmul.f32 $6.666667010e-02, v1;
	[tilespmem:s23+$0x60] =	vst v0  }
0x299: {  	v35 =	vld [tilespmem:s21+$0xC7E0]  }
0x29a: {  	[tilespmem:s24+$0x60] =	vst v34  }
0x29b: {  	v0 =	vld [tilespmem:s22+$0xC7E0];
	_ =	sdelay $0x2  }
0x29c: {  	[tilespmem:s25+$0x60] =	vst v35  }
0x29d: {  	v1 =	vld [tilespmem:s21+$0xC070]  }
0x29e: {  	v36 =	vld [tilespmem:s21+$0xC0F0];
	[tilespmem:s30+$0x60] =	vst v0  }
0x29f: {  	v0 =	vld [tilespmem:s22+$0xC070]  }
0x2a0: {  	v37 =	vld [tilespmem:s22+$0xC0F0]  }
0x2a1: {  	v38 =	vld [tilespmem:s21+$0xC170]  }
0x2a2: {  	v39 =	vld [tilespmem:s22+$0xC170]  }
0x2a3: {  	v40 =	vld [tilespmem:s21+$0xC1F0]  }
0x2a4: {  	v41 =	vld [tilespmem:s22+$0xC1F0];
	v1 =	vadd.f32 v36, v1  }
0x2a5: {  	v42 =	vld [tilespmem:s21+$0xC270];
	v0 =	vadd.f32 v37, v0  }
0x2a6: {  	v43 =	vld [tilespmem:s22+$0xC270];
	v1 =	vadd.f32 v38, v1  }
0x2a7: {  	v44 =	vld [tilespmem:s21+$0xC2F0];
	v0 =	vadd.f32 v39, v0  }
0x2a8: {  	v45 =	vld [tilespmem:s22+$0xC2F0];
	v1 =	vadd.f32 v40, v1  }
0x2a9: {  	v46 =	vld [tilespmem:s21+$0xC370];
	v0 =	vadd.f32 v41, v0  }
0x2aa: {  	v47 =	vld [tilespmem:s22+$0xC370];
	v1 =	vadd.f32 v42, v1  }
0x2ab: {  	v48 =	vld [tilespmem:s21+$0xC3F0];
	v0 =	vadd.f32 v43, v0  }
0x2ac: {  	v49 =	vld [tilespmem:s22+$0xC3F0];
	v1 =	vadd.f32 v44, v1  }
0x2ad: {  	v50 =	vld [tilespmem:s21+$0xC470];
	v0 =	vadd.f32 v45, v0  }
0x2ae: {  	v51 =	vld [tilespmem:s22+$0xC470];
	v1 =	vadd.f32 v46, v1  }
0x2af: {  	v52 =	vld [tilespmem:s21+$0xC4F0];
	v0 =	vadd.f32 v47, v0  }
0x2b0: {  	v53 =	vld [tilespmem:s22+$0xC4F0];
	v1 =	vadd.f32 v48, v1  }
0x2b1: {  	v54 =	vld [tilespmem:s21+$0xC570];
	v0 =	vadd.f32 v49, v0  }
0x2b2: {  	v55 =	vld [tilespmem:s22+$0xC570];
	v1 =	vadd.f32 v50, v1  }
0x2b3: {  	v56 =	vld [tilespmem:s21+$0xC5F0];
	v0 =	vadd.f32 v51, v0  }
0x2b4: {  	v57 =	vld [tilespmem:s22+$0xC5F0];
	v1 =	vadd.f32 v52, v1  }
0x2b5: {  	v58 =	vld [tilespmem:s21+$0xC670];
	v0 =	vadd.f32 v53, v0  }
0x2b6: {  	v59 =	vld [tilespmem:s22+$0xC670];
	v1 =	vadd.f32 v54, v1  }
0x2b7: {  	v60 =	vld [tilespmem:s21+$0xC6F0];
	v0 =	vadd.f32 v55, v0  }
0x2b8: {  	v61 =	vld [tilespmem:s22+$0xC6F0];
	v1 =	vadd.f32 v56, v1  }
0x2b9: {  	v62 =	vld [tilespmem:s21+$0xC770];
	v0 =	vadd.f32 v57, v0  }
0x2ba: {  	v63 =	vld [tilespmem:s22+$0xC770];
	v1 =	vadd.f32 v58, v1  }
0x2bb: {  	v0 =	vadd.f32 v59, v0  }
0x2bc: {  	v1 =	vadd.f32 v60, v1  }
0x2bd: {  	v0 =	vadd.f32 v61, v0  }
0x2be: {  	v1 =	vadd.f32 v62, v1  }
0x2bf: {  	v0 =	vadd.f32 v63, v0  }
0x2c0: {  	v1 =	vmul.f32 $6.666667010e-02, v1  }
0x2c1: {  	v0 =	vmul.f32 $6.666667010e-02, v0  }
0x2c2: {  	[tilespmem:s23+$0x70] =	vst v1  }
0x2c3: {  	v1 =	vld [tilespmem:s21+$0xC7F0];
	[tilespmem:s24+$0x70] =	vst v0  }
0x2c4: {  	p0 =	slt.u32 s20, $0x16;
	v0 =	vld [tilespmem:s22+$0xC7F0]  }
.Ltmp4:
0x2c5: {  	_ = 	snop;
	(pc) =	sbr.rel @p0 .LBB2_9-.Ltmp4, $3  }
0x2c6: {  	_ =	sdelay $0x1  }
0x2c7: {  	s31 =	sadd.s32 $0x2, s20;
	[tilespmem:s25+$0x70] =	vst v1  }
0x2c8: {  	s20 =	smov.u32 s31;
	[tilespmem:s30+$0x70] =	vst v0  }
0x2c9: {  	s18 =	sadd.s32 $0x1, s18  }
0x2ca: {  	p0 =	sne.s32 s18, $0x6  }
.Ltmp5:
0x2cb: {  	_ = 	snop;
	(pc) =	sbr.rel @p0 .LBB2_2-.Ltmp5, $4  }
0x2cc: {  	_ = 	snop  }
0x2cd: {  	s19 =	sshll.u32 s19, $0x5  }
0x2ce: {  	s19 =	sadd.s32 s5, s19  }
0x2cf: {  	[hbm4b:s19+s3] =	stream.linear.scatter [tilespmem:s15], [sflag:$0x4], $0x1800, $0x38;
	[tilespmem:$0x1B000] =	vst v63  }
0x2d0: {  	s17 =	sadd.s32 $0x1, s17  }
0x2d1: {  	_ =	swait.ge [sflag:s16], $0x1800;
	p0 =	sne.s32 s17, s9  }
.Ltmp6:
0x2d2: {  	[sflag:s16] =	ssyncset.done $0x0;
	(pc) =	sbr.rel @p0 .LBB2_1-.Ltmp6, $4  }
0x2d3: {  	[sflag:s16] =	ssyncadd.s32 $0xFFFFE800  }
0x2d4: {  	_ =	swait.ge [sflag:s14], $0x1800  }
0x2d5: {  	[sflag:s14] =	ssyncset.done $0x0  }
0x2d6: {  	[sflag:s14] =	ssyncadd.s32 $0xFFFFE800  }
0x2d7: {  	_ =	sfence.sel $0x180000  }
0x2d8: {  	[bflag:$0x0] =	sbarrier.arrive $0xFFFF  }
0x2d9: {  	p0 =	sne.s32 s0, $0x0;
	_ =	strace $0x90000047  }
0x2da: {  	s0 =	sadd.s32 @!p0 $0x100000, s1;
	[bflag:$0x2] =	sbarrier.arrive $0xFFFF  }
0x2db: {  	[sflag:s0] =	ssyncadd.tile.s32 @!p0 $0x1;
	_ =	shalt  }
.Lfunc_end2:
_tile_overlayer_lowered:
.L_overlay_start_2:
0x2dc: {  	(tag) =	ssettag $0x2  }
0x2dd: {  	s0 =	rddreg [dreg:$0x0];
	s2 =	stileid.u32  }
0x2de: {  	s1 =	rddreg [dreg:$0x1];
	p0 =	sne.s32 s2, $0x0  }
0x2df: {  	s3 =	rddreg [dreg:$0x2];
	[bflag:$0x3] =	sbarrier.arrive $0xFFFF;
	s2 =	simm.s32 @!p0 $0x1C05  }
0x2e0: {  	[timem:s3], [sflag:s2] =	dma.local @!p0 [hbm:s0], s1  }
0x2e1: {  	s0 =	simm.s32 @!p0 $0x5  }
0x2e2: {  	_ =	swait.ge @!p0 [sflag:s0], s1  }
0x2e3: {  	s1 =	ssub.s32 @!p0 $0x0, s1;
	[sflag:s0] =	ssyncset.done @!p0 $0x0  }
0x2e4: {  	[sflag:s0] =	ssyncadd.s32 @!p0 s1  }
0x2e5: {  	[bflag:$0x3] =	sbarrier.arrive $0xFFFF  }
0x2e6: {  	_ =	shalt  }

</sc_bundles>
